<compile_context>
chip_gen: v7x
topology: tpu7x:2x2x1
jax: 0.10.2.dev20260603
libtpu: 0.0.44.dev20260713+nightly
codegen_flags: <defaults>
</compile_context>

<pallas_src>
import functools

import jax
import jax.numpy as jnp
from jax import lax
from jax.experimental import pallas as pl
from jax.experimental.pallas import tpu as pltpu
from jax.experimental.pallas import tpu_sc as plsc

NC = 2
NS = 16
L = 16
NW = NC * NS

B = 4096
S = 50
D = 64
PW = 2 * D
CH = 128
GB = D // 8
NBC = B // CH
NQ = S * GB * NBC
SUB = CH // L
NBUF = 4

_mesh = plsc.VectorSubcoreMesh(
    core_axis_name="c", subcore_axis_name="s", num_cores=NC, num_subcores=NS
)


@functools.partial(
    pl.kernel,
    mesh=_mesh,
    compiler_params=pltpu.CompilerParams(
        needs_layout_passes=False, use_tc_tiling_on_sc=True
    ),
    out_type=(
        jax.ShapeDtypeStruct((NQ, 8, CH), jnp.float32),
        jax.ShapeDtypeStruct((NQ, 8, CH), jnp.float32),
    ),
    scratch_types=[
        pltpu.VMEM((56, CH), jnp.int32),
        pltpu.VMEM((56, CH), jnp.int32),
        pltpu.VMEM((56, CH), jnp.int32),
        pltpu.VMEM((NBUF, CH, PW), jnp.float32),
        pltpu.VMEM((NBUF, D, CH), jnp.float32),
        pltpu.SemaphoreType.DMA,
        pltpu.SemaphoreType.DMA,
    ],
)
def _emb_lookup(idx_hbm, table_hbm, fwd_hbm, bwd_hbm,
                idx_v, pidx_v, off_v, bufs, tbufs, gsem, wsem):
    wid = lax.axis_index("s") * NC + lax.axis_index("c")

    pltpu.sync_copy(idx_hbm.at[:, pl.ds(wid * CH, CH)], idx_v.at[pl.ds(0, S)])

    lanes = lax.iota(jnp.int32, L)
    zeros = jnp.zeros((L,), jnp.float32)
    rot = [lax.rem(lanes + k, L) for k in range(L)]

    def pidx_body(j, _):
        for c in range(SUB):
            iv = idx_v[j, pl.ds(c * L, L)]
            pidx_v[j, pl.ds(c * L, L)] = lax.shift_right_logical(iv, 1)
            off_v[j, pl.ds(c * L, L)] = lax.shift_left(
                lax.bitwise_and(iv, 1), 6
            )
        return _

    lax.fori_loop(0, S, pidx_body, None)

    for k in range(NBUF):
        pltpu.async_copy(table_hbm.at[pidx_v.at[k]], bufs.at[k], gsem)

    def chunk_body(j, _):
        b = lax.rem(j, NBUF)

        pltpu.make_async_copy(
            table_hbm.at[pl.ds(0, CH)], bufs.at[b], gsem
        ).wait()

        @pl.when(j >= NBUF)
        def _drain():
            for _k in range(2):
                pltpu.make_async_copy(
                    table_hbm.at[pl.ds(0, D)], tbufs.at[0], wsem
                ).wait()

        masks = [idx_v[j, pl.ds(c * L, L)] == 0 for c in range(SUB)]
        any_m = masks[0]
        for c in range(1, SUB):
            any_m = any_m | masks[c]
        has_pad = jnp.max(jnp.where(any_m, 1, 0))

        @pl.when(has_pad > 0)
        def _fix():
            def fix_body(c, _f):
                m = idx_v[j, pl.ds(c * L, L)] == 0
                rows = c * L + lanes
                for col in range(PW):
                    cols = jnp.full((L,), col, jnp.int32)
                    plsc.store_scatter(bufs.at[b], [rows, cols], zeros,
                                       mask=m)
                return _f

            lax.fori_loop(0, SUB, fix_body, None)

        tdst = tbufs.at[b]
        tsrc = bufs.at[b]

        def tr_body(t8, _t):
            toks = t8 * L + lanes
            offs = off_v[j, pl.ds(t8 * L, L)]
            for k in range(L):
                rk = rot[k]
                for d0 in range(0, D, L):
                    cols = d0 + rk
                    v = plsc.load_gather(tsrc, [toks, offs + cols])
                    plsc.store_scatter(tdst, [cols, toks], v)
            return _t

        lax.fori_loop(0, SUB, tr_body, None)

        jn = j + NBUF

        @pl.when(jn < S)
        def _next_gather():
            pltpu.async_copy(
                table_hbm.at[pidx_v.at[jn]], bufs.at[lax.rem(jn, NBUF)],
                gsem,
            )

        for gg in range(GB):
            piece = tbufs.at[b, pl.ds(8 * gg, 8)]
            pltpu.async_copy(
                piece, fwd_hbm.at[(j * GB + gg) * NBC + wid], wsem
            )
            pltpu.async_copy(
                piece,
                bwd_hbm.at[((S - 1 - j) * GB + gg) * NBC + wid],
                wsem,
            )
        return _

    lax.fori_loop(0, S, chunk_body, None)

    for _ in range(2 * NBUF):
        pltpu.make_async_copy(
            table_hbm.at[pl.ds(0, D)], tbufs.at[0], wsem
        ).wait()


def kernel(sentence_index, embedding):
    idx_t = sentence_index.astype(jnp.int32).T
    table2 = embedding.reshape(500000, PW)
    fwd5, bwd5 = _emb_lookup(idx_t, table2)

    def to_native(o5):
        return (
            o5.reshape(S, GB, NBC, 8, CH)
            .transpose(2, 4, 0, 1, 3)
            .reshape(B, S, D)
        )

    return to_native(fwd5), to_native(bwd5)

# --- scband reference (transcript-rebuilt; emitter-appended) ---
"""Pipeline reference for scband-word-embedding-18468359373385 (READ-ONLY COPY).

The authoritative reference and input builder live on the scoring server;
editing this copy changes nothing except your own understanding.
"""

import jax, jax.numpy as jnp
import numpy as np

N_WORD = 1000000
EMBED_DIM = 64
PAD_IDX = 0
BATCH = 4096
SEQ_LEN = 50


def setup_inputs(seed: int = 0) -> dict:
    key = jax.random.key(seed)
    k_idx, k_emb = jax.random.split(key)
    sentence_index = jax.random.randint(k_idx, (BATCH, SEQ_LEN), 0, N_WORD)
    embedding = jax.random.normal(k_emb, (N_WORD, EMBED_DIM), dtype=jnp.float32)
    return {"sentence_index": sentence_index, "embedding": embedding}


def reference(sentence_index, embedding):
    # nn.Embedding with padding_idx: the pad row is forced to zero.
    table = embedding.at[PAD_IDX].set(0.0)
    # Forward-order lookup (util.batch_sentence_to_index + padding folded into
    # the pre-built integer index tensor).
    fwd = jnp.take(table, sentence_index, axis=0)
    # Reversed sentence lookup: the original code reverses each token list
    # before padding; with fixed-length synthetic indices this is a flip
    # along the sequence axis.
    rev_index = jnp.flip(sentence_index, axis=1)
    bwd = jnp.take(table, rev_index, axis=0)
    return (fwd, bwd)

if __name__ == "__main__":
    import jax
    _d = setup_inputs()
    print(jax.jit(kernel)(*tuple(_d.values())))

</pallas_src>

<mosaic_0001>
#map = affine_map<(d0, d1) -> (0, 0)>
#map1 = affine_map<(d0, d1) -> (0, 0, 0)>
module attributes {stable_mosaic.version = 14 : i64} {
  func.func @_emb_lookup(%arg0: i32, %arg1: i32, %arg2: memref<50x4096xi32, #tpu.memory_space<hbm>>, %arg3: memref<500000x128xf32, #tpu.memory_space<hbm>>, %arg4: memref<12800x8x128xf32, #tpu.memory_space<hbm>>, %arg5: memref<12800x8x128xf32, #tpu.memory_space<hbm>>, %arg6: memref<56x128xi32, #tpu.memory_space<vmem>>, %arg7: memref<56x128xi32, #tpu.memory_space<vmem>>, %arg8: memref<56x128xi32, #tpu.memory_space<vmem>>, %arg9: memref<4x128x128xf32, #tpu.memory_space<vmem>>, %arg10: memref<4x64x128xf32, #tpu.memory_space<vmem>>, %arg11: memref<!tpu.dma_semaphore, #tpu.memory_space<semaphore_mem>>, %arg12: memref<!tpu.dma_semaphore, #tpu.memory_space<semaphore_mem>>) attributes {dimension_semantics = [#tpu.dimension_semantics<core_parallel>, #tpu.dimension_semantics<subcore_parallel>], iteration_bounds = array<i64: 2, 16>, scalar_prefetch = 0 : i64, scratch_operands = 7 : i64, tpu.core_type = #tpu.core_type<sc_vector_subcore>, window_params = [{transform_indices = #map}, {transform_indices = #map}, {transform_indices = #map1}, {transform_indices = #map1}]} {
    %mul3A = arith.constant 2 : i32
    %mul3A_0 = arith.muli %arg1, %mul3A : i32
    %add3A = arith.addi %mul3A_0, %arg0 : i32
    %mul3A_1 = arith.constant 128 : i32
    %mul3A_2 = arith.muli %add3A, %mul3A_1 : i32
    "tpu.region"() ({
      %run_scoped3A = tpu.sem_alloc : memref<!tpu.dma_semaphore, #tpu.memory_space<semaphore_mem>>
      %dma_start3A_274 = arith.constant 0 : i32
      %dma_start3A_275 = arith.constant 0 : i32
      %dma_start3A_276 = tpu.memref_slice %arg6[%dma_start3A_274, %dma_start3A_275] : memref<56x128xi32, #tpu.memory_space<vmem>> -> memref<50x128xi32, #tpu.memory_space<vmem>>
      %dma_start3A_277 = arith.constant 0 : i32
      %dma_start3A_278 = tpu.memref_slice %arg2[%dma_start3A_277, %mul3A_2] : memref<50x4096xi32, #tpu.memory_space<hbm>> -> memref<50x128xi32, #tpu.memory_space<hbm>>
      %dma_start3A_279 = arith.constant 0 : i32
      %dma_start3A_280 = arith.constant 0 : i32
      %dma_start3A_281 = tpu.memref_slice %arg6[%dma_start3A_279, %dma_start3A_280] : memref<56x128xi32, #tpu.memory_space<vmem>> -> memref<50x128xi32, #tpu.memory_space<vmem>>
      %dma_start3A_282 = arith.constant 0 : i32
      %dma_start3A_283 = tpu.memref_slice %arg2[%dma_start3A_282, %mul3A_2] : memref<50x4096xi32, #tpu.memory_space<hbm>> -> memref<50x128xi32, #tpu.memory_space<hbm>>
      tpu.enqueue_dma source(%dma_start3A_283 : memref<50x128xi32, #tpu.memory_space<hbm>>) target(%dma_start3A_281 : memref<50x128xi32, #tpu.memory_space<vmem>>) target_semaphore(%run_scoped3A : memref<!tpu.dma_semaphore, #tpu.memory_space<semaphore_mem>>)
      %dma_wait3A_284 = arith.constant 0 : i32
      %dma_wait3A_285 = arith.constant 0 : i32
      %dma_wait3A_286 = tpu.memref_slice %arg6[%dma_wait3A_284, %dma_wait3A_285] : memref<56x128xi32, #tpu.memory_space<vmem>> -> memref<50x128xi32, #tpu.memory_space<vmem>>
      %dma_wait3A_287 = arith.constant 0 : i32
      %dma_wait3A_288 = tpu.memref_slice %arg2[%dma_wait3A_287, %mul3A_2] : memref<50x4096xi32, #tpu.memory_space<hbm>> -> memref<50x128xi32, #tpu.memory_space<hbm>>
      %dma_wait3A_289 = arith.constant 0 : i32
      %dma_wait3A_290 = arith.constant 0 : i32
      %dma_wait3A_291 = tpu.memref_slice %arg6[%dma_wait3A_289, %dma_wait3A_290] : memref<56x128xi32, #tpu.memory_space<vmem>> -> memref<50x128xi32, #tpu.memory_space<vmem>>
      %dma_wait3A_292 = arith.constant 0 : i32
      %dma_wait3A_293 = tpu.memref_slice %arg2[%dma_wait3A_292, %mul3A_2] : memref<50x4096xi32, #tpu.memory_space<hbm>> -> memref<50x128xi32, #tpu.memory_space<hbm>>
      tpu.wait_dma2 semaphore(%run_scoped3A : memref<!tpu.dma_semaphore, #tpu.memory_space<semaphore_mem>>) src(%dma_wait3A_293 : memref<50x128xi32, #tpu.memory_space<hbm>>) dst(%dma_wait3A_291 : memref<50x128xi32, #tpu.memory_space<vmem>>)
      tpu.yield
    }) : () -> ()
    %iota3A = tpu.iota {dimensions = array<i32: 0>} : vector<16xi32>
    %broadcast_in_dim3A = arith.constant 0.000000e+00 : f32
    %broadcast_in_dim3A_3 = vector.broadcast %broadcast_in_dim3A : f32 to vector<16xf32>
    %add3A_4 = arith.constant 0 : i32
    %add3A_5 = vector.broadcast %add3A_4 : i32 to vector<16xi32>
    %add3A_6 = arith.addi %iota3A, %add3A_5 : vector<16xi32>
    %rem3A = arith.constant 16 : i32
    %rem3A_7 = vector.broadcast %rem3A : i32 to vector<16xi32>
    %rem3A_8 = arith.remsi %add3A_6, %rem3A_7 : vector<16xi32>
    %add3A_9 = arith.constant 1 : i32
    %add3A_10 = vector.broadcast %add3A_9 : i32 to vector<16xi32>
    %add3A_11 = arith.addi %iota3A, %add3A_10 : vector<16xi32>
    %rem3A_12 = arith.constant 16 : i32
    %rem3A_13 = vector.broadcast %rem3A_12 : i32 to vector<16xi32>
    %rem3A_14 = arith.remsi %add3A_11, %rem3A_13 : vector<16xi32>
    %add3A_15 = arith.constant 2 : i32
    %add3A_16 = vector.broadcast %add3A_15 : i32 to vector<16xi32>
    %add3A_17 = arith.addi %iota3A, %add3A_16 : vector<16xi32>
    %rem3A_18 = arith.constant 16 : i32
    %rem3A_19 = vector.broadcast %rem3A_18 : i32 to vector<16xi32>
    %rem3A_20 = arith.remsi %add3A_17, %rem3A_19 : vector<16xi32>
    %add3A_21 = arith.constant 3 : i32
    %add3A_22 = vector.broadcast %add3A_21 : i32 to vector<16xi32>
    %add3A_23 = arith.addi %iota3A, %add3A_22 : vector<16xi32>
    %rem3A_24 = arith.constant 16 : i32
    %rem3A_25 = vector.broadcast %rem3A_24 : i32 to vector<16xi32>
    %rem3A_26 = arith.remsi %add3A_23, %rem3A_25 : vector<16xi32>
    %add3A_27 = arith.constant 4 : i32
    %add3A_28 = vector.broadcast %add3A_27 : i32 to vector<16xi32>
    %add3A_29 = arith.addi %iota3A, %add3A_28 : vector<16xi32>
    %rem3A_30 = arith.constant 16 : i32
    %rem3A_31 = vector.broadcast %rem3A_30 : i32 to vector<16xi32>
    %rem3A_32 = arith.remsi %add3A_29, %rem3A_31 : vector<16xi32>
    %add3A_33 = arith.constant 5 : i32
    %add3A_34 = vector.broadcast %add3A_33 : i32 to vector<16xi32>
    %add3A_35 = arith.addi %iota3A, %add3A_34 : vector<16xi32>
    %rem3A_36 = arith.constant 16 : i32
    %rem3A_37 = vector.broadcast %rem3A_36 : i32 to vector<16xi32>
    %rem3A_38 = arith.remsi %add3A_35, %rem3A_37 : vector<16xi32>
    %add3A_39 = arith.constant 6 : i32
    %add3A_40 = vector.broadcast %add3A_39 : i32 to vector<16xi32>
    %add3A_41 = arith.addi %iota3A, %add3A_40 : vector<16xi32>
    %rem3A_42 = arith.constant 16 : i32
    %rem3A_43 = vector.broadcast %rem3A_42 : i32 to vector<16xi32>
    %rem3A_44 = arith.remsi %add3A_41, %rem3A_43 : vector<16xi32>
    %add3A_45 = arith.constant 7 : i32
    %add3A_46 = vector.broadcast %add3A_45 : i32 to vector<16xi32>
    %add3A_47 = arith.addi %iota3A, %add3A_46 : vector<16xi32>
    %rem3A_48 = arith.constant 16 : i32
    %rem3A_49 = vector.broadcast %rem3A_48 : i32 to vector<16xi32>
    %rem3A_50 = arith.remsi %add3A_47, %rem3A_49 : vector<16xi32>
    %add3A_51 = arith.constant 8 : i32
    %add3A_52 = vector.broadcast %add3A_51 : i32 to vector<16xi32>
    %add3A_53 = arith.addi %iota3A, %add3A_52 : vector<16xi32>
    %rem3A_54 = arith.constant 16 : i32
    %rem3A_55 = vector.broadcast %rem3A_54 : i32 to vector<16xi32>
    %rem3A_56 = arith.remsi %add3A_53, %rem3A_55 : vector<16xi32>
    %add3A_57 = arith.constant 9 : i32
    %add3A_58 = vector.broadcast %add3A_57 : i32 to vector<16xi32>
    %add3A_59 = arith.addi %iota3A, %add3A_58 : vector<16xi32>
    %rem3A_60 = arith.constant 16 : i32
    %rem3A_61 = vector.broadcast %rem3A_60 : i32 to vector<16xi32>
    %rem3A_62 = arith.remsi %add3A_59, %rem3A_61 : vector<16xi32>
    %add3A_63 = arith.constant 10 : i32
    %add3A_64 = vector.broadcast %add3A_63 : i32 to vector<16xi32>
    %add3A_65 = arith.addi %iota3A, %add3A_64 : vector<16xi32>
    %rem3A_66 = arith.constant 16 : i32
    %rem3A_67 = vector.broadcast %rem3A_66 : i32 to vector<16xi32>
    %rem3A_68 = arith.remsi %add3A_65, %rem3A_67 : vector<16xi32>
    %add3A_69 = arith.constant 11 : i32
    %add3A_70 = vector.broadcast %add3A_69 : i32 to vector<16xi32>
    %add3A_71 = arith.addi %iota3A, %add3A_70 : vector<16xi32>
    %rem3A_72 = arith.constant 16 : i32
    %rem3A_73 = vector.broadcast %rem3A_72 : i32 to vector<16xi32>
    %rem3A_74 = arith.remsi %add3A_71, %rem3A_73 : vector<16xi32>
    %add3A_75 = arith.constant 12 : i32
    %add3A_76 = vector.broadcast %add3A_75 : i32 to vector<16xi32>
    %add3A_77 = arith.addi %iota3A, %add3A_76 : vector<16xi32>
    %rem3A_78 = arith.constant 16 : i32
    %rem3A_79 = vector.broadcast %rem3A_78 : i32 to vector<16xi32>
    %rem3A_80 = arith.remsi %add3A_77, %rem3A_79 : vector<16xi32>
    %add3A_81 = arith.constant 13 : i32
    %add3A_82 = vector.broadcast %add3A_81 : i32 to vector<16xi32>
    %add3A_83 = arith.addi %iota3A, %add3A_82 : vector<16xi32>
    %rem3A_84 = arith.constant 16 : i32
    %rem3A_85 = vector.broadcast %rem3A_84 : i32 to vector<16xi32>
    %rem3A_86 = arith.remsi %add3A_83, %rem3A_85 : vector<16xi32>
    %add3A_87 = arith.constant 14 : i32
    %add3A_88 = vector.broadcast %add3A_87 : i32 to vector<16xi32>
    %add3A_89 = arith.addi %iota3A, %add3A_88 : vector<16xi32>
    %rem3A_90 = arith.constant 16 : i32
    %rem3A_91 = vector.broadcast %rem3A_90 : i32 to vector<16xi32>
    %rem3A_92 = arith.remsi %add3A_89, %rem3A_91 : vector<16xi32>
    %add3A_93 = arith.constant 15 : i32
    %add3A_94 = vector.broadcast %add3A_93 : i32 to vector<16xi32>
    %add3A_95 = arith.addi %iota3A, %add3A_94 : vector<16xi32>
    %rem3A_96 = arith.constant 16 : i32
    %rem3A_97 = vector.broadcast %rem3A_96 : i32 to vector<16xi32>
    %rem3A_98 = arith.remsi %add3A_95, %rem3A_97 : vector<16xi32>
    %scan3A = arith.constant 0 : i32
    %scan3A_99 = arith.constant 50 : i32
    %scan3A_100 = arith.addi %scan3A, %scan3A_99 : i32
    %scan3A_101 = arith.constant 1 : i32
    scf.for %scan3A_274 = %scan3A to %scan3A_100 step %scan3A_101  : i32 {
      %get3A = arith.index_cast %scan3A_274 : i32 to index
      %get3A_275 = arith.constant 0 : index
      %get3A_276 = tpu.vector_load %arg6[%get3A, %get3A_275] {strides = array<i32>} : memref<56x128xi32, #tpu.memory_space<vmem>>, vector<16xi32>,
      %shift_right_logical3A = arith.constant 1 : i32
      %shift_right_logical3A_277 = vector.broadcast %shift_right_logical3A : i32 to vector<16xi32>
      %shift_right_logical3A_278 = arith.shrui %get3A_276, %shift_right_logical3A_277 : vector<16xi32>
      %swap3A = arith.index_cast %scan3A_274 : i32 to index
      %swap3A_279 = arith.constant 0 : index
      %swap3A_280 = tpu.vector_load %arg7[%swap3A, %swap3A_279] {strides = array<i32>} : memref<56x128xi32, #tpu.memory_space<vmem>>, vector<16xi32>,
      tpu.vector_store %arg7[%swap3A, %swap3A_279], %shift_right_logical3A_278 {strides = array<i32>} : memref<56x128xi32, #tpu.memory_space<vmem>>, vector<16xi32>,
      %and3A = arith.constant 1 : i32
      %and3A_281 = vector.broadcast %and3A : i32 to vector<16xi32>
      %and3A_282 = arith.andi %get3A_276, %and3A_281 : vector<16xi32>
      %shift_left3A = arith.constant 6 : i32
      %shift_left3A_283 = vector.broadcast %shift_left3A : i32 to vector<16xi32>
      %shift_left3A_284 = arith.shli %and3A_282, %shift_left3A_283 : vector<16xi32>
      %swap3A_285 = arith.index_cast %scan3A_274 : i32 to index
      %swap3A_286 = arith.constant 0 : index
      %swap3A_287 = tpu.vector_load %arg8[%swap3A_285, %swap3A_286] {strides = array<i32>} : memref<56x128xi32, #tpu.memory_space<vmem>>, vector<16xi32>,
      tpu.vector_store %arg8[%swap3A_285, %swap3A_286], %shift_left3A_284 {strides = array<i32>} : memref<56x128xi32, #tpu.memory_space<vmem>>, vector<16xi32>,
      %get3A_288 = arith.index_cast %scan3A_274 : i32 to index
      %get3A_289 = arith.constant 16 : index
      %get3A_290 = tpu.vector_load %arg6[%get3A_288, %get3A_289] {strides = array<i32>} : memref<56x128xi32, #tpu.memory_space<vmem>>, vector<16xi32>,
      %shift_right_logical3A_291 = arith.constant 1 : i32
      %shift_right_logical3A_292 = vector.broadcast %shift_right_logical3A_291 : i32 to vector<16xi32>
      %shift_right_logical3A_293 = arith.shrui %get3A_290, %shift_right_logical3A_292 : vector<16xi32>
      %swap3A_294 = arith.index_cast %scan3A_274 : i32 to index
      %swap3A_295 = arith.constant 16 : index
      %swap3A_296 = tpu.vector_load %arg7[%swap3A_294, %swap3A_295] {strides = array<i32>} : memref<56x128xi32, #tpu.memory_space<vmem>>, vector<16xi32>,
      tpu.vector_store %arg7[%swap3A_294, %swap3A_295], %shift_right_logical3A_293 {strides = array<i32>} : memref<56x128xi32, #tpu.memory_space<vmem>>, vector<16xi32>,
      %and3A_297 = arith.constant 1 : i32
      %and3A_298 = vector.broadcast %and3A_297 : i32 to vector<16xi32>
      %and3A_299 = arith.andi %get3A_290, %and3A_298 : vector<16xi32>
      %shift_left3A_300 = arith.constant 6 : i32
      %shift_left3A_301 = vector.broadcast %shift_left3A_300 : i32 to vector<16xi32>
      %shift_left3A_302 = arith.shli %and3A_299, %shift_left3A_301 : vector<16xi32>
      %swap3A_303 = arith.index_cast %scan3A_274 : i32 to index
      %swap3A_304 = arith.constant 16 : index
      %swap3A_305 = tpu.vector_load %arg8[%swap3A_303, %swap3A_304] {strides = array<i32>} : memref<56x128xi32, #tpu.memory_space<vmem>>, vector<16xi32>,
      tpu.vector_store %arg8[%swap3A_303, %swap3A_304], %shift_left3A_302 {strides = array<i32>} : memref<56x128xi32, #tpu.memory_space<vmem>>, vector<16xi32>,
      %get3A_306 = arith.index_cast %scan3A_274 : i32 to index
      %get3A_307 = arith.constant 32 : index
      %get3A_308 = tpu.vector_load %arg6[%get3A_306, %get3A_307] {strides = array<i32>} : memref<56x128xi32, #tpu.memory_space<vmem>>, vector<16xi32>,
      %shift_right_logical3A_309 = arith.constant 1 : i32
      %shift_right_logical3A_310 = vector.broadcast %shift_right_logical3A_309 : i32 to vector<16xi32>
      %shift_right_logical3A_311 = arith.shrui %get3A_308, %shift_right_logical3A_310 : vector<16xi32>
      %swap3A_312 = arith.index_cast %scan3A_274 : i32 to index
      %swap3A_313 = arith.constant 32 : index
      %swap3A_314 = tpu.vector_load %arg7[%swap3A_312, %swap3A_313] {strides = array<i32>} : memref<56x128xi32, #tpu.memory_space<vmem>>, vector<16xi32>,
      tpu.vector_store %arg7[%swap3A_312, %swap3A_313], %shift_right_logical3A_311 {strides = array<i32>} : memref<56x128xi32, #tpu.memory_space<vmem>>, vector<16xi32>,
      %and3A_315 = arith.constant 1 : i32
      %and3A_316 = vector.broadcast %and3A_315 : i32 to vector<16xi32>
      %and3A_317 = arith.andi %get3A_308, %and3A_316 : vector<16xi32>
      %shift_left3A_318 = arith.constant 6 : i32
      %shift_left3A_319 = vector.broadcast %shift_left3A_318 : i32 to vector<16xi32>
      %shift_left3A_320 = arith.shli %and3A_317, %shift_left3A_319 : vector<16xi32>
      %swap3A_321 = arith.index_cast %scan3A_274 : i32 to index
      %swap3A_322 = arith.constant 32 : index
      %swap3A_323 = tpu.vector_load %arg8[%swap3A_321, %swap3A_322] {strides = array<i32>} : memref<56x128xi32, #tpu.memory_space<vmem>>, vector<16xi32>,
      tpu.vector_store %arg8[%swap3A_321, %swap3A_322], %shift_left3A_320 {strides = array<i32>} : memref<56x128xi32, #tpu.memory_space<vmem>>, vector<16xi32>,
      %get3A_324 = arith.index_cast %scan3A_274 : i32 to index
      %get3A_325 = arith.constant 48 : index
      %get3A_326 = tpu.vector_load %arg6[%get3A_324, %get3A_325] {strides = array<i32>} : memref<56x128xi32, #tpu.memory_space<vmem>>, vector<16xi32>,
      %shift_right_logical3A_327 = arith.constant 1 : i32
      %shift_right_logical3A_328 = vector.broadcast %shift_right_logical3A_327 : i32 to vector<16xi32>
      %shift_right_logical3A_329 = arith.shrui %get3A_326, %shift_right_logical3A_328 : vector<16xi32>
      %swap3A_330 = arith.index_cast %scan3A_274 : i32 to index
      %swap3A_331 = arith.constant 48 : index
      %swap3A_332 = tpu.vector_load %arg7[%swap3A_330, %swap3A_331] {strides = array<i32>} : memref<56x128xi32, #tpu.memory_space<vmem>>, vector<16xi32>,
      tpu.vector_store %arg7[%swap3A_330, %swap3A_331], %shift_right_logical3A_329 {strides = array<i32>} : memref<56x128xi32, #tpu.memory_space<vmem>>, vector<16xi32>,
      %and3A_333 = arith.constant 1 : i32
      %and3A_334 = vector.broadcast %and3A_333 : i32 to vector<16xi32>
      %and3A_335 = arith.andi %get3A_326, %and3A_334 : vector<16xi32>
      %shift_left3A_336 = arith.constant 6 : i32
      %shift_left3A_337 = vector.broadcast %shift_left3A_336 : i32 to vector<16xi32>
      %shift_left3A_338 = arith.shli %and3A_335, %shift_left3A_337 : vector<16xi32>
      %swap3A_339 = arith.index_cast %scan3A_274 : i32 to index
      %swap3A_340 = arith.constant 48 : index
      %swap3A_341 = tpu.vector_load %arg8[%swap3A_339, %swap3A_340] {strides = array<i32>} : memref<56x128xi32, #tpu.memory_space<vmem>>, vector<16xi32>,
      tpu.vector_store %arg8[%swap3A_339, %swap3A_340], %shift_left3A_338 {strides = array<i32>} : memref<56x128xi32, #tpu.memory_space<vmem>>, vector<16xi32>,
      %get3A_342 = arith.index_cast %scan3A_274 : i32 to index
      %get3A_343 = arith.constant 64 : index
      %get3A_344 = tpu.vector_load %arg6[%get3A_342, %get3A_343] {strides = array<i32>} : memref<56x128xi32, #tpu.memory_space<vmem>>, vector<16xi32>,
      %shift_right_logical3A_345 = arith.constant 1 : i32
      %shift_right_logical3A_346 = vector.broadcast %shift_right_logical3A_345 : i32 to vector<16xi32>
      %shift_right_logical3A_347 = arith.shrui %get3A_344, %shift_right_logical3A_346 : vector<16xi32>
      %swap3A_348 = arith.index_cast %scan3A_274 : i32 to index
      %swap3A_349 = arith.constant 64 : index
      %swap3A_350 = tpu.vector_load %arg7[%swap3A_348, %swap3A_349] {strides = array<i32>} : memref<56x128xi32, #tpu.memory_space<vmem>>, vector<16xi32>,
      tpu.vector_store %arg7[%swap3A_348, %swap3A_349], %shift_right_logical3A_347 {strides = array<i32>} : memref<56x128xi32, #tpu.memory_space<vmem>>, vector<16xi32>,
      %and3A_351 = arith.constant 1 : i32
      %and3A_352 = vector.broadcast %and3A_351 : i32 to vector<16xi32>
      %and3A_353 = arith.andi %get3A_344, %and3A_352 : vector<16xi32>
      %shift_left3A_354 = arith.constant 6 : i32
      %shift_left3A_355 = vector.broadcast %shift_left3A_354 : i32 to vector<16xi32>
      %shift_left3A_356 = arith.shli %and3A_353, %shift_left3A_355 : vector<16xi32>
      %swap3A_357 = arith.index_cast %scan3A_274 : i32 to index
      %swap3A_358 = arith.constant 64 : index
      %swap3A_359 = tpu.vector_load %arg8[%swap3A_357, %swap3A_358] {strides = array<i32>} : memref<56x128xi32, #tpu.memory_space<vmem>>, vector<16xi32>,
      tpu.vector_store %arg8[%swap3A_357, %swap3A_358], %shift_left3A_356 {strides = array<i32>} : memref<56x128xi32, #tpu.memory_space<vmem>>, vector<16xi32>,
      %get3A_360 = arith.index_cast %scan3A_274 : i32 to index
      %get3A_361 = arith.constant 80 : index
      %get3A_362 = tpu.vector_load %arg6[%get3A_360, %get3A_361] {strides = array<i32>} : memref<56x128xi32, #tpu.memory_space<vmem>>, vector<16xi32>,
      %shift_right_logical3A_363 = arith.constant 1 : i32
      %shift_right_logical3A_364 = vector.broadcast %shift_right_logical3A_363 : i32 to vector<16xi32>
      %shift_right_logical3A_365 = arith.shrui %get3A_362, %shift_right_logical3A_364 : vector<16xi32>
      %swap3A_366 = arith.index_cast %scan3A_274 : i32 to index
      %swap3A_367 = arith.constant 80 : index
      %swap3A_368 = tpu.vector_load %arg7[%swap3A_366, %swap3A_367] {strides = array<i32>} : memref<56x128xi32, #tpu.memory_space<vmem>>, vector<16xi32>,
      tpu.vector_store %arg7[%swap3A_366, %swap3A_367], %shift_right_logical3A_365 {strides = array<i32>} : memref<56x128xi32, #tpu.memory_space<vmem>>, vector<16xi32>,
      %and3A_369 = arith.constant 1 : i32
      %and3A_370 = vector.broadcast %and3A_369 : i32 to vector<16xi32>
      %and3A_371 = arith.andi %get3A_362, %and3A_370 : vector<16xi32>
      %shift_left3A_372 = arith.constant 6 : i32
      %shift_left3A_373 = vector.broadcast %shift_left3A_372 : i32 to vector<16xi32>
      %shift_left3A_374 = arith.shli %and3A_371, %shift_left3A_373 : vector<16xi32>
      %swap3A_375 = arith.index_cast %scan3A_274 : i32 to index
      %swap3A_376 = arith.constant 80 : index
      %swap3A_377 = tpu.vector_load %arg8[%swap3A_375, %swap3A_376] {strides = array<i32>} : memref<56x128xi32, #tpu.memory_space<vmem>>, vector<16xi32>,
      tpu.vector_store %arg8[%swap3A_375, %swap3A_376], %shift_left3A_374 {strides = array<i32>} : memref<56x128xi32, #tpu.memory_space<vmem>>, vector<16xi32>,
      %get3A_378 = arith.index_cast %scan3A_274 : i32 to index
      %get3A_379 = arith.constant 96 : index
      %get3A_380 = tpu.vector_load %arg6[%get3A_378, %get3A_379] {strides = array<i32>} : memref<56x128xi32, #tpu.memory_space<vmem>>, vector<16xi32>,
      %shift_right_logical3A_381 = arith.constant 1 : i32
      %shift_right_logical3A_382 = vector.broadcast %shift_right_logical3A_381 : i32 to vector<16xi32>
      %shift_right_logical3A_383 = arith.shrui %get3A_380, %shift_right_logical3A_382 : vector<16xi32>
      %swap3A_384 = arith.index_cast %scan3A_274 : i32 to index
      %swap3A_385 = arith.constant 96 : index
      %swap3A_386 = tpu.vector_load %arg7[%swap3A_384, %swap3A_385] {strides = array<i32>} : memref<56x128xi32, #tpu.memory_space<vmem>>, vector<16xi32>,
      tpu.vector_store %arg7[%swap3A_384, %swap3A_385], %shift_right_logical3A_383 {strides = array<i32>} : memref<56x128xi32, #tpu.memory_space<vmem>>, vector<16xi32>,
      %and3A_387 = arith.constant 1 : i32
      %and3A_388 = vector.broadcast %and3A_387 : i32 to vector<16xi32>
      %and3A_389 = arith.andi %get3A_380, %and3A_388 : vector<16xi32>
      %shift_left3A_390 = arith.constant 6 : i32
      %shift_left3A_391 = vector.broadcast %shift_left3A_390 : i32 to vector<16xi32>
      %shift_left3A_392 = arith.shli %and3A_389, %shift_left3A_391 : vector<16xi32>
      %swap3A_393 = arith.index_cast %scan3A_274 : i32 to index
      %swap3A_394 = arith.constant 96 : index
      %swap3A_395 = tpu.vector_load %arg8[%swap3A_393, %swap3A_394] {strides = array<i32>} : memref<56x128xi32, #tpu.memory_space<vmem>>, vector<16xi32>,
      tpu.vector_store %arg8[%swap3A_393, %swap3A_394], %shift_left3A_392 {strides = array<i32>} : memref<56x128xi32, #tpu.memory_space<vmem>>, vector<16xi32>,
      %get3A_396 = arith.index_cast %scan3A_274 : i32 to index
      %get3A_397 = arith.constant 112 : index
      %get3A_398 = tpu.vector_load %arg6[%get3A_396, %get3A_397] {strides = array<i32>} : memref<56x128xi32, #tpu.memory_space<vmem>>, vector<16xi32>,
      %shift_right_logical3A_399 = arith.constant 1 : i32
      %shift_right_logical3A_400 = vector.broadcast %shift_right_logical3A_399 : i32 to vector<16xi32>
      %shift_right_logical3A_401 = arith.shrui %get3A_398, %shift_right_logical3A_400 : vector<16xi32>
      %swap3A_402 = arith.index_cast %scan3A_274 : i32 to index
      %swap3A_403 = arith.constant 112 : index
      %swap3A_404 = tpu.vector_load %arg7[%swap3A_402, %swap3A_403] {strides = array<i32>} : memref<56x128xi32, #tpu.memory_space<vmem>>, vector<16xi32>,
      tpu.vector_store %arg7[%swap3A_402, %swap3A_403], %shift_right_logical3A_401 {strides = array<i32>} : memref<56x128xi32, #tpu.memory_space<vmem>>, vector<16xi32>,
      %and3A_405 = arith.constant 1 : i32
      %and3A_406 = vector.broadcast %and3A_405 : i32 to vector<16xi32>
      %and3A_407 = arith.andi %get3A_398, %and3A_406 : vector<16xi32>
      %shift_left3A_408 = arith.constant 6 : i32
      %shift_left3A_409 = vector.broadcast %shift_left3A_408 : i32 to vector<16xi32>
      %shift_left3A_410 = arith.shli %and3A_407, %shift_left3A_409 : vector<16xi32>
      %swap3A_411 = arith.index_cast %scan3A_274 : i32 to index
      %swap3A_412 = arith.constant 112 : index
      %swap3A_413 = tpu.vector_load %arg8[%swap3A_411, %swap3A_412] {strides = array<i32>} : memref<56x128xi32, #tpu.memory_space<vmem>>, vector<16xi32>,
      tpu.vector_store %arg8[%swap3A_411, %swap3A_412], %shift_left3A_410 {strides = array<i32>} : memref<56x128xi32, #tpu.memory_space<vmem>>, vector<16xi32>,
    }
    %scan3A_102 = arith.constant 50 : i32
    %dma_start3A = arith.constant 0 : i32
    %dma_start3A_103 = arith.constant 0 : i32
    %dma_start3A_104 = arith.constant 0 : i32
    %dma_start3A_105 = arith.constant 0 : i32
    %dma_start3A_106 = tpu.memref_slice %arg9[%dma_start3A_103, %dma_start3A_104, %dma_start3A_105] : memref<4x128x128xf32, #tpu.memory_space<vmem>> -> memref<1x128x128xf32, #tpu.memory_space<vmem>>
    %dma_start3A_107 = tpu.memref_squeeze %dma_start3A_106 : memref<1x128x128xf32, #tpu.memory_space<vmem>> -> memref<128x128xf32, #tpu.memory_space<vmem>>
    %dma_start3A_108 = arith.constant 0 : i32
    %dma_start3A_109 = tpu.memref_slice %arg7[%dma_start3A, %dma_start3A_108] : memref<56x128xi32, #tpu.memory_space<vmem>> -> memref<1x128xi32, #tpu.memory_space<vmem>>
    %dma_start3A_110 = tpu.memref_squeeze %dma_start3A_109 : memref<1x128xi32, #tpu.memory_space<vmem>> -> memref<128xi32, #tpu.memory_space<vmem>>
    %dma_start3A_111 = arith.constant 0 : i32
    %dma_start3A_112 = arith.constant 0 : i32
    %dma_start3A_113 = tpu.memref_slice %arg3[%dma_start3A_111, %dma_start3A_112] : memref<500000x128xf32, #tpu.memory_space<hbm>> -> memref<500000x128xf32, #tpu.memory_space<hbm>>
    tpu.enqueue_indirect_dma source(%dma_start3A_113 : memref<500000x128xf32, #tpu.memory_space<hbm>>) target(%dma_start3A_107 : memref<128x128xf32, #tpu.memory_space<vmem>>) offsets(%dma_start3A_110 : memref<128xi32, #tpu.memory_space<vmem>>) semaphore(%arg11 : memref<!tpu.dma_semaphore, #tpu.memory_space<semaphore_mem>>)
    %dma_start3A_114 = arith.constant 1 : i32
    %dma_start3A_115 = arith.constant 1 : i32
    %dma_start3A_116 = arith.constant 0 : i32
    %dma_start3A_117 = arith.constant 0 : i32
    %dma_start3A_118 = tpu.memref_slice %arg9[%dma_start3A_115, %dma_start3A_116, %dma_start3A_117] : memref<4x128x128xf32, #tpu.memory_space<vmem>> -> memref<1x128x128xf32, #tpu.memory_space<vmem>>
    %dma_start3A_119 = tpu.memref_squeeze %dma_start3A_118 : memref<1x128x128xf32, #tpu.memory_space<vmem>> -> memref<128x128xf32, #tpu.memory_space<vmem>>
    %dma_start3A_120 = arith.constant 0 : i32
    %dma_start3A_121 = tpu.memref_slice %arg7[%dma_start3A_114, %dma_start3A_120] : memref<56x128xi32, #tpu.memory_space<vmem>> -> memref<1x128xi32, #tpu.memory_space<vmem>>
    %dma_start3A_122 = tpu.memref_squeeze %dma_start3A_121 : memref<1x128xi32, #tpu.memory_space<vmem>> -> memref<128xi32, #tpu.memory_space<vmem>>
    %dma_start3A_123 = arith.constant 0 : i32
    %dma_start3A_124 = arith.constant 0 : i32
    %dma_start3A_125 = tpu.memref_slice %arg3[%dma_start3A_123, %dma_start3A_124] : memref<500000x128xf32, #tpu.memory_space<hbm>> -> memref<500000x128xf32, #tpu.memory_space<hbm>>
    tpu.enqueue_indirect_dma source(%dma_start3A_125 : memref<500000x128xf32, #tpu.memory_space<hbm>>) target(%dma_start3A_119 : memref<128x128xf32, #tpu.memory_space<vmem>>) offsets(%dma_start3A_122 : memref<128xi32, #tpu.memory_space<vmem>>) semaphore(%arg11 : memref<!tpu.dma_semaphore, #tpu.memory_space<semaphore_mem>>)
    %dma_start3A_126 = arith.constant 2 : i32
    %dma_start3A_127 = arith.constant 2 : i32
    %dma_start3A_128 = arith.constant 0 : i32
    %dma_start3A_129 = arith.constant 0 : i32
    %dma_start3A_130 = tpu.memref_slice %arg9[%dma_start3A_127, %dma_start3A_128, %dma_start3A_129] : memref<4x128x128xf32, #tpu.memory_space<vmem>> -> memref<1x128x128xf32, #tpu.memory_space<vmem>>
    %dma_start3A_131 = tpu.memref_squeeze %dma_start3A_130 : memref<1x128x128xf32, #tpu.memory_space<vmem>> -> memref<128x128xf32, #tpu.memory_space<vmem>>
    %dma_start3A_132 = arith.constant 0 : i32
    %dma_start3A_133 = tpu.memref_slice %arg7[%dma_start3A_126, %dma_start3A_132] : memref<56x128xi32, #tpu.memory_space<vmem>> -> memref<1x128xi32, #tpu.memory_space<vmem>>
    %dma_start3A_134 = tpu.memref_squeeze %dma_start3A_133 : memref<1x128xi32, #tpu.memory_space<vmem>> -> memref<128xi32, #tpu.memory_space<vmem>>
    %dma_start3A_135 = arith.constant 0 : i32
    %dma_start3A_136 = arith.constant 0 : i32
    %dma_start3A_137 = tpu.memref_slice %arg3[%dma_start3A_135, %dma_start3A_136] : memref<500000x128xf32, #tpu.memory_space<hbm>> -> memref<500000x128xf32, #tpu.memory_space<hbm>>
    tpu.enqueue_indirect_dma source(%dma_start3A_137 : memref<500000x128xf32, #tpu.memory_space<hbm>>) target(%dma_start3A_131 : memref<128x128xf32, #tpu.memory_space<vmem>>) offsets(%dma_start3A_134 : memref<128xi32, #tpu.memory_space<vmem>>) semaphore(%arg11 : memref<!tpu.dma_semaphore, #tpu.memory_space<semaphore_mem>>)
    %dma_start3A_138 = arith.constant 3 : i32
    %dma_start3A_139 = arith.constant 3 : i32
    %dma_start3A_140 = arith.constant 0 : i32
    %dma_start3A_141 = arith.constant 0 : i32
    %dma_start3A_142 = tpu.memref_slice %arg9[%dma_start3A_139, %dma_start3A_140, %dma_start3A_141] : memref<4x128x128xf32, #tpu.memory_space<vmem>> -> memref<1x128x128xf32, #tpu.memory_space<vmem>>
    %dma_start3A_143 = tpu.memref_squeeze %dma_start3A_142 : memref<1x128x128xf32, #tpu.memory_space<vmem>> -> memref<128x128xf32, #tpu.memory_space<vmem>>
    %dma_start3A_144 = arith.constant 0 : i32
    %dma_start3A_145 = tpu.memref_slice %arg7[%dma_start3A_138, %dma_start3A_144] : memref<56x128xi32, #tpu.memory_space<vmem>> -> memref<1x128xi32, #tpu.memory_space<vmem>>
    %dma_start3A_146 = tpu.memref_squeeze %dma_start3A_145 : memref<1x128xi32, #tpu.memory_space<vmem>> -> memref<128xi32, #tpu.memory_space<vmem>>
    %dma_start3A_147 = arith.constant 0 : i32
    %dma_start3A_148 = arith.constant 0 : i32
    %dma_start3A_149 = tpu.memref_slice %arg3[%dma_start3A_147, %dma_start3A_148] : memref<500000x128xf32, #tpu.memory_space<hbm>> -> memref<500000x128xf32, #tpu.memory_space<hbm>>
    tpu.enqueue_indirect_dma source(%dma_start3A_149 : memref<500000x128xf32, #tpu.memory_space<hbm>>) target(%dma_start3A_143 : memref<128x128xf32, #tpu.memory_space<vmem>>) offsets(%dma_start3A_146 : memref<128xi32, #tpu.memory_space<vmem>>) semaphore(%arg11 : memref<!tpu.dma_semaphore, #tpu.memory_space<semaphore_mem>>)
    %scan3A_150 = arith.constant 0 : i32
    %scan3A_151 = arith.constant 50 : i32
    %scan3A_152 = arith.addi %scan3A_150, %scan3A_151 : i32
    %scan3A_153 = arith.constant 1 : i32
    scf.for %scan3A_274 = %scan3A_150 to %scan3A_152 step %scan3A_153  : i32 {
      %rem3A_275 = arith.constant 4 : i32
      %rem3A_276 = arith.remsi %scan3A_274, %rem3A_275 : i32
      %dma_wait3A_277 = arith.constant 0 : i32
      %dma_wait3A_278 = arith.constant 0 : i32
      %dma_wait3A_279 = tpu.memref_slice %arg9[%rem3A_276, %dma_wait3A_277, %dma_wait3A_278] : memref<4x128x128xf32, #tpu.memory_space<vmem>> -> memref<1x128x128xf32, #tpu.memory_space<vmem>>
      %dma_wait3A_280 = tpu.memref_squeeze %dma_wait3A_279 : memref<1x128x128xf32, #tpu.memory_space<vmem>> -> memref<128x128xf32, #tpu.memory_space<vmem>>
      %dma_wait3A_281 = arith.constant 0 : i32
      %dma_wait3A_282 = arith.constant 0 : i32
      %dma_wait3A_283 = tpu.memref_slice %arg3[%dma_wait3A_281, %dma_wait3A_282] : memref<500000x128xf32, #tpu.memory_space<hbm>> -> memref<128x128xf32, #tpu.memory_space<hbm>>
      %dma_wait3A_284 = arith.constant 0 : i32
      %dma_wait3A_285 = arith.constant 0 : i32
      %dma_wait3A_286 = tpu.memref_slice %arg9[%rem3A_276, %dma_wait3A_284, %dma_wait3A_285] : memref<4x128x128xf32, #tpu.memory_space<vmem>> -> memref<1x128x128xf32, #tpu.memory_space<vmem>>
      %dma_wait3A_287 = tpu.memref_squeeze %dma_wait3A_286 : memref<1x128x128xf32, #tpu.memory_space<vmem>> -> memref<128x128xf32, #tpu.memory_space<vmem>>
      %dma_wait3A_288 = arith.constant 0 : i32
      %dma_wait3A_289 = arith.constant 0 : i32
      %dma_wait3A_290 = tpu.memref_slice %arg3[%dma_wait3A_288, %dma_wait3A_289] : memref<500000x128xf32, #tpu.memory_space<hbm>> -> memref<128x128xf32, #tpu.memory_space<hbm>>
      tpu.wait_dma2 semaphore(%arg11 : memref<!tpu.dma_semaphore, #tpu.memory_space<semaphore_mem>>) src(%dma_wait3A_290 : memref<128x128xf32, #tpu.memory_space<hbm>>) dst(%dma_wait3A_287 : memref<128x128xf32, #tpu.memory_space<vmem>>)
      %ge3A = arith.constant 4 : i32
      %ge3A_291 = arith.cmpi sge, %scan3A_274, %ge3A : i32
      %convert_element_type3A = arith.extui %ge3A_291 : i1 to i32
      %cond3A = arith.constant 0 : i32
      %cond3A_292 = arith.cmpi ne, %convert_element_type3A, %cond3A : i32
      scf.if %cond3A_292 {
        %dma_wait3A_753 = arith.constant 0 : i32
        %dma_wait3A_754 = arith.constant 0 : i32
        %dma_wait3A_755 = arith.constant 0 : i32
        %dma_wait3A_756 = tpu.memref_slice %arg10[%dma_wait3A_753, %dma_wait3A_754, %dma_wait3A_755] : memref<4x64x128xf32, #tpu.memory_space<vmem>> -> memref<1x64x128xf32, #tpu.memory_space<vmem>>
        %dma_wait3A_757 = tpu.memref_squeeze %dma_wait3A_756 : memref<1x64x128xf32, #tpu.memory_space<vmem>> -> memref<64x128xf32, #tpu.memory_space<vmem>>
        %dma_wait3A_758 = arith.constant 0 : i32
        %dma_wait3A_759 = arith.constant 0 : i32
        %dma_wait3A_760 = tpu.memref_slice %arg3[%dma_wait3A_758, %dma_wait3A_759] : memref<500000x128xf32, #tpu.memory_space<hbm>> -> memref<64x128xf32, #tpu.memory_space<hbm>>
        %dma_wait3A_761 = arith.constant 0 : i32
        %dma_wait3A_762 = arith.constant 0 : i32
        %dma_wait3A_763 = tpu.memref_slice %arg10[%dma_wait3A_753, %dma_wait3A_761, %dma_wait3A_762] : memref<4x64x128xf32, #tpu.memory_space<vmem>> -> memref<1x64x128xf32, #tpu.memory_space<vmem>>
        %dma_wait3A_764 = tpu.memref_squeeze %dma_wait3A_763 : memref<1x64x128xf32, #tpu.memory_space<vmem>> -> memref<64x128xf32, #tpu.memory_space<vmem>>
        %dma_wait3A_765 = arith.constant 0 : i32
        %dma_wait3A_766 = arith.constant 0 : i32
        %dma_wait3A_767 = tpu.memref_slice %arg3[%dma_wait3A_765, %dma_wait3A_766] : memref<500000x128xf32, #tpu.memory_space<hbm>> -> memref<64x128xf32, #tpu.memory_space<hbm>>
        tpu.wait_dma2 semaphore(%arg12 : memref<!tpu.dma_semaphore, #tpu.memory_space<semaphore_mem>>) src(%dma_wait3A_767 : memref<64x128xf32, #tpu.memory_space<hbm>>) dst(%dma_wait3A_764 : memref<64x128xf32, #tpu.memory_space<vmem>>)
        %dma_wait3A_768 = arith.constant 0 : i32
        %dma_wait3A_769 = arith.constant 0 : i32
        %dma_wait3A_770 = arith.constant 0 : i32
        %dma_wait3A_771 = tpu.memref_slice %arg10[%dma_wait3A_768, %dma_wait3A_769, %dma_wait3A_770] : memref<4x64x128xf32, #tpu.memory_space<vmem>> -> memref<1x64x128xf32, #tpu.memory_space<vmem>>
        %dma_wait3A_772 = tpu.memref_squeeze %dma_wait3A_771 : memref<1x64x128xf32, #tpu.memory_space<vmem>> -> memref<64x128xf32, #tpu.memory_space<vmem>>
        %dma_wait3A_773 = arith.constant 0 : i32
        %dma_wait3A_774 = arith.constant 0 : i32
        %dma_wait3A_775 = tpu.memref_slice %arg3[%dma_wait3A_773, %dma_wait3A_774] : memref<500000x128xf32, #tpu.memory_space<hbm>> -> memref<64x128xf32, #tpu.memory_space<hbm>>
        %dma_wait3A_776 = arith.constant 0 : i32
        %dma_wait3A_777 = arith.constant 0 : i32
        %dma_wait3A_778 = tpu.memref_slice %arg10[%dma_wait3A_768, %dma_wait3A_776, %dma_wait3A_777] : memref<4x64x128xf32, #tpu.memory_space<vmem>> -> memref<1x64x128xf32, #tpu.memory_space<vmem>>
        %dma_wait3A_779 = tpu.memref_squeeze %dma_wait3A_778 : memref<1x64x128xf32, #tpu.memory_space<vmem>> -> memref<64x128xf32, #tpu.memory_space<vmem>>
        %dma_wait3A_780 = arith.constant 0 : i32
        %dma_wait3A_781 = arith.constant 0 : i32
        %dma_wait3A_782 = tpu.memref_slice %arg3[%dma_wait3A_780, %dma_wait3A_781] : memref<500000x128xf32, #tpu.memory_space<hbm>> -> memref<64x128xf32, #tpu.memory_space<hbm>>
        tpu.wait_dma2 semaphore(%arg12 : memref<!tpu.dma_semaphore, #tpu.memory_space<semaphore_mem>>) src(%dma_wait3A_782 : memref<64x128xf32, #tpu.memory_space<hbm>>) dst(%dma_wait3A_779 : memref<64x128xf32, #tpu.memory_space<vmem>>)
      } else {
      }
      %get3A = arith.index_cast %scan3A_274 : i32 to index
      %get3A_293 = arith.constant 0 : index
      %get3A_294 = tpu.vector_load %arg6[%get3A, %get3A_293] {strides = array<i32>} : memref<56x128xi32, #tpu.memory_space<vmem>>, vector<16xi32>,
      %eq3A = arith.constant 0 : i32
      %eq3A_295 = vector.broadcast %eq3A : i32 to vector<16xi32>
      %eq3A_296 = arith.cmpi eq, %get3A_294, %eq3A_295 : vector<16xi32>
      %get3A_297 = arith.index_cast %scan3A_274 : i32 to index
      %get3A_298 = arith.constant 16 : index
      %get3A_299 = tpu.vector_load %arg6[%get3A_297, %get3A_298] {strides = array<i32>} : memref<56x128xi32, #tpu.memory_space<vmem>>, vector<16xi32>,
      %eq3A_300 = arith.constant 0 : i32
      %eq3A_301 = vector.broadcast %eq3A_300 : i32 to vector<16xi32>
      %eq3A_302 = arith.cmpi eq, %get3A_299, %eq3A_301 : vector<16xi32>
      %get3A_303 = arith.index_cast %scan3A_274 : i32 to index
      %get3A_304 = arith.constant 32 : index
      %get3A_305 = tpu.vector_load %arg6[%get3A_303, %get3A_304] {strides = array<i32>} : memref<56x128xi32, #tpu.memory_space<vmem>>, vector<16xi32>,
      %eq3A_306 = arith.constant 0 : i32
      %eq3A_307 = vector.broadcast %eq3A_306 : i32 to vector<16xi32>
      %eq3A_308 = arith.cmpi eq, %get3A_305, %eq3A_307 : vector<16xi32>
      %get3A_309 = arith.index_cast %scan3A_274 : i32 to index
      %get3A_310 = arith.constant 48 : index
      %get3A_311 = tpu.vector_load %arg6[%get3A_309, %get3A_310] {strides = array<i32>} : memref<56x128xi32, #tpu.memory_space<vmem>>, vector<16xi32>,
      %eq3A_312 = arith.constant 0 : i32
      %eq3A_313 = vector.broadcast %eq3A_312 : i32 to vector<16xi32>
      %eq3A_314 = arith.cmpi eq, %get3A_311, %eq3A_313 : vector<16xi32>
      %get3A_315 = arith.index_cast %scan3A_274 : i32 to index
      %get3A_316 = arith.constant 64 : index
      %get3A_317 = tpu.vector_load %arg6[%get3A_315, %get3A_316] {strides = array<i32>} : memref<56x128xi32, #tpu.memory_space<vmem>>, vector<16xi32>,
      %eq3A_318 = arith.constant 0 : i32
      %eq3A_319 = vector.broadcast %eq3A_318 : i32 to vector<16xi32>
      %eq3A_320 = arith.cmpi eq, %get3A_317, %eq3A_319 : vector<16xi32>
      %get3A_321 = arith.index_cast %scan3A_274 : i32 to index
      %get3A_322 = arith.constant 80 : index
      %get3A_323 = tpu.vector_load %arg6[%get3A_321, %get3A_322] {strides = array<i32>} : memref<56x128xi32, #tpu.memory_space<vmem>>, vector<16xi32>,
      %eq3A_324 = arith.constant 0 : i32
      %eq3A_325 = vector.broadcast %eq3A_324 : i32 to vector<16xi32>
      %eq3A_326 = arith.cmpi eq, %get3A_323, %eq3A_325 : vector<16xi32>
      %get3A_327 = arith.index_cast %scan3A_274 : i32 to index
      %get3A_328 = arith.constant 96 : index
      %get3A_329 = tpu.vector_load %arg6[%get3A_327, %get3A_328] {strides = array<i32>} : memref<56x128xi32, #tpu.memory_space<vmem>>, vector<16xi32>,
      %eq3A_330 = arith.constant 0 : i32
      %eq3A_331 = vector.broadcast %eq3A_330 : i32 to vector<16xi32>
      %eq3A_332 = arith.cmpi eq, %get3A_329, %eq3A_331 : vector<16xi32>
      %get3A_333 = arith.index_cast %scan3A_274 : i32 to index
      %get3A_334 = arith.constant 112 : index
      %get3A_335 = tpu.vector_load %arg6[%get3A_333, %get3A_334] {strides = array<i32>} : memref<56x128xi32, #tpu.memory_space<vmem>>, vector<16xi32>,
      %eq3A_336 = arith.constant 0 : i32
      %eq3A_337 = vector.broadcast %eq3A_336 : i32 to vector<16xi32>
      %eq3A_338 = arith.cmpi eq, %get3A_335, %eq3A_337 : vector<16xi32>
      %or3A = arith.ori %eq3A_296, %eq3A_302 : vector<16xi1>
      %or3A_339 = arith.ori %or3A, %eq3A_308 : vector<16xi1>
      %or3A_340 = arith.ori %or3A_339, %eq3A_314 : vector<16xi1>
      %or3A_341 = arith.ori %or3A_340, %eq3A_320 : vector<16xi1>
      %or3A_342 = arith.ori %or3A_341, %eq3A_326 : vector<16xi1>
      %or3A_343 = arith.ori %or3A_342, %eq3A_332 : vector<16xi1>
      %or3A_344 = arith.ori %or3A_343, %eq3A_338 : vector<16xi1>
      %jit3A = arith.constant 1 : i32
      %jit3A_345 = arith.constant 0 : i32
      %broadcast_in_dim3A_346 = vector.broadcast %jit3A : i32 to vector<16xi32>
      %broadcast_in_dim3A_347 = vector.broadcast %jit3A_345 : i32 to vector<16xi32>
      %select_n3A = arith.select %or3A_344, %broadcast_in_dim3A_346, %broadcast_in_dim3A_347 : vector<16xi1>, vector<16xi32>
      %reduce_max3A = arith.constant true
      %reduce_max3A_348 = vector.broadcast %reduce_max3A : i1 to vector<16xi1>
      %reduce_max3A_349 = arith.constant -2147483648 : i32
      %reduce_max3A_350 = vector.broadcast %reduce_max3A_349 : i32 to vector<16xi32>
      %reduce_max3A_351 = arith.xori %select_n3A, %reduce_max3A_350 : vector<16xi32>
      %reduce_max3A_352 = tpu.scan <max>, %reduce_max3A_351 masked %reduce_max3A_348 : vector<16xi32>, vector<16xi1> -> vector<16xi32>
      %reduce_max3A_353 = arith.xori %reduce_max3A_352, %reduce_max3A_350 : vector<16xi32>
      %reduce_max3A_354 = vector.extract %reduce_max3A_353[15] : i32 from vector<16xi32>
      %gt3A = arith.constant 0 : i32
      %gt3A_355 = arith.cmpi sgt, %reduce_max3A_354, %gt3A : i32
      %convert_element_type3A_356 = arith.extui %gt3A_355 : i1 to i32
      %cond3A_357 = arith.constant 0 : i32
      %cond3A_358 = arith.cmpi ne, %convert_element_type3A_356, %cond3A_357 : i32
      scf.if %cond3A_358 {
        %scan3A_753 = arith.constant 0 : i32
        %scan3A_754 = arith.constant 8 : i32
        %scan3A_755 = arith.addi %scan3A_753, %scan3A_754 : i32
        %scan3A_756 = arith.constant 1 : i32
        scf.for %scan3A_758 = %scan3A_753 to %scan3A_755 step %scan3A_756  : i32 {
          %mul3A_759 = arith.constant 16 : i32
          %mul3A_760 = arith.muli %scan3A_758, %mul3A_759 : i32
          %get3A_761 = arith.index_cast %scan3A_274 : i32 to index
          %get3A_762 = arith.index_cast %mul3A_760 : i32 to index
          %get3A_763 = tpu.vector_load %arg6[%get3A_761, %get3A_762] {strides = array<i32>} : memref<56x128xi32, #tpu.memory_space<vmem>>, vector<16xi32>,
          %eq3A_764 = arith.constant 0 : i32
          %eq3A_765 = vector.broadcast %eq3A_764 : i32 to vector<16xi32>
          %eq3A_766 = arith.cmpi eq, %get3A_763, %eq3A_765 : vector<16xi32>
          %mul3A_767 = arith.constant 16 : i32
          %mul3A_768 = arith.muli %scan3A_758, %mul3A_767 : i32
          %add3A_769 = vector.broadcast %mul3A_768 : i32 to vector<16xi32>
          %add3A_770 = arith.addi %add3A_769, %iota3A : vector<16xi32>
          %broadcast_in_dim3A_771 = arith.constant 0 : i32
          %broadcast_in_dim3A_772 = vector.broadcast %broadcast_in_dim3A_771 : i32 to vector<16xi32>
          %scatter3A = arith.constant 0 : i32
          %scatter3A_773 = arith.constant 0 : i32
          %scatter3A_774 = tpu.memref_slice %arg9[%rem3A_276, %scatter3A, %scatter3A_773] : memref<4x128x128xf32, #tpu.memory_space<vmem>> -> memref<1x128x128xf32, #tpu.memory_space<vmem>>
          %scatter3A_775 = tpu.memref_squeeze %scatter3A_774 : memref<1x128x128xf32, #tpu.memory_space<vmem>> -> memref<128x128xf32, #tpu.memory_space<vmem>>
          tpu.vector_store_idx %scatter3A_775[%add3A_770, %broadcast_in_dim3A_772], %broadcast_in_dim3A_3 masked %eq3A_766 : memref<128x128xf32, #tpu.memory_space<vmem>>[vector<16xi32>, vector<16xi32>], vector<16xf32>, vector<16xi1>
          %broadcast_in_dim3A_776 = arith.constant 1 : i32
          %broadcast_in_dim3A_777 = vector.broadcast %broadcast_in_dim3A_776 : i32 to vector<16xi32>
          %scatter3A_778 = arith.constant 0 : i32
          %scatter3A_779 = arith.constant 0 : i32
          %scatter3A_780 = tpu.memref_slice %arg9[%rem3A_276, %scatter3A_778, %scatter3A_779] : memref<4x128x128xf32, #tpu.memory_space<vmem>> -> memref<1x128x128xf32, #tpu.memory_space<vmem>>
          %scatter3A_781 = tpu.memref_squeeze %scatter3A_780 : memref<1x128x128xf32, #tpu.memory_space<vmem>> -> memref<128x128xf32, #tpu.memory_space<vmem>>
          tpu.vector_store_idx %scatter3A_781[%add3A_770, %broadcast_in_dim3A_777], %broadcast_in_dim3A_3 masked %eq3A_766 : memref<128x128xf32, #tpu.memory_space<vmem>>[vector<16xi32>, vector<16xi32>], vector<16xf32>, vector<16xi1>
          %broadcast_in_dim3A_782 = arith.constant 2 : i32
          %broadcast_in_dim3A_783 = vector.broadcast %broadcast_in_dim3A_782 : i32 to vector<16xi32>
          %scatter3A_784 = arith.constant 0 : i32
          %scatter3A_785 = arith.constant 0 : i32
          %scatter3A_786 = tpu.memref_slice %arg9[%rem3A_276, %scatter3A_784, %scatter3A_785] : memref<4x128x128xf32, #tpu.memory_space<vmem>> -> memref<1x128x128xf32, #tpu.memory_space<vmem>>
          %scatter3A_787 = tpu.memref_squeeze %scatter3A_786 : memref<1x128x128xf32, #tpu.memory_space<vmem>> -> memref<128x128xf32, #tpu.memory_space<vmem>>
          tpu.vector_store_idx %scatter3A_787[%add3A_770, %broadcast_in_dim3A_783], %broadcast_in_dim3A_3 masked %eq3A_766 : memref<128x128xf32, #tpu.memory_space<vmem>>[vector<16xi32>, vector<16xi32>], vector<16xf32>, vector<16xi1>
          %broadcast_in_dim3A_788 = arith.constant 3 : i32
          %broadcast_in_dim3A_789 = vector.broadcast %broadcast_in_dim3A_788 : i32 to vector<16xi32>
          %scatter3A_790 = arith.constant 0 : i32
          %scatter3A_791 = arith.constant 0 : i32
          %scatter3A_792 = tpu.memref_slice %arg9[%rem3A_276, %scatter3A_790, %scatter3A_791] : memref<4x128x128xf32, #tpu.memory_space<vmem>> -> memref<1x128x128xf32, #tpu.memory_space<vmem>>
          %scatter3A_793 = tpu.memref_squeeze %scatter3A_792 : memref<1x128x128xf32, #tpu.memory_space<vmem>> -> memref<128x128xf32, #tpu.memory_space<vmem>>
          tpu.vector_store_idx %scatter3A_793[%add3A_770, %broadcast_in_dim3A_789], %broadcast_in_dim3A_3 masked %eq3A_766 : memref<128x128xf32, #tpu.memory_space<vmem>>[vector<16xi32>, vector<16xi32>], vector<16xf32>, vector<16xi1>
          %broadcast_in_dim3A_794 = arith.constant 4 : i32
          %broadcast_in_dim3A_795 = vector.broadcast %broadcast_in_dim3A_794 : i32 to vector<16xi32>
          %scatter3A_796 = arith.constant 0 : i32
          %scatter3A_797 = arith.constant 0 : i32
          %scatter3A_798 = tpu.memref_slice %arg9[%rem3A_276, %scatter3A_796, %scatter3A_797] : memref<4x128x128xf32, #tpu.memory_space<vmem>> -> memref<1x128x128xf32, #tpu.memory_space<vmem>>
          %scatter3A_799 = tpu.memref_squeeze %scatter3A_798 : memref<1x128x128xf32, #tpu.memory_space<vmem>> -> memref<128x128xf32, #tpu.memory_space<vmem>>
          tpu.vector_store_idx %scatter3A_799[%add3A_770, %broadcast_in_dim3A_795], %broadcast_in_dim3A_3 masked %eq3A_766 : memref<128x128xf32, #tpu.memory_space<vmem>>[vector<16xi32>, vector<16xi32>], vector<16xf32>, vector<16xi1>
          %broadcast_in_dim3A_800 = arith.constant 5 : i32
          %broadcast_in_dim3A_801 = vector.broadcast %broadcast_in_dim3A_800 : i32 to vector<16xi32>
          %scatter3A_802 = arith.constant 0 : i32
          %scatter3A_803 = arith.constant 0 : i32
          %scatter3A_804 = tpu.memref_slice %arg9[%rem3A_276, %scatter3A_802, %scatter3A_803] : memref<4x128x128xf32, #tpu.memory_space<vmem>> -> memref<1x128x128xf32, #tpu.memory_space<vmem>>
          %scatter3A_805 = tpu.memref_squeeze %scatter3A_804 : memref<1x128x128xf32, #tpu.memory_space<vmem>> -> memref<128x128xf32, #tpu.memory_space<vmem>>
          tpu.vector_store_idx %scatter3A_805[%add3A_770, %broadcast_in_dim3A_801], %broadcast_in_dim3A_3 masked %eq3A_766 : memref<128x128xf32, #tpu.memory_space<vmem>>[vector<16xi32>, vector<16xi32>], vector<16xf32>, vector<16xi1>
          %broadcast_in_dim3A_806 = arith.constant 6 : i32
          %broadcast_in_dim3A_807 = vector.broadcast %broadcast_in_dim3A_806 : i32 to vector<16xi32>
          %scatter3A_808 = arith.constant 0 : i32
          %scatter3A_809 = arith.constant 0 : i32
          %scatter3A_810 = tpu.memref_slice %arg9[%rem3A_276, %scatter3A_808, %scatter3A_809] : memref<4x128x128xf32, #tpu.memory_space<vmem>> -> memref<1x128x128xf32, #tpu.memory_space<vmem>>
          %scatter3A_811 = tpu.memref_squeeze %scatter3A_810 : memref<1x128x128xf32, #tpu.memory_space<vmem>> -> memref<128x128xf32, #tpu.memory_space<vmem>>
          tpu.vector_store_idx %scatter3A_811[%add3A_770, %broadcast_in_dim3A_807], %broadcast_in_dim3A_3 masked %eq3A_766 : memref<128x128xf32, #tpu.memory_space<vmem>>[vector<16xi32>, vector<16xi32>], vector<16xf32>, vector<16xi1>
          %broadcast_in_dim3A_812 = arith.constant 7 : i32
          %broadcast_in_dim3A_813 = vector.broadcast %broadcast_in_dim3A_812 : i32 to vector<16xi32>
          %scatter3A_814 = arith.constant 0 : i32
          %scatter3A_815 = arith.constant 0 : i32
          %scatter3A_816 = tpu.memref_slice %arg9[%rem3A_276, %scatter3A_814, %scatter3A_815] : memref<4x128x128xf32, #tpu.memory_space<vmem>> -> memref<1x128x128xf32, #tpu.memory_space<vmem>>
          %scatter3A_817 = tpu.memref_squeeze %scatter3A_816 : memref<1x128x128xf32, #tpu.memory_space<vmem>> -> memref<128x128xf32, #tpu.memory_space<vmem>>
          tpu.vector_store_idx %scatter3A_817[%add3A_770, %broadcast_in_dim3A_813], %broadcast_in_dim3A_3 masked %eq3A_766 : memref<128x128xf32, #tpu.memory_space<vmem>>[vector<16xi32>, vector<16xi32>], vector<16xf32>, vector<16xi1>
          %broadcast_in_dim3A_818 = arith.constant 8 : i32
          %broadcast_in_dim3A_819 = vector.broadcast %broadcast_in_dim3A_818 : i32 to vector<16xi32>
          %scatter3A_820 = arith.constant 0 : i32
          %scatter3A_821 = arith.constant 0 : i32
          %scatter3A_822 = tpu.memref_slice %arg9[%rem3A_276, %scatter3A_820, %scatter3A_821] : memref<4x128x128xf32, #tpu.memory_space<vmem>> -> memref<1x128x128xf32, #tpu.memory_space<vmem>>
          %scatter3A_823 = tpu.memref_squeeze %scatter3A_822 : memref<1x128x128xf32, #tpu.memory_space<vmem>> -> memref<128x128xf32, #tpu.memory_space<vmem>>
          tpu.vector_store_idx %scatter3A_823[%add3A_770, %broadcast_in_dim3A_819], %broadcast_in_dim3A_3 masked %eq3A_766 : memref<128x128xf32, #tpu.memory_space<vmem>>[vector<16xi32>, vector<16xi32>], vector<16xf32>, vector<16xi1>
          %broadcast_in_dim3A_824 = arith.constant 9 : i32
          %broadcast_in_dim3A_825 = vector.broadcast %broadcast_in_dim3A_824 : i32 to vector<16xi32>
          %scatter3A_826 = arith.constant 0 : i32
          %scatter3A_827 = arith.constant 0 : i32
          %scatter3A_828 = tpu.memref_slice %arg9[%rem3A_276, %scatter3A_826, %scatter3A_827] : memref<4x128x128xf32, #tpu.memory_space<vmem>> -> memref<1x128x128xf32, #tpu.memory_space<vmem>>
          %scatter3A_829 = tpu.memref_squeeze %scatter3A_828 : memref<1x128x128xf32, #tpu.memory_space<vmem>> -> memref<128x128xf32, #tpu.memory_space<vmem>>
          tpu.vector_store_idx %scatter3A_829[%add3A_770, %broadcast_in_dim3A_825], %broadcast_in_dim3A_3 masked %eq3A_766 : memref<128x128xf32, #tpu.memory_space<vmem>>[vector<16xi32>, vector<16xi32>], vector<16xf32>, vector<16xi1>
          %broadcast_in_dim3A_830 = arith.constant 10 : i32
          %broadcast_in_dim3A_831 = vector.broadcast %broadcast_in_dim3A_830 : i32 to vector<16xi32>
          %scatter3A_832 = arith.constant 0 : i32
          %scatter3A_833 = arith.constant 0 : i32
          %scatter3A_834 = tpu.memref_slice %arg9[%rem3A_276, %scatter3A_832, %scatter3A_833] : memref<4x128x128xf32, #tpu.memory_space<vmem>> -> memref<1x128x128xf32, #tpu.memory_space<vmem>>
          %scatter3A_835 = tpu.memref_squeeze %scatter3A_834 : memref<1x128x128xf32, #tpu.memory_space<vmem>> -> memref<128x128xf32, #tpu.memory_space<vmem>>
          tpu.vector_store_idx %scatter3A_835[%add3A_770, %broadcast_in_dim3A_831], %broadcast_in_dim3A_3 masked %eq3A_766 : memref<128x128xf32, #tpu.memory_space<vmem>>[vector<16xi32>, vector<16xi32>], vector<16xf32>, vector<16xi1>
          %broadcast_in_dim3A_836 = arith.constant 11 : i32
          %broadcast_in_dim3A_837 = vector.broadcast %broadcast_in_dim3A_836 : i32 to vector<16xi32>
          %scatter3A_838 = arith.constant 0 : i32
          %scatter3A_839 = arith.constant 0 : i32
          %scatter3A_840 = tpu.memref_slice %arg9[%rem3A_276, %scatter3A_838, %scatter3A_839] : memref<4x128x128xf32, #tpu.memory_space<vmem>> -> memref<1x128x128xf32, #tpu.memory_space<vmem>>
          %scatter3A_841 = tpu.memref_squeeze %scatter3A_840 : memref<1x128x128xf32, #tpu.memory_space<vmem>> -> memref<128x128xf32, #tpu.memory_space<vmem>>
          tpu.vector_store_idx %scatter3A_841[%add3A_770, %broadcast_in_dim3A_837], %broadcast_in_dim3A_3 masked %eq3A_766 : memref<128x128xf32, #tpu.memory_space<vmem>>[vector<16xi32>, vector<16xi32>], vector<16xf32>, vector<16xi1>
          %broadcast_in_dim3A_842 = arith.constant 12 : i32
          %broadcast_in_dim3A_843 = vector.broadcast %broadcast_in_dim3A_842 : i32 to vector<16xi32>
          %scatter3A_844 = arith.constant 0 : i32
          %scatter3A_845 = arith.constant 0 : i32
          %scatter3A_846 = tpu.memref_slice %arg9[%rem3A_276, %scatter3A_844, %scatter3A_845] : memref<4x128x128xf32, #tpu.memory_space<vmem>> -> memref<1x128x128xf32, #tpu.memory_space<vmem>>
          %scatter3A_847 = tpu.memref_squeeze %scatter3A_846 : memref<1x128x128xf32, #tpu.memory_space<vmem>> -> memref<128x128xf32, #tpu.memory_space<vmem>>
          tpu.vector_store_idx %scatter3A_847[%add3A_770, %broadcast_in_dim3A_843], %broadcast_in_dim3A_3 masked %eq3A_766 : memref<128x128xf32, #tpu.memory_space<vmem>>[vector<16xi32>, vector<16xi32>], vector<16xf32>, vector<16xi1>
          %broadcast_in_dim3A_848 = arith.constant 13 : i32
          %broadcast_in_dim3A_849 = vector.broadcast %broadcast_in_dim3A_848 : i32 to vector<16xi32>
          %scatter3A_850 = arith.constant 0 : i32
          %scatter3A_851 = arith.constant 0 : i32
          %scatter3A_852 = tpu.memref_slice %arg9[%rem3A_276, %scatter3A_850, %scatter3A_851] : memref<4x128x128xf32, #tpu.memory_space<vmem>> -> memref<1x128x128xf32, #tpu.memory_space<vmem>>
          %scatter3A_853 = tpu.memref_squeeze %scatter3A_852 : memref<1x128x128xf32, #tpu.memory_space<vmem>> -> memref<128x128xf32, #tpu.memory_space<vmem>>
          tpu.vector_store_idx %scatter3A_853[%add3A_770, %broadcast_in_dim3A_849], %broadcast_in_dim3A_3 masked %eq3A_766 : memref<128x128xf32, #tpu.memory_space<vmem>>[vector<16xi32>, vector<16xi32>], vector<16xf32>, vector<16xi1>
          %broadcast_in_dim3A_854 = arith.constant 14 : i32
          %broadcast_in_dim3A_855 = vector.broadcast %broadcast_in_dim3A_854 : i32 to vector<16xi32>
          %scatter3A_856 = arith.constant 0 : i32
          %scatter3A_857 = arith.constant 0 : i32
          %scatter3A_858 = tpu.memref_slice %arg9[%rem3A_276, %scatter3A_856, %scatter3A_857] : memref<4x128x128xf32, #tpu.memory_space<vmem>> -> memref<1x128x128xf32, #tpu.memory_space<vmem>>
          %scatter3A_859 = tpu.memref_squeeze %scatter3A_858 : memref<1x128x128xf32, #tpu.memory_space<vmem>> -> memref<128x128xf32, #tpu.memory_space<vmem>>
          tpu.vector_store_idx %scatter3A_859[%add3A_770, %broadcast_in_dim3A_855], %broadcast_in_dim3A_3 masked %eq3A_766 : memref<128x128xf32, #tpu.memory_space<vmem>>[vector<16xi32>, vector<16xi32>], vector<16xf32>, vector<16xi1>
          %broadcast_in_dim3A_860 = arith.constant 15 : i32
          %broadcast_in_dim3A_861 = vector.broadcast %broadcast_in_dim3A_860 : i32 to vector<16xi32>
          %scatter3A_862 = arith.constant 0 : i32
          %scatter3A_863 = arith.constant 0 : i32
          %scatter3A_864 = tpu.memref_slice %arg9[%rem3A_276, %scatter3A_862, %scatter3A_863] : memref<4x128x128xf32, #tpu.memory_space<vmem>> -> memref<1x128x128xf32, #tpu.memory_space<vmem>>
          %scatter3A_865 = tpu.memref_squeeze %scatter3A_864 : memref<1x128x128xf32, #tpu.memory_space<vmem>> -> memref<128x128xf32, #tpu.memory_space<vmem>>
          tpu.vector_store_idx %scatter3A_865[%add3A_770, %broadcast_in_dim3A_861], %broadcast_in_dim3A_3 masked %eq3A_766 : memref<128x128xf32, #tpu.memory_space<vmem>>[vector<16xi32>, vector<16xi32>], vector<16xf32>, vector<16xi1>
          %broadcast_in_dim3A_866 = arith.constant 16 : i32
          %broadcast_in_dim3A_867 = vector.broadcast %broadcast_in_dim3A_866 : i32 to vector<16xi32>
          %scatter3A_868 = arith.constant 0 : i32
          %scatter3A_869 = arith.constant 0 : i32
          %scatter3A_870 = tpu.memref_slice %arg9[%rem3A_276, %scatter3A_868, %scatter3A_869] : memref<4x128x128xf32, #tpu.memory_space<vmem>> -> memref<1x128x128xf32, #tpu.memory_space<vmem>>
          %scatter3A_871 = tpu.memref_squeeze %scatter3A_870 : memref<1x128x128xf32, #tpu.memory_space<vmem>> -> memref<128x128xf32, #tpu.memory_space<vmem>>
          tpu.vector_store_idx %scatter3A_871[%add3A_770, %broadcast_in_dim3A_867], %broadcast_in_dim3A_3 masked %eq3A_766 : memref<128x128xf32, #tpu.memory_space<vmem>>[vector<16xi32>, vector<16xi32>], vector<16xf32>, vector<16xi1>
          %broadcast_in_dim3A_872 = arith.constant 17 : i32
          %broadcast_in_dim3A_873 = vector.broadcast %broadcast_in_dim3A_872 : i32 to vector<16xi32>
          %scatter3A_874 = arith.constant 0 : i32
          %scatter3A_875 = arith.constant 0 : i32
          %scatter3A_876 = tpu.memref_slice %arg9[%rem3A_276, %scatter3A_874, %scatter3A_875] : memref<4x128x128xf32, #tpu.memory_space<vmem>> -> memref<1x128x128xf32, #tpu.memory_space<vmem>>
          %scatter3A_877 = tpu.memref_squeeze %scatter3A_876 : memref<1x128x128xf32, #tpu.memory_space<vmem>> -> memref<128x128xf32, #tpu.memory_space<vmem>>
          tpu.vector_store_idx %scatter3A_877[%add3A_770, %broadcast_in_dim3A_873], %broadcast_in_dim3A_3 masked %eq3A_766 : memref<128x128xf32, #tpu.memory_space<vmem>>[vector<16xi32>, vector<16xi32>], vector<16xf32>, vector<16xi1>
          %broadcast_in_dim3A_878 = arith.constant 18 : i32
          %broadcast_in_dim3A_879 = vector.broadcast %broadcast_in_dim3A_878 : i32 to vector<16xi32>
          %scatter3A_880 = arith.constant 0 : i32
          %scatter3A_881 = arith.constant 0 : i32
          %scatter3A_882 = tpu.memref_slice %arg9[%rem3A_276, %scatter3A_880, %scatter3A_881] : memref<4x128x128xf32, #tpu.memory_space<vmem>> -> memref<1x128x128xf32, #tpu.memory_space<vmem>>
          %scatter3A_883 = tpu.memref_squeeze %scatter3A_882 : memref<1x128x128xf32, #tpu.memory_space<vmem>> -> memref<128x128xf32, #tpu.memory_space<vmem>>
          tpu.vector_store_idx %scatter3A_883[%add3A_770, %broadcast_in_dim3A_879], %broadcast_in_dim3A_3 masked %eq3A_766 : memref<128x128xf32, #tpu.memory_space<vmem>>[vector<16xi32>, vector<16xi32>], vector<16xf32>, vector<16xi1>
          %broadcast_in_dim3A_884 = arith.constant 19 : i32
          %broadcast_in_dim3A_885 = vector.broadcast %broadcast_in_dim3A_884 : i32 to vector<16xi32>
          %scatter3A_886 = arith.constant 0 : i32
          %scatter3A_887 = arith.constant 0 : i32
          %scatter3A_888 = tpu.memref_slice %arg9[%rem3A_276, %scatter3A_886, %scatter3A_887] : memref<4x128x128xf32, #tpu.memory_space<vmem>> -> memref<1x128x128xf32, #tpu.memory_space<vmem>>
          %scatter3A_889 = tpu.memref_squeeze %scatter3A_888 : memref<1x128x128xf32, #tpu.memory_space<vmem>> -> memref<128x128xf32, #tpu.memory_space<vmem>>
          tpu.vector_store_idx %scatter3A_889[%add3A_770, %broadcast_in_dim3A_885], %broadcast_in_dim3A_3 masked %eq3A_766 : memref<128x128xf32, #tpu.memory_space<vmem>>[vector<16xi32>, vector<16xi32>], vector<16xf32>, vector<16xi1>
          %broadcast_in_dim3A_890 = arith.constant 20 : i32
          %broadcast_in_dim3A_891 = vector.broadcast %broadcast_in_dim3A_890 : i32 to vector<16xi32>
          %scatter3A_892 = arith.constant 0 : i32
          %scatter3A_893 = arith.constant 0 : i32
          %scatter3A_894 = tpu.memref_slice %arg9[%rem3A_276, %scatter3A_892, %scatter3A_893] : memref<4x128x128xf32, #tpu.memory_space<vmem>> -> memref<1x128x128xf32, #tpu.memory_space<vmem>>
          %scatter3A_895 = tpu.memref_squeeze %scatter3A_894 : memref<1x128x128xf32, #tpu.memory_space<vmem>> -> memref<128x128xf32, #tpu.memory_space<vmem>>
          tpu.vector_store_idx %scatter3A_895[%add3A_770, %broadcast_in_dim3A_891], %broadcast_in_dim3A_3 masked %eq3A_766 : memref<128x128xf32, #tpu.memory_space<vmem>>[vector<16xi32>, vector<16xi32>], vector<16xf32>, vector<16xi1>
          %broadcast_in_dim3A_896 = arith.constant 21 : i32
          %broadcast_in_dim3A_897 = vector.broadcast %broadcast_in_dim3A_896 : i32 to vector<16xi32>
          %scatter3A_898 = arith.constant 0 : i32
          %scatter3A_899 = arith.constant 0 : i32
          %scatter3A_900 = tpu.memref_slice %arg9[%rem3A_276, %scatter3A_898, %scatter3A_899] : memref<4x128x128xf32, #tpu.memory_space<vmem>> -> memref<1x128x128xf32, #tpu.memory_space<vmem>>
          %scatter3A_901 = tpu.memref_squeeze %scatter3A_900 : memref<1x128x128xf32, #tpu.memory_space<vmem>> -> memref<128x128xf32, #tpu.memory_space<vmem>>
          tpu.vector_store_idx %scatter3A_901[%add3A_770, %broadcast_in_dim3A_897], %broadcast_in_dim3A_3 masked %eq3A_766 : memref<128x128xf32, #tpu.memory_space<vmem>>[vector<16xi32>, vector<16xi32>], vector<16xf32>, vector<16xi1>
          %broadcast_in_dim3A_902 = arith.constant 22 : i32
          %broadcast_in_dim3A_903 = vector.broadcast %broadcast_in_dim3A_902 : i32 to vector<16xi32>
          %scatter3A_904 = arith.constant 0 : i32
          %scatter3A_905 = arith.constant 0 : i32
          %scatter3A_906 = tpu.memref_slice %arg9[%rem3A_276, %scatter3A_904, %scatter3A_905] : memref<4x128x128xf32, #tpu.memory_space<vmem>> -> memref<1x128x128xf32, #tpu.memory_space<vmem>>
          %scatter3A_907 = tpu.memref_squeeze %scatter3A_906 : memref<1x128x128xf32, #tpu.memory_space<vmem>> -> memref<128x128xf32, #tpu.memory_space<vmem>>
          tpu.vector_store_idx %scatter3A_907[%add3A_770, %broadcast_in_dim3A_903], %broadcast_in_dim3A_3 masked %eq3A_766 : memref<128x128xf32, #tpu.memory_space<vmem>>[vector<16xi32>, vector<16xi32>], vector<16xf32>, vector<16xi1>
          %broadcast_in_dim3A_908 = arith.constant 23 : i32
          %broadcast_in_dim3A_909 = vector.broadcast %broadcast_in_dim3A_908 : i32 to vector<16xi32>
          %scatter3A_910 = arith.constant 0 : i32
          %scatter3A_911 = arith.constant 0 : i32
          %scatter3A_912 = tpu.memref_slice %arg9[%rem3A_276, %scatter3A_910, %scatter3A_911] : memref<4x128x128xf32, #tpu.memory_space<vmem>> -> memref<1x128x128xf32, #tpu.memory_space<vmem>>
          %scatter3A_913 = tpu.memref_squeeze %scatter3A_912 : memref<1x128x128xf32, #tpu.memory_space<vmem>> -> memref<128x128xf32, #tpu.memory_space<vmem>>
          tpu.vector_store_idx %scatter3A_913[%add3A_770, %broadcast_in_dim3A_909], %broadcast_in_dim3A_3 masked %eq3A_766 : memref<128x128xf32, #tpu.memory_space<vmem>>[vector<16xi32>, vector<16xi32>], vector<16xf32>, vector<16xi1>
          %broadcast_in_dim3A_914 = arith.constant 24 : i32
          %broadcast_in_dim3A_915 = vector.broadcast %broadcast_in_dim3A_914 : i32 to vector<16xi32>
          %scatter3A_916 = arith.constant 0 : i32
          %scatter3A_917 = arith.constant 0 : i32
          %scatter3A_918 = tpu.memref_slice %arg9[%rem3A_276, %scatter3A_916, %scatter3A_917] : memref<4x128x128xf32, #tpu.memory_space<vmem>> -> memref<1x128x128xf32, #tpu.memory_space<vmem>>
          %scatter3A_919 = tpu.memref_squeeze %scatter3A_918 : memref<1x128x128xf32, #tpu.memory_space<vmem>> -> memref<128x128xf32, #tpu.memory_space<vmem>>
          tpu.vector_store_idx %scatter3A_919[%add3A_770, %broadcast_in_dim3A_915], %broadcast_in_dim3A_3 masked %eq3A_766 : memref<128x128xf32, #tpu.memory_space<vmem>>[vector<16xi32>, vector<16xi32>], vector<16xf32>, vector<16xi1>
          %broadcast_in_dim3A_920 = arith.constant 25 : i32
          %broadcast_in_dim3A_921 = vector.broadcast %broadcast_in_dim3A_920 : i32 to vector<16xi32>
          %scatter3A_922 = arith.constant 0 : i32
          %scatter3A_923 = arith.constant 0 : i32
          %scatter3A_924 = tpu.memref_slice %arg9[%rem3A_276, %scatter3A_922, %scatter3A_923] : memref<4x128x128xf32, #tpu.memory_space<vmem>> -> memref<1x128x128xf32, #tpu.memory_space<vmem>>
          %scatter3A_925 = tpu.memref_squeeze %scatter3A_924 : memref<1x128x128xf32, #tpu.memory_space<vmem>> -> memref<128x128xf32, #tpu.memory_space<vmem>>
          tpu.vector_store_idx %scatter3A_925[%add3A_770, %broadcast_in_dim3A_921], %broadcast_in_dim3A_3 masked %eq3A_766 : memref<128x128xf32, #tpu.memory_space<vmem>>[vector<16xi32>, vector<16xi32>], vector<16xf32>, vector<16xi1>
          %broadcast_in_dim3A_926 = arith.constant 26 : i32
          %broadcast_in_dim3A_927 = vector.broadcast %broadcast_in_dim3A_926 : i32 to vector<16xi32>
          %scatter3A_928 = arith.constant 0 : i32
          %scatter3A_929 = arith.constant 0 : i32
          %scatter3A_930 = tpu.memref_slice %arg9[%rem3A_276, %scatter3A_928, %scatter3A_929] : memref<4x128x128xf32, #tpu.memory_space<vmem>> -> memref<1x128x128xf32, #tpu.memory_space<vmem>>
          %scatter3A_931 = tpu.memref_squeeze %scatter3A_930 : memref<1x128x128xf32, #tpu.memory_space<vmem>> -> memref<128x128xf32, #tpu.memory_space<vmem>>
          tpu.vector_store_idx %scatter3A_931[%add3A_770, %broadcast_in_dim3A_927], %broadcast_in_dim3A_3 masked %eq3A_766 : memref<128x128xf32, #tpu.memory_space<vmem>>[vector<16xi32>, vector<16xi32>], vector<16xf32>, vector<16xi1>
          %broadcast_in_dim3A_932 = arith.constant 27 : i32
          %broadcast_in_dim3A_933 = vector.broadcast %broadcast_in_dim3A_932 : i32 to vector<16xi32>
          %scatter3A_934 = arith.constant 0 : i32
          %scatter3A_935 = arith.constant 0 : i32
          %scatter3A_936 = tpu.memref_slice %arg9[%rem3A_276, %scatter3A_934, %scatter3A_935] : memref<4x128x128xf32, #tpu.memory_space<vmem>> -> memref<1x128x128xf32, #tpu.memory_space<vmem>>
          %scatter3A_937 = tpu.memref_squeeze %scatter3A_936 : memref<1x128x128xf32, #tpu.memory_space<vmem>> -> memref<128x128xf32, #tpu.memory_space<vmem>>
          tpu.vector_store_idx %scatter3A_937[%add3A_770, %broadcast_in_dim3A_933], %broadcast_in_dim3A_3 masked %eq3A_766 : memref<128x128xf32, #tpu.memory_space<vmem>>[vector<16xi32>, vector<16xi32>], vector<16xf32>, vector<16xi1>
          %broadcast_in_dim3A_938 = arith.constant 28 : i32
          %broadcast_in_dim3A_939 = vector.broadcast %broadcast_in_dim3A_938 : i32 to vector<16xi32>
          %scatter3A_940 = arith.constant 0 : i32
          %scatter3A_941 = arith.constant 0 : i32
          %scatter3A_942 = tpu.memref_slice %arg9[%rem3A_276, %scatter3A_940, %scatter3A_941] : memref<4x128x128xf32, #tpu.memory_space<vmem>> -> memref<1x128x128xf32, #tpu.memory_space<vmem>>
          %scatter3A_943 = tpu.memref_squeeze %scatter3A_942 : memref<1x128x128xf32, #tpu.memory_space<vmem>> -> memref<128x128xf32, #tpu.memory_space<vmem>>
          tpu.vector_store_idx %scatter3A_943[%add3A_770, %broadcast_in_dim3A_939], %broadcast_in_dim3A_3 masked %eq3A_766 : memref<128x128xf32, #tpu.memory_space<vmem>>[vector<16xi32>, vector<16xi32>], vector<16xf32>, vector<16xi1>
          %broadcast_in_dim3A_944 = arith.constant 29 : i32
          %broadcast_in_dim3A_945 = vector.broadcast %broadcast_in_dim3A_944 : i32 to vector<16xi32>
          %scatter3A_946 = arith.constant 0 : i32
          %scatter3A_947 = arith.constant 0 : i32
          %scatter3A_948 = tpu.memref_slice %arg9[%rem3A_276, %scatter3A_946, %scatter3A_947] : memref<4x128x128xf32, #tpu.memory_space<vmem>> -> memref<1x128x128xf32, #tpu.memory_space<vmem>>
          %scatter3A_949 = tpu.memref_squeeze %scatter3A_948 : memref<1x128x128xf32, #tpu.memory_space<vmem>> -> memref<128x128xf32, #tpu.memory_space<vmem>>
          tpu.vector_store_idx %scatter3A_949[%add3A_770, %broadcast_in_dim3A_945], %broadcast_in_dim3A_3 masked %eq3A_766 : memref<128x128xf32, #tpu.memory_space<vmem>>[vector<16xi32>, vector<16xi32>], vector<16xf32>, vector<16xi1>
          %broadcast_in_dim3A_950 = arith.constant 30 : i32
          %broadcast_in_dim3A_951 = vector.broadcast %broadcast_in_dim3A_950 : i32 to vector<16xi32>
          %scatter3A_952 = arith.constant 0 : i32
          %scatter3A_953 = arith.constant 0 : i32
          %scatter3A_954 = tpu.memref_slice %arg9[%rem3A_276, %scatter3A_952, %scatter3A_953] : memref<4x128x128xf32, #tpu.memory_space<vmem>> -> memref<1x128x128xf32, #tpu.memory_space<vmem>>
          %scatter3A_955 = tpu.memref_squeeze %scatter3A_954 : memref<1x128x128xf32, #tpu.memory_space<vmem>> -> memref<128x128xf32, #tpu.memory_space<vmem>>
          tpu.vector_store_idx %scatter3A_955[%add3A_770, %broadcast_in_dim3A_951], %broadcast_in_dim3A_3 masked %eq3A_766 : memref<128x128xf32, #tpu.memory_space<vmem>>[vector<16xi32>, vector<16xi32>], vector<16xf32>, vector<16xi1>
          %broadcast_in_dim3A_956 = arith.constant 31 : i32
          %broadcast_in_dim3A_957 = vector.broadcast %broadcast_in_dim3A_956 : i32 to vector<16xi32>
          %scatter3A_958 = arith.constant 0 : i32
          %scatter3A_959 = arith.constant 0 : i32
          %scatter3A_960 = tpu.memref_slice %arg9[%rem3A_276, %scatter3A_958, %scatter3A_959] : memref<4x128x128xf32, #tpu.memory_space<vmem>> -> memref<1x128x128xf32, #tpu.memory_space<vmem>>
          %scatter3A_961 = tpu.memref_squeeze %scatter3A_960 : memref<1x128x128xf32, #tpu.memory_space<vmem>> -> memref<128x128xf32, #tpu.memory_space<vmem>>
          tpu.vector_store_idx %scatter3A_961[%add3A_770, %broadcast_in_dim3A_957], %broadcast_in_dim3A_3 masked %eq3A_766 : memref<128x128xf32, #tpu.memory_space<vmem>>[vector<16xi32>, vector<16xi32>], vector<16xf32>, vector<16xi1>
          %broadcast_in_dim3A_962 = arith.constant 32 : i32
          %broadcast_in_dim3A_963 = vector.broadcast %broadcast_in_dim3A_962 : i32 to vector<16xi32>
          %scatter3A_964 = arith.constant 0 : i32
          %scatter3A_965 = arith.constant 0 : i32
          %scatter3A_966 = tpu.memref_slice %arg9[%rem3A_276, %scatter3A_964, %scatter3A_965] : memref<4x128x128xf32, #tpu.memory_space<vmem>> -> memref<1x128x128xf32, #tpu.memory_space<vmem>>
          %scatter3A_967 = tpu.memref_squeeze %scatter3A_966 : memref<1x128x128xf32, #tpu.memory_space<vmem>> -> memref<128x128xf32, #tpu.memory_space<vmem>>
          tpu.vector_store_idx %scatter3A_967[%add3A_770, %broadcast_in_dim3A_963], %broadcast_in_dim3A_3 masked %eq3A_766 : memref<128x128xf32, #tpu.memory_space<vmem>>[vector<16xi32>, vector<16xi32>], vector<16xf32>, vector<16xi1>
          %broadcast_in_dim3A_968 = arith.constant 33 : i32
          %broadcast_in_dim3A_969 = vector.broadcast %broadcast_in_dim3A_968 : i32 to vector<16xi32>
          %scatter3A_970 = arith.constant 0 : i32
          %scatter3A_971 = arith.constant 0 : i32
          %scatter3A_972 = tpu.memref_slice %arg9[%rem3A_276, %scatter3A_970, %scatter3A_971] : memref<4x128x128xf32, #tpu.memory_space<vmem>> -> memref<1x128x128xf32, #tpu.memory_space<vmem>>
          %scatter3A_973 = tpu.memref_squeeze %scatter3A_972 : memref<1x128x128xf32, #tpu.memory_space<vmem>> -> memref<128x128xf32, #tpu.memory_space<vmem>>
          tpu.vector_store_idx %scatter3A_973[%add3A_770, %broadcast_in_dim3A_969], %broadcast_in_dim3A_3 masked %eq3A_766 : memref<128x128xf32, #tpu.memory_space<vmem>>[vector<16xi32>, vector<16xi32>], vector<16xf32>, vector<16xi1>
          %broadcast_in_dim3A_974 = arith.constant 34 : i32
          %broadcast_in_dim3A_975 = vector.broadcast %broadcast_in_dim3A_974 : i32 to vector<16xi32>
          %scatter3A_976 = arith.constant 0 : i32
          %scatter3A_977 = arith.constant 0 : i32
          %scatter3A_978 = tpu.memref_slice %arg9[%rem3A_276, %scatter3A_976, %scatter3A_977] : memref<4x128x128xf32, #tpu.memory_space<vmem>> -> memref<1x128x128xf32, #tpu.memory_space<vmem>>
          %scatter3A_979 = tpu.memref_squeeze %scatter3A_978 : memref<1x128x128xf32, #tpu.memory_space<vmem>> -> memref<128x128xf32, #tpu.memory_space<vmem>>
          tpu.vector_store_idx %scatter3A_979[%add3A_770, %broadcast_in_dim3A_975], %broadcast_in_dim3A_3 masked %eq3A_766 : memref<128x128xf32, #tpu.memory_space<vmem>>[vector<16xi32>, vector<16xi32>], vector<16xf32>, vector<16xi1>
          %broadcast_in_dim3A_980 = arith.constant 35 : i32
          %broadcast_in_dim3A_981 = vector.broadcast %broadcast_in_dim3A_980 : i32 to vector<16xi32>
          %scatter3A_982 = arith.constant 0 : i32
          %scatter3A_983 = arith.constant 0 : i32
          %scatter3A_984 = tpu.memref_slice %arg9[%rem3A_276, %scatter3A_982, %scatter3A_983] : memref<4x128x128xf32, #tpu.memory_space<vmem>> -> memref<1x128x128xf32, #tpu.memory_space<vmem>>
          %scatter3A_985 = tpu.memref_squeeze %scatter3A_984 : memref<1x128x128xf32, #tpu.memory_space<vmem>> -> memref<128x128xf32, #tpu.memory_space<vmem>>
          tpu.vector_store_idx %scatter3A_985[%add3A_770, %broadcast_in_dim3A_981], %broadcast_in_dim3A_3 masked %eq3A_766 : memref<128x128xf32, #tpu.memory_space<vmem>>[vector<16xi32>, vector<16xi32>], vector<16xf32>, vector<16xi1>
          %broadcast_in_dim3A_986 = arith.constant 36 : i32
          %broadcast_in_dim3A_987 = vector.broadcast %broadcast_in_dim3A_986 : i32 to vector<16xi32>
          %scatter3A_988 = arith.constant 0 : i32
          %scatter3A_989 = arith.constant 0 : i32
          %scatter3A_990 = tpu.memref_slice %arg9[%rem3A_276, %scatter3A_988, %scatter3A_989] : memref<4x128x128xf32, #tpu.memory_space<vmem>> -> memref<1x128x128xf32, #tpu.memory_space<vmem>>
          %scatter3A_991 = tpu.memref_squeeze %scatter3A_990 : memref<1x128x128xf32, #tpu.memory_space<vmem>> -> memref<128x128xf32, #tpu.memory_space<vmem>>
          tpu.vector_store_idx %scatter3A_991[%add3A_770, %broadcast_in_dim3A_987], %broadcast_in_dim3A_3 masked %eq3A_766 : memref<128x128xf32, #tpu.memory_space<vmem>>[vector<16xi32>, vector<16xi32>], vector<16xf32>, vector<16xi1>
          %broadcast_in_dim3A_992 = arith.constant 37 : i32
          %broadcast_in_dim3A_993 = vector.broadcast %broadcast_in_dim3A_992 : i32 to vector<16xi32>
          %scatter3A_994 = arith.constant 0 : i32
          %scatter3A_995 = arith.constant 0 : i32
          %scatter3A_996 = tpu.memref_slice %arg9[%rem3A_276, %scatter3A_994, %scatter3A_995] : memref<4x128x128xf32, #tpu.memory_space<vmem>> -> memref<1x128x128xf32, #tpu.memory_space<vmem>>
          %scatter3A_997 = tpu.memref_squeeze %scatter3A_996 : memref<1x128x128xf32, #tpu.memory_space<vmem>> -> memref<128x128xf32, #tpu.memory_space<vmem>>
          tpu.vector_store_idx %scatter3A_997[%add3A_770, %broadcast_in_dim3A_993], %broadcast_in_dim3A_3 masked %eq3A_766 : memref<128x128xf32, #tpu.memory_space<vmem>>[vector<16xi32>, vector<16xi32>], vector<16xf32>, vector<16xi1>
          %broadcast_in_dim3A_998 = arith.constant 38 : i32
          %broadcast_in_dim3A_999 = vector.broadcast %broadcast_in_dim3A_998 : i32 to vector<16xi32>
          %scatter3A_1000 = arith.constant 0 : i32
          %scatter3A_1001 = arith.constant 0 : i32
          %scatter3A_1002 = tpu.memref_slice %arg9[%rem3A_276, %scatter3A_1000, %scatter3A_1001] : memref<4x128x128xf32, #tpu.memory_space<vmem>> -> memref<1x128x128xf32, #tpu.memory_space<vmem>>
          %scatter3A_1003 = tpu.memref_squeeze %scatter3A_1002 : memref<1x128x128xf32, #tpu.memory_space<vmem>> -> memref<128x128xf32, #tpu.memory_space<vmem>>
          tpu.vector_store_idx %scatter3A_1003[%add3A_770, %broadcast_in_dim3A_999], %broadcast_in_dim3A_3 masked %eq3A_766 : memref<128x128xf32, #tpu.memory_space<vmem>>[vector<16xi32>, vector<16xi32>], vector<16xf32>, vector<16xi1>
          %broadcast_in_dim3A_1004 = arith.constant 39 : i32
          %broadcast_in_dim3A_1005 = vector.broadcast %broadcast_in_dim3A_1004 : i32 to vector<16xi32>
          %scatter3A_1006 = arith.constant 0 : i32
          %scatter3A_1007 = arith.constant 0 : i32
          %scatter3A_1008 = tpu.memref_slice %arg9[%rem3A_276, %scatter3A_1006, %scatter3A_1007] : memref<4x128x128xf32, #tpu.memory_space<vmem>> -> memref<1x128x128xf32, #tpu.memory_space<vmem>>
          %scatter3A_1009 = tpu.memref_squeeze %scatter3A_1008 : memref<1x128x128xf32, #tpu.memory_space<vmem>> -> memref<128x128xf32, #tpu.memory_space<vmem>>
          tpu.vector_store_idx %scatter3A_1009[%add3A_770, %broadcast_in_dim3A_1005], %broadcast_in_dim3A_3 masked %eq3A_766 : memref<128x128xf32, #tpu.memory_space<vmem>>[vector<16xi32>, vector<16xi32>], vector<16xf32>, vector<16xi1>
          %broadcast_in_dim3A_1010 = arith.constant 40 : i32
          %broadcast_in_dim3A_1011 = vector.broadcast %broadcast_in_dim3A_1010 : i32 to vector<16xi32>
          %scatter3A_1012 = arith.constant 0 : i32
          %scatter3A_1013 = arith.constant 0 : i32
          %scatter3A_1014 = tpu.memref_slice %arg9[%rem3A_276, %scatter3A_1012, %scatter3A_1013] : memref<4x128x128xf32, #tpu.memory_space<vmem>> -> memref<1x128x128xf32, #tpu.memory_space<vmem>>
          %scatter3A_1015 = tpu.memref_squeeze %scatter3A_1014 : memref<1x128x128xf32, #tpu.memory_space<vmem>> -> memref<128x128xf32, #tpu.memory_space<vmem>>
          tpu.vector_store_idx %scatter3A_1015[%add3A_770, %broadcast_in_dim3A_1011], %broadcast_in_dim3A_3 masked %eq3A_766 : memref<128x128xf32, #tpu.memory_space<vmem>>[vector<16xi32>, vector<16xi32>], vector<16xf32>, vector<16xi1>
          %broadcast_in_dim3A_1016 = arith.constant 41 : i32
          %broadcast_in_dim3A_1017 = vector.broadcast %broadcast_in_dim3A_1016 : i32 to vector<16xi32>
          %scatter3A_1018 = arith.constant 0 : i32
          %scatter3A_1019 = arith.constant 0 : i32
          %scatter3A_1020 = tpu.memref_slice %arg9[%rem3A_276, %scatter3A_1018, %scatter3A_1019] : memref<4x128x128xf32, #tpu.memory_space<vmem>> -> memref<1x128x128xf32, #tpu.memory_space<vmem>>
          %scatter3A_1021 = tpu.memref_squeeze %scatter3A_1020 : memref<1x128x128xf32, #tpu.memory_space<vmem>> -> memref<128x128xf32, #tpu.memory_space<vmem>>
          tpu.vector_store_idx %scatter3A_1021[%add3A_770, %broadcast_in_dim3A_1017], %broadcast_in_dim3A_3 masked %eq3A_766 : memref<128x128xf32, #tpu.memory_space<vmem>>[vector<16xi32>, vector<16xi32>], vector<16xf32>, vector<16xi1>
          %broadcast_in_dim3A_1022 = arith.constant 42 : i32
          %broadcast_in_dim3A_1023 = vector.broadcast %broadcast_in_dim3A_1022 : i32 to vector<16xi32>
          %scatter3A_1024 = arith.constant 0 : i32
          %scatter3A_1025 = arith.constant 0 : i32
          %scatter3A_1026 = tpu.memref_slice %arg9[%rem3A_276, %scatter3A_1024, %scatter3A_1025] : memref<4x128x128xf32, #tpu.memory_space<vmem>> -> memref<1x128x128xf32, #tpu.memory_space<vmem>>
          %scatter3A_1027 = tpu.memref_squeeze %scatter3A_1026 : memref<1x128x128xf32, #tpu.memory_space<vmem>> -> memref<128x128xf32, #tpu.memory_space<vmem>>
          tpu.vector_store_idx %scatter3A_1027[%add3A_770, %broadcast_in_dim3A_1023], %broadcast_in_dim3A_3 masked %eq3A_766 : memref<128x128xf32, #tpu.memory_space<vmem>>[vector<16xi32>, vector<16xi32>], vector<16xf32>, vector<16xi1>
          %broadcast_in_dim3A_1028 = arith.constant 43 : i32
          %broadcast_in_dim3A_1029 = vector.broadcast %broadcast_in_dim3A_1028 : i32 to vector<16xi32>
          %scatter3A_1030 = arith.constant 0 : i32
          %scatter3A_1031 = arith.constant 0 : i32
          %scatter3A_1032 = tpu.memref_slice %arg9[%rem3A_276, %scatter3A_1030, %scatter3A_1031] : memref<4x128x128xf32, #tpu.memory_space<vmem>> -> memref<1x128x128xf32, #tpu.memory_space<vmem>>
          %scatter3A_1033 = tpu.memref_squeeze %scatter3A_1032 : memref<1x128x128xf32, #tpu.memory_space<vmem>> -> memref<128x128xf32, #tpu.memory_space<vmem>>
          tpu.vector_store_idx %scatter3A_1033[%add3A_770, %broadcast_in_dim3A_1029], %broadcast_in_dim3A_3 masked %eq3A_766 : memref<128x128xf32, #tpu.memory_space<vmem>>[vector<16xi32>, vector<16xi32>], vector<16xf32>, vector<16xi1>
          %broadcast_in_dim3A_1034 = arith.constant 44 : i32
          %broadcast_in_dim3A_1035 = vector.broadcast %broadcast_in_dim3A_1034 : i32 to vector<16xi32>
          %scatter3A_1036 = arith.constant 0 : i32
          %scatter3A_1037 = arith.constant 0 : i32
          %scatter3A_1038 = tpu.memref_slice %arg9[%rem3A_276, %scatter3A_1036, %scatter3A_1037] : memref<4x128x128xf32, #tpu.memory_space<vmem>> -> memref<1x128x128xf32, #tpu.memory_space<vmem>>
          %scatter3A_1039 = tpu.memref_squeeze %scatter3A_1038 : memref<1x128x128xf32, #tpu.memory_space<vmem>> -> memref<128x128xf32, #tpu.memory_space<vmem>>
          tpu.vector_store_idx %scatter3A_1039[%add3A_770, %broadcast_in_dim3A_1035], %broadcast_in_dim3A_3 masked %eq3A_766 : memref<128x128xf32, #tpu.memory_space<vmem>>[vector<16xi32>, vector<16xi32>], vector<16xf32>, vector<16xi1>
          %broadcast_in_dim3A_1040 = arith.constant 45 : i32
          %broadcast_in_dim3A_1041 = vector.broadcast %broadcast_in_dim3A_1040 : i32 to vector<16xi32>
          %scatter3A_1042 = arith.constant 0 : i32
          %scatter3A_1043 = arith.constant 0 : i32
          %scatter3A_1044 = tpu.memref_slice %arg9[%rem3A_276, %scatter3A_1042, %scatter3A_1043] : memref<4x128x128xf32, #tpu.memory_space<vmem>> -> memref<1x128x128xf32, #tpu.memory_space<vmem>>
          %scatter3A_1045 = tpu.memref_squeeze %scatter3A_1044 : memref<1x128x128xf32, #tpu.memory_space<vmem>> -> memref<128x128xf32, #tpu.memory_space<vmem>>
          tpu.vector_store_idx %scatter3A_1045[%add3A_770, %broadcast_in_dim3A_1041], %broadcast_in_dim3A_3 masked %eq3A_766 : memref<128x128xf32, #tpu.memory_space<vmem>>[vector<16xi32>, vector<16xi32>], vector<16xf32>, vector<16xi1>
          %broadcast_in_dim3A_1046 = arith.constant 46 : i32
          %broadcast_in_dim3A_1047 = vector.broadcast %broadcast_in_dim3A_1046 : i32 to vector<16xi32>
          %scatter3A_1048 = arith.constant 0 : i32
          %scatter3A_1049 = arith.constant 0 : i32
          %scatter3A_1050 = tpu.memref_slice %arg9[%rem3A_276, %scatter3A_1048, %scatter3A_1049] : memref<4x128x128xf32, #tpu.memory_space<vmem>> -> memref<1x128x128xf32, #tpu.memory_space<vmem>>
          %scatter3A_1051 = tpu.memref_squeeze %scatter3A_1050 : memref<1x128x128xf32, #tpu.memory_space<vmem>> -> memref<128x128xf32, #tpu.memory_space<vmem>>
          tpu.vector_store_idx %scatter3A_1051[%add3A_770, %broadcast_in_dim3A_1047], %broadcast_in_dim3A_3 masked %eq3A_766 : memref<128x128xf32, #tpu.memory_space<vmem>>[vector<16xi32>, vector<16xi32>], vector<16xf32>, vector<16xi1>
          %broadcast_in_dim3A_1052 = arith.constant 47 : i32
          %broadcast_in_dim3A_1053 = vector.broadcast %broadcast_in_dim3A_1052 : i32 to vector<16xi32>
          %scatter3A_1054 = arith.constant 0 : i32
          %scatter3A_1055 = arith.constant 0 : i32
          %scatter3A_1056 = tpu.memref_slice %arg9[%rem3A_276, %scatter3A_1054, %scatter3A_1055] : memref<4x128x128xf32, #tpu.memory_space<vmem>> -> memref<1x128x128xf32, #tpu.memory_space<vmem>>
          %scatter3A_1057 = tpu.memref_squeeze %scatter3A_1056 : memref<1x128x128xf32, #tpu.memory_space<vmem>> -> memref<128x128xf32, #tpu.memory_space<vmem>>
          tpu.vector_store_idx %scatter3A_1057[%add3A_770, %broadcast_in_dim3A_1053], %broadcast_in_dim3A_3 masked %eq3A_766 : memref<128x128xf32, #tpu.memory_space<vmem>>[vector<16xi32>, vector<16xi32>], vector<16xf32>, vector<16xi1>
          %broadcast_in_dim3A_1058 = arith.constant 48 : i32
          %broadcast_in_dim3A_1059 = vector.broadcast %broadcast_in_dim3A_1058 : i32 to vector<16xi32>
          %scatter3A_1060 = arith.constant 0 : i32
          %scatter3A_1061 = arith.constant 0 : i32
          %scatter3A_1062 = tpu.memref_slice %arg9[%rem3A_276, %scatter3A_1060, %scatter3A_1061] : memref<4x128x128xf32, #tpu.memory_space<vmem>> -> memref<1x128x128xf32, #tpu.memory_space<vmem>>
          %scatter3A_1063 = tpu.memref_squeeze %scatter3A_1062 : memref<1x128x128xf32, #tpu.memory_space<vmem>> -> memref<128x128xf32, #tpu.memory_space<vmem>>
          tpu.vector_store_idx %scatter3A_1063[%add3A_770, %broadcast_in_dim3A_1059], %broadcast_in_dim3A_3 masked %eq3A_766 : memref<128x128xf32, #tpu.memory_space<vmem>>[vector<16xi32>, vector<16xi32>], vector<16xf32>, vector<16xi1>
          %broadcast_in_dim3A_1064 = arith.constant 49 : i32
          %broadcast_in_dim3A_1065 = vector.broadcast %broadcast_in_dim3A_1064 : i32 to vector<16xi32>
          %scatter3A_1066 = arith.constant 0 : i32
          %scatter3A_1067 = arith.constant 0 : i32
          %scatter3A_1068 = tpu.memref_slice %arg9[%rem3A_276, %scatter3A_1066, %scatter3A_1067] : memref<4x128x128xf32, #tpu.memory_space<vmem>> -> memref<1x128x128xf32, #tpu.memory_space<vmem>>
          %scatter3A_1069 = tpu.memref_squeeze %scatter3A_1068 : memref<1x128x128xf32, #tpu.memory_space<vmem>> -> memref<128x128xf32, #tpu.memory_space<vmem>>
          tpu.vector_store_idx %scatter3A_1069[%add3A_770, %broadcast_in_dim3A_1065], %broadcast_in_dim3A_3 masked %eq3A_766 : memref<128x128xf32, #tpu.memory_space<vmem>>[vector<16xi32>, vector<16xi32>], vector<16xf32>, vector<16xi1>
          %broadcast_in_dim3A_1070 = arith.constant 50 : i32
          %broadcast_in_dim3A_1071 = vector.broadcast %broadcast_in_dim3A_1070 : i32 to vector<16xi32>
          %scatter3A_1072 = arith.constant 0 : i32
          %scatter3A_1073 = arith.constant 0 : i32
          %scatter3A_1074 = tpu.memref_slice %arg9[%rem3A_276, %scatter3A_1072, %scatter3A_1073] : memref<4x128x128xf32, #tpu.memory_space<vmem>> -> memref<1x128x128xf32, #tpu.memory_space<vmem>>
          %scatter3A_1075 = tpu.memref_squeeze %scatter3A_1074 : memref<1x128x128xf32, #tpu.memory_space<vmem>> -> memref<128x128xf32, #tpu.memory_space<vmem>>
          tpu.vector_store_idx %scatter3A_1075[%add3A_770, %broadcast_in_dim3A_1071], %broadcast_in_dim3A_3 masked %eq3A_766 : memref<128x128xf32, #tpu.memory_space<vmem>>[vector<16xi32>, vector<16xi32>], vector<16xf32>, vector<16xi1>
          %broadcast_in_dim3A_1076 = arith.constant 51 : i32
          %broadcast_in_dim3A_1077 = vector.broadcast %broadcast_in_dim3A_1076 : i32 to vector<16xi32>
          %scatter3A_1078 = arith.constant 0 : i32
          %scatter3A_1079 = arith.constant 0 : i32
          %scatter3A_1080 = tpu.memref_slice %arg9[%rem3A_276, %scatter3A_1078, %scatter3A_1079] : memref<4x128x128xf32, #tpu.memory_space<vmem>> -> memref<1x128x128xf32, #tpu.memory_space<vmem>>
          %scatter3A_1081 = tpu.memref_squeeze %scatter3A_1080 : memref<1x128x128xf32, #tpu.memory_space<vmem>> -> memref<128x128xf32, #tpu.memory_space<vmem>>
          tpu.vector_store_idx %scatter3A_1081[%add3A_770, %broadcast_in_dim3A_1077], %broadcast_in_dim3A_3 masked %eq3A_766 : memref<128x128xf32, #tpu.memory_space<vmem>>[vector<16xi32>, vector<16xi32>], vector<16xf32>, vector<16xi1>
          %broadcast_in_dim3A_1082 = arith.constant 52 : i32
          %broadcast_in_dim3A_1083 = vector.broadcast %broadcast_in_dim3A_1082 : i32 to vector<16xi32>
          %scatter3A_1084 = arith.constant 0 : i32
          %scatter3A_1085 = arith.constant 0 : i32
          %scatter3A_1086 = tpu.memref_slice %arg9[%rem3A_276, %scatter3A_1084, %scatter3A_1085] : memref<4x128x128xf32, #tpu.memory_space<vmem>> -> memref<1x128x128xf32, #tpu.memory_space<vmem>>
          %scatter3A_1087 = tpu.memref_squeeze %scatter3A_1086 : memref<1x128x128xf32, #tpu.memory_space<vmem>> -> memref<128x128xf32, #tpu.memory_space<vmem>>
          tpu.vector_store_idx %scatter3A_1087[%add3A_770, %broadcast_in_dim3A_1083], %broadcast_in_dim3A_3 masked %eq3A_766 : memref<128x128xf32, #tpu.memory_space<vmem>>[vector<16xi32>, vector<16xi32>], vector<16xf32>, vector<16xi1>
          %broadcast_in_dim3A_1088 = arith.constant 53 : i32
          %broadcast_in_dim3A_1089 = vector.broadcast %broadcast_in_dim3A_1088 : i32 to vector<16xi32>
          %scatter3A_1090 = arith.constant 0 : i32
          %scatter3A_1091 = arith.constant 0 : i32
          %scatter3A_1092 = tpu.memref_slice %arg9[%rem3A_276, %scatter3A_1090, %scatter3A_1091] : memref<4x128x128xf32, #tpu.memory_space<vmem>> -> memref<1x128x128xf32, #tpu.memory_space<vmem>>
          %scatter3A_1093 = tpu.memref_squeeze %scatter3A_1092 : memref<1x128x128xf32, #tpu.memory_space<vmem>> -> memref<128x128xf32, #tpu.memory_space<vmem>>
          tpu.vector_store_idx %scatter3A_1093[%add3A_770, %broadcast_in_dim3A_1089], %broadcast_in_dim3A_3 masked %eq3A_766 : memref<128x128xf32, #tpu.memory_space<vmem>>[vector<16xi32>, vector<16xi32>], vector<16xf32>, vector<16xi1>
          %broadcast_in_dim3A_1094 = arith.constant 54 : i32
          %broadcast_in_dim3A_1095 = vector.broadcast %broadcast_in_dim3A_1094 : i32 to vector<16xi32>
          %scatter3A_1096 = arith.constant 0 : i32
          %scatter3A_1097 = arith.constant 0 : i32
          %scatter3A_1098 = tpu.memref_slice %arg9[%rem3A_276, %scatter3A_1096, %scatter3A_1097] : memref<4x128x128xf32, #tpu.memory_space<vmem>> -> memref<1x128x128xf32, #tpu.memory_space<vmem>>
          %scatter3A_1099 = tpu.memref_squeeze %scatter3A_1098 : memref<1x128x128xf32, #tpu.memory_space<vmem>> -> memref<128x128xf32, #tpu.memory_space<vmem>>
          tpu.vector_store_idx %scatter3A_1099[%add3A_770, %broadcast_in_dim3A_1095], %broadcast_in_dim3A_3 masked %eq3A_766 : memref<128x128xf32, #tpu.memory_space<vmem>>[vector<16xi32>, vector<16xi32>], vector<16xf32>, vector<16xi1>
          %broadcast_in_dim3A_1100 = arith.constant 55 : i32
          %broadcast_in_dim3A_1101 = vector.broadcast %broadcast_in_dim3A_1100 : i32 to vector<16xi32>
          %scatter3A_1102 = arith.constant 0 : i32
          %scatter3A_1103 = arith.constant 0 : i32
          %scatter3A_1104 = tpu.memref_slice %arg9[%rem3A_276, %scatter3A_1102, %scatter3A_1103] : memref<4x128x128xf32, #tpu.memory_space<vmem>> -> memref<1x128x128xf32, #tpu.memory_space<vmem>>
          %scatter3A_1105 = tpu.memref_squeeze %scatter3A_1104 : memref<1x128x128xf32, #tpu.memory_space<vmem>> -> memref<128x128xf32, #tpu.memory_space<vmem>>
          tpu.vector_store_idx %scatter3A_1105[%add3A_770, %broadcast_in_dim3A_1101], %broadcast_in_dim3A_3 masked %eq3A_766 : memref<128x128xf32, #tpu.memory_space<vmem>>[vector<16xi32>, vector<16xi32>], vector<16xf32>, vector<16xi1>
          %broadcast_in_dim3A_1106 = arith.constant 56 : i32
          %broadcast_in_dim3A_1107 = vector.broadcast %broadcast_in_dim3A_1106 : i32 to vector<16xi32>
          %scatter3A_1108 = arith.constant 0 : i32
          %scatter3A_1109 = arith.constant 0 : i32
          %scatter3A_1110 = tpu.memref_slice %arg9[%rem3A_276, %scatter3A_1108, %scatter3A_1109] : memref<4x128x128xf32, #tpu.memory_space<vmem>> -> memref<1x128x128xf32, #tpu.memory_space<vmem>>
          %scatter3A_1111 = tpu.memref_squeeze %scatter3A_1110 : memref<1x128x128xf32, #tpu.memory_space<vmem>> -> memref<128x128xf32, #tpu.memory_space<vmem>>
          tpu.vector_store_idx %scatter3A_1111[%add3A_770, %broadcast_in_dim3A_1107], %broadcast_in_dim3A_3 masked %eq3A_766 : memref<128x128xf32, #tpu.memory_space<vmem>>[vector<16xi32>, vector<16xi32>], vector<16xf32>, vector<16xi1>
          %broadcast_in_dim3A_1112 = arith.constant 57 : i32
          %broadcast_in_dim3A_1113 = vector.broadcast %broadcast_in_dim3A_1112 : i32 to vector<16xi32>
          %scatter3A_1114 = arith.constant 0 : i32
          %scatter3A_1115 = arith.constant 0 : i32
          %scatter3A_1116 = tpu.memref_slice %arg9[%rem3A_276, %scatter3A_1114, %scatter3A_1115] : memref<4x128x128xf32, #tpu.memory_space<vmem>> -> memref<1x128x128xf32, #tpu.memory_space<vmem>>
          %scatter3A_1117 = tpu.memref_squeeze %scatter3A_1116 : memref<1x128x128xf32, #tpu.memory_space<vmem>> -> memref<128x128xf32, #tpu.memory_space<vmem>>
          tpu.vector_store_idx %scatter3A_1117[%add3A_770, %broadcast_in_dim3A_1113], %broadcast_in_dim3A_3 masked %eq3A_766 : memref<128x128xf32, #tpu.memory_space<vmem>>[vector<16xi32>, vector<16xi32>], vector<16xf32>, vector<16xi1>
          %broadcast_in_dim3A_1118 = arith.constant 58 : i32
          %broadcast_in_dim3A_1119 = vector.broadcast %broadcast_in_dim3A_1118 : i32 to vector<16xi32>
          %scatter3A_1120 = arith.constant 0 : i32
          %scatter3A_1121 = arith.constant 0 : i32
          %scatter3A_1122 = tpu.memref_slice %arg9[%rem3A_276, %scatter3A_1120, %scatter3A_1121] : memref<4x128x128xf32, #tpu.memory_space<vmem>> -> memref<1x128x128xf32, #tpu.memory_space<vmem>>
          %scatter3A_1123 = tpu.memref_squeeze %scatter3A_1122 : memref<1x128x128xf32, #tpu.memory_space<vmem>> -> memref<128x128xf32, #tpu.memory_space<vmem>>
          tpu.vector_store_idx %scatter3A_1123[%add3A_770, %broadcast_in_dim3A_1119], %broadcast_in_dim3A_3 masked %eq3A_766 : memref<128x128xf32, #tpu.memory_space<vmem>>[vector<16xi32>, vector<16xi32>], vector<16xf32>, vector<16xi1>
          %broadcast_in_dim3A_1124 = arith.constant 59 : i32
          %broadcast_in_dim3A_1125 = vector.broadcast %broadcast_in_dim3A_1124 : i32 to vector<16xi32>
          %scatter3A_1126 = arith.constant 0 : i32
          %scatter3A_1127 = arith.constant 0 : i32
          %scatter3A_1128 = tpu.memref_slice %arg9[%rem3A_276, %scatter3A_1126, %scatter3A_1127] : memref<4x128x128xf32, #tpu.memory_space<vmem>> -> memref<1x128x128xf32, #tpu.memory_space<vmem>>
          %scatter3A_1129 = tpu.memref_squeeze %scatter3A_1128 : memref<1x128x128xf32, #tpu.memory_space<vmem>> -> memref<128x128xf32, #tpu.memory_space<vmem>>
          tpu.vector_store_idx %scatter3A_1129[%add3A_770, %broadcast_in_dim3A_1125], %broadcast_in_dim3A_3 masked %eq3A_766 : memref<128x128xf32, #tpu.memory_space<vmem>>[vector<16xi32>, vector<16xi32>], vector<16xf32>, vector<16xi1>
          %broadcast_in_dim3A_1130 = arith.constant 60 : i32
          %broadcast_in_dim3A_1131 = vector.broadcast %broadcast_in_dim3A_1130 : i32 to vector<16xi32>
          %scatter3A_1132 = arith.constant 0 : i32
          %scatter3A_1133 = arith.constant 0 : i32
          %scatter3A_1134 = tpu.memref_slice %arg9[%rem3A_276, %scatter3A_1132, %scatter3A_1133] : memref<4x128x128xf32, #tpu.memory_space<vmem>> -> memref<1x128x128xf32, #tpu.memory_space<vmem>>
          %scatter3A_1135 = tpu.memref_squeeze %scatter3A_1134 : memref<1x128x128xf32, #tpu.memory_space<vmem>> -> memref<128x128xf32, #tpu.memory_space<vmem>>
          tpu.vector_store_idx %scatter3A_1135[%add3A_770, %broadcast_in_dim3A_1131], %broadcast_in_dim3A_3 masked %eq3A_766 : memref<128x128xf32, #tpu.memory_space<vmem>>[vector<16xi32>, vector<16xi32>], vector<16xf32>, vector<16xi1>
          %broadcast_in_dim3A_1136 = arith.constant 61 : i32
          %broadcast_in_dim3A_1137 = vector.broadcast %broadcast_in_dim3A_1136 : i32 to vector<16xi32>
          %scatter3A_1138 = arith.constant 0 : i32
          %scatter3A_1139 = arith.constant 0 : i32
          %scatter3A_1140 = tpu.memref_slice %arg9[%rem3A_276, %scatter3A_1138, %scatter3A_1139] : memref<4x128x128xf32, #tpu.memory_space<vmem>> -> memref<1x128x128xf32, #tpu.memory_space<vmem>>
          %scatter3A_1141 = tpu.memref_squeeze %scatter3A_1140 : memref<1x128x128xf32, #tpu.memory_space<vmem>> -> memref<128x128xf32, #tpu.memory_space<vmem>>
          tpu.vector_store_idx %scatter3A_1141[%add3A_770, %broadcast_in_dim3A_1137], %broadcast_in_dim3A_3 masked %eq3A_766 : memref<128x128xf32, #tpu.memory_space<vmem>>[vector<16xi32>, vector<16xi32>], vector<16xf32>, vector<16xi1>
          %broadcast_in_dim3A_1142 = arith.constant 62 : i32
          %broadcast_in_dim3A_1143 = vector.broadcast %broadcast_in_dim3A_1142 : i32 to vector<16xi32>
          %scatter3A_1144 = arith.constant 0 : i32
          %scatter3A_1145 = arith.constant 0 : i32
          %scatter3A_1146 = tpu.memref_slice %arg9[%rem3A_276, %scatter3A_1144, %scatter3A_1145] : memref<4x128x128xf32, #tpu.memory_space<vmem>> -> memref<1x128x128xf32, #tpu.memory_space<vmem>>
          %scatter3A_1147 = tpu.memref_squeeze %scatter3A_1146 : memref<1x128x128xf32, #tpu.memory_space<vmem>> -> memref<128x128xf32, #tpu.memory_space<vmem>>
          tpu.vector_store_idx %scatter3A_1147[%add3A_770, %broadcast_in_dim3A_1143], %broadcast_in_dim3A_3 masked %eq3A_766 : memref<128x128xf32, #tpu.memory_space<vmem>>[vector<16xi32>, vector<16xi32>], vector<16xf32>, vector<16xi1>
          %broadcast_in_dim3A_1148 = arith.constant 63 : i32
          %broadcast_in_dim3A_1149 = vector.broadcast %broadcast_in_dim3A_1148 : i32 to vector<16xi32>
          %scatter3A_1150 = arith.constant 0 : i32
          %scatter3A_1151 = arith.constant 0 : i32
          %scatter3A_1152 = tpu.memref_slice %arg9[%rem3A_276, %scatter3A_1150, %scatter3A_1151] : memref<4x128x128xf32, #tpu.memory_space<vmem>> -> memref<1x128x128xf32, #tpu.memory_space<vmem>>
          %scatter3A_1153 = tpu.memref_squeeze %scatter3A_1152 : memref<1x128x128xf32, #tpu.memory_space<vmem>> -> memref<128x128xf32, #tpu.memory_space<vmem>>
          tpu.vector_store_idx %scatter3A_1153[%add3A_770, %broadcast_in_dim3A_1149], %broadcast_in_dim3A_3 masked %eq3A_766 : memref<128x128xf32, #tpu.memory_space<vmem>>[vector<16xi32>, vector<16xi32>], vector<16xf32>, vector<16xi1>
          %broadcast_in_dim3A_1154 = arith.constant 64 : i32
          %broadcast_in_dim3A_1155 = vector.broadcast %broadcast_in_dim3A_1154 : i32 to vector<16xi32>
          %scatter3A_1156 = arith.constant 0 : i32
          %scatter3A_1157 = arith.constant 0 : i32
          %scatter3A_1158 = tpu.memref_slice %arg9[%rem3A_276, %scatter3A_1156, %scatter3A_1157] : memref<4x128x128xf32, #tpu.memory_space<vmem>> -> memref<1x128x128xf32, #tpu.memory_space<vmem>>
          %scatter3A_1159 = tpu.memref_squeeze %scatter3A_1158 : memref<1x128x128xf32, #tpu.memory_space<vmem>> -> memref<128x128xf32, #tpu.memory_space<vmem>>
          tpu.vector_store_idx %scatter3A_1159[%add3A_770, %broadcast_in_dim3A_1155], %broadcast_in_dim3A_3 masked %eq3A_766 : memref<128x128xf32, #tpu.memory_space<vmem>>[vector<16xi32>, vector<16xi32>], vector<16xf32>, vector<16xi1>
          %broadcast_in_dim3A_1160 = arith.constant 65 : i32
          %broadcast_in_dim3A_1161 = vector.broadcast %broadcast_in_dim3A_1160 : i32 to vector<16xi32>
          %scatter3A_1162 = arith.constant 0 : i32
          %scatter3A_1163 = arith.constant 0 : i32
          %scatter3A_1164 = tpu.memref_slice %arg9[%rem3A_276, %scatter3A_1162, %scatter3A_1163] : memref<4x128x128xf32, #tpu.memory_space<vmem>> -> memref<1x128x128xf32, #tpu.memory_space<vmem>>
          %scatter3A_1165 = tpu.memref_squeeze %scatter3A_1164 : memref<1x128x128xf32, #tpu.memory_space<vmem>> -> memref<128x128xf32, #tpu.memory_space<vmem>>
          tpu.vector_store_idx %scatter3A_1165[%add3A_770, %broadcast_in_dim3A_1161], %broadcast_in_dim3A_3 masked %eq3A_766 : memref<128x128xf32, #tpu.memory_space<vmem>>[vector<16xi32>, vector<16xi32>], vector<16xf32>, vector<16xi1>
          %broadcast_in_dim3A_1166 = arith.constant 66 : i32
          %broadcast_in_dim3A_1167 = vector.broadcast %broadcast_in_dim3A_1166 : i32 to vector<16xi32>
          %scatter3A_1168 = arith.constant 0 : i32
          %scatter3A_1169 = arith.constant 0 : i32
          %scatter3A_1170 = tpu.memref_slice %arg9[%rem3A_276, %scatter3A_1168, %scatter3A_1169] : memref<4x128x128xf32, #tpu.memory_space<vmem>> -> memref<1x128x128xf32, #tpu.memory_space<vmem>>
          %scatter3A_1171 = tpu.memref_squeeze %scatter3A_1170 : memref<1x128x128xf32, #tpu.memory_space<vmem>> -> memref<128x128xf32, #tpu.memory_space<vmem>>
          tpu.vector_store_idx %scatter3A_1171[%add3A_770, %broadcast_in_dim3A_1167], %broadcast_in_dim3A_3 masked %eq3A_766 : memref<128x128xf32, #tpu.memory_space<vmem>>[vector<16xi32>, vector<16xi32>], vector<16xf32>, vector<16xi1>
          %broadcast_in_dim3A_1172 = arith.constant 67 : i32
          %broadcast_in_dim3A_1173 = vector.broadcast %broadcast_in_dim3A_1172 : i32 to vector<16xi32>
          %scatter3A_1174 = arith.constant 0 : i32
          %scatter3A_1175 = arith.constant 0 : i32
          %scatter3A_1176 = tpu.memref_slice %arg9[%rem3A_276, %scatter3A_1174, %scatter3A_1175] : memref<4x128x128xf32, #tpu.memory_space<vmem>> -> memref<1x128x128xf32, #tpu.memory_space<vmem>>
          %scatter3A_1177 = tpu.memref_squeeze %scatter3A_1176 : memref<1x128x128xf32, #tpu.memory_space<vmem>> -> memref<128x128xf32, #tpu.memory_space<vmem>>
          tpu.vector_store_idx %scatter3A_1177[%add3A_770, %broadcast_in_dim3A_1173], %broadcast_in_dim3A_3 masked %eq3A_766 : memref<128x128xf32, #tpu.memory_space<vmem>>[vector<16xi32>, vector<16xi32>], vector<16xf32>, vector<16xi1>
          %broadcast_in_dim3A_1178 = arith.constant 68 : i32
          %broadcast_in_dim3A_1179 = vector.broadcast %broadcast_in_dim3A_1178 : i32 to vector<16xi32>
          %scatter3A_1180 = arith.constant 0 : i32
          %scatter3A_1181 = arith.constant 0 : i32
          %scatter3A_1182 = tpu.memref_slice %arg9[%rem3A_276, %scatter3A_1180, %scatter3A_1181] : memref<4x128x128xf32, #tpu.memory_space<vmem>> -> memref<1x128x128xf32, #tpu.memory_space<vmem>>
          %scatter3A_1183 = tpu.memref_squeeze %scatter3A_1182 : memref<1x128x128xf32, #tpu.memory_space<vmem>> -> memref<128x128xf32, #tpu.memory_space<vmem>>
          tpu.vector_store_idx %scatter3A_1183[%add3A_770, %broadcast_in_dim3A_1179], %broadcast_in_dim3A_3 masked %eq3A_766 : memref<128x128xf32, #tpu.memory_space<vmem>>[vector<16xi32>, vector<16xi32>], vector<16xf32>, vector<16xi1>
          %broadcast_in_dim3A_1184 = arith.constant 69 : i32
          %broadcast_in_dim3A_1185 = vector.broadcast %broadcast_in_dim3A_1184 : i32 to vector<16xi32>
          %scatter3A_1186 = arith.constant 0 : i32
          %scatter3A_1187 = arith.constant 0 : i32
          %scatter3A_1188 = tpu.memref_slice %arg9[%rem3A_276, %scatter3A_1186, %scatter3A_1187] : memref<4x128x128xf32, #tpu.memory_space<vmem>> -> memref<1x128x128xf32, #tpu.memory_space<vmem>>
          %scatter3A_1189 = tpu.memref_squeeze %scatter3A_1188 : memref<1x128x128xf32, #tpu.memory_space<vmem>> -> memref<128x128xf32, #tpu.memory_space<vmem>>
          tpu.vector_store_idx %scatter3A_1189[%add3A_770, %broadcast_in_dim3A_1185], %broadcast_in_dim3A_3 masked %eq3A_766 : memref<128x128xf32, #tpu.memory_space<vmem>>[vector<16xi32>, vector<16xi32>], vector<16xf32>, vector<16xi1>
          %broadcast_in_dim3A_1190 = arith.constant 70 : i32
          %broadcast_in_dim3A_1191 = vector.broadcast %broadcast_in_dim3A_1190 : i32 to vector<16xi32>
          %scatter3A_1192 = arith.constant 0 : i32
          %scatter3A_1193 = arith.constant 0 : i32
          %scatter3A_1194 = tpu.memref_slice %arg9[%rem3A_276, %scatter3A_1192, %scatter3A_1193] : memref<4x128x128xf32, #tpu.memory_space<vmem>> -> memref<1x128x128xf32, #tpu.memory_space<vmem>>
          %scatter3A_1195 = tpu.memref_squeeze %scatter3A_1194 : memref<1x128x128xf32, #tpu.memory_space<vmem>> -> memref<128x128xf32, #tpu.memory_space<vmem>>
          tpu.vector_store_idx %scatter3A_1195[%add3A_770, %broadcast_in_dim3A_1191], %broadcast_in_dim3A_3 masked %eq3A_766 : memref<128x128xf32, #tpu.memory_space<vmem>>[vector<16xi32>, vector<16xi32>], vector<16xf32>, vector<16xi1>
          %broadcast_in_dim3A_1196 = arith.constant 71 : i32
          %broadcast_in_dim3A_1197 = vector.broadcast %broadcast_in_dim3A_1196 : i32 to vector<16xi32>
          %scatter3A_1198 = arith.constant 0 : i32
          %scatter3A_1199 = arith.constant 0 : i32
          %scatter3A_1200 = tpu.memref_slice %arg9[%rem3A_276, %scatter3A_1198, %scatter3A_1199] : memref<4x128x128xf32, #tpu.memory_space<vmem>> -> memref<1x128x128xf32, #tpu.memory_space<vmem>>
          %scatter3A_1201 = tpu.memref_squeeze %scatter3A_1200 : memref<1x128x128xf32, #tpu.memory_space<vmem>> -> memref<128x128xf32, #tpu.memory_space<vmem>>
          tpu.vector_store_idx %scatter3A_1201[%add3A_770, %broadcast_in_dim3A_1197], %broadcast_in_dim3A_3 masked %eq3A_766 : memref<128x128xf32, #tpu.memory_space<vmem>>[vector<16xi32>, vector<16xi32>], vector<16xf32>, vector<16xi1>
          %broadcast_in_dim3A_1202 = arith.constant 72 : i32
          %broadcast_in_dim3A_1203 = vector.broadcast %broadcast_in_dim3A_1202 : i32 to vector<16xi32>
          %scatter3A_1204 = arith.constant 0 : i32
          %scatter3A_1205 = arith.constant 0 : i32
          %scatter3A_1206 = tpu.memref_slice %arg9[%rem3A_276, %scatter3A_1204, %scatter3A_1205] : memref<4x128x128xf32, #tpu.memory_space<vmem>> -> memref<1x128x128xf32, #tpu.memory_space<vmem>>
          %scatter3A_1207 = tpu.memref_squeeze %scatter3A_1206 : memref<1x128x128xf32, #tpu.memory_space<vmem>> -> memref<128x128xf32, #tpu.memory_space<vmem>>
          tpu.vector_store_idx %scatter3A_1207[%add3A_770, %broadcast_in_dim3A_1203], %broadcast_in_dim3A_3 masked %eq3A_766 : memref<128x128xf32, #tpu.memory_space<vmem>>[vector<16xi32>, vector<16xi32>], vector<16xf32>, vector<16xi1>
          %broadcast_in_dim3A_1208 = arith.constant 73 : i32
          %broadcast_in_dim3A_1209 = vector.broadcast %broadcast_in_dim3A_1208 : i32 to vector<16xi32>
          %scatter3A_1210 = arith.constant 0 : i32
          %scatter3A_1211 = arith.constant 0 : i32
          %scatter3A_1212 = tpu.memref_slice %arg9[%rem3A_276, %scatter3A_1210, %scatter3A_1211] : memref<4x128x128xf32, #tpu.memory_space<vmem>> -> memref<1x128x128xf32, #tpu.memory_space<vmem>>
          %scatter3A_1213 = tpu.memref_squeeze %scatter3A_1212 : memref<1x128x128xf32, #tpu.memory_space<vmem>> -> memref<128x128xf32, #tpu.memory_space<vmem>>
          tpu.vector_store_idx %scatter3A_1213[%add3A_770, %broadcast_in_dim3A_1209], %broadcast_in_dim3A_3 masked %eq3A_766 : memref<128x128xf32, #tpu.memory_space<vmem>>[vector<16xi32>, vector<16xi32>], vector<16xf32>, vector<16xi1>
          %broadcast_in_dim3A_1214 = arith.constant 74 : i32
          %broadcast_in_dim3A_1215 = vector.broadcast %broadcast_in_dim3A_1214 : i32 to vector<16xi32>
          %scatter3A_1216 = arith.constant 0 : i32
          %scatter3A_1217 = arith.constant 0 : i32
          %scatter3A_1218 = tpu.memref_slice %arg9[%rem3A_276, %scatter3A_1216, %scatter3A_1217] : memref<4x128x128xf32, #tpu.memory_space<vmem>> -> memref<1x128x128xf32, #tpu.memory_space<vmem>>
          %scatter3A_1219 = tpu.memref_squeeze %scatter3A_1218 : memref<1x128x128xf32, #tpu.memory_space<vmem>> -> memref<128x128xf32, #tpu.memory_space<vmem>>
          tpu.vector_store_idx %scatter3A_1219[%add3A_770, %broadcast_in_dim3A_1215], %broadcast_in_dim3A_3 masked %eq3A_766 : memref<128x128xf32, #tpu.memory_space<vmem>>[vector<16xi32>, vector<16xi32>], vector<16xf32>, vector<16xi1>
          %broadcast_in_dim3A_1220 = arith.constant 75 : i32
          %broadcast_in_dim3A_1221 = vector.broadcast %broadcast_in_dim3A_1220 : i32 to vector<16xi32>
          %scatter3A_1222 = arith.constant 0 : i32
          %scatter3A_1223 = arith.constant 0 : i32
          %scatter3A_1224 = tpu.memref_slice %arg9[%rem3A_276, %scatter3A_1222, %scatter3A_1223] : memref<4x128x128xf32, #tpu.memory_space<vmem>> -> memref<1x128x128xf32, #tpu.memory_space<vmem>>
          %scatter3A_1225 = tpu.memref_squeeze %scatter3A_1224 : memref<1x128x128xf32, #tpu.memory_space<vmem>> -> memref<128x128xf32, #tpu.memory_space<vmem>>
          tpu.vector_store_idx %scatter3A_1225[%add3A_770, %broadcast_in_dim3A_1221], %broadcast_in_dim3A_3 masked %eq3A_766 : memref<128x128xf32, #tpu.memory_space<vmem>>[vector<16xi32>, vector<16xi32>], vector<16xf32>, vector<16xi1>
          %broadcast_in_dim3A_1226 = arith.constant 76 : i32
          %broadcast_in_dim3A_1227 = vector.broadcast %broadcast_in_dim3A_1226 : i32 to vector<16xi32>
          %scatter3A_1228 = arith.constant 0 : i32
          %scatter3A_1229 = arith.constant 0 : i32
          %scatter3A_1230 = tpu.memref_slice %arg9[%rem3A_276, %scatter3A_1228, %scatter3A_1229] : memref<4x128x128xf32, #tpu.memory_space<vmem>> -> memref<1x128x128xf32, #tpu.memory_space<vmem>>
          %scatter3A_1231 = tpu.memref_squeeze %scatter3A_1230 : memref<1x128x128xf32, #tpu.memory_space<vmem>> -> memref<128x128xf32, #tpu.memory_space<vmem>>
          tpu.vector_store_idx %scatter3A_1231[%add3A_770, %broadcast_in_dim3A_1227], %broadcast_in_dim3A_3 masked %eq3A_766 : memref<128x128xf32, #tpu.memory_space<vmem>>[vector<16xi32>, vector<16xi32>], vector<16xf32>, vector<16xi1>
          %broadcast_in_dim3A_1232 = arith.constant 77 : i32
          %broadcast_in_dim3A_1233 = vector.broadcast %broadcast_in_dim3A_1232 : i32 to vector<16xi32>
          %scatter3A_1234 = arith.constant 0 : i32
          %scatter3A_1235 = arith.constant 0 : i32
          %scatter3A_1236 = tpu.memref_slice %arg9[%rem3A_276, %scatter3A_1234, %scatter3A_1235] : memref<4x128x128xf32, #tpu.memory_space<vmem>> -> memref<1x128x128xf32, #tpu.memory_space<vmem>>
          %scatter3A_1237 = tpu.memref_squeeze %scatter3A_1236 : memref<1x128x128xf32, #tpu.memory_space<vmem>> -> memref<128x128xf32, #tpu.memory_space<vmem>>
          tpu.vector_store_idx %scatter3A_1237[%add3A_770, %broadcast_in_dim3A_1233], %broadcast_in_dim3A_3 masked %eq3A_766 : memref<128x128xf32, #tpu.memory_space<vmem>>[vector<16xi32>, vector<16xi32>], vector<16xf32>, vector<16xi1>
          %broadcast_in_dim3A_1238 = arith.constant 78 : i32
          %broadcast_in_dim3A_1239 = vector.broadcast %broadcast_in_dim3A_1238 : i32 to vector<16xi32>
          %scatter3A_1240 = arith.constant 0 : i32
          %scatter3A_1241 = arith.constant 0 : i32
          %scatter3A_1242 = tpu.memref_slice %arg9[%rem3A_276, %scatter3A_1240, %scatter3A_1241] : memref<4x128x128xf32, #tpu.memory_space<vmem>> -> memref<1x128x128xf32, #tpu.memory_space<vmem>>
          %scatter3A_1243 = tpu.memref_squeeze %scatter3A_1242 : memref<1x128x128xf32, #tpu.memory_space<vmem>> -> memref<128x128xf32, #tpu.memory_space<vmem>>
          tpu.vector_store_idx %scatter3A_1243[%add3A_770, %broadcast_in_dim3A_1239], %broadcast_in_dim3A_3 masked %eq3A_766 : memref<128x128xf32, #tpu.memory_space<vmem>>[vector<16xi32>, vector<16xi32>], vector<16xf32>, vector<16xi1>
          %broadcast_in_dim3A_1244 = arith.constant 79 : i32
          %broadcast_in_dim3A_1245 = vector.broadcast %broadcast_in_dim3A_1244 : i32 to vector<16xi32>
          %scatter3A_1246 = arith.constant 0 : i32
          %scatter3A_1247 = arith.constant 0 : i32
          %scatter3A_1248 = tpu.memref_slice %arg9[%rem3A_276, %scatter3A_1246, %scatter3A_1247] : memref<4x128x128xf32, #tpu.memory_space<vmem>> -> memref<1x128x128xf32, #tpu.memory_space<vmem>>
          %scatter3A_1249 = tpu.memref_squeeze %scatter3A_1248 : memref<1x128x128xf32, #tpu.memory_space<vmem>> -> memref<128x128xf32, #tpu.memory_space<vmem>>
          tpu.vector_store_idx %scatter3A_1249[%add3A_770, %broadcast_in_dim3A_1245], %broadcast_in_dim3A_3 masked %eq3A_766 : memref<128x128xf32, #tpu.memory_space<vmem>>[vector<16xi32>, vector<16xi32>], vector<16xf32>, vector<16xi1>
          %broadcast_in_dim3A_1250 = arith.constant 80 : i32
          %broadcast_in_dim3A_1251 = vector.broadcast %broadcast_in_dim3A_1250 : i32 to vector<16xi32>
          %scatter3A_1252 = arith.constant 0 : i32
          %scatter3A_1253 = arith.constant 0 : i32
          %scatter3A_1254 = tpu.memref_slice %arg9[%rem3A_276, %scatter3A_1252, %scatter3A_1253] : memref<4x128x128xf32, #tpu.memory_space<vmem>> -> memref<1x128x128xf32, #tpu.memory_space<vmem>>
          %scatter3A_1255 = tpu.memref_squeeze %scatter3A_1254 : memref<1x128x128xf32, #tpu.memory_space<vmem>> -> memref<128x128xf32, #tpu.memory_space<vmem>>
          tpu.vector_store_idx %scatter3A_1255[%add3A_770, %broadcast_in_dim3A_1251], %broadcast_in_dim3A_3 masked %eq3A_766 : memref<128x128xf32, #tpu.memory_space<vmem>>[vector<16xi32>, vector<16xi32>], vector<16xf32>, vector<16xi1>
          %broadcast_in_dim3A_1256 = arith.constant 81 : i32
          %broadcast_in_dim3A_1257 = vector.broadcast %broadcast_in_dim3A_1256 : i32 to vector<16xi32>
          %scatter3A_1258 = arith.constant 0 : i32
          %scatter3A_1259 = arith.constant 0 : i32
          %scatter3A_1260 = tpu.memref_slice %arg9[%rem3A_276, %scatter3A_1258, %scatter3A_1259] : memref<4x128x128xf32, #tpu.memory_space<vmem>> -> memref<1x128x128xf32, #tpu.memory_space<vmem>>
          %scatter3A_1261 = tpu.memref_squeeze %scatter3A_1260 : memref<1x128x128xf32, #tpu.memory_space<vmem>> -> memref<128x128xf32, #tpu.memory_space<vmem>>
          tpu.vector_store_idx %scatter3A_1261[%add3A_770, %broadcast_in_dim3A_1257], %broadcast_in_dim3A_3 masked %eq3A_766 : memref<128x128xf32, #tpu.memory_space<vmem>>[vector<16xi32>, vector<16xi32>], vector<16xf32>, vector<16xi1>
          %broadcast_in_dim3A_1262 = arith.constant 82 : i32
          %broadcast_in_dim3A_1263 = vector.broadcast %broadcast_in_dim3A_1262 : i32 to vector<16xi32>
          %scatter3A_1264 = arith.constant 0 : i32
          %scatter3A_1265 = arith.constant 0 : i32
          %scatter3A_1266 = tpu.memref_slice %arg9[%rem3A_276, %scatter3A_1264, %scatter3A_1265] : memref<4x128x128xf32, #tpu.memory_space<vmem>> -> memref<1x128x128xf32, #tpu.memory_space<vmem>>
          %scatter3A_1267 = tpu.memref_squeeze %scatter3A_1266 : memref<1x128x128xf32, #tpu.memory_space<vmem>> -> memref<128x128xf32, #tpu.memory_space<vmem>>
          tpu.vector_store_idx %scatter3A_1267[%add3A_770, %broadcast_in_dim3A_1263], %broadcast_in_dim3A_3 masked %eq3A_766 : memref<128x128xf32, #tpu.memory_space<vmem>>[vector<16xi32>, vector<16xi32>], vector<16xf32>, vector<16xi1>
          %broadcast_in_dim3A_1268 = arith.constant 83 : i32
          %broadcast_in_dim3A_1269 = vector.broadcast %broadcast_in_dim3A_1268 : i32 to vector<16xi32>
          %scatter3A_1270 = arith.constant 0 : i32
          %scatter3A_1271 = arith.constant 0 : i32
          %scatter3A_1272 = tpu.memref_slice %arg9[%rem3A_276, %scatter3A_1270, %scatter3A_1271] : memref<4x128x128xf32, #tpu.memory_space<vmem>> -> memref<1x128x128xf32, #tpu.memory_space<vmem>>
          %scatter3A_1273 = tpu.memref_squeeze %scatter3A_1272 : memref<1x128x128xf32, #tpu.memory_space<vmem>> -> memref<128x128xf32, #tpu.memory_space<vmem>>
          tpu.vector_store_idx %scatter3A_1273[%add3A_770, %broadcast_in_dim3A_1269], %broadcast_in_dim3A_3 masked %eq3A_766 : memref<128x128xf32, #tpu.memory_space<vmem>>[vector<16xi32>, vector<16xi32>], vector<16xf32>, vector<16xi1>
          %broadcast_in_dim3A_1274 = arith.constant 84 : i32
          %broadcast_in_dim3A_1275 = vector.broadcast %broadcast_in_dim3A_1274 : i32 to vector<16xi32>
          %scatter3A_1276 = arith.constant 0 : i32
          %scatter3A_1277 = arith.constant 0 : i32
          %scatter3A_1278 = tpu.memref_slice %arg9[%rem3A_276, %scatter3A_1276, %scatter3A_1277] : memref<4x128x128xf32, #tpu.memory_space<vmem>> -> memref<1x128x128xf32, #tpu.memory_space<vmem>>
          %scatter3A_1279 = tpu.memref_squeeze %scatter3A_1278 : memref<1x128x128xf32, #tpu.memory_space<vmem>> -> memref<128x128xf32, #tpu.memory_space<vmem>>
          tpu.vector_store_idx %scatter3A_1279[%add3A_770, %broadcast_in_dim3A_1275], %broadcast_in_dim3A_3 masked %eq3A_766 : memref<128x128xf32, #tpu.memory_space<vmem>>[vector<16xi32>, vector<16xi32>], vector<16xf32>, vector<16xi1>
          %broadcast_in_dim3A_1280 = arith.constant 85 : i32
          %broadcast_in_dim3A_1281 = vector.broadcast %broadcast_in_dim3A_1280 : i32 to vector<16xi32>
          %scatter3A_1282 = arith.constant 0 : i32
          %scatter3A_1283 = arith.constant 0 : i32
          %scatter3A_1284 = tpu.memref_slice %arg9[%rem3A_276, %scatter3A_1282, %scatter3A_1283] : memref<4x128x128xf32, #tpu.memory_space<vmem>> -> memref<1x128x128xf32, #tpu.memory_space<vmem>>
          %scatter3A_1285 = tpu.memref_squeeze %scatter3A_1284 : memref<1x128x128xf32, #tpu.memory_space<vmem>> -> memref<128x128xf32, #tpu.memory_space<vmem>>
          tpu.vector_store_idx %scatter3A_1285[%add3A_770, %broadcast_in_dim3A_1281], %broadcast_in_dim3A_3 masked %eq3A_766 : memref<128x128xf32, #tpu.memory_space<vmem>>[vector<16xi32>, vector<16xi32>], vector<16xf32>, vector<16xi1>
          %broadcast_in_dim3A_1286 = arith.constant 86 : i32
          %broadcast_in_dim3A_1287 = vector.broadcast %broadcast_in_dim3A_1286 : i32 to vector<16xi32>
          %scatter3A_1288 = arith.constant 0 : i32
          %scatter3A_1289 = arith.constant 0 : i32
          %scatter3A_1290 = tpu.memref_slice %arg9[%rem3A_276, %scatter3A_1288, %scatter3A_1289] : memref<4x128x128xf32, #tpu.memory_space<vmem>> -> memref<1x128x128xf32, #tpu.memory_space<vmem>>
          %scatter3A_1291 = tpu.memref_squeeze %scatter3A_1290 : memref<1x128x128xf32, #tpu.memory_space<vmem>> -> memref<128x128xf32, #tpu.memory_space<vmem>>
          tpu.vector_store_idx %scatter3A_1291[%add3A_770, %broadcast_in_dim3A_1287], %broadcast_in_dim3A_3 masked %eq3A_766 : memref<128x128xf32, #tpu.memory_space<vmem>>[vector<16xi32>, vector<16xi32>], vector<16xf32>, vector<16xi1>
          %broadcast_in_dim3A_1292 = arith.constant 87 : i32
          %broadcast_in_dim3A_1293 = vector.broadcast %broadcast_in_dim3A_1292 : i32 to vector<16xi32>
          %scatter3A_1294 = arith.constant 0 : i32
          %scatter3A_1295 = arith.constant 0 : i32
          %scatter3A_1296 = tpu.memref_slice %arg9[%rem3A_276, %scatter3A_1294, %scatter3A_1295] : memref<4x128x128xf32, #tpu.memory_space<vmem>> -> memref<1x128x128xf32, #tpu.memory_space<vmem>>
          %scatter3A_1297 = tpu.memref_squeeze %scatter3A_1296 : memref<1x128x128xf32, #tpu.memory_space<vmem>> -> memref<128x128xf32, #tpu.memory_space<vmem>>
          tpu.vector_store_idx %scatter3A_1297[%add3A_770, %broadcast_in_dim3A_1293], %broadcast_in_dim3A_3 masked %eq3A_766 : memref<128x128xf32, #tpu.memory_space<vmem>>[vector<16xi32>, vector<16xi32>], vector<16xf32>, vector<16xi1>
          %broadcast_in_dim3A_1298 = arith.constant 88 : i32
          %broadcast_in_dim3A_1299 = vector.broadcast %broadcast_in_dim3A_1298 : i32 to vector<16xi32>
          %scatter3A_1300 = arith.constant 0 : i32
          %scatter3A_1301 = arith.constant 0 : i32
          %scatter3A_1302 = tpu.memref_slice %arg9[%rem3A_276, %scatter3A_1300, %scatter3A_1301] : memref<4x128x128xf32, #tpu.memory_space<vmem>> -> memref<1x128x128xf32, #tpu.memory_space<vmem>>
          %scatter3A_1303 = tpu.memref_squeeze %scatter3A_1302 : memref<1x128x128xf32, #tpu.memory_space<vmem>> -> memref<128x128xf32, #tpu.memory_space<vmem>>
          tpu.vector_store_idx %scatter3A_1303[%add3A_770, %broadcast_in_dim3A_1299], %broadcast_in_dim3A_3 masked %eq3A_766 : memref<128x128xf32, #tpu.memory_space<vmem>>[vector<16xi32>, vector<16xi32>], vector<16xf32>, vector<16xi1>
          %broadcast_in_dim3A_1304 = arith.constant 89 : i32
          %broadcast_in_dim3A_1305 = vector.broadcast %broadcast_in_dim3A_1304 : i32 to vector<16xi32>
          %scatter3A_1306 = arith.constant 0 : i32
          %scatter3A_1307 = arith.constant 0 : i32
          %scatter3A_1308 = tpu.memref_slice %arg9[%rem3A_276, %scatter3A_1306, %scatter3A_1307] : memref<4x128x128xf32, #tpu.memory_space<vmem>> -> memref<1x128x128xf32, #tpu.memory_space<vmem>>
          %scatter3A_1309 = tpu.memref_squeeze %scatter3A_1308 : memref<1x128x128xf32, #tpu.memory_space<vmem>> -> memref<128x128xf32, #tpu.memory_space<vmem>>
          tpu.vector_store_idx %scatter3A_1309[%add3A_770, %broadcast_in_dim3A_1305], %broadcast_in_dim3A_3 masked %eq3A_766 : memref<128x128xf32, #tpu.memory_space<vmem>>[vector<16xi32>, vector<16xi32>], vector<16xf32>, vector<16xi1>
          %broadcast_in_dim3A_1310 = arith.constant 90 : i32
          %broadcast_in_dim3A_1311 = vector.broadcast %broadcast_in_dim3A_1310 : i32 to vector<16xi32>
          %scatter3A_1312 = arith.constant 0 : i32
          %scatter3A_1313 = arith.constant 0 : i32
          %scatter3A_1314 = tpu.memref_slice %arg9[%rem3A_276, %scatter3A_1312, %scatter3A_1313] : memref<4x128x128xf32, #tpu.memory_space<vmem>> -> memref<1x128x128xf32, #tpu.memory_space<vmem>>
          %scatter3A_1315 = tpu.memref_squeeze %scatter3A_1314 : memref<1x128x128xf32, #tpu.memory_space<vmem>> -> memref<128x128xf32, #tpu.memory_space<vmem>>
          tpu.vector_store_idx %scatter3A_1315[%add3A_770, %broadcast_in_dim3A_1311], %broadcast_in_dim3A_3 masked %eq3A_766 : memref<128x128xf32, #tpu.memory_space<vmem>>[vector<16xi32>, vector<16xi32>], vector<16xf32>, vector<16xi1>
          %broadcast_in_dim3A_1316 = arith.constant 91 : i32
          %broadcast_in_dim3A_1317 = vector.broadcast %broadcast_in_dim3A_1316 : i32 to vector<16xi32>
          %scatter3A_1318 = arith.constant 0 : i32
          %scatter3A_1319 = arith.constant 0 : i32
          %scatter3A_1320 = tpu.memref_slice %arg9[%rem3A_276, %scatter3A_1318, %scatter3A_1319] : memref<4x128x128xf32, #tpu.memory_space<vmem>> -> memref<1x128x128xf32, #tpu.memory_space<vmem>>
          %scatter3A_1321 = tpu.memref_squeeze %scatter3A_1320 : memref<1x128x128xf32, #tpu.memory_space<vmem>> -> memref<128x128xf32, #tpu.memory_space<vmem>>
          tpu.vector_store_idx %scatter3A_1321[%add3A_770, %broadcast_in_dim3A_1317], %broadcast_in_dim3A_3 masked %eq3A_766 : memref<128x128xf32, #tpu.memory_space<vmem>>[vector<16xi32>, vector<16xi32>], vector<16xf32>, vector<16xi1>
          %broadcast_in_dim3A_1322 = arith.constant 92 : i32
          %broadcast_in_dim3A_1323 = vector.broadcast %broadcast_in_dim3A_1322 : i32 to vector<16xi32>
          %scatter3A_1324 = arith.constant 0 : i32
          %scatter3A_1325 = arith.constant 0 : i32
          %scatter3A_1326 = tpu.memref_slice %arg9[%rem3A_276, %scatter3A_1324, %scatter3A_1325] : memref<4x128x128xf32, #tpu.memory_space<vmem>> -> memref<1x128x128xf32, #tpu.memory_space<vmem>>
          %scatter3A_1327 = tpu.memref_squeeze %scatter3A_1326 : memref<1x128x128xf32, #tpu.memory_space<vmem>> -> memref<128x128xf32, #tpu.memory_space<vmem>>
          tpu.vector_store_idx %scatter3A_1327[%add3A_770, %broadcast_in_dim3A_1323], %broadcast_in_dim3A_3 masked %eq3A_766 : memref<128x128xf32, #tpu.memory_space<vmem>>[vector<16xi32>, vector<16xi32>], vector<16xf32>, vector<16xi1>
          %broadcast_in_dim3A_1328 = arith.constant 93 : i32
          %broadcast_in_dim3A_1329 = vector.broadcast %broadcast_in_dim3A_1328 : i32 to vector<16xi32>
          %scatter3A_1330 = arith.constant 0 : i32
          %scatter3A_1331 = arith.constant 0 : i32
          %scatter3A_1332 = tpu.memref_slice %arg9[%rem3A_276, %scatter3A_1330, %scatter3A_1331] : memref<4x128x128xf32, #tpu.memory_space<vmem>> -> memref<1x128x128xf32, #tpu.memory_space<vmem>>
          %scatter3A_1333 = tpu.memref_squeeze %scatter3A_1332 : memref<1x128x128xf32, #tpu.memory_space<vmem>> -> memref<128x128xf32, #tpu.memory_space<vmem>>
          tpu.vector_store_idx %scatter3A_1333[%add3A_770, %broadcast_in_dim3A_1329], %broadcast_in_dim3A_3 masked %eq3A_766 : memref<128x128xf32, #tpu.memory_space<vmem>>[vector<16xi32>, vector<16xi32>], vector<16xf32>, vector<16xi1>
          %broadcast_in_dim3A_1334 = arith.constant 94 : i32
          %broadcast_in_dim3A_1335 = vector.broadcast %broadcast_in_dim3A_1334 : i32 to vector<16xi32>
          %scatter3A_1336 = arith.constant 0 : i32
          %scatter3A_1337 = arith.constant 0 : i32
          %scatter3A_1338 = tpu.memref_slice %arg9[%rem3A_276, %scatter3A_1336, %scatter3A_1337] : memref<4x128x128xf32, #tpu.memory_space<vmem>> -> memref<1x128x128xf32, #tpu.memory_space<vmem>>
          %scatter3A_1339 = tpu.memref_squeeze %scatter3A_1338 : memref<1x128x128xf32, #tpu.memory_space<vmem>> -> memref<128x128xf32, #tpu.memory_space<vmem>>
          tpu.vector_store_idx %scatter3A_1339[%add3A_770, %broadcast_in_dim3A_1335], %broadcast_in_dim3A_3 masked %eq3A_766 : memref<128x128xf32, #tpu.memory_space<vmem>>[vector<16xi32>, vector<16xi32>], vector<16xf32>, vector<16xi1>
          %broadcast_in_dim3A_1340 = arith.constant 95 : i32
          %broadcast_in_dim3A_1341 = vector.broadcast %broadcast_in_dim3A_1340 : i32 to vector<16xi32>
          %scatter3A_1342 = arith.constant 0 : i32
          %scatter3A_1343 = arith.constant 0 : i32
          %scatter3A_1344 = tpu.memref_slice %arg9[%rem3A_276, %scatter3A_1342, %scatter3A_1343] : memref<4x128x128xf32, #tpu.memory_space<vmem>> -> memref<1x128x128xf32, #tpu.memory_space<vmem>>
          %scatter3A_1345 = tpu.memref_squeeze %scatter3A_1344 : memref<1x128x128xf32, #tpu.memory_space<vmem>> -> memref<128x128xf32, #tpu.memory_space<vmem>>
          tpu.vector_store_idx %scatter3A_1345[%add3A_770, %broadcast_in_dim3A_1341], %broadcast_in_dim3A_3 masked %eq3A_766 : memref<128x128xf32, #tpu.memory_space<vmem>>[vector<16xi32>, vector<16xi32>], vector<16xf32>, vector<16xi1>
          %broadcast_in_dim3A_1346 = arith.constant 96 : i32
          %broadcast_in_dim3A_1347 = vector.broadcast %broadcast_in_dim3A_1346 : i32 to vector<16xi32>
          %scatter3A_1348 = arith.constant 0 : i32
          %scatter3A_1349 = arith.constant 0 : i32
          %scatter3A_1350 = tpu.memref_slice %arg9[%rem3A_276, %scatter3A_1348, %scatter3A_1349] : memref<4x128x128xf32, #tpu.memory_space<vmem>> -> memref<1x128x128xf32, #tpu.memory_space<vmem>>
          %scatter3A_1351 = tpu.memref_squeeze %scatter3A_1350 : memref<1x128x128xf32, #tpu.memory_space<vmem>> -> memref<128x128xf32, #tpu.memory_space<vmem>>
          tpu.vector_store_idx %scatter3A_1351[%add3A_770, %broadcast_in_dim3A_1347], %broadcast_in_dim3A_3 masked %eq3A_766 : memref<128x128xf32, #tpu.memory_space<vmem>>[vector<16xi32>, vector<16xi32>], vector<16xf32>, vector<16xi1>
          %broadcast_in_dim3A_1352 = arith.constant 97 : i32
          %broadcast_in_dim3A_1353 = vector.broadcast %broadcast_in_dim3A_1352 : i32 to vector<16xi32>
          %scatter3A_1354 = arith.constant 0 : i32
          %scatter3A_1355 = arith.constant 0 : i32
          %scatter3A_1356 = tpu.memref_slice %arg9[%rem3A_276, %scatter3A_1354, %scatter3A_1355] : memref<4x128x128xf32, #tpu.memory_space<vmem>> -> memref<1x128x128xf32, #tpu.memory_space<vmem>>
          %scatter3A_1357 = tpu.memref_squeeze %scatter3A_1356 : memref<1x128x128xf32, #tpu.memory_space<vmem>> -> memref<128x128xf32, #tpu.memory_space<vmem>>
          tpu.vector_store_idx %scatter3A_1357[%add3A_770, %broadcast_in_dim3A_1353], %broadcast_in_dim3A_3 masked %eq3A_766 : memref<128x128xf32, #tpu.memory_space<vmem>>[vector<16xi32>, vector<16xi32>], vector<16xf32>, vector<16xi1>
          %broadcast_in_dim3A_1358 = arith.constant 98 : i32
          %broadcast_in_dim3A_1359 = vector.broadcast %broadcast_in_dim3A_1358 : i32 to vector<16xi32>
          %scatter3A_1360 = arith.constant 0 : i32
          %scatter3A_1361 = arith.constant 0 : i32
          %scatter3A_1362 = tpu.memref_slice %arg9[%rem3A_276, %scatter3A_1360, %scatter3A_1361] : memref<4x128x128xf32, #tpu.memory_space<vmem>> -> memref<1x128x128xf32, #tpu.memory_space<vmem>>
          %scatter3A_1363 = tpu.memref_squeeze %scatter3A_1362 : memref<1x128x128xf32, #tpu.memory_space<vmem>> -> memref<128x128xf32, #tpu.memory_space<vmem>>
          tpu.vector_store_idx %scatter3A_1363[%add3A_770, %broadcast_in_dim3A_1359], %broadcast_in_dim3A_3 masked %eq3A_766 : memref<128x128xf32, #tpu.memory_space<vmem>>[vector<16xi32>, vector<16xi32>], vector<16xf32>, vector<16xi1>
          %broadcast_in_dim3A_1364 = arith.constant 99 : i32
          %broadcast_in_dim3A_1365 = vector.broadcast %broadcast_in_dim3A_1364 : i32 to vector<16xi32>
          %scatter3A_1366 = arith.constant 0 : i32
          %scatter3A_1367 = arith.constant 0 : i32
          %scatter3A_1368 = tpu.memref_slice %arg9[%rem3A_276, %scatter3A_1366, %scatter3A_1367] : memref<4x128x128xf32, #tpu.memory_space<vmem>> -> memref<1x128x128xf32, #tpu.memory_space<vmem>>
          %scatter3A_1369 = tpu.memref_squeeze %scatter3A_1368 : memref<1x128x128xf32, #tpu.memory_space<vmem>> -> memref<128x128xf32, #tpu.memory_space<vmem>>
          tpu.vector_store_idx %scatter3A_1369[%add3A_770, %broadcast_in_dim3A_1365], %broadcast_in_dim3A_3 masked %eq3A_766 : memref<128x128xf32, #tpu.memory_space<vmem>>[vector<16xi32>, vector<16xi32>], vector<16xf32>, vector<16xi1>
          %broadcast_in_dim3A_1370 = arith.constant 100 : i32
          %broadcast_in_dim3A_1371 = vector.broadcast %broadcast_in_dim3A_1370 : i32 to vector<16xi32>
          %scatter3A_1372 = arith.constant 0 : i32
          %scatter3A_1373 = arith.constant 0 : i32
          %scatter3A_1374 = tpu.memref_slice %arg9[%rem3A_276, %scatter3A_1372, %scatter3A_1373] : memref<4x128x128xf32, #tpu.memory_space<vmem>> -> memref<1x128x128xf32, #tpu.memory_space<vmem>>
          %scatter3A_1375 = tpu.memref_squeeze %scatter3A_1374 : memref<1x128x128xf32, #tpu.memory_space<vmem>> -> memref<128x128xf32, #tpu.memory_space<vmem>>
          tpu.vector_store_idx %scatter3A_1375[%add3A_770, %broadcast_in_dim3A_1371], %broadcast_in_dim3A_3 masked %eq3A_766 : memref<128x128xf32, #tpu.memory_space<vmem>>[vector<16xi32>, vector<16xi32>], vector<16xf32>, vector<16xi1>
          %broadcast_in_dim3A_1376 = arith.constant 101 : i32
          %broadcast_in_dim3A_1377 = vector.broadcast %broadcast_in_dim3A_1376 : i32 to vector<16xi32>
          %scatter3A_1378 = arith.constant 0 : i32
          %scatter3A_1379 = arith.constant 0 : i32
          %scatter3A_1380 = tpu.memref_slice %arg9[%rem3A_276, %scatter3A_1378, %scatter3A_1379] : memref<4x128x128xf32, #tpu.memory_space<vmem>> -> memref<1x128x128xf32, #tpu.memory_space<vmem>>
          %scatter3A_1381 = tpu.memref_squeeze %scatter3A_1380 : memref<1x128x128xf32, #tpu.memory_space<vmem>> -> memref<128x128xf32, #tpu.memory_space<vmem>>
          tpu.vector_store_idx %scatter3A_1381[%add3A_770, %broadcast_in_dim3A_1377], %broadcast_in_dim3A_3 masked %eq3A_766 : memref<128x128xf32, #tpu.memory_space<vmem>>[vector<16xi32>, vector<16xi32>], vector<16xf32>, vector<16xi1>
          %broadcast_in_dim3A_1382 = arith.constant 102 : i32
          %broadcast_in_dim3A_1383 = vector.broadcast %broadcast_in_dim3A_1382 : i32 to vector<16xi32>
          %scatter3A_1384 = arith.constant 0 : i32
          %scatter3A_1385 = arith.constant 0 : i32
          %scatter3A_1386 = tpu.memref_slice %arg9[%rem3A_276, %scatter3A_1384, %scatter3A_1385] : memref<4x128x128xf32, #tpu.memory_space<vmem>> -> memref<1x128x128xf32, #tpu.memory_space<vmem>>
          %scatter3A_1387 = tpu.memref_squeeze %scatter3A_1386 : memref<1x128x128xf32, #tpu.memory_space<vmem>> -> memref<128x128xf32, #tpu.memory_space<vmem>>
          tpu.vector_store_idx %scatter3A_1387[%add3A_770, %broadcast_in_dim3A_1383], %broadcast_in_dim3A_3 masked %eq3A_766 : memref<128x128xf32, #tpu.memory_space<vmem>>[vector<16xi32>, vector<16xi32>], vector<16xf32>, vector<16xi1>
          %broadcast_in_dim3A_1388 = arith.constant 103 : i32
          %broadcast_in_dim3A_1389 = vector.broadcast %broadcast_in_dim3A_1388 : i32 to vector<16xi32>
          %scatter3A_1390 = arith.constant 0 : i32
          %scatter3A_1391 = arith.constant 0 : i32
          %scatter3A_1392 = tpu.memref_slice %arg9[%rem3A_276, %scatter3A_1390, %scatter3A_1391] : memref<4x128x128xf32, #tpu.memory_space<vmem>> -> memref<1x128x128xf32, #tpu.memory_space<vmem>>
          %scatter3A_1393 = tpu.memref_squeeze %scatter3A_1392 : memref<1x128x128xf32, #tpu.memory_space<vmem>> -> memref<128x128xf32, #tpu.memory_space<vmem>>
          tpu.vector_store_idx %scatter3A_1393[%add3A_770, %broadcast_in_dim3A_1389], %broadcast_in_dim3A_3 masked %eq3A_766 : memref<128x128xf32, #tpu.memory_space<vmem>>[vector<16xi32>, vector<16xi32>], vector<16xf32>, vector<16xi1>
          %broadcast_in_dim3A_1394 = arith.constant 104 : i32
          %broadcast_in_dim3A_1395 = vector.broadcast %broadcast_in_dim3A_1394 : i32 to vector<16xi32>
          %scatter3A_1396 = arith.constant 0 : i32
          %scatter3A_1397 = arith.constant 0 : i32
          %scatter3A_1398 = tpu.memref_slice %arg9[%rem3A_276, %scatter3A_1396, %scatter3A_1397] : memref<4x128x128xf32, #tpu.memory_space<vmem>> -> memref<1x128x128xf32, #tpu.memory_space<vmem>>
          %scatter3A_1399 = tpu.memref_squeeze %scatter3A_1398 : memref<1x128x128xf32, #tpu.memory_space<vmem>> -> memref<128x128xf32, #tpu.memory_space<vmem>>
          tpu.vector_store_idx %scatter3A_1399[%add3A_770, %broadcast_in_dim3A_1395], %broadcast_in_dim3A_3 masked %eq3A_766 : memref<128x128xf32, #tpu.memory_space<vmem>>[vector<16xi32>, vector<16xi32>], vector<16xf32>, vector<16xi1>
          %broadcast_in_dim3A_1400 = arith.constant 105 : i32
          %broadcast_in_dim3A_1401 = vector.broadcast %broadcast_in_dim3A_1400 : i32 to vector<16xi32>
          %scatter3A_1402 = arith.constant 0 : i32
          %scatter3A_1403 = arith.constant 0 : i32
          %scatter3A_1404 = tpu.memref_slice %arg9[%rem3A_276, %scatter3A_1402, %scatter3A_1403] : memref<4x128x128xf32, #tpu.memory_space<vmem>> -> memref<1x128x128xf32, #tpu.memory_space<vmem>>
          %scatter3A_1405 = tpu.memref_squeeze %scatter3A_1404 : memref<1x128x128xf32, #tpu.memory_space<vmem>> -> memref<128x128xf32, #tpu.memory_space<vmem>>
          tpu.vector_store_idx %scatter3A_1405[%add3A_770, %broadcast_in_dim3A_1401], %broadcast_in_dim3A_3 masked %eq3A_766 : memref<128x128xf32, #tpu.memory_space<vmem>>[vector<16xi32>, vector<16xi32>], vector<16xf32>, vector<16xi1>
          %broadcast_in_dim3A_1406 = arith.constant 106 : i32
          %broadcast_in_dim3A_1407 = vector.broadcast %broadcast_in_dim3A_1406 : i32 to vector<16xi32>
          %scatter3A_1408 = arith.constant 0 : i32
          %scatter3A_1409 = arith.constant 0 : i32
          %scatter3A_1410 = tpu.memref_slice %arg9[%rem3A_276, %scatter3A_1408, %scatter3A_1409] : memref<4x128x128xf32, #tpu.memory_space<vmem>> -> memref<1x128x128xf32, #tpu.memory_space<vmem>>
          %scatter3A_1411 = tpu.memref_squeeze %scatter3A_1410 : memref<1x128x128xf32, #tpu.memory_space<vmem>> -> memref<128x128xf32, #tpu.memory_space<vmem>>
          tpu.vector_store_idx %scatter3A_1411[%add3A_770, %broadcast_in_dim3A_1407], %broadcast_in_dim3A_3 masked %eq3A_766 : memref<128x128xf32, #tpu.memory_space<vmem>>[vector<16xi32>, vector<16xi32>], vector<16xf32>, vector<16xi1>
          %broadcast_in_dim3A_1412 = arith.constant 107 : i32
          %broadcast_in_dim3A_1413 = vector.broadcast %broadcast_in_dim3A_1412 : i32 to vector<16xi32>
          %scatter3A_1414 = arith.constant 0 : i32
          %scatter3A_1415 = arith.constant 0 : i32
          %scatter3A_1416 = tpu.memref_slice %arg9[%rem3A_276, %scatter3A_1414, %scatter3A_1415] : memref<4x128x128xf32, #tpu.memory_space<vmem>> -> memref<1x128x128xf32, #tpu.memory_space<vmem>>
          %scatter3A_1417 = tpu.memref_squeeze %scatter3A_1416 : memref<1x128x128xf32, #tpu.memory_space<vmem>> -> memref<128x128xf32, #tpu.memory_space<vmem>>
          tpu.vector_store_idx %scatter3A_1417[%add3A_770, %broadcast_in_dim3A_1413], %broadcast_in_dim3A_3 masked %eq3A_766 : memref<128x128xf32, #tpu.memory_space<vmem>>[vector<16xi32>, vector<16xi32>], vector<16xf32>, vector<16xi1>
          %broadcast_in_dim3A_1418 = arith.constant 108 : i32
          %broadcast_in_dim3A_1419 = vector.broadcast %broadcast_in_dim3A_1418 : i32 to vector<16xi32>
          %scatter3A_1420 = arith.constant 0 : i32
          %scatter3A_1421 = arith.constant 0 : i32
          %scatter3A_1422 = tpu.memref_slice %arg9[%rem3A_276, %scatter3A_1420, %scatter3A_1421] : memref<4x128x128xf32, #tpu.memory_space<vmem>> -> memref<1x128x128xf32, #tpu.memory_space<vmem>>
          %scatter3A_1423 = tpu.memref_squeeze %scatter3A_1422 : memref<1x128x128xf32, #tpu.memory_space<vmem>> -> memref<128x128xf32, #tpu.memory_space<vmem>>
          tpu.vector_store_idx %scatter3A_1423[%add3A_770, %broadcast_in_dim3A_1419], %broadcast_in_dim3A_3 masked %eq3A_766 : memref<128x128xf32, #tpu.memory_space<vmem>>[vector<16xi32>, vector<16xi32>], vector<16xf32>, vector<16xi1>
          %broadcast_in_dim3A_1424 = arith.constant 109 : i32
          %broadcast_in_dim3A_1425 = vector.broadcast %broadcast_in_dim3A_1424 : i32 to vector<16xi32>
          %scatter3A_1426 = arith.constant 0 : i32
          %scatter3A_1427 = arith.constant 0 : i32
          %scatter3A_1428 = tpu.memref_slice %arg9[%rem3A_276, %scatter3A_1426, %scatter3A_1427] : memref<4x128x128xf32, #tpu.memory_space<vmem>> -> memref<1x128x128xf32, #tpu.memory_space<vmem>>
          %scatter3A_1429 = tpu.memref_squeeze %scatter3A_1428 : memref<1x128x128xf32, #tpu.memory_space<vmem>> -> memref<128x128xf32, #tpu.memory_space<vmem>>
          tpu.vector_store_idx %scatter3A_1429[%add3A_770, %broadcast_in_dim3A_1425], %broadcast_in_dim3A_3 masked %eq3A_766 : memref<128x128xf32, #tpu.memory_space<vmem>>[vector<16xi32>, vector<16xi32>], vector<16xf32>, vector<16xi1>
          %broadcast_in_dim3A_1430 = arith.constant 110 : i32
          %broadcast_in_dim3A_1431 = vector.broadcast %broadcast_in_dim3A_1430 : i32 to vector<16xi32>
          %scatter3A_1432 = arith.constant 0 : i32
          %scatter3A_1433 = arith.constant 0 : i32
          %scatter3A_1434 = tpu.memref_slice %arg9[%rem3A_276, %scatter3A_1432, %scatter3A_1433] : memref<4x128x128xf32, #tpu.memory_space<vmem>> -> memref<1x128x128xf32, #tpu.memory_space<vmem>>
          %scatter3A_1435 = tpu.memref_squeeze %scatter3A_1434 : memref<1x128x128xf32, #tpu.memory_space<vmem>> -> memref<128x128xf32, #tpu.memory_space<vmem>>
          tpu.vector_store_idx %scatter3A_1435[%add3A_770, %broadcast_in_dim3A_1431], %broadcast_in_dim3A_3 masked %eq3A_766 : memref<128x128xf32, #tpu.memory_space<vmem>>[vector<16xi32>, vector<16xi32>], vector<16xf32>, vector<16xi1>
          %broadcast_in_dim3A_1436 = arith.constant 111 : i32
          %broadcast_in_dim3A_1437 = vector.broadcast %broadcast_in_dim3A_1436 : i32 to vector<16xi32>
          %scatter3A_1438 = arith.constant 0 : i32
          %scatter3A_1439 = arith.constant 0 : i32
          %scatter3A_1440 = tpu.memref_slice %arg9[%rem3A_276, %scatter3A_1438, %scatter3A_1439] : memref<4x128x128xf32, #tpu.memory_space<vmem>> -> memref<1x128x128xf32, #tpu.memory_space<vmem>>
          %scatter3A_1441 = tpu.memref_squeeze %scatter3A_1440 : memref<1x128x128xf32, #tpu.memory_space<vmem>> -> memref<128x128xf32, #tpu.memory_space<vmem>>
          tpu.vector_store_idx %scatter3A_1441[%add3A_770, %broadcast_in_dim3A_1437], %broadcast_in_dim3A_3 masked %eq3A_766 : memref<128x128xf32, #tpu.memory_space<vmem>>[vector<16xi32>, vector<16xi32>], vector<16xf32>, vector<16xi1>
          %broadcast_in_dim3A_1442 = arith.constant 112 : i32
          %broadcast_in_dim3A_1443 = vector.broadcast %broadcast_in_dim3A_1442 : i32 to vector<16xi32>
          %scatter3A_1444 = arith.constant 0 : i32
          %scatter3A_1445 = arith.constant 0 : i32
          %scatter3A_1446 = tpu.memref_slice %arg9[%rem3A_276, %scatter3A_1444, %scatter3A_1445] : memref<4x128x128xf32, #tpu.memory_space<vmem>> -> memref<1x128x128xf32, #tpu.memory_space<vmem>>
          %scatter3A_1447 = tpu.memref_squeeze %scatter3A_1446 : memref<1x128x128xf32, #tpu.memory_space<vmem>> -> memref<128x128xf32, #tpu.memory_space<vmem>>
          tpu.vector_store_idx %scatter3A_1447[%add3A_770, %broadcast_in_dim3A_1443], %broadcast_in_dim3A_3 masked %eq3A_766 : memref<128x128xf32, #tpu.memory_space<vmem>>[vector<16xi32>, vector<16xi32>], vector<16xf32>, vector<16xi1>
          %broadcast_in_dim3A_1448 = arith.constant 113 : i32
          %broadcast_in_dim3A_1449 = vector.broadcast %broadcast_in_dim3A_1448 : i32 to vector<16xi32>
          %scatter3A_1450 = arith.constant 0 : i32
          %scatter3A_1451 = arith.constant 0 : i32
          %scatter3A_1452 = tpu.memref_slice %arg9[%rem3A_276, %scatter3A_1450, %scatter3A_1451] : memref<4x128x128xf32, #tpu.memory_space<vmem>> -> memref<1x128x128xf32, #tpu.memory_space<vmem>>
          %scatter3A_1453 = tpu.memref_squeeze %scatter3A_1452 : memref<1x128x128xf32, #tpu.memory_space<vmem>> -> memref<128x128xf32, #tpu.memory_space<vmem>>
          tpu.vector_store_idx %scatter3A_1453[%add3A_770, %broadcast_in_dim3A_1449], %broadcast_in_dim3A_3 masked %eq3A_766 : memref<128x128xf32, #tpu.memory_space<vmem>>[vector<16xi32>, vector<16xi32>], vector<16xf32>, vector<16xi1>
          %broadcast_in_dim3A_1454 = arith.constant 114 : i32
          %broadcast_in_dim3A_1455 = vector.broadcast %broadcast_in_dim3A_1454 : i32 to vector<16xi32>
          %scatter3A_1456 = arith.constant 0 : i32
          %scatter3A_1457 = arith.constant 0 : i32
          %scatter3A_1458 = tpu.memref_slice %arg9[%rem3A_276, %scatter3A_1456, %scatter3A_1457] : memref<4x128x128xf32, #tpu.memory_space<vmem>> -> memref<1x128x128xf32, #tpu.memory_space<vmem>>
          %scatter3A_1459 = tpu.memref_squeeze %scatter3A_1458 : memref<1x128x128xf32, #tpu.memory_space<vmem>> -> memref<128x128xf32, #tpu.memory_space<vmem>>
          tpu.vector_store_idx %scatter3A_1459[%add3A_770, %broadcast_in_dim3A_1455], %broadcast_in_dim3A_3 masked %eq3A_766 : memref<128x128xf32, #tpu.memory_space<vmem>>[vector<16xi32>, vector<16xi32>], vector<16xf32>, vector<16xi1>
          %broadcast_in_dim3A_1460 = arith.constant 115 : i32
          %broadcast_in_dim3A_1461 = vector.broadcast %broadcast_in_dim3A_1460 : i32 to vector<16xi32>
          %scatter3A_1462 = arith.constant 0 : i32
          %scatter3A_1463 = arith.constant 0 : i32
          %scatter3A_1464 = tpu.memref_slice %arg9[%rem3A_276, %scatter3A_1462, %scatter3A_1463] : memref<4x128x128xf32, #tpu.memory_space<vmem>> -> memref<1x128x128xf32, #tpu.memory_space<vmem>>
          %scatter3A_1465 = tpu.memref_squeeze %scatter3A_1464 : memref<1x128x128xf32, #tpu.memory_space<vmem>> -> memref<128x128xf32, #tpu.memory_space<vmem>>
          tpu.vector_store_idx %scatter3A_1465[%add3A_770, %broadcast_in_dim3A_1461], %broadcast_in_dim3A_3 masked %eq3A_766 : memref<128x128xf32, #tpu.memory_space<vmem>>[vector<16xi32>, vector<16xi32>], vector<16xf32>, vector<16xi1>
          %broadcast_in_dim3A_1466 = arith.constant 116 : i32
          %broadcast_in_dim3A_1467 = vector.broadcast %broadcast_in_dim3A_1466 : i32 to vector<16xi32>
          %scatter3A_1468 = arith.constant 0 : i32
          %scatter3A_1469 = arith.constant 0 : i32
          %scatter3A_1470 = tpu.memref_slice %arg9[%rem3A_276, %scatter3A_1468, %scatter3A_1469] : memref<4x128x128xf32, #tpu.memory_space<vmem>> -> memref<1x128x128xf32, #tpu.memory_space<vmem>>
          %scatter3A_1471 = tpu.memref_squeeze %scatter3A_1470 : memref<1x128x128xf32, #tpu.memory_space<vmem>> -> memref<128x128xf32, #tpu.memory_space<vmem>>
          tpu.vector_store_idx %scatter3A_1471[%add3A_770, %broadcast_in_dim3A_1467], %broadcast_in_dim3A_3 masked %eq3A_766 : memref<128x128xf32, #tpu.memory_space<vmem>>[vector<16xi32>, vector<16xi32>], vector<16xf32>, vector<16xi1>
          %broadcast_in_dim3A_1472 = arith.constant 117 : i32
          %broadcast_in_dim3A_1473 = vector.broadcast %broadcast_in_dim3A_1472 : i32 to vector<16xi32>
          %scatter3A_1474 = arith.constant 0 : i32
          %scatter3A_1475 = arith.constant 0 : i32
          %scatter3A_1476 = tpu.memref_slice %arg9[%rem3A_276, %scatter3A_1474, %scatter3A_1475] : memref<4x128x128xf32, #tpu.memory_space<vmem>> -> memref<1x128x128xf32, #tpu.memory_space<vmem>>
          %scatter3A_1477 = tpu.memref_squeeze %scatter3A_1476 : memref<1x128x128xf32, #tpu.memory_space<vmem>> -> memref<128x128xf32, #tpu.memory_space<vmem>>
          tpu.vector_store_idx %scatter3A_1477[%add3A_770, %broadcast_in_dim3A_1473], %broadcast_in_dim3A_3 masked %eq3A_766 : memref<128x128xf32, #tpu.memory_space<vmem>>[vector<16xi32>, vector<16xi32>], vector<16xf32>, vector<16xi1>
          %broadcast_in_dim3A_1478 = arith.constant 118 : i32
          %broadcast_in_dim3A_1479 = vector.broadcast %broadcast_in_dim3A_1478 : i32 to vector<16xi32>
          %scatter3A_1480 = arith.constant 0 : i32
          %scatter3A_1481 = arith.constant 0 : i32
          %scatter3A_1482 = tpu.memref_slice %arg9[%rem3A_276, %scatter3A_1480, %scatter3A_1481] : memref<4x128x128xf32, #tpu.memory_space<vmem>> -> memref<1x128x128xf32, #tpu.memory_space<vmem>>
          %scatter3A_1483 = tpu.memref_squeeze %scatter3A_1482 : memref<1x128x128xf32, #tpu.memory_space<vmem>> -> memref<128x128xf32, #tpu.memory_space<vmem>>
          tpu.vector_store_idx %scatter3A_1483[%add3A_770, %broadcast_in_dim3A_1479], %broadcast_in_dim3A_3 masked %eq3A_766 : memref<128x128xf32, #tpu.memory_space<vmem>>[vector<16xi32>, vector<16xi32>], vector<16xf32>, vector<16xi1>
          %broadcast_in_dim3A_1484 = arith.constant 119 : i32
          %broadcast_in_dim3A_1485 = vector.broadcast %broadcast_in_dim3A_1484 : i32 to vector<16xi32>
          %scatter3A_1486 = arith.constant 0 : i32
          %scatter3A_1487 = arith.constant 0 : i32
          %scatter3A_1488 = tpu.memref_slice %arg9[%rem3A_276, %scatter3A_1486, %scatter3A_1487] : memref<4x128x128xf32, #tpu.memory_space<vmem>> -> memref<1x128x128xf32, #tpu.memory_space<vmem>>
          %scatter3A_1489 = tpu.memref_squeeze %scatter3A_1488 : memref<1x128x128xf32, #tpu.memory_space<vmem>> -> memref<128x128xf32, #tpu.memory_space<vmem>>
          tpu.vector_store_idx %scatter3A_1489[%add3A_770, %broadcast_in_dim3A_1485], %broadcast_in_dim3A_3 masked %eq3A_766 : memref<128x128xf32, #tpu.memory_space<vmem>>[vector<16xi32>, vector<16xi32>], vector<16xf32>, vector<16xi1>
          %broadcast_in_dim3A_1490 = arith.constant 120 : i32
          %broadcast_in_dim3A_1491 = vector.broadcast %broadcast_in_dim3A_1490 : i32 to vector<16xi32>
          %scatter3A_1492 = arith.constant 0 : i32
          %scatter3A_1493 = arith.constant 0 : i32
          %scatter3A_1494 = tpu.memref_slice %arg9[%rem3A_276, %scatter3A_1492, %scatter3A_1493] : memref<4x128x128xf32, #tpu.memory_space<vmem>> -> memref<1x128x128xf32, #tpu.memory_space<vmem>>
          %scatter3A_1495 = tpu.memref_squeeze %scatter3A_1494 : memref<1x128x128xf32, #tpu.memory_space<vmem>> -> memref<128x128xf32, #tpu.memory_space<vmem>>
          tpu.vector_store_idx %scatter3A_1495[%add3A_770, %broadcast_in_dim3A_1491], %broadcast_in_dim3A_3 masked %eq3A_766 : memref<128x128xf32, #tpu.memory_space<vmem>>[vector<16xi32>, vector<16xi32>], vector<16xf32>, vector<16xi1>
          %broadcast_in_dim3A_1496 = arith.constant 121 : i32
          %broadcast_in_dim3A_1497 = vector.broadcast %broadcast_in_dim3A_1496 : i32 to vector<16xi32>
          %scatter3A_1498 = arith.constant 0 : i32
          %scatter3A_1499 = arith.constant 0 : i32
          %scatter3A_1500 = tpu.memref_slice %arg9[%rem3A_276, %scatter3A_1498, %scatter3A_1499] : memref<4x128x128xf32, #tpu.memory_space<vmem>> -> memref<1x128x128xf32, #tpu.memory_space<vmem>>
          %scatter3A_1501 = tpu.memref_squeeze %scatter3A_1500 : memref<1x128x128xf32, #tpu.memory_space<vmem>> -> memref<128x128xf32, #tpu.memory_space<vmem>>
          tpu.vector_store_idx %scatter3A_1501[%add3A_770, %broadcast_in_dim3A_1497], %broadcast_in_dim3A_3 masked %eq3A_766 : memref<128x128xf32, #tpu.memory_space<vmem>>[vector<16xi32>, vector<16xi32>], vector<16xf32>, vector<16xi1>
          %broadcast_in_dim3A_1502 = arith.constant 122 : i32
          %broadcast_in_dim3A_1503 = vector.broadcast %broadcast_in_dim3A_1502 : i32 to vector<16xi32>
          %scatter3A_1504 = arith.constant 0 : i32
          %scatter3A_1505 = arith.constant 0 : i32
          %scatter3A_1506 = tpu.memref_slice %arg9[%rem3A_276, %scatter3A_1504, %scatter3A_1505] : memref<4x128x128xf32, #tpu.memory_space<vmem>> -> memref<1x128x128xf32, #tpu.memory_space<vmem>>
          %scatter3A_1507 = tpu.memref_squeeze %scatter3A_1506 : memref<1x128x128xf32, #tpu.memory_space<vmem>> -> memref<128x128xf32, #tpu.memory_space<vmem>>
          tpu.vector_store_idx %scatter3A_1507[%add3A_770, %broadcast_in_dim3A_1503], %broadcast_in_dim3A_3 masked %eq3A_766 : memref<128x128xf32, #tpu.memory_space<vmem>>[vector<16xi32>, vector<16xi32>], vector<16xf32>, vector<16xi1>
          %broadcast_in_dim3A_1508 = arith.constant 123 : i32
          %broadcast_in_dim3A_1509 = vector.broadcast %broadcast_in_dim3A_1508 : i32 to vector<16xi32>
          %scatter3A_1510 = arith.constant 0 : i32
          %scatter3A_1511 = arith.constant 0 : i32
          %scatter3A_1512 = tpu.memref_slice %arg9[%rem3A_276, %scatter3A_1510, %scatter3A_1511] : memref<4x128x128xf32, #tpu.memory_space<vmem>> -> memref<1x128x128xf32, #tpu.memory_space<vmem>>
          %scatter3A_1513 = tpu.memref_squeeze %scatter3A_1512 : memref<1x128x128xf32, #tpu.memory_space<vmem>> -> memref<128x128xf32, #tpu.memory_space<vmem>>
          tpu.vector_store_idx %scatter3A_1513[%add3A_770, %broadcast_in_dim3A_1509], %broadcast_in_dim3A_3 masked %eq3A_766 : memref<128x128xf32, #tpu.memory_space<vmem>>[vector<16xi32>, vector<16xi32>], vector<16xf32>, vector<16xi1>
          %broadcast_in_dim3A_1514 = arith.constant 124 : i32
          %broadcast_in_dim3A_1515 = vector.broadcast %broadcast_in_dim3A_1514 : i32 to vector<16xi32>
          %scatter3A_1516 = arith.constant 0 : i32
          %scatter3A_1517 = arith.constant 0 : i32
          %scatter3A_1518 = tpu.memref_slice %arg9[%rem3A_276, %scatter3A_1516, %scatter3A_1517] : memref<4x128x128xf32, #tpu.memory_space<vmem>> -> memref<1x128x128xf32, #tpu.memory_space<vmem>>
          %scatter3A_1519 = tpu.memref_squeeze %scatter3A_1518 : memref<1x128x128xf32, #tpu.memory_space<vmem>> -> memref<128x128xf32, #tpu.memory_space<vmem>>
          tpu.vector_store_idx %scatter3A_1519[%add3A_770, %broadcast_in_dim3A_1515], %broadcast_in_dim3A_3 masked %eq3A_766 : memref<128x128xf32, #tpu.memory_space<vmem>>[vector<16xi32>, vector<16xi32>], vector<16xf32>, vector<16xi1>
          %broadcast_in_dim3A_1520 = arith.constant 125 : i32
          %broadcast_in_dim3A_1521 = vector.broadcast %broadcast_in_dim3A_1520 : i32 to vector<16xi32>
          %scatter3A_1522 = arith.constant 0 : i32
          %scatter3A_1523 = arith.constant 0 : i32
          %scatter3A_1524 = tpu.memref_slice %arg9[%rem3A_276, %scatter3A_1522, %scatter3A_1523] : memref<4x128x128xf32, #tpu.memory_space<vmem>> -> memref<1x128x128xf32, #tpu.memory_space<vmem>>
          %scatter3A_1525 = tpu.memref_squeeze %scatter3A_1524 : memref<1x128x128xf32, #tpu.memory_space<vmem>> -> memref<128x128xf32, #tpu.memory_space<vmem>>
          tpu.vector_store_idx %scatter3A_1525[%add3A_770, %broadcast_in_dim3A_1521], %broadcast_in_dim3A_3 masked %eq3A_766 : memref<128x128xf32, #tpu.memory_space<vmem>>[vector<16xi32>, vector<16xi32>], vector<16xf32>, vector<16xi1>
          %broadcast_in_dim3A_1526 = arith.constant 126 : i32
          %broadcast_in_dim3A_1527 = vector.broadcast %broadcast_in_dim3A_1526 : i32 to vector<16xi32>
          %scatter3A_1528 = arith.constant 0 : i32
          %scatter3A_1529 = arith.constant 0 : i32
          %scatter3A_1530 = tpu.memref_slice %arg9[%rem3A_276, %scatter3A_1528, %scatter3A_1529] : memref<4x128x128xf32, #tpu.memory_space<vmem>> -> memref<1x128x128xf32, #tpu.memory_space<vmem>>
          %scatter3A_1531 = tpu.memref_squeeze %scatter3A_1530 : memref<1x128x128xf32, #tpu.memory_space<vmem>> -> memref<128x128xf32, #tpu.memory_space<vmem>>
          tpu.vector_store_idx %scatter3A_1531[%add3A_770, %broadcast_in_dim3A_1527], %broadcast_in_dim3A_3 masked %eq3A_766 : memref<128x128xf32, #tpu.memory_space<vmem>>[vector<16xi32>, vector<16xi32>], vector<16xf32>, vector<16xi1>
          %broadcast_in_dim3A_1532 = arith.constant 127 : i32
          %broadcast_in_dim3A_1533 = vector.broadcast %broadcast_in_dim3A_1532 : i32 to vector<16xi32>
          %scatter3A_1534 = arith.constant 0 : i32
          %scatter3A_1535 = arith.constant 0 : i32
          %scatter3A_1536 = tpu.memref_slice %arg9[%rem3A_276, %scatter3A_1534, %scatter3A_1535] : memref<4x128x128xf32, #tpu.memory_space<vmem>> -> memref<1x128x128xf32, #tpu.memory_space<vmem>>
          %scatter3A_1537 = tpu.memref_squeeze %scatter3A_1536 : memref<1x128x128xf32, #tpu.memory_space<vmem>> -> memref<128x128xf32, #tpu.memory_space<vmem>>
          tpu.vector_store_idx %scatter3A_1537[%add3A_770, %broadcast_in_dim3A_1533], %broadcast_in_dim3A_3 masked %eq3A_766 : memref<128x128xf32, #tpu.memory_space<vmem>>[vector<16xi32>, vector<16xi32>], vector<16xf32>, vector<16xi1>
        }
        %scan3A_757 = arith.constant 8 : i32
      } else {
      }
      %scan3A_359 = arith.constant 0 : i32
      %scan3A_360 = arith.constant 8 : i32
      %scan3A_361 = arith.addi %scan3A_359, %scan3A_360 : i32
      %scan3A_362 = arith.constant 1 : i32
      scf.for %scan3A_753 = %scan3A_359 to %scan3A_361 step %scan3A_362  : i32 {
        %mul3A_754 = arith.constant 16 : i32
        %mul3A_755 = arith.muli %scan3A_753, %mul3A_754 : i32
        %add3A_756 = vector.broadcast %mul3A_755 : i32 to vector<16xi32>
        %add3A_757 = arith.addi %add3A_756, %iota3A : vector<16xi32>
        %mul3A_758 = arith.constant 16 : i32
        %mul3A_759 = arith.muli %scan3A_753, %mul3A_758 : i32
        %get3A_760 = arith.index_cast %scan3A_274 : i32 to index
        %get3A_761 = arith.index_cast %mul3A_759 : i32 to index
        %get3A_762 = tpu.vector_load %arg8[%get3A_760, %get3A_761] {strides = array<i32>} : memref<56x128xi32, #tpu.memory_space<vmem>>, vector<16xi32>,
        %add3A_763 = arith.constant 0 : i32
        %add3A_764 = vector.broadcast %add3A_763 : i32 to vector<16xi32>
        %add3A_765 = arith.addi %add3A_764, %rem3A_8 : vector<16xi32>
        %add3A_766 = arith.addi %get3A_762, %add3A_765 : vector<16xi32>
        %gather3A = arith.constant 0 : i32
        %gather3A_767 = arith.constant 0 : i32
        %gather3A_768 = tpu.memref_slice %arg9[%rem3A_276, %gather3A, %gather3A_767] : memref<4x128x128xf32, #tpu.memory_space<vmem>> -> memref<1x128x128xf32, #tpu.memory_space<vmem>>
        %gather3A_769 = tpu.memref_squeeze %gather3A_768 : memref<1x128x128xf32, #tpu.memory_space<vmem>> -> memref<128x128xf32, #tpu.memory_space<vmem>>
        %gather3A_770 = tpu.vector_load_idx %gather3A_769[%add3A_757, %add3A_766] : memref<128x128xf32, #tpu.memory_space<vmem>>[vector<16xi32>, vector<16xi32>], vector<16xf32>,
        %scatter3A = arith.constant 0 : i32
        %scatter3A_771 = arith.constant 0 : i32
        %scatter3A_772 = tpu.memref_slice %arg10[%rem3A_276, %scatter3A, %scatter3A_771] : memref<4x64x128xf32, #tpu.memory_space<vmem>> -> memref<1x64x128xf32, #tpu.memory_space<vmem>>
        %scatter3A_773 = tpu.memref_squeeze %scatter3A_772 : memref<1x64x128xf32, #tpu.memory_space<vmem>> -> memref<64x128xf32, #tpu.memory_space<vmem>>
        tpu.vector_store_idx %scatter3A_773[%add3A_765, %add3A_757], %gather3A_770 : memref<64x128xf32, #tpu.memory_space<vmem>>[vector<16xi32>, vector<16xi32>], vector<16xf32>,
        %add3A_774 = arith.constant 16 : i32
        %add3A_775 = vector.broadcast %add3A_774 : i32 to vector<16xi32>
        %add3A_776 = arith.addi %add3A_775, %rem3A_8 : vector<16xi32>
        %add3A_777 = arith.addi %get3A_762, %add3A_776 : vector<16xi32>
        %gather3A_778 = arith.constant 0 : i32
        %gather3A_779 = arith.constant 0 : i32
        %gather3A_780 = tpu.memref_slice %arg9[%rem3A_276, %gather3A_778, %gather3A_779] : memref<4x128x128xf32, #tpu.memory_space<vmem>> -> memref<1x128x128xf32, #tpu.memory_space<vmem>>
        %gather3A_781 = tpu.memref_squeeze %gather3A_780 : memref<1x128x128xf32, #tpu.memory_space<vmem>> -> memref<128x128xf32, #tpu.memory_space<vmem>>
        %gather3A_782 = tpu.vector_load_idx %gather3A_781[%add3A_757, %add3A_777] : memref<128x128xf32, #tpu.memory_space<vmem>>[vector<16xi32>, vector<16xi32>], vector<16xf32>,
        %scatter3A_783 = arith.constant 0 : i32
        %scatter3A_784 = arith.constant 0 : i32
        %scatter3A_785 = tpu.memref_slice %arg10[%rem3A_276, %scatter3A_783, %scatter3A_784] : memref<4x64x128xf32, #tpu.memory_space<vmem>> -> memref<1x64x128xf32, #tpu.memory_space<vmem>>
        %scatter3A_786 = tpu.memref_squeeze %scatter3A_785 : memref<1x64x128xf32, #tpu.memory_space<vmem>> -> memref<64x128xf32, #tpu.memory_space<vmem>>
        tpu.vector_store_idx %scatter3A_786[%add3A_776, %add3A_757], %gather3A_782 : memref<64x128xf32, #tpu.memory_space<vmem>>[vector<16xi32>, vector<16xi32>], vector<16xf32>,
        %add3A_787 = arith.constant 32 : i32
        %add3A_788 = vector.broadcast %add3A_787 : i32 to vector<16xi32>
        %add3A_789 = arith.addi %add3A_788, %rem3A_8 : vector<16xi32>
        %add3A_790 = arith.addi %get3A_762, %add3A_789 : vector<16xi32>
        %gather3A_791 = arith.constant 0 : i32
        %gather3A_792 = arith.constant 0 : i32
        %gather3A_793 = tpu.memref_slice %arg9[%rem3A_276, %gather3A_791, %gather3A_792] : memref<4x128x128xf32, #tpu.memory_space<vmem>> -> memref<1x128x128xf32, #tpu.memory_space<vmem>>
        %gather3A_794 = tpu.memref_squeeze %gather3A_793 : memref<1x128x128xf32, #tpu.memory_space<vmem>> -> memref<128x128xf32, #tpu.memory_space<vmem>>
        %gather3A_795 = tpu.vector_load_idx %gather3A_794[%add3A_757, %add3A_790] : memref<128x128xf32, #tpu.memory_space<vmem>>[vector<16xi32>, vector<16xi32>], vector<16xf32>,
        %scatter3A_796 = arith.constant 0 : i32
        %scatter3A_797 = arith.constant 0 : i32
        %scatter3A_798 = tpu.memref_slice %arg10[%rem3A_276, %scatter3A_796, %scatter3A_797] : memref<4x64x128xf32, #tpu.memory_space<vmem>> -> memref<1x64x128xf32, #tpu.memory_space<vmem>>
        %scatter3A_799 = tpu.memref_squeeze %scatter3A_798 : memref<1x64x128xf32, #tpu.memory_space<vmem>> -> memref<64x128xf32, #tpu.memory_space<vmem>>
        tpu.vector_store_idx %scatter3A_799[%add3A_789, %add3A_757], %gather3A_795 : memref<64x128xf32, #tpu.memory_space<vmem>>[vector<16xi32>, vector<16xi32>], vector<16xf32>,
        %add3A_800 = arith.constant 48 : i32
        %add3A_801 = vector.broadcast %add3A_800 : i32 to vector<16xi32>
        %add3A_802 = arith.addi %add3A_801, %rem3A_8 : vector<16xi32>
        %add3A_803 = arith.addi %get3A_762, %add3A_802 : vector<16xi32>
        %gather3A_804 = arith.constant 0 : i32
        %gather3A_805 = arith.constant 0 : i32
        %gather3A_806 = tpu.memref_slice %arg9[%rem3A_276, %gather3A_804, %gather3A_805] : memref<4x128x128xf32, #tpu.memory_space<vmem>> -> memref<1x128x128xf32, #tpu.memory_space<vmem>>
        %gather3A_807 = tpu.memref_squeeze %gather3A_806 : memref<1x128x128xf32, #tpu.memory_space<vmem>> -> memref<128x128xf32, #tpu.memory_space<vmem>>
        %gather3A_808 = tpu.vector_load_idx %gather3A_807[%add3A_757, %add3A_803] : memref<128x128xf32, #tpu.memory_space<vmem>>[vector<16xi32>, vector<16xi32>], vector<16xf32>,
        %scatter3A_809 = arith.constant 0 : i32
        %scatter3A_810 = arith.constant 0 : i32
        %scatter3A_811 = tpu.memref_slice %arg10[%rem3A_276, %scatter3A_809, %scatter3A_810] : memref<4x64x128xf32, #tpu.memory_space<vmem>> -> memref<1x64x128xf32, #tpu.memory_space<vmem>>
        %scatter3A_812 = tpu.memref_squeeze %scatter3A_811 : memref<1x64x128xf32, #tpu.memory_space<vmem>> -> memref<64x128xf32, #tpu.memory_space<vmem>>
        tpu.vector_store_idx %scatter3A_812[%add3A_802, %add3A_757], %gather3A_808 : memref<64x128xf32, #tpu.memory_space<vmem>>[vector<16xi32>, vector<16xi32>], vector<16xf32>,
        %add3A_813 = arith.constant 0 : i32
        %add3A_814 = vector.broadcast %add3A_813 : i32 to vector<16xi32>
        %add3A_815 = arith.addi %add3A_814, %rem3A_14 : vector<16xi32>
        %add3A_816 = arith.addi %get3A_762, %add3A_815 : vector<16xi32>
        %gather3A_817 = arith.constant 0 : i32
        %gather3A_818 = arith.constant 0 : i32
        %gather3A_819 = tpu.memref_slice %arg9[%rem3A_276, %gather3A_817, %gather3A_818] : memref<4x128x128xf32, #tpu.memory_space<vmem>> -> memref<1x128x128xf32, #tpu.memory_space<vmem>>
        %gather3A_820 = tpu.memref_squeeze %gather3A_819 : memref<1x128x128xf32, #tpu.memory_space<vmem>> -> memref<128x128xf32, #tpu.memory_space<vmem>>
        %gather3A_821 = tpu.vector_load_idx %gather3A_820[%add3A_757, %add3A_816] : memref<128x128xf32, #tpu.memory_space<vmem>>[vector<16xi32>, vector<16xi32>], vector<16xf32>,
        %scatter3A_822 = arith.constant 0 : i32
        %scatter3A_823 = arith.constant 0 : i32
        %scatter3A_824 = tpu.memref_slice %arg10[%rem3A_276, %scatter3A_822, %scatter3A_823] : memref<4x64x128xf32, #tpu.memory_space<vmem>> -> memref<1x64x128xf32, #tpu.memory_space<vmem>>
        %scatter3A_825 = tpu.memref_squeeze %scatter3A_824 : memref<1x64x128xf32, #tpu.memory_space<vmem>> -> memref<64x128xf32, #tpu.memory_space<vmem>>
        tpu.vector_store_idx %scatter3A_825[%add3A_815, %add3A_757], %gather3A_821 : memref<64x128xf32, #tpu.memory_space<vmem>>[vector<16xi32>, vector<16xi32>], vector<16xf32>,
        %add3A_826 = arith.constant 16 : i32
        %add3A_827 = vector.broadcast %add3A_826 : i32 to vector<16xi32>
        %add3A_828 = arith.addi %add3A_827, %rem3A_14 : vector<16xi32>
        %add3A_829 = arith.addi %get3A_762, %add3A_828 : vector<16xi32>
        %gather3A_830 = arith.constant 0 : i32
        %gather3A_831 = arith.constant 0 : i32
        %gather3A_832 = tpu.memref_slice %arg9[%rem3A_276, %gather3A_830, %gather3A_831] : memref<4x128x128xf32, #tpu.memory_space<vmem>> -> memref<1x128x128xf32, #tpu.memory_space<vmem>>
        %gather3A_833 = tpu.memref_squeeze %gather3A_832 : memref<1x128x128xf32, #tpu.memory_space<vmem>> -> memref<128x128xf32, #tpu.memory_space<vmem>>
        %gather3A_834 = tpu.vector_load_idx %gather3A_833[%add3A_757, %add3A_829] : memref<128x128xf32, #tpu.memory_space<vmem>>[vector<16xi32>, vector<16xi32>], vector<16xf32>,
        %scatter3A_835 = arith.constant 0 : i32
        %scatter3A_836 = arith.constant 0 : i32
        %scatter3A_837 = tpu.memref_slice %arg10[%rem3A_276, %scatter3A_835, %scatter3A_836] : memref<4x64x128xf32, #tpu.memory_space<vmem>> -> memref<1x64x128xf32, #tpu.memory_space<vmem>>
        %scatter3A_838 = tpu.memref_squeeze %scatter3A_837 : memref<1x64x128xf32, #tpu.memory_space<vmem>> -> memref<64x128xf32, #tpu.memory_space<vmem>>
        tpu.vector_store_idx %scatter3A_838[%add3A_828, %add3A_757], %gather3A_834 : memref<64x128xf32, #tpu.memory_space<vmem>>[vector<16xi32>, vector<16xi32>], vector<16xf32>,
        %add3A_839 = arith.constant 32 : i32
        %add3A_840 = vector.broadcast %add3A_839 : i32 to vector<16xi32>
        %add3A_841 = arith.addi %add3A_840, %rem3A_14 : vector<16xi32>
        %add3A_842 = arith.addi %get3A_762, %add3A_841 : vector<16xi32>
        %gather3A_843 = arith.constant 0 : i32
        %gather3A_844 = arith.constant 0 : i32
        %gather3A_845 = tpu.memref_slice %arg9[%rem3A_276, %gather3A_843, %gather3A_844] : memref<4x128x128xf32, #tpu.memory_space<vmem>> -> memref<1x128x128xf32, #tpu.memory_space<vmem>>
        %gather3A_846 = tpu.memref_squeeze %gather3A_845 : memref<1x128x128xf32, #tpu.memory_space<vmem>> -> memref<128x128xf32, #tpu.memory_space<vmem>>
        %gather3A_847 = tpu.vector_load_idx %gather3A_846[%add3A_757, %add3A_842] : memref<128x128xf32, #tpu.memory_space<vmem>>[vector<16xi32>, vector<16xi32>], vector<16xf32>,
        %scatter3A_848 = arith.constant 0 : i32
        %scatter3A_849 = arith.constant 0 : i32
        %scatter3A_850 = tpu.memref_slice %arg10[%rem3A_276, %scatter3A_848, %scatter3A_849] : memref<4x64x128xf32, #tpu.memory_space<vmem>> -> memref<1x64x128xf32, #tpu.memory_space<vmem>>
        %scatter3A_851 = tpu.memref_squeeze %scatter3A_850 : memref<1x64x128xf32, #tpu.memory_space<vmem>> -> memref<64x128xf32, #tpu.memory_space<vmem>>
        tpu.vector_store_idx %scatter3A_851[%add3A_841, %add3A_757], %gather3A_847 : memref<64x128xf32, #tpu.memory_space<vmem>>[vector<16xi32>, vector<16xi32>], vector<16xf32>,
        %add3A_852 = arith.constant 48 : i32
        %add3A_853 = vector.broadcast %add3A_852 : i32 to vector<16xi32>
        %add3A_854 = arith.addi %add3A_853, %rem3A_14 : vector<16xi32>
        %add3A_855 = arith.addi %get3A_762, %add3A_854 : vector<16xi32>
        %gather3A_856 = arith.constant 0 : i32
        %gather3A_857 = arith.constant 0 : i32
        %gather3A_858 = tpu.memref_slice %arg9[%rem3A_276, %gather3A_856, %gather3A_857] : memref<4x128x128xf32, #tpu.memory_space<vmem>> -> memref<1x128x128xf32, #tpu.memory_space<vmem>>
        %gather3A_859 = tpu.memref_squeeze %gather3A_858 : memref<1x128x128xf32, #tpu.memory_space<vmem>> -> memref<128x128xf32, #tpu.memory_space<vmem>>
        %gather3A_860 = tpu.vector_load_idx %gather3A_859[%add3A_757, %add3A_855] : memref<128x128xf32, #tpu.memory_space<vmem>>[vector<16xi32>, vector<16xi32>], vector<16xf32>,
        %scatter3A_861 = arith.constant 0 : i32
        %scatter3A_862 = arith.constant 0 : i32
        %scatter3A_863 = tpu.memref_slice %arg10[%rem3A_276, %scatter3A_861, %scatter3A_862] : memref<4x64x128xf32, #tpu.memory_space<vmem>> -> memref<1x64x128xf32, #tpu.memory_space<vmem>>
        %scatter3A_864 = tpu.memref_squeeze %scatter3A_863 : memref<1x64x128xf32, #tpu.memory_space<vmem>> -> memref<64x128xf32, #tpu.memory_space<vmem>>
        tpu.vector_store_idx %scatter3A_864[%add3A_854, %add3A_757], %gather3A_860 : memref<64x128xf32, #tpu.memory_space<vmem>>[vector<16xi32>, vector<16xi32>], vector<16xf32>,
        %add3A_865 = arith.constant 0 : i32
        %add3A_866 = vector.broadcast %add3A_865 : i32 to vector<16xi32>
        %add3A_867 = arith.addi %add3A_866, %rem3A_20 : vector<16xi32>
        %add3A_868 = arith.addi %get3A_762, %add3A_867 : vector<16xi32>
        %gather3A_869 = arith.constant 0 : i32
        %gather3A_870 = arith.constant 0 : i32
        %gather3A_871 = tpu.memref_slice %arg9[%rem3A_276, %gather3A_869, %gather3A_870] : memref<4x128x128xf32, #tpu.memory_space<vmem>> -> memref<1x128x128xf32, #tpu.memory_space<vmem>>
        %gather3A_872 = tpu.memref_squeeze %gather3A_871 : memref<1x128x128xf32, #tpu.memory_space<vmem>> -> memref<128x128xf32, #tpu.memory_space<vmem>>
        %gather3A_873 = tpu.vector_load_idx %gather3A_872[%add3A_757, %add3A_868] : memref<128x128xf32, #tpu.memory_space<vmem>>[vector<16xi32>, vector<16xi32>], vector<16xf32>,
        %scatter3A_874 = arith.constant 0 : i32
        %scatter3A_875 = arith.constant 0 : i32
        %scatter3A_876 = tpu.memref_slice %arg10[%rem3A_276, %scatter3A_874, %scatter3A_875] : memref<4x64x128xf32, #tpu.memory_space<vmem>> -> memref<1x64x128xf32, #tpu.memory_space<vmem>>
        %scatter3A_877 = tpu.memref_squeeze %scatter3A_876 : memref<1x64x128xf32, #tpu.memory_space<vmem>> -> memref<64x128xf32, #tpu.memory_space<vmem>>
        tpu.vector_store_idx %scatter3A_877[%add3A_867, %add3A_757], %gather3A_873 : memref<64x128xf32, #tpu.memory_space<vmem>>[vector<16xi32>, vector<16xi32>], vector<16xf32>,
        %add3A_878 = arith.constant 16 : i32
        %add3A_879 = vector.broadcast %add3A_878 : i32 to vector<16xi32>
        %add3A_880 = arith.addi %add3A_879, %rem3A_20 : vector<16xi32>
        %add3A_881 = arith.addi %get3A_762, %add3A_880 : vector<16xi32>
        %gather3A_882 = arith.constant 0 : i32
        %gather3A_883 = arith.constant 0 : i32
        %gather3A_884 = tpu.memref_slice %arg9[%rem3A_276, %gather3A_882, %gather3A_883] : memref<4x128x128xf32, #tpu.memory_space<vmem>> -> memref<1x128x128xf32, #tpu.memory_space<vmem>>
        %gather3A_885 = tpu.memref_squeeze %gather3A_884 : memref<1x128x128xf32, #tpu.memory_space<vmem>> -> memref<128x128xf32, #tpu.memory_space<vmem>>
        %gather3A_886 = tpu.vector_load_idx %gather3A_885[%add3A_757, %add3A_881] : memref<128x128xf32, #tpu.memory_space<vmem>>[vector<16xi32>, vector<16xi32>], vector<16xf32>,
        %scatter3A_887 = arith.constant 0 : i32
        %scatter3A_888 = arith.constant 0 : i32
        %scatter3A_889 = tpu.memref_slice %arg10[%rem3A_276, %scatter3A_887, %scatter3A_888] : memref<4x64x128xf32, #tpu.memory_space<vmem>> -> memref<1x64x128xf32, #tpu.memory_space<vmem>>
        %scatter3A_890 = tpu.memref_squeeze %scatter3A_889 : memref<1x64x128xf32, #tpu.memory_space<vmem>> -> memref<64x128xf32, #tpu.memory_space<vmem>>
        tpu.vector_store_idx %scatter3A_890[%add3A_880, %add3A_757], %gather3A_886 : memref<64x128xf32, #tpu.memory_space<vmem>>[vector<16xi32>, vector<16xi32>], vector<16xf32>,
        %add3A_891 = arith.constant 32 : i32
        %add3A_892 = vector.broadcast %add3A_891 : i32 to vector<16xi32>
        %add3A_893 = arith.addi %add3A_892, %rem3A_20 : vector<16xi32>
        %add3A_894 = arith.addi %get3A_762, %add3A_893 : vector<16xi32>
        %gather3A_895 = arith.constant 0 : i32
        %gather3A_896 = arith.constant 0 : i32
        %gather3A_897 = tpu.memref_slice %arg9[%rem3A_276, %gather3A_895, %gather3A_896] : memref<4x128x128xf32, #tpu.memory_space<vmem>> -> memref<1x128x128xf32, #tpu.memory_space<vmem>>
        %gather3A_898 = tpu.memref_squeeze %gather3A_897 : memref<1x128x128xf32, #tpu.memory_space<vmem>> -> memref<128x128xf32, #tpu.memory_space<vmem>>
        %gather3A_899 = tpu.vector_load_idx %gather3A_898[%add3A_757, %add3A_894] : memref<128x128xf32, #tpu.memory_space<vmem>>[vector<16xi32>, vector<16xi32>], vector<16xf32>,
        %scatter3A_900 = arith.constant 0 : i32
        %scatter3A_901 = arith.constant 0 : i32
        %scatter3A_902 = tpu.memref_slice %arg10[%rem3A_276, %scatter3A_900, %scatter3A_901] : memref<4x64x128xf32, #tpu.memory_space<vmem>> -> memref<1x64x128xf32, #tpu.memory_space<vmem>>
        %scatter3A_903 = tpu.memref_squeeze %scatter3A_902 : memref<1x64x128xf32, #tpu.memory_space<vmem>> -> memref<64x128xf32, #tpu.memory_space<vmem>>
        tpu.vector_store_idx %scatter3A_903[%add3A_893, %add3A_757], %gather3A_899 : memref<64x128xf32, #tpu.memory_space<vmem>>[vector<16xi32>, vector<16xi32>], vector<16xf32>,
        %add3A_904 = arith.constant 48 : i32
        %add3A_905 = vector.broadcast %add3A_904 : i32 to vector<16xi32>
        %add3A_906 = arith.addi %add3A_905, %rem3A_20 : vector<16xi32>
        %add3A_907 = arith.addi %get3A_762, %add3A_906 : vector<16xi32>
        %gather3A_908 = arith.constant 0 : i32
        %gather3A_909 = arith.constant 0 : i32
        %gather3A_910 = tpu.memref_slice %arg9[%rem3A_276, %gather3A_908, %gather3A_909] : memref<4x128x128xf32, #tpu.memory_space<vmem>> -> memref<1x128x128xf32, #tpu.memory_space<vmem>>
        %gather3A_911 = tpu.memref_squeeze %gather3A_910 : memref<1x128x128xf32, #tpu.memory_space<vmem>> -> memref<128x128xf32, #tpu.memory_space<vmem>>
        %gather3A_912 = tpu.vector_load_idx %gather3A_911[%add3A_757, %add3A_907] : memref<128x128xf32, #tpu.memory_space<vmem>>[vector<16xi32>, vector<16xi32>], vector<16xf32>,
        %scatter3A_913 = arith.constant 0 : i32
        %scatter3A_914 = arith.constant 0 : i32
        %scatter3A_915 = tpu.memref_slice %arg10[%rem3A_276, %scatter3A_913, %scatter3A_914] : memref<4x64x128xf32, #tpu.memory_space<vmem>> -> memref<1x64x128xf32, #tpu.memory_space<vmem>>
        %scatter3A_916 = tpu.memref_squeeze %scatter3A_915 : memref<1x64x128xf32, #tpu.memory_space<vmem>> -> memref<64x128xf32, #tpu.memory_space<vmem>>
        tpu.vector_store_idx %scatter3A_916[%add3A_906, %add3A_757], %gather3A_912 : memref<64x128xf32, #tpu.memory_space<vmem>>[vector<16xi32>, vector<16xi32>], vector<16xf32>,
        %add3A_917 = arith.constant 0 : i32
        %add3A_918 = vector.broadcast %add3A_917 : i32 to vector<16xi32>
        %add3A_919 = arith.addi %add3A_918, %rem3A_26 : vector<16xi32>
        %add3A_920 = arith.addi %get3A_762, %add3A_919 : vector<16xi32>
        %gather3A_921 = arith.constant 0 : i32
        %gather3A_922 = arith.constant 0 : i32
        %gather3A_923 = tpu.memref_slice %arg9[%rem3A_276, %gather3A_921, %gather3A_922] : memref<4x128x128xf32, #tpu.memory_space<vmem>> -> memref<1x128x128xf32, #tpu.memory_space<vmem>>
        %gather3A_924 = tpu.memref_squeeze %gather3A_923 : memref<1x128x128xf32, #tpu.memory_space<vmem>> -> memref<128x128xf32, #tpu.memory_space<vmem>>
        %gather3A_925 = tpu.vector_load_idx %gather3A_924[%add3A_757, %add3A_920] : memref<128x128xf32, #tpu.memory_space<vmem>>[vector<16xi32>, vector<16xi32>], vector<16xf32>,
        %scatter3A_926 = arith.constant 0 : i32
        %scatter3A_927 = arith.constant 0 : i32
        %scatter3A_928 = tpu.memref_slice %arg10[%rem3A_276, %scatter3A_926, %scatter3A_927] : memref<4x64x128xf32, #tpu.memory_space<vmem>> -> memref<1x64x128xf32, #tpu.memory_space<vmem>>
        %scatter3A_929 = tpu.memref_squeeze %scatter3A_928 : memref<1x64x128xf32, #tpu.memory_space<vmem>> -> memref<64x128xf32, #tpu.memory_space<vmem>>
        tpu.vector_store_idx %scatter3A_929[%add3A_919, %add3A_757], %gather3A_925 : memref<64x128xf32, #tpu.memory_space<vmem>>[vector<16xi32>, vector<16xi32>], vector<16xf32>,
        %add3A_930 = arith.constant 16 : i32
        %add3A_931 = vector.broadcast %add3A_930 : i32 to vector<16xi32>
        %add3A_932 = arith.addi %add3A_931, %rem3A_26 : vector<16xi32>
        %add3A_933 = arith.addi %get3A_762, %add3A_932 : vector<16xi32>
        %gather3A_934 = arith.constant 0 : i32
        %gather3A_935 = arith.constant 0 : i32
        %gather3A_936 = tpu.memref_slice %arg9[%rem3A_276, %gather3A_934, %gather3A_935] : memref<4x128x128xf32, #tpu.memory_space<vmem>> -> memref<1x128x128xf32, #tpu.memory_space<vmem>>
        %gather3A_937 = tpu.memref_squeeze %gather3A_936 : memref<1x128x128xf32, #tpu.memory_space<vmem>> -> memref<128x128xf32, #tpu.memory_space<vmem>>
        %gather3A_938 = tpu.vector_load_idx %gather3A_937[%add3A_757, %add3A_933] : memref<128x128xf32, #tpu.memory_space<vmem>>[vector<16xi32>, vector<16xi32>], vector<16xf32>,
        %scatter3A_939 = arith.constant 0 : i32
        %scatter3A_940 = arith.constant 0 : i32
        %scatter3A_941 = tpu.memref_slice %arg10[%rem3A_276, %scatter3A_939, %scatter3A_940] : memref<4x64x128xf32, #tpu.memory_space<vmem>> -> memref<1x64x128xf32, #tpu.memory_space<vmem>>
        %scatter3A_942 = tpu.memref_squeeze %scatter3A_941 : memref<1x64x128xf32, #tpu.memory_space<vmem>> -> memref<64x128xf32, #tpu.memory_space<vmem>>
        tpu.vector_store_idx %scatter3A_942[%add3A_932, %add3A_757], %gather3A_938 : memref<64x128xf32, #tpu.memory_space<vmem>>[vector<16xi32>, vector<16xi32>], vector<16xf32>,
        %add3A_943 = arith.constant 32 : i32
        %add3A_944 = vector.broadcast %add3A_943 : i32 to vector<16xi32>
        %add3A_945 = arith.addi %add3A_944, %rem3A_26 : vector<16xi32>
        %add3A_946 = arith.addi %get3A_762, %add3A_945 : vector<16xi32>
        %gather3A_947 = arith.constant 0 : i32
        %gather3A_948 = arith.constant 0 : i32
        %gather3A_949 = tpu.memref_slice %arg9[%rem3A_276, %gather3A_947, %gather3A_948] : memref<4x128x128xf32, #tpu.memory_space<vmem>> -> memref<1x128x128xf32, #tpu.memory_space<vmem>>
        %gather3A_950 = tpu.memref_squeeze %gather3A_949 : memref<1x128x128xf32, #tpu.memory_space<vmem>> -> memref<128x128xf32, #tpu.memory_space<vmem>>
        %gather3A_951 = tpu.vector_load_idx %gather3A_950[%add3A_757, %add3A_946] : memref<128x128xf32, #tpu.memory_space<vmem>>[vector<16xi32>, vector<16xi32>], vector<16xf32>,
        %scatter3A_952 = arith.constant 0 : i32
        %scatter3A_953 = arith.constant 0 : i32
        %scatter3A_954 = tpu.memref_slice %arg10[%rem3A_276, %scatter3A_952, %scatter3A_953] : memref<4x64x128xf32, #tpu.memory_space<vmem>> -> memref<1x64x128xf32, #tpu.memory_space<vmem>>
        %scatter3A_955 = tpu.memref_squeeze %scatter3A_954 : memref<1x64x128xf32, #tpu.memory_space<vmem>> -> memref<64x128xf32, #tpu.memory_space<vmem>>
        tpu.vector_store_idx %scatter3A_955[%add3A_945, %add3A_757], %gather3A_951 : memref<64x128xf32, #tpu.memory_space<vmem>>[vector<16xi32>, vector<16xi32>], vector<16xf32>,
        %add3A_956 = arith.constant 48 : i32
        %add3A_957 = vector.broadcast %add3A_956 : i32 to vector<16xi32>
        %add3A_958 = arith.addi %add3A_957, %rem3A_26 : vector<16xi32>
        %add3A_959 = arith.addi %get3A_762, %add3A_958 : vector<16xi32>
        %gather3A_960 = arith.constant 0 : i32
        %gather3A_961 = arith.constant 0 : i32
        %gather3A_962 = tpu.memref_slice %arg9[%rem3A_276, %gather3A_960, %gather3A_961] : memref<4x128x128xf32, #tpu.memory_space<vmem>> -> memref<1x128x128xf32, #tpu.memory_space<vmem>>
        %gather3A_963 = tpu.memref_squeeze %gather3A_962 : memref<1x128x128xf32, #tpu.memory_space<vmem>> -> memref<128x128xf32, #tpu.memory_space<vmem>>
        %gather3A_964 = tpu.vector_load_idx %gather3A_963[%add3A_757, %add3A_959] : memref<128x128xf32, #tpu.memory_space<vmem>>[vector<16xi32>, vector<16xi32>], vector<16xf32>,
        %scatter3A_965 = arith.constant 0 : i32
        %scatter3A_966 = arith.constant 0 : i32
        %scatter3A_967 = tpu.memref_slice %arg10[%rem3A_276, %scatter3A_965, %scatter3A_966] : memref<4x64x128xf32, #tpu.memory_space<vmem>> -> memref<1x64x128xf32, #tpu.memory_space<vmem>>
        %scatter3A_968 = tpu.memref_squeeze %scatter3A_967 : memref<1x64x128xf32, #tpu.memory_space<vmem>> -> memref<64x128xf32, #tpu.memory_space<vmem>>
        tpu.vector_store_idx %scatter3A_968[%add3A_958, %add3A_757], %gather3A_964 : memref<64x128xf32, #tpu.memory_space<vmem>>[vector<16xi32>, vector<16xi32>], vector<16xf32>,
        %add3A_969 = arith.constant 0 : i32
        %add3A_970 = vector.broadcast %add3A_969 : i32 to vector<16xi32>
        %add3A_971 = arith.addi %add3A_970, %rem3A_32 : vector<16xi32>
        %add3A_972 = arith.addi %get3A_762, %add3A_971 : vector<16xi32>
        %gather3A_973 = arith.constant 0 : i32
        %gather3A_974 = arith.constant 0 : i32
        %gather3A_975 = tpu.memref_slice %arg9[%rem3A_276, %gather3A_973, %gather3A_974] : memref<4x128x128xf32, #tpu.memory_space<vmem>> -> memref<1x128x128xf32, #tpu.memory_space<vmem>>
        %gather3A_976 = tpu.memref_squeeze %gather3A_975 : memref<1x128x128xf32, #tpu.memory_space<vmem>> -> memref<128x128xf32, #tpu.memory_space<vmem>>
        %gather3A_977 = tpu.vector_load_idx %gather3A_976[%add3A_757, %add3A_972] : memref<128x128xf32, #tpu.memory_space<vmem>>[vector<16xi32>, vector<16xi32>], vector<16xf32>,
        %scatter3A_978 = arith.constant 0 : i32
        %scatter3A_979 = arith.constant 0 : i32
        %scatter3A_980 = tpu.memref_slice %arg10[%rem3A_276, %scatter3A_978, %scatter3A_979] : memref<4x64x128xf32, #tpu.memory_space<vmem>> -> memref<1x64x128xf32, #tpu.memory_space<vmem>>
        %scatter3A_981 = tpu.memref_squeeze %scatter3A_980 : memref<1x64x128xf32, #tpu.memory_space<vmem>> -> memref<64x128xf32, #tpu.memory_space<vmem>>
        tpu.vector_store_idx %scatter3A_981[%add3A_971, %add3A_757], %gather3A_977 : memref<64x128xf32, #tpu.memory_space<vmem>>[vector<16xi32>, vector<16xi32>], vector<16xf32>,
        %add3A_982 = arith.constant 16 : i32
        %add3A_983 = vector.broadcast %add3A_982 : i32 to vector<16xi32>
        %add3A_984 = arith.addi %add3A_983, %rem3A_32 : vector<16xi32>
        %add3A_985 = arith.addi %get3A_762, %add3A_984 : vector<16xi32>
        %gather3A_986 = arith.constant 0 : i32
        %gather3A_987 = arith.constant 0 : i32
        %gather3A_988 = tpu.memref_slice %arg9[%rem3A_276, %gather3A_986, %gather3A_987] : memref<4x128x128xf32, #tpu.memory_space<vmem>> -> memref<1x128x128xf32, #tpu.memory_space<vmem>>
        %gather3A_989 = tpu.memref_squeeze %gather3A_988 : memref<1x128x128xf32, #tpu.memory_space<vmem>> -> memref<128x128xf32, #tpu.memory_space<vmem>>
        %gather3A_990 = tpu.vector_load_idx %gather3A_989[%add3A_757, %add3A_985] : memref<128x128xf32, #tpu.memory_space<vmem>>[vector<16xi32>, vector<16xi32>], vector<16xf32>,
        %scatter3A_991 = arith.constant 0 : i32
        %scatter3A_992 = arith.constant 0 : i32
        %scatter3A_993 = tpu.memref_slice %arg10[%rem3A_276, %scatter3A_991, %scatter3A_992] : memref<4x64x128xf32, #tpu.memory_space<vmem>> -> memref<1x64x128xf32, #tpu.memory_space<vmem>>
        %scatter3A_994 = tpu.memref_squeeze %scatter3A_993 : memref<1x64x128xf32, #tpu.memory_space<vmem>> -> memref<64x128xf32, #tpu.memory_space<vmem>>
        tpu.vector_store_idx %scatter3A_994[%add3A_984, %add3A_757], %gather3A_990 : memref<64x128xf32, #tpu.memory_space<vmem>>[vector<16xi32>, vector<16xi32>], vector<16xf32>,
        %add3A_995 = arith.constant 32 : i32
        %add3A_996 = vector.broadcast %add3A_995 : i32 to vector<16xi32>
        %add3A_997 = arith.addi %add3A_996, %rem3A_32 : vector<16xi32>
        %add3A_998 = arith.addi %get3A_762, %add3A_997 : vector<16xi32>
        %gather3A_999 = arith.constant 0 : i32
        %gather3A_1000 = arith.constant 0 : i32
        %gather3A_1001 = tpu.memref_slice %arg9[%rem3A_276, %gather3A_999, %gather3A_1000] : memref<4x128x128xf32, #tpu.memory_space<vmem>> -> memref<1x128x128xf32, #tpu.memory_space<vmem>>
        %gather3A_1002 = tpu.memref_squeeze %gather3A_1001 : memref<1x128x128xf32, #tpu.memory_space<vmem>> -> memref<128x128xf32, #tpu.memory_space<vmem>>
        %gather3A_1003 = tpu.vector_load_idx %gather3A_1002[%add3A_757, %add3A_998] : memref<128x128xf32, #tpu.memory_space<vmem>>[vector<16xi32>, vector<16xi32>], vector<16xf32>,
        %scatter3A_1004 = arith.constant 0 : i32
        %scatter3A_1005 = arith.constant 0 : i32
        %scatter3A_1006 = tpu.memref_slice %arg10[%rem3A_276, %scatter3A_1004, %scatter3A_1005] : memref<4x64x128xf32, #tpu.memory_space<vmem>> -> memref<1x64x128xf32, #tpu.memory_space<vmem>>
        %scatter3A_1007 = tpu.memref_squeeze %scatter3A_1006 : memref<1x64x128xf32, #tpu.memory_space<vmem>> -> memref<64x128xf32, #tpu.memory_space<vmem>>
        tpu.vector_store_idx %scatter3A_1007[%add3A_997, %add3A_757], %gather3A_1003 : memref<64x128xf32, #tpu.memory_space<vmem>>[vector<16xi32>, vector<16xi32>], vector<16xf32>,
        %add3A_1008 = arith.constant 48 : i32
        %add3A_1009 = vector.broadcast %add3A_1008 : i32 to vector<16xi32>
        %add3A_1010 = arith.addi %add3A_1009, %rem3A_32 : vector<16xi32>
        %add3A_1011 = arith.addi %get3A_762, %add3A_1010 : vector<16xi32>
        %gather3A_1012 = arith.constant 0 : i32
        %gather3A_1013 = arith.constant 0 : i32
        %gather3A_1014 = tpu.memref_slice %arg9[%rem3A_276, %gather3A_1012, %gather3A_1013] : memref<4x128x128xf32, #tpu.memory_space<vmem>> -> memref<1x128x128xf32, #tpu.memory_space<vmem>>
        %gather3A_1015 = tpu.memref_squeeze %gather3A_1014 : memref<1x128x128xf32, #tpu.memory_space<vmem>> -> memref<128x128xf32, #tpu.memory_space<vmem>>
        %gather3A_1016 = tpu.vector_load_idx %gather3A_1015[%add3A_757, %add3A_1011] : memref<128x128xf32, #tpu.memory_space<vmem>>[vector<16xi32>, vector<16xi32>], vector<16xf32>,
        %scatter3A_1017 = arith.constant 0 : i32
        %scatter3A_1018 = arith.constant 0 : i32
        %scatter3A_1019 = tpu.memref_slice %arg10[%rem3A_276, %scatter3A_1017, %scatter3A_1018] : memref<4x64x128xf32, #tpu.memory_space<vmem>> -> memref<1x64x128xf32, #tpu.memory_space<vmem>>
        %scatter3A_1020 = tpu.memref_squeeze %scatter3A_1019 : memref<1x64x128xf32, #tpu.memory_space<vmem>> -> memref<64x128xf32, #tpu.memory_space<vmem>>
        tpu.vector_store_idx %scatter3A_1020[%add3A_1010, %add3A_757], %gather3A_1016 : memref<64x128xf32, #tpu.memory_space<vmem>>[vector<16xi32>, vector<16xi32>], vector<16xf32>,
        %add3A_1021 = arith.constant 0 : i32
        %add3A_1022 = vector.broadcast %add3A_1021 : i32 to vector<16xi32>
        %add3A_1023 = arith.addi %add3A_1022, %rem3A_38 : vector<16xi32>
        %add3A_1024 = arith.addi %get3A_762, %add3A_1023 : vector<16xi32>
        %gather3A_1025 = arith.constant 0 : i32
        %gather3A_1026 = arith.constant 0 : i32
        %gather3A_1027 = tpu.memref_slice %arg9[%rem3A_276, %gather3A_1025, %gather3A_1026] : memref<4x128x128xf32, #tpu.memory_space<vmem>> -> memref<1x128x128xf32, #tpu.memory_space<vmem>>
        %gather3A_1028 = tpu.memref_squeeze %gather3A_1027 : memref<1x128x128xf32, #tpu.memory_space<vmem>> -> memref<128x128xf32, #tpu.memory_space<vmem>>
        %gather3A_1029 = tpu.vector_load_idx %gather3A_1028[%add3A_757, %add3A_1024] : memref<128x128xf32, #tpu.memory_space<vmem>>[vector<16xi32>, vector<16xi32>], vector<16xf32>,
        %scatter3A_1030 = arith.constant 0 : i32
        %scatter3A_1031 = arith.constant 0 : i32
        %scatter3A_1032 = tpu.memref_slice %arg10[%rem3A_276, %scatter3A_1030, %scatter3A_1031] : memref<4x64x128xf32, #tpu.memory_space<vmem>> -> memref<1x64x128xf32, #tpu.memory_space<vmem>>
        %scatter3A_1033 = tpu.memref_squeeze %scatter3A_1032 : memref<1x64x128xf32, #tpu.memory_space<vmem>> -> memref<64x128xf32, #tpu.memory_space<vmem>>
        tpu.vector_store_idx %scatter3A_1033[%add3A_1023, %add3A_757], %gather3A_1029 : memref<64x128xf32, #tpu.memory_space<vmem>>[vector<16xi32>, vector<16xi32>], vector<16xf32>,
        %add3A_1034 = arith.constant 16 : i32
        %add3A_1035 = vector.broadcast %add3A_1034 : i32 to vector<16xi32>
        %add3A_1036 = arith.addi %add3A_1035, %rem3A_38 : vector<16xi32>
        %add3A_1037 = arith.addi %get3A_762, %add3A_1036 : vector<16xi32>
        %gather3A_1038 = arith.constant 0 : i32
        %gather3A_1039 = arith.constant 0 : i32
        %gather3A_1040 = tpu.memref_slice %arg9[%rem3A_276, %gather3A_1038, %gather3A_1039] : memref<4x128x128xf32, #tpu.memory_space<vmem>> -> memref<1x128x128xf32, #tpu.memory_space<vmem>>
        %gather3A_1041 = tpu.memref_squeeze %gather3A_1040 : memref<1x128x128xf32, #tpu.memory_space<vmem>> -> memref<128x128xf32, #tpu.memory_space<vmem>>
        %gather3A_1042 = tpu.vector_load_idx %gather3A_1041[%add3A_757, %add3A_1037] : memref<128x128xf32, #tpu.memory_space<vmem>>[vector<16xi32>, vector<16xi32>], vector<16xf32>,
        %scatter3A_1043 = arith.constant 0 : i32
        %scatter3A_1044 = arith.constant 0 : i32
        %scatter3A_1045 = tpu.memref_slice %arg10[%rem3A_276, %scatter3A_1043, %scatter3A_1044] : memref<4x64x128xf32, #tpu.memory_space<vmem>> -> memref<1x64x128xf32, #tpu.memory_space<vmem>>
        %scatter3A_1046 = tpu.memref_squeeze %scatter3A_1045 : memref<1x64x128xf32, #tpu.memory_space<vmem>> -> memref<64x128xf32, #tpu.memory_space<vmem>>
        tpu.vector_store_idx %scatter3A_1046[%add3A_1036, %add3A_757], %gather3A_1042 : memref<64x128xf32, #tpu.memory_space<vmem>>[vector<16xi32>, vector<16xi32>], vector<16xf32>,
        %add3A_1047 = arith.constant 32 : i32
        %add3A_1048 = vector.broadcast %add3A_1047 : i32 to vector<16xi32>
        %add3A_1049 = arith.addi %add3A_1048, %rem3A_38 : vector<16xi32>
        %add3A_1050 = arith.addi %get3A_762, %add3A_1049 : vector<16xi32>
        %gather3A_1051 = arith.constant 0 : i32
        %gather3A_1052 = arith.constant 0 : i32
        %gather3A_1053 = tpu.memref_slice %arg9[%rem3A_276, %gather3A_1051, %gather3A_1052] : memref<4x128x128xf32, #tpu.memory_space<vmem>> -> memref<1x128x128xf32, #tpu.memory_space<vmem>>
        %gather3A_1054 = tpu.memref_squeeze %gather3A_1053 : memref<1x128x128xf32, #tpu.memory_space<vmem>> -> memref<128x128xf32, #tpu.memory_space<vmem>>
        %gather3A_1055 = tpu.vector_load_idx %gather3A_1054[%add3A_757, %add3A_1050] : memref<128x128xf32, #tpu.memory_space<vmem>>[vector<16xi32>, vector<16xi32>], vector<16xf32>,
        %scatter3A_1056 = arith.constant 0 : i32
        %scatter3A_1057 = arith.constant 0 : i32
        %scatter3A_1058 = tpu.memref_slice %arg10[%rem3A_276, %scatter3A_1056, %scatter3A_1057] : memref<4x64x128xf32, #tpu.memory_space<vmem>> -> memref<1x64x128xf32, #tpu.memory_space<vmem>>
        %scatter3A_1059 = tpu.memref_squeeze %scatter3A_1058 : memref<1x64x128xf32, #tpu.memory_space<vmem>> -> memref<64x128xf32, #tpu.memory_space<vmem>>
        tpu.vector_store_idx %scatter3A_1059[%add3A_1049, %add3A_757], %gather3A_1055 : memref<64x128xf32, #tpu.memory_space<vmem>>[vector<16xi32>, vector<16xi32>], vector<16xf32>,
        %add3A_1060 = arith.constant 48 : i32
        %add3A_1061 = vector.broadcast %add3A_1060 : i32 to vector<16xi32>
        %add3A_1062 = arith.addi %add3A_1061, %rem3A_38 : vector<16xi32>
        %add3A_1063 = arith.addi %get3A_762, %add3A_1062 : vector<16xi32>
        %gather3A_1064 = arith.constant 0 : i32
        %gather3A_1065 = arith.constant 0 : i32
        %gather3A_1066 = tpu.memref_slice %arg9[%rem3A_276, %gather3A_1064, %gather3A_1065] : memref<4x128x128xf32, #tpu.memory_space<vmem>> -> memref<1x128x128xf32, #tpu.memory_space<vmem>>
        %gather3A_1067 = tpu.memref_squeeze %gather3A_1066 : memref<1x128x128xf32, #tpu.memory_space<vmem>> -> memref<128x128xf32, #tpu.memory_space<vmem>>
        %gather3A_1068 = tpu.vector_load_idx %gather3A_1067[%add3A_757, %add3A_1063] : memref<128x128xf32, #tpu.memory_space<vmem>>[vector<16xi32>, vector<16xi32>], vector<16xf32>,
        %scatter3A_1069 = arith.constant 0 : i32
        %scatter3A_1070 = arith.constant 0 : i32
        %scatter3A_1071 = tpu.memref_slice %arg10[%rem3A_276, %scatter3A_1069, %scatter3A_1070] : memref<4x64x128xf32, #tpu.memory_space<vmem>> -> memref<1x64x128xf32, #tpu.memory_space<vmem>>
        %scatter3A_1072 = tpu.memref_squeeze %scatter3A_1071 : memref<1x64x128xf32, #tpu.memory_space<vmem>> -> memref<64x128xf32, #tpu.memory_space<vmem>>
        tpu.vector_store_idx %scatter3A_1072[%add3A_1062, %add3A_757], %gather3A_1068 : memref<64x128xf32, #tpu.memory_space<vmem>>[vector<16xi32>, vector<16xi32>], vector<16xf32>,
        %add3A_1073 = arith.constant 0 : i32
        %add3A_1074 = vector.broadcast %add3A_1073 : i32 to vector<16xi32>
        %add3A_1075 = arith.addi %add3A_1074, %rem3A_44 : vector<16xi32>
        %add3A_1076 = arith.addi %get3A_762, %add3A_1075 : vector<16xi32>
        %gather3A_1077 = arith.constant 0 : i32
        %gather3A_1078 = arith.constant 0 : i32
        %gather3A_1079 = tpu.memref_slice %arg9[%rem3A_276, %gather3A_1077, %gather3A_1078] : memref<4x128x128xf32, #tpu.memory_space<vmem>> -> memref<1x128x128xf32, #tpu.memory_space<vmem>>
        %gather3A_1080 = tpu.memref_squeeze %gather3A_1079 : memref<1x128x128xf32, #tpu.memory_space<vmem>> -> memref<128x128xf32, #tpu.memory_space<vmem>>
        %gather3A_1081 = tpu.vector_load_idx %gather3A_1080[%add3A_757, %add3A_1076] : memref<128x128xf32, #tpu.memory_space<vmem>>[vector<16xi32>, vector<16xi32>], vector<16xf32>,
        %scatter3A_1082 = arith.constant 0 : i32
        %scatter3A_1083 = arith.constant 0 : i32
        %scatter3A_1084 = tpu.memref_slice %arg10[%rem3A_276, %scatter3A_1082, %scatter3A_1083] : memref<4x64x128xf32, #tpu.memory_space<vmem>> -> memref<1x64x128xf32, #tpu.memory_space<vmem>>
        %scatter3A_1085 = tpu.memref_squeeze %scatter3A_1084 : memref<1x64x128xf32, #tpu.memory_space<vmem>> -> memref<64x128xf32, #tpu.memory_space<vmem>>
        tpu.vector_store_idx %scatter3A_1085[%add3A_1075, %add3A_757], %gather3A_1081 : memref<64x128xf32, #tpu.memory_space<vmem>>[vector<16xi32>, vector<16xi32>], vector<16xf32>,
        %add3A_1086 = arith.constant 16 : i32
        %add3A_1087 = vector.broadcast %add3A_1086 : i32 to vector<16xi32>
        %add3A_1088 = arith.addi %add3A_1087, %rem3A_44 : vector<16xi32>
        %add3A_1089 = arith.addi %get3A_762, %add3A_1088 : vector<16xi32>
        %gather3A_1090 = arith.constant 0 : i32
        %gather3A_1091 = arith.constant 0 : i32
        %gather3A_1092 = tpu.memref_slice %arg9[%rem3A_276, %gather3A_1090, %gather3A_1091] : memref<4x128x128xf32, #tpu.memory_space<vmem>> -> memref<1x128x128xf32, #tpu.memory_space<vmem>>
        %gather3A_1093 = tpu.memref_squeeze %gather3A_1092 : memref<1x128x128xf32, #tpu.memory_space<vmem>> -> memref<128x128xf32, #tpu.memory_space<vmem>>
        %gather3A_1094 = tpu.vector_load_idx %gather3A_1093[%add3A_757, %add3A_1089] : memref<128x128xf32, #tpu.memory_space<vmem>>[vector<16xi32>, vector<16xi32>], vector<16xf32>,
        %scatter3A_1095 = arith.constant 0 : i32
        %scatter3A_1096 = arith.constant 0 : i32
        %scatter3A_1097 = tpu.memref_slice %arg10[%rem3A_276, %scatter3A_1095, %scatter3A_1096] : memref<4x64x128xf32, #tpu.memory_space<vmem>> -> memref<1x64x128xf32, #tpu.memory_space<vmem>>
        %scatter3A_1098 = tpu.memref_squeeze %scatter3A_1097 : memref<1x64x128xf32, #tpu.memory_space<vmem>> -> memref<64x128xf32, #tpu.memory_space<vmem>>
        tpu.vector_store_idx %scatter3A_1098[%add3A_1088, %add3A_757], %gather3A_1094 : memref<64x128xf32, #tpu.memory_space<vmem>>[vector<16xi32>, vector<16xi32>], vector<16xf32>,
        %add3A_1099 = arith.constant 32 : i32
        %add3A_1100 = vector.broadcast %add3A_1099 : i32 to vector<16xi32>
        %add3A_1101 = arith.addi %add3A_1100, %rem3A_44 : vector<16xi32>
        %add3A_1102 = arith.addi %get3A_762, %add3A_1101 : vector<16xi32>
        %gather3A_1103 = arith.constant 0 : i32
        %gather3A_1104 = arith.constant 0 : i32
        %gather3A_1105 = tpu.memref_slice %arg9[%rem3A_276, %gather3A_1103, %gather3A_1104] : memref<4x128x128xf32, #tpu.memory_space<vmem>> -> memref<1x128x128xf32, #tpu.memory_space<vmem>>
        %gather3A_1106 = tpu.memref_squeeze %gather3A_1105 : memref<1x128x128xf32, #tpu.memory_space<vmem>> -> memref<128x128xf32, #tpu.memory_space<vmem>>
        %gather3A_1107 = tpu.vector_load_idx %gather3A_1106[%add3A_757, %add3A_1102] : memref<128x128xf32, #tpu.memory_space<vmem>>[vector<16xi32>, vector<16xi32>], vector<16xf32>,
        %scatter3A_1108 = arith.constant 0 : i32
        %scatter3A_1109 = arith.constant 0 : i32
        %scatter3A_1110 = tpu.memref_slice %arg10[%rem3A_276, %scatter3A_1108, %scatter3A_1109] : memref<4x64x128xf32, #tpu.memory_space<vmem>> -> memref<1x64x128xf32, #tpu.memory_space<vmem>>
        %scatter3A_1111 = tpu.memref_squeeze %scatter3A_1110 : memref<1x64x128xf32, #tpu.memory_space<vmem>> -> memref<64x128xf32, #tpu.memory_space<vmem>>
        tpu.vector_store_idx %scatter3A_1111[%add3A_1101, %add3A_757], %gather3A_1107 : memref<64x128xf32, #tpu.memory_space<vmem>>[vector<16xi32>, vector<16xi32>], vector<16xf32>,
        %add3A_1112 = arith.constant 48 : i32
        %add3A_1113 = vector.broadcast %add3A_1112 : i32 to vector<16xi32>
        %add3A_1114 = arith.addi %add3A_1113, %rem3A_44 : vector<16xi32>
        %add3A_1115 = arith.addi %get3A_762, %add3A_1114 : vector<16xi32>
        %gather3A_1116 = arith.constant 0 : i32
        %gather3A_1117 = arith.constant 0 : i32
        %gather3A_1118 = tpu.memref_slice %arg9[%rem3A_276, %gather3A_1116, %gather3A_1117] : memref<4x128x128xf32, #tpu.memory_space<vmem>> -> memref<1x128x128xf32, #tpu.memory_space<vmem>>
        %gather3A_1119 = tpu.memref_squeeze %gather3A_1118 : memref<1x128x128xf32, #tpu.memory_space<vmem>> -> memref<128x128xf32, #tpu.memory_space<vmem>>
        %gather3A_1120 = tpu.vector_load_idx %gather3A_1119[%add3A_757, %add3A_1115] : memref<128x128xf32, #tpu.memory_space<vmem>>[vector<16xi32>, vector<16xi32>], vector<16xf32>,
        %scatter3A_1121 = arith.constant 0 : i32
        %scatter3A_1122 = arith.constant 0 : i32
        %scatter3A_1123 = tpu.memref_slice %arg10[%rem3A_276, %scatter3A_1121, %scatter3A_1122] : memref<4x64x128xf32, #tpu.memory_space<vmem>> -> memref<1x64x128xf32, #tpu.memory_space<vmem>>
        %scatter3A_1124 = tpu.memref_squeeze %scatter3A_1123 : memref<1x64x128xf32, #tpu.memory_space<vmem>> -> memref<64x128xf32, #tpu.memory_space<vmem>>
        tpu.vector_store_idx %scatter3A_1124[%add3A_1114, %add3A_757], %gather3A_1120 : memref<64x128xf32, #tpu.memory_space<vmem>>[vector<16xi32>, vector<16xi32>], vector<16xf32>,
        %add3A_1125 = arith.constant 0 : i32
        %add3A_1126 = vector.broadcast %add3A_1125 : i32 to vector<16xi32>
        %add3A_1127 = arith.addi %add3A_1126, %rem3A_50 : vector<16xi32>
        %add3A_1128 = arith.addi %get3A_762, %add3A_1127 : vector<16xi32>
        %gather3A_1129 = arith.constant 0 : i32
        %gather3A_1130 = arith.constant 0 : i32
        %gather3A_1131 = tpu.memref_slice %arg9[%rem3A_276, %gather3A_1129, %gather3A_1130] : memref<4x128x128xf32, #tpu.memory_space<vmem>> -> memref<1x128x128xf32, #tpu.memory_space<vmem>>
        %gather3A_1132 = tpu.memref_squeeze %gather3A_1131 : memref<1x128x128xf32, #tpu.memory_space<vmem>> -> memref<128x128xf32, #tpu.memory_space<vmem>>
        %gather3A_1133 = tpu.vector_load_idx %gather3A_1132[%add3A_757, %add3A_1128] : memref<128x128xf32, #tpu.memory_space<vmem>>[vector<16xi32>, vector<16xi32>], vector<16xf32>,
        %scatter3A_1134 = arith.constant 0 : i32
        %scatter3A_1135 = arith.constant 0 : i32
        %scatter3A_1136 = tpu.memref_slice %arg10[%rem3A_276, %scatter3A_1134, %scatter3A_1135] : memref<4x64x128xf32, #tpu.memory_space<vmem>> -> memref<1x64x128xf32, #tpu.memory_space<vmem>>
        %scatter3A_1137 = tpu.memref_squeeze %scatter3A_1136 : memref<1x64x128xf32, #tpu.memory_space<vmem>> -> memref<64x128xf32, #tpu.memory_space<vmem>>
        tpu.vector_store_idx %scatter3A_1137[%add3A_1127, %add3A_757], %gather3A_1133 : memref<64x128xf32, #tpu.memory_space<vmem>>[vector<16xi32>, vector<16xi32>], vector<16xf32>,
        %add3A_1138 = arith.constant 16 : i32
        %add3A_1139 = vector.broadcast %add3A_1138 : i32 to vector<16xi32>
        %add3A_1140 = arith.addi %add3A_1139, %rem3A_50 : vector<16xi32>
        %add3A_1141 = arith.addi %get3A_762, %add3A_1140 : vector<16xi32>
        %gather3A_1142 = arith.constant 0 : i32
        %gather3A_1143 = arith.constant 0 : i32
        %gather3A_1144 = tpu.memref_slice %arg9[%rem3A_276, %gather3A_1142, %gather3A_1143] : memref<4x128x128xf32, #tpu.memory_space<vmem>> -> memref<1x128x128xf32, #tpu.memory_space<vmem>>
        %gather3A_1145 = tpu.memref_squeeze %gather3A_1144 : memref<1x128x128xf32, #tpu.memory_space<vmem>> -> memref<128x128xf32, #tpu.memory_space<vmem>>
        %gather3A_1146 = tpu.vector_load_idx %gather3A_1145[%add3A_757, %add3A_1141] : memref<128x128xf32, #tpu.memory_space<vmem>>[vector<16xi32>, vector<16xi32>], vector<16xf32>,
        %scatter3A_1147 = arith.constant 0 : i32
        %scatter3A_1148 = arith.constant 0 : i32
        %scatter3A_1149 = tpu.memref_slice %arg10[%rem3A_276, %scatter3A_1147, %scatter3A_1148] : memref<4x64x128xf32, #tpu.memory_space<vmem>> -> memref<1x64x128xf32, #tpu.memory_space<vmem>>
        %scatter3A_1150 = tpu.memref_squeeze %scatter3A_1149 : memref<1x64x128xf32, #tpu.memory_space<vmem>> -> memref<64x128xf32, #tpu.memory_space<vmem>>
        tpu.vector_store_idx %scatter3A_1150[%add3A_1140, %add3A_757], %gather3A_1146 : memref<64x128xf32, #tpu.memory_space<vmem>>[vector<16xi32>, vector<16xi32>], vector<16xf32>,
        %add3A_1151 = arith.constant 32 : i32
        %add3A_1152 = vector.broadcast %add3A_1151 : i32 to vector<16xi32>
        %add3A_1153 = arith.addi %add3A_1152, %rem3A_50 : vector<16xi32>
        %add3A_1154 = arith.addi %get3A_762, %add3A_1153 : vector<16xi32>
        %gather3A_1155 = arith.constant 0 : i32
        %gather3A_1156 = arith.constant 0 : i32
        %gather3A_1157 = tpu.memref_slice %arg9[%rem3A_276, %gather3A_1155, %gather3A_1156] : memref<4x128x128xf32, #tpu.memory_space<vmem>> -> memref<1x128x128xf32, #tpu.memory_space<vmem>>
        %gather3A_1158 = tpu.memref_squeeze %gather3A_1157 : memref<1x128x128xf32, #tpu.memory_space<vmem>> -> memref<128x128xf32, #tpu.memory_space<vmem>>
        %gather3A_1159 = tpu.vector_load_idx %gather3A_1158[%add3A_757, %add3A_1154] : memref<128x128xf32, #tpu.memory_space<vmem>>[vector<16xi32>, vector<16xi32>], vector<16xf32>,
        %scatter3A_1160 = arith.constant 0 : i32
        %scatter3A_1161 = arith.constant 0 : i32
        %scatter3A_1162 = tpu.memref_slice %arg10[%rem3A_276, %scatter3A_1160, %scatter3A_1161] : memref<4x64x128xf32, #tpu.memory_space<vmem>> -> memref<1x64x128xf32, #tpu.memory_space<vmem>>
        %scatter3A_1163 = tpu.memref_squeeze %scatter3A_1162 : memref<1x64x128xf32, #tpu.memory_space<vmem>> -> memref<64x128xf32, #tpu.memory_space<vmem>>
        tpu.vector_store_idx %scatter3A_1163[%add3A_1153, %add3A_757], %gather3A_1159 : memref<64x128xf32, #tpu.memory_space<vmem>>[vector<16xi32>, vector<16xi32>], vector<16xf32>,
        %add3A_1164 = arith.constant 48 : i32
        %add3A_1165 = vector.broadcast %add3A_1164 : i32 to vector<16xi32>
        %add3A_1166 = arith.addi %add3A_1165, %rem3A_50 : vector<16xi32>
        %add3A_1167 = arith.addi %get3A_762, %add3A_1166 : vector<16xi32>
        %gather3A_1168 = arith.constant 0 : i32
        %gather3A_1169 = arith.constant 0 : i32
        %gather3A_1170 = tpu.memref_slice %arg9[%rem3A_276, %gather3A_1168, %gather3A_1169] : memref<4x128x128xf32, #tpu.memory_space<vmem>> -> memref<1x128x128xf32, #tpu.memory_space<vmem>>
        %gather3A_1171 = tpu.memref_squeeze %gather3A_1170 : memref<1x128x128xf32, #tpu.memory_space<vmem>> -> memref<128x128xf32, #tpu.memory_space<vmem>>
        %gather3A_1172 = tpu.vector_load_idx %gather3A_1171[%add3A_757, %add3A_1167] : memref<128x128xf32, #tpu.memory_space<vmem>>[vector<16xi32>, vector<16xi32>], vector<16xf32>,
        %scatter3A_1173 = arith.constant 0 : i32
        %scatter3A_1174 = arith.constant 0 : i32
        %scatter3A_1175 = tpu.memref_slice %arg10[%rem3A_276, %scatter3A_1173, %scatter3A_1174] : memref<4x64x128xf32, #tpu.memory_space<vmem>> -> memref<1x64x128xf32, #tpu.memory_space<vmem>>
        %scatter3A_1176 = tpu.memref_squeeze %scatter3A_1175 : memref<1x64x128xf32, #tpu.memory_space<vmem>> -> memref<64x128xf32, #tpu.memory_space<vmem>>
        tpu.vector_store_idx %scatter3A_1176[%add3A_1166, %add3A_757], %gather3A_1172 : memref<64x128xf32, #tpu.memory_space<vmem>>[vector<16xi32>, vector<16xi32>], vector<16xf32>,
        %add3A_1177 = arith.constant 0 : i32
        %add3A_1178 = vector.broadcast %add3A_1177 : i32 to vector<16xi32>
        %add3A_1179 = arith.addi %add3A_1178, %rem3A_56 : vector<16xi32>
        %add3A_1180 = arith.addi %get3A_762, %add3A_1179 : vector<16xi32>
        %gather3A_1181 = arith.constant 0 : i32
        %gather3A_1182 = arith.constant 0 : i32
        %gather3A_1183 = tpu.memref_slice %arg9[%rem3A_276, %gather3A_1181, %gather3A_1182] : memref<4x128x128xf32, #tpu.memory_space<vmem>> -> memref<1x128x128xf32, #tpu.memory_space<vmem>>
        %gather3A_1184 = tpu.memref_squeeze %gather3A_1183 : memref<1x128x128xf32, #tpu.memory_space<vmem>> -> memref<128x128xf32, #tpu.memory_space<vmem>>
        %gather3A_1185 = tpu.vector_load_idx %gather3A_1184[%add3A_757, %add3A_1180] : memref<128x128xf32, #tpu.memory_space<vmem>>[vector<16xi32>, vector<16xi32>], vector<16xf32>,
        %scatter3A_1186 = arith.constant 0 : i32
        %scatter3A_1187 = arith.constant 0 : i32
        %scatter3A_1188 = tpu.memref_slice %arg10[%rem3A_276, %scatter3A_1186, %scatter3A_1187] : memref<4x64x128xf32, #tpu.memory_space<vmem>> -> memref<1x64x128xf32, #tpu.memory_space<vmem>>
        %scatter3A_1189 = tpu.memref_squeeze %scatter3A_1188 : memref<1x64x128xf32, #tpu.memory_space<vmem>> -> memref<64x128xf32, #tpu.memory_space<vmem>>
        tpu.vector_store_idx %scatter3A_1189[%add3A_1179, %add3A_757], %gather3A_1185 : memref<64x128xf32, #tpu.memory_space<vmem>>[vector<16xi32>, vector<16xi32>], vector<16xf32>,
        %add3A_1190 = arith.constant 16 : i32
        %add3A_1191 = vector.broadcast %add3A_1190 : i32 to vector<16xi32>
        %add3A_1192 = arith.addi %add3A_1191, %rem3A_56 : vector<16xi32>
        %add3A_1193 = arith.addi %get3A_762, %add3A_1192 : vector<16xi32>
        %gather3A_1194 = arith.constant 0 : i32
        %gather3A_1195 = arith.constant 0 : i32
        %gather3A_1196 = tpu.memref_slice %arg9[%rem3A_276, %gather3A_1194, %gather3A_1195] : memref<4x128x128xf32, #tpu.memory_space<vmem>> -> memref<1x128x128xf32, #tpu.memory_space<vmem>>
        %gather3A_1197 = tpu.memref_squeeze %gather3A_1196 : memref<1x128x128xf32, #tpu.memory_space<vmem>> -> memref<128x128xf32, #tpu.memory_space<vmem>>
        %gather3A_1198 = tpu.vector_load_idx %gather3A_1197[%add3A_757, %add3A_1193] : memref<128x128xf32, #tpu.memory_space<vmem>>[vector<16xi32>, vector<16xi32>], vector<16xf32>,
        %scatter3A_1199 = arith.constant 0 : i32
        %scatter3A_1200 = arith.constant 0 : i32
        %scatter3A_1201 = tpu.memref_slice %arg10[%rem3A_276, %scatter3A_1199, %scatter3A_1200] : memref<4x64x128xf32, #tpu.memory_space<vmem>> -> memref<1x64x128xf32, #tpu.memory_space<vmem>>
        %scatter3A_1202 = tpu.memref_squeeze %scatter3A_1201 : memref<1x64x128xf32, #tpu.memory_space<vmem>> -> memref<64x128xf32, #tpu.memory_space<vmem>>
        tpu.vector_store_idx %scatter3A_1202[%add3A_1192, %add3A_757], %gather3A_1198 : memref<64x128xf32, #tpu.memory_space<vmem>>[vector<16xi32>, vector<16xi32>], vector<16xf32>,
        %add3A_1203 = arith.constant 32 : i32
        %add3A_1204 = vector.broadcast %add3A_1203 : i32 to vector<16xi32>
        %add3A_1205 = arith.addi %add3A_1204, %rem3A_56 : vector<16xi32>
        %add3A_1206 = arith.addi %get3A_762, %add3A_1205 : vector<16xi32>
        %gather3A_1207 = arith.constant 0 : i32
        %gather3A_1208 = arith.constant 0 : i32
        %gather3A_1209 = tpu.memref_slice %arg9[%rem3A_276, %gather3A_1207, %gather3A_1208] : memref<4x128x128xf32, #tpu.memory_space<vmem>> -> memref<1x128x128xf32, #tpu.memory_space<vmem>>
        %gather3A_1210 = tpu.memref_squeeze %gather3A_1209 : memref<1x128x128xf32, #tpu.memory_space<vmem>> -> memref<128x128xf32, #tpu.memory_space<vmem>>
        %gather3A_1211 = tpu.vector_load_idx %gather3A_1210[%add3A_757, %add3A_1206] : memref<128x128xf32, #tpu.memory_space<vmem>>[vector<16xi32>, vector<16xi32>], vector<16xf32>,
        %scatter3A_1212 = arith.constant 0 : i32
        %scatter3A_1213 = arith.constant 0 : i32
        %scatter3A_1214 = tpu.memref_slice %arg10[%rem3A_276, %scatter3A_1212, %scatter3A_1213] : memref<4x64x128xf32, #tpu.memory_space<vmem>> -> memref<1x64x128xf32, #tpu.memory_space<vmem>>
        %scatter3A_1215 = tpu.memref_squeeze %scatter3A_1214 : memref<1x64x128xf32, #tpu.memory_space<vmem>> -> memref<64x128xf32, #tpu.memory_space<vmem>>
        tpu.vector_store_idx %scatter3A_1215[%add3A_1205, %add3A_757], %gather3A_1211 : memref<64x128xf32, #tpu.memory_space<vmem>>[vector<16xi32>, vector<16xi32>], vector<16xf32>,
        %add3A_1216 = arith.constant 48 : i32
        %add3A_1217 = vector.broadcast %add3A_1216 : i32 to vector<16xi32>
        %add3A_1218 = arith.addi %add3A_1217, %rem3A_56 : vector<16xi32>
        %add3A_1219 = arith.addi %get3A_762, %add3A_1218 : vector<16xi32>
        %gather3A_1220 = arith.constant 0 : i32
        %gather3A_1221 = arith.constant 0 : i32
        %gather3A_1222 = tpu.memref_slice %arg9[%rem3A_276, %gather3A_1220, %gather3A_1221] : memref<4x128x128xf32, #tpu.memory_space<vmem>> -> memref<1x128x128xf32, #tpu.memory_space<vmem>>
        %gather3A_1223 = tpu.memref_squeeze %gather3A_1222 : memref<1x128x128xf32, #tpu.memory_space<vmem>> -> memref<128x128xf32, #tpu.memory_space<vmem>>
        %gather3A_1224 = tpu.vector_load_idx %gather3A_1223[%add3A_757, %add3A_1219] : memref<128x128xf32, #tpu.memory_space<vmem>>[vector<16xi32>, vector<16xi32>], vector<16xf32>,
        %scatter3A_1225 = arith.constant 0 : i32
        %scatter3A_1226 = arith.constant 0 : i32
        %scatter3A_1227 = tpu.memref_slice %arg10[%rem3A_276, %scatter3A_1225, %scatter3A_1226] : memref<4x64x128xf32, #tpu.memory_space<vmem>> -> memref<1x64x128xf32, #tpu.memory_space<vmem>>
        %scatter3A_1228 = tpu.memref_squeeze %scatter3A_1227 : memref<1x64x128xf32, #tpu.memory_space<vmem>> -> memref<64x128xf32, #tpu.memory_space<vmem>>
        tpu.vector_store_idx %scatter3A_1228[%add3A_1218, %add3A_757], %gather3A_1224 : memref<64x128xf32, #tpu.memory_space<vmem>>[vector<16xi32>, vector<16xi32>], vector<16xf32>,
        %add3A_1229 = arith.constant 0 : i32
        %add3A_1230 = vector.broadcast %add3A_1229 : i32 to vector<16xi32>
        %add3A_1231 = arith.addi %add3A_1230, %rem3A_62 : vector<16xi32>
        %add3A_1232 = arith.addi %get3A_762, %add3A_1231 : vector<16xi32>
        %gather3A_1233 = arith.constant 0 : i32
        %gather3A_1234 = arith.constant 0 : i32
        %gather3A_1235 = tpu.memref_slice %arg9[%rem3A_276, %gather3A_1233, %gather3A_1234] : memref<4x128x128xf32, #tpu.memory_space<vmem>> -> memref<1x128x128xf32, #tpu.memory_space<vmem>>
        %gather3A_1236 = tpu.memref_squeeze %gather3A_1235 : memref<1x128x128xf32, #tpu.memory_space<vmem>> -> memref<128x128xf32, #tpu.memory_space<vmem>>
        %gather3A_1237 = tpu.vector_load_idx %gather3A_1236[%add3A_757, %add3A_1232] : memref<128x128xf32, #tpu.memory_space<vmem>>[vector<16xi32>, vector<16xi32>], vector<16xf32>,
        %scatter3A_1238 = arith.constant 0 : i32
        %scatter3A_1239 = arith.constant 0 : i32
        %scatter3A_1240 = tpu.memref_slice %arg10[%rem3A_276, %scatter3A_1238, %scatter3A_1239] : memref<4x64x128xf32, #tpu.memory_space<vmem>> -> memref<1x64x128xf32, #tpu.memory_space<vmem>>
        %scatter3A_1241 = tpu.memref_squeeze %scatter3A_1240 : memref<1x64x128xf32, #tpu.memory_space<vmem>> -> memref<64x128xf32, #tpu.memory_space<vmem>>
        tpu.vector_store_idx %scatter3A_1241[%add3A_1231, %add3A_757], %gather3A_1237 : memref<64x128xf32, #tpu.memory_space<vmem>>[vector<16xi32>, vector<16xi32>], vector<16xf32>,
        %add3A_1242 = arith.constant 16 : i32
        %add3A_1243 = vector.broadcast %add3A_1242 : i32 to vector<16xi32>
        %add3A_1244 = arith.addi %add3A_1243, %rem3A_62 : vector<16xi32>
        %add3A_1245 = arith.addi %get3A_762, %add3A_1244 : vector<16xi32>
        %gather3A_1246 = arith.constant 0 : i32
        %gather3A_1247 = arith.constant 0 : i32
        %gather3A_1248 = tpu.memref_slice %arg9[%rem3A_276, %gather3A_1246, %gather3A_1247] : memref<4x128x128xf32, #tpu.memory_space<vmem>> -> memref<1x128x128xf32, #tpu.memory_space<vmem>>
        %gather3A_1249 = tpu.memref_squeeze %gather3A_1248 : memref<1x128x128xf32, #tpu.memory_space<vmem>> -> memref<128x128xf32, #tpu.memory_space<vmem>>
        %gather3A_1250 = tpu.vector_load_idx %gather3A_1249[%add3A_757, %add3A_1245] : memref<128x128xf32, #tpu.memory_space<vmem>>[vector<16xi32>, vector<16xi32>], vector<16xf32>,
        %scatter3A_1251 = arith.constant 0 : i32
        %scatter3A_1252 = arith.constant 0 : i32
        %scatter3A_1253 = tpu.memref_slice %arg10[%rem3A_276, %scatter3A_1251, %scatter3A_1252] : memref<4x64x128xf32, #tpu.memory_space<vmem>> -> memref<1x64x128xf32, #tpu.memory_space<vmem>>
        %scatter3A_1254 = tpu.memref_squeeze %scatter3A_1253 : memref<1x64x128xf32, #tpu.memory_space<vmem>> -> memref<64x128xf32, #tpu.memory_space<vmem>>
        tpu.vector_store_idx %scatter3A_1254[%add3A_1244, %add3A_757], %gather3A_1250 : memref<64x128xf32, #tpu.memory_space<vmem>>[vector<16xi32>, vector<16xi32>], vector<16xf32>,
        %add3A_1255 = arith.constant 32 : i32
        %add3A_1256 = vector.broadcast %add3A_1255 : i32 to vector<16xi32>
        %add3A_1257 = arith.addi %add3A_1256, %rem3A_62 : vector<16xi32>
        %add3A_1258 = arith.addi %get3A_762, %add3A_1257 : vector<16xi32>
        %gather3A_1259 = arith.constant 0 : i32
        %gather3A_1260 = arith.constant 0 : i32
        %gather3A_1261 = tpu.memref_slice %arg9[%rem3A_276, %gather3A_1259, %gather3A_1260] : memref<4x128x128xf32, #tpu.memory_space<vmem>> -> memref<1x128x128xf32, #tpu.memory_space<vmem>>
        %gather3A_1262 = tpu.memref_squeeze %gather3A_1261 : memref<1x128x128xf32, #tpu.memory_space<vmem>> -> memref<128x128xf32, #tpu.memory_space<vmem>>
        %gather3A_1263 = tpu.vector_load_idx %gather3A_1262[%add3A_757, %add3A_1258] : memref<128x128xf32, #tpu.memory_space<vmem>>[vector<16xi32>, vector<16xi32>], vector<16xf32>,
        %scatter3A_1264 = arith.constant 0 : i32
        %scatter3A_1265 = arith.constant 0 : i32
        %scatter3A_1266 = tpu.memref_slice %arg10[%rem3A_276, %scatter3A_1264, %scatter3A_1265] : memref<4x64x128xf32, #tpu.memory_space<vmem>> -> memref<1x64x128xf32, #tpu.memory_space<vmem>>
        %scatter3A_1267 = tpu.memref_squeeze %scatter3A_1266 : memref<1x64x128xf32, #tpu.memory_space<vmem>> -> memref<64x128xf32, #tpu.memory_space<vmem>>
        tpu.vector_store_idx %scatter3A_1267[%add3A_1257, %add3A_757], %gather3A_1263 : memref<64x128xf32, #tpu.memory_space<vmem>>[vector<16xi32>, vector<16xi32>], vector<16xf32>,
        %add3A_1268 = arith.constant 48 : i32
        %add3A_1269 = vector.broadcast %add3A_1268 : i32 to vector<16xi32>
        %add3A_1270 = arith.addi %add3A_1269, %rem3A_62 : vector<16xi32>
        %add3A_1271 = arith.addi %get3A_762, %add3A_1270 : vector<16xi32>
        %gather3A_1272 = arith.constant 0 : i32
        %gather3A_1273 = arith.constant 0 : i32
        %gather3A_1274 = tpu.memref_slice %arg9[%rem3A_276, %gather3A_1272, %gather3A_1273] : memref<4x128x128xf32, #tpu.memory_space<vmem>> -> memref<1x128x128xf32, #tpu.memory_space<vmem>>
        %gather3A_1275 = tpu.memref_squeeze %gather3A_1274 : memref<1x128x128xf32, #tpu.memory_space<vmem>> -> memref<128x128xf32, #tpu.memory_space<vmem>>
        %gather3A_1276 = tpu.vector_load_idx %gather3A_1275[%add3A_757, %add3A_1271] : memref<128x128xf32, #tpu.memory_space<vmem>>[vector<16xi32>, vector<16xi32>], vector<16xf32>,
        %scatter3A_1277 = arith.constant 0 : i32
        %scatter3A_1278 = arith.constant 0 : i32
        %scatter3A_1279 = tpu.memref_slice %arg10[%rem3A_276, %scatter3A_1277, %scatter3A_1278] : memref<4x64x128xf32, #tpu.memory_space<vmem>> -> memref<1x64x128xf32, #tpu.memory_space<vmem>>
        %scatter3A_1280 = tpu.memref_squeeze %scatter3A_1279 : memref<1x64x128xf32, #tpu.memory_space<vmem>> -> memref<64x128xf32, #tpu.memory_space<vmem>>
        tpu.vector_store_idx %scatter3A_1280[%add3A_1270, %add3A_757], %gather3A_1276 : memref<64x128xf32, #tpu.memory_space<vmem>>[vector<16xi32>, vector<16xi32>], vector<16xf32>,
        %add3A_1281 = arith.constant 0 : i32
        %add3A_1282 = vector.broadcast %add3A_1281 : i32 to vector<16xi32>
        %add3A_1283 = arith.addi %add3A_1282, %rem3A_68 : vector<16xi32>
        %add3A_1284 = arith.addi %get3A_762, %add3A_1283 : vector<16xi32>
        %gather3A_1285 = arith.constant 0 : i32
        %gather3A_1286 = arith.constant 0 : i32
        %gather3A_1287 = tpu.memref_slice %arg9[%rem3A_276, %gather3A_1285, %gather3A_1286] : memref<4x128x128xf32, #tpu.memory_space<vmem>> -> memref<1x128x128xf32, #tpu.memory_space<vmem>>
        %gather3A_1288 = tpu.memref_squeeze %gather3A_1287 : memref<1x128x128xf32, #tpu.memory_space<vmem>> -> memref<128x128xf32, #tpu.memory_space<vmem>>
        %gather3A_1289 = tpu.vector_load_idx %gather3A_1288[%add3A_757, %add3A_1284] : memref<128x128xf32, #tpu.memory_space<vmem>>[vector<16xi32>, vector<16xi32>], vector<16xf32>,
        %scatter3A_1290 = arith.constant 0 : i32
        %scatter3A_1291 = arith.constant 0 : i32
        %scatter3A_1292 = tpu.memref_slice %arg10[%rem3A_276, %scatter3A_1290, %scatter3A_1291] : memref<4x64x128xf32, #tpu.memory_space<vmem>> -> memref<1x64x128xf32, #tpu.memory_space<vmem>>
        %scatter3A_1293 = tpu.memref_squeeze %scatter3A_1292 : memref<1x64x128xf32, #tpu.memory_space<vmem>> -> memref<64x128xf32, #tpu.memory_space<vmem>>
        tpu.vector_store_idx %scatter3A_1293[%add3A_1283, %add3A_757], %gather3A_1289 : memref<64x128xf32, #tpu.memory_space<vmem>>[vector<16xi32>, vector<16xi32>], vector<16xf32>,
        %add3A_1294 = arith.constant 16 : i32
        %add3A_1295 = vector.broadcast %add3A_1294 : i32 to vector<16xi32>
        %add3A_1296 = arith.addi %add3A_1295, %rem3A_68 : vector<16xi32>
        %add3A_1297 = arith.addi %get3A_762, %add3A_1296 : vector<16xi32>
        %gather3A_1298 = arith.constant 0 : i32
        %gather3A_1299 = arith.constant 0 : i32
        %gather3A_1300 = tpu.memref_slice %arg9[%rem3A_276, %gather3A_1298, %gather3A_1299] : memref<4x128x128xf32, #tpu.memory_space<vmem>> -> memref<1x128x128xf32, #tpu.memory_space<vmem>>
        %gather3A_1301 = tpu.memref_squeeze %gather3A_1300 : memref<1x128x128xf32, #tpu.memory_space<vmem>> -> memref<128x128xf32, #tpu.memory_space<vmem>>
        %gather3A_1302 = tpu.vector_load_idx %gather3A_1301[%add3A_757, %add3A_1297] : memref<128x128xf32, #tpu.memory_space<vmem>>[vector<16xi32>, vector<16xi32>], vector<16xf32>,
        %scatter3A_1303 = arith.constant 0 : i32
        %scatter3A_1304 = arith.constant 0 : i32
        %scatter3A_1305 = tpu.memref_slice %arg10[%rem3A_276, %scatter3A_1303, %scatter3A_1304] : memref<4x64x128xf32, #tpu.memory_space<vmem>> -> memref<1x64x128xf32, #tpu.memory_space<vmem>>
        %scatter3A_1306 = tpu.memref_squeeze %scatter3A_1305 : memref<1x64x128xf32, #tpu.memory_space<vmem>> -> memref<64x128xf32, #tpu.memory_space<vmem>>
        tpu.vector_store_idx %scatter3A_1306[%add3A_1296, %add3A_757], %gather3A_1302 : memref<64x128xf32, #tpu.memory_space<vmem>>[vector<16xi32>, vector<16xi32>], vector<16xf32>,
        %add3A_1307 = arith.constant 32 : i32
        %add3A_1308 = vector.broadcast %add3A_1307 : i32 to vector<16xi32>
        %add3A_1309 = arith.addi %add3A_1308, %rem3A_68 : vector<16xi32>
        %add3A_1310 = arith.addi %get3A_762, %add3A_1309 : vector<16xi32>
        %gather3A_1311 = arith.constant 0 : i32
        %gather3A_1312 = arith.constant 0 : i32
        %gather3A_1313 = tpu.memref_slice %arg9[%rem3A_276, %gather3A_1311, %gather3A_1312] : memref<4x128x128xf32, #tpu.memory_space<vmem>> -> memref<1x128x128xf32, #tpu.memory_space<vmem>>
        %gather3A_1314 = tpu.memref_squeeze %gather3A_1313 : memref<1x128x128xf32, #tpu.memory_space<vmem>> -> memref<128x128xf32, #tpu.memory_space<vmem>>
        %gather3A_1315 = tpu.vector_load_idx %gather3A_1314[%add3A_757, %add3A_1310] : memref<128x128xf32, #tpu.memory_space<vmem>>[vector<16xi32>, vector<16xi32>], vector<16xf32>,
        %scatter3A_1316 = arith.constant 0 : i32
        %scatter3A_1317 = arith.constant 0 : i32
        %scatter3A_1318 = tpu.memref_slice %arg10[%rem3A_276, %scatter3A_1316, %scatter3A_1317] : memref<4x64x128xf32, #tpu.memory_space<vmem>> -> memref<1x64x128xf32, #tpu.memory_space<vmem>>
        %scatter3A_1319 = tpu.memref_squeeze %scatter3A_1318 : memref<1x64x128xf32, #tpu.memory_space<vmem>> -> memref<64x128xf32, #tpu.memory_space<vmem>>
        tpu.vector_store_idx %scatter3A_1319[%add3A_1309, %add3A_757], %gather3A_1315 : memref<64x128xf32, #tpu.memory_space<vmem>>[vector<16xi32>, vector<16xi32>], vector<16xf32>,
        %add3A_1320 = arith.constant 48 : i32
        %add3A_1321 = vector.broadcast %add3A_1320 : i32 to vector<16xi32>
        %add3A_1322 = arith.addi %add3A_1321, %rem3A_68 : vector<16xi32>
        %add3A_1323 = arith.addi %get3A_762, %add3A_1322 : vector<16xi32>
        %gather3A_1324 = arith.constant 0 : i32
        %gather3A_1325 = arith.constant 0 : i32
        %gather3A_1326 = tpu.memref_slice %arg9[%rem3A_276, %gather3A_1324, %gather3A_1325] : memref<4x128x128xf32, #tpu.memory_space<vmem>> -> memref<1x128x128xf32, #tpu.memory_space<vmem>>
        %gather3A_1327 = tpu.memref_squeeze %gather3A_1326 : memref<1x128x128xf32, #tpu.memory_space<vmem>> -> memref<128x128xf32, #tpu.memory_space<vmem>>
        %gather3A_1328 = tpu.vector_load_idx %gather3A_1327[%add3A_757, %add3A_1323] : memref<128x128xf32, #tpu.memory_space<vmem>>[vector<16xi32>, vector<16xi32>], vector<16xf32>,
        %scatter3A_1329 = arith.constant 0 : i32
        %scatter3A_1330 = arith.constant 0 : i32
        %scatter3A_1331 = tpu.memref_slice %arg10[%rem3A_276, %scatter3A_1329, %scatter3A_1330] : memref<4x64x128xf32, #tpu.memory_space<vmem>> -> memref<1x64x128xf32, #tpu.memory_space<vmem>>
        %scatter3A_1332 = tpu.memref_squeeze %scatter3A_1331 : memref<1x64x128xf32, #tpu.memory_space<vmem>> -> memref<64x128xf32, #tpu.memory_space<vmem>>
        tpu.vector_store_idx %scatter3A_1332[%add3A_1322, %add3A_757], %gather3A_1328 : memref<64x128xf32, #tpu.memory_space<vmem>>[vector<16xi32>, vector<16xi32>], vector<16xf32>,
        %add3A_1333 = arith.constant 0 : i32
        %add3A_1334 = vector.broadcast %add3A_1333 : i32 to vector<16xi32>
        %add3A_1335 = arith.addi %add3A_1334, %rem3A_74 : vector<16xi32>
        %add3A_1336 = arith.addi %get3A_762, %add3A_1335 : vector<16xi32>
        %gather3A_1337 = arith.constant 0 : i32
        %gather3A_1338 = arith.constant 0 : i32
        %gather3A_1339 = tpu.memref_slice %arg9[%rem3A_276, %gather3A_1337, %gather3A_1338] : memref<4x128x128xf32, #tpu.memory_space<vmem>> -> memref<1x128x128xf32, #tpu.memory_space<vmem>>
        %gather3A_1340 = tpu.memref_squeeze %gather3A_1339 : memref<1x128x128xf32, #tpu.memory_space<vmem>> -> memref<128x128xf32, #tpu.memory_space<vmem>>
        %gather3A_1341 = tpu.vector_load_idx %gather3A_1340[%add3A_757, %add3A_1336] : memref<128x128xf32, #tpu.memory_space<vmem>>[vector<16xi32>, vector<16xi32>], vector<16xf32>,
        %scatter3A_1342 = arith.constant 0 : i32
        %scatter3A_1343 = arith.constant 0 : i32
        %scatter3A_1344 = tpu.memref_slice %arg10[%rem3A_276, %scatter3A_1342, %scatter3A_1343] : memref<4x64x128xf32, #tpu.memory_space<vmem>> -> memref<1x64x128xf32, #tpu.memory_space<vmem>>
        %scatter3A_1345 = tpu.memref_squeeze %scatter3A_1344 : memref<1x64x128xf32, #tpu.memory_space<vmem>> -> memref<64x128xf32, #tpu.memory_space<vmem>>
        tpu.vector_store_idx %scatter3A_1345[%add3A_1335, %add3A_757], %gather3A_1341 : memref<64x128xf32, #tpu.memory_space<vmem>>[vector<16xi32>, vector<16xi32>], vector<16xf32>,
        %add3A_1346 = arith.constant 16 : i32
        %add3A_1347 = vector.broadcast %add3A_1346 : i32 to vector<16xi32>
        %add3A_1348 = arith.addi %add3A_1347, %rem3A_74 : vector<16xi32>
        %add3A_1349 = arith.addi %get3A_762, %add3A_1348 : vector<16xi32>
        %gather3A_1350 = arith.constant 0 : i32
        %gather3A_1351 = arith.constant 0 : i32
        %gather3A_1352 = tpu.memref_slice %arg9[%rem3A_276, %gather3A_1350, %gather3A_1351] : memref<4x128x128xf32, #tpu.memory_space<vmem>> -> memref<1x128x128xf32, #tpu.memory_space<vmem>>
        %gather3A_1353 = tpu.memref_squeeze %gather3A_1352 : memref<1x128x128xf32, #tpu.memory_space<vmem>> -> memref<128x128xf32, #tpu.memory_space<vmem>>
        %gather3A_1354 = tpu.vector_load_idx %gather3A_1353[%add3A_757, %add3A_1349] : memref<128x128xf32, #tpu.memory_space<vmem>>[vector<16xi32>, vector<16xi32>], vector<16xf32>,
        %scatter3A_1355 = arith.constant 0 : i32
        %scatter3A_1356 = arith.constant 0 : i32
        %scatter3A_1357 = tpu.memref_slice %arg10[%rem3A_276, %scatter3A_1355, %scatter3A_1356] : memref<4x64x128xf32, #tpu.memory_space<vmem>> -> memref<1x64x128xf32, #tpu.memory_space<vmem>>
        %scatter3A_1358 = tpu.memref_squeeze %scatter3A_1357 : memref<1x64x128xf32, #tpu.memory_space<vmem>> -> memref<64x128xf32, #tpu.memory_space<vmem>>
        tpu.vector_store_idx %scatter3A_1358[%add3A_1348, %add3A_757], %gather3A_1354 : memref<64x128xf32, #tpu.memory_space<vmem>>[vector<16xi32>, vector<16xi32>], vector<16xf32>,
        %add3A_1359 = arith.constant 32 : i32
        %add3A_1360 = vector.broadcast %add3A_1359 : i32 to vector<16xi32>
        %add3A_1361 = arith.addi %add3A_1360, %rem3A_74 : vector<16xi32>
        %add3A_1362 = arith.addi %get3A_762, %add3A_1361 : vector<16xi32>
        %gather3A_1363 = arith.constant 0 : i32
        %gather3A_1364 = arith.constant 0 : i32
        %gather3A_1365 = tpu.memref_slice %arg9[%rem3A_276, %gather3A_1363, %gather3A_1364] : memref<4x128x128xf32, #tpu.memory_space<vmem>> -> memref<1x128x128xf32, #tpu.memory_space<vmem>>
        %gather3A_1366 = tpu.memref_squeeze %gather3A_1365 : memref<1x128x128xf32, #tpu.memory_space<vmem>> -> memref<128x128xf32, #tpu.memory_space<vmem>>
        %gather3A_1367 = tpu.vector_load_idx %gather3A_1366[%add3A_757, %add3A_1362] : memref<128x128xf32, #tpu.memory_space<vmem>>[vector<16xi32>, vector<16xi32>], vector<16xf32>,
        %scatter3A_1368 = arith.constant 0 : i32
        %scatter3A_1369 = arith.constant 0 : i32
        %scatter3A_1370 = tpu.memref_slice %arg10[%rem3A_276, %scatter3A_1368, %scatter3A_1369] : memref<4x64x128xf32, #tpu.memory_space<vmem>> -> memref<1x64x128xf32, #tpu.memory_space<vmem>>
        %scatter3A_1371 = tpu.memref_squeeze %scatter3A_1370 : memref<1x64x128xf32, #tpu.memory_space<vmem>> -> memref<64x128xf32, #tpu.memory_space<vmem>>
        tpu.vector_store_idx %scatter3A_1371[%add3A_1361, %add3A_757], %gather3A_1367 : memref<64x128xf32, #tpu.memory_space<vmem>>[vector<16xi32>, vector<16xi32>], vector<16xf32>,
        %add3A_1372 = arith.constant 48 : i32
        %add3A_1373 = vector.broadcast %add3A_1372 : i32 to vector<16xi32>
        %add3A_1374 = arith.addi %add3A_1373, %rem3A_74 : vector<16xi32>
        %add3A_1375 = arith.addi %get3A_762, %add3A_1374 : vector<16xi32>
        %gather3A_1376 = arith.constant 0 : i32
        %gather3A_1377 = arith.constant 0 : i32
        %gather3A_1378 = tpu.memref_slice %arg9[%rem3A_276, %gather3A_1376, %gather3A_1377] : memref<4x128x128xf32, #tpu.memory_space<vmem>> -> memref<1x128x128xf32, #tpu.memory_space<vmem>>
        %gather3A_1379 = tpu.memref_squeeze %gather3A_1378 : memref<1x128x128xf32, #tpu.memory_space<vmem>> -> memref<128x128xf32, #tpu.memory_space<vmem>>
        %gather3A_1380 = tpu.vector_load_idx %gather3A_1379[%add3A_757, %add3A_1375] : memref<128x128xf32, #tpu.memory_space<vmem>>[vector<16xi32>, vector<16xi32>], vector<16xf32>,
        %scatter3A_1381 = arith.constant 0 : i32
        %scatter3A_1382 = arith.constant 0 : i32
        %scatter3A_1383 = tpu.memref_slice %arg10[%rem3A_276, %scatter3A_1381, %scatter3A_1382] : memref<4x64x128xf32, #tpu.memory_space<vmem>> -> memref<1x64x128xf32, #tpu.memory_space<vmem>>
        %scatter3A_1384 = tpu.memref_squeeze %scatter3A_1383 : memref<1x64x128xf32, #tpu.memory_space<vmem>> -> memref<64x128xf32, #tpu.memory_space<vmem>>
        tpu.vector_store_idx %scatter3A_1384[%add3A_1374, %add3A_757], %gather3A_1380 : memref<64x128xf32, #tpu.memory_space<vmem>>[vector<16xi32>, vector<16xi32>], vector<16xf32>,
        %add3A_1385 = arith.constant 0 : i32
        %add3A_1386 = vector.broadcast %add3A_1385 : i32 to vector<16xi32>
        %add3A_1387 = arith.addi %add3A_1386, %rem3A_80 : vector<16xi32>
        %add3A_1388 = arith.addi %get3A_762, %add3A_1387 : vector<16xi32>
        %gather3A_1389 = arith.constant 0 : i32
        %gather3A_1390 = arith.constant 0 : i32
        %gather3A_1391 = tpu.memref_slice %arg9[%rem3A_276, %gather3A_1389, %gather3A_1390] : memref<4x128x128xf32, #tpu.memory_space<vmem>> -> memref<1x128x128xf32, #tpu.memory_space<vmem>>
        %gather3A_1392 = tpu.memref_squeeze %gather3A_1391 : memref<1x128x128xf32, #tpu.memory_space<vmem>> -> memref<128x128xf32, #tpu.memory_space<vmem>>
        %gather3A_1393 = tpu.vector_load_idx %gather3A_1392[%add3A_757, %add3A_1388] : memref<128x128xf32, #tpu.memory_space<vmem>>[vector<16xi32>, vector<16xi32>], vector<16xf32>,
        %scatter3A_1394 = arith.constant 0 : i32
        %scatter3A_1395 = arith.constant 0 : i32
        %scatter3A_1396 = tpu.memref_slice %arg10[%rem3A_276, %scatter3A_1394, %scatter3A_1395] : memref<4x64x128xf32, #tpu.memory_space<vmem>> -> memref<1x64x128xf32, #tpu.memory_space<vmem>>
        %scatter3A_1397 = tpu.memref_squeeze %scatter3A_1396 : memref<1x64x128xf32, #tpu.memory_space<vmem>> -> memref<64x128xf32, #tpu.memory_space<vmem>>
        tpu.vector_store_idx %scatter3A_1397[%add3A_1387, %add3A_757], %gather3A_1393 : memref<64x128xf32, #tpu.memory_space<vmem>>[vector<16xi32>, vector<16xi32>], vector<16xf32>,
        %add3A_1398 = arith.constant 16 : i32
        %add3A_1399 = vector.broadcast %add3A_1398 : i32 to vector<16xi32>
        %add3A_1400 = arith.addi %add3A_1399, %rem3A_80 : vector<16xi32>
        %add3A_1401 = arith.addi %get3A_762, %add3A_1400 : vector<16xi32>
        %gather3A_1402 = arith.constant 0 : i32
        %gather3A_1403 = arith.constant 0 : i32
        %gather3A_1404 = tpu.memref_slice %arg9[%rem3A_276, %gather3A_1402, %gather3A_1403] : memref<4x128x128xf32, #tpu.memory_space<vmem>> -> memref<1x128x128xf32, #tpu.memory_space<vmem>>
        %gather3A_1405 = tpu.memref_squeeze %gather3A_1404 : memref<1x128x128xf32, #tpu.memory_space<vmem>> -> memref<128x128xf32, #tpu.memory_space<vmem>>
        %gather3A_1406 = tpu.vector_load_idx %gather3A_1405[%add3A_757, %add3A_1401] : memref<128x128xf32, #tpu.memory_space<vmem>>[vector<16xi32>, vector<16xi32>], vector<16xf32>,
        %scatter3A_1407 = arith.constant 0 : i32
        %scatter3A_1408 = arith.constant 0 : i32
        %scatter3A_1409 = tpu.memref_slice %arg10[%rem3A_276, %scatter3A_1407, %scatter3A_1408] : memref<4x64x128xf32, #tpu.memory_space<vmem>> -> memref<1x64x128xf32, #tpu.memory_space<vmem>>
        %scatter3A_1410 = tpu.memref_squeeze %scatter3A_1409 : memref<1x64x128xf32, #tpu.memory_space<vmem>> -> memref<64x128xf32, #tpu.memory_space<vmem>>
        tpu.vector_store_idx %scatter3A_1410[%add3A_1400, %add3A_757], %gather3A_1406 : memref<64x128xf32, #tpu.memory_space<vmem>>[vector<16xi32>, vector<16xi32>], vector<16xf32>,
        %add3A_1411 = arith.constant 32 : i32
        %add3A_1412 = vector.broadcast %add3A_1411 : i32 to vector<16xi32>
        %add3A_1413 = arith.addi %add3A_1412, %rem3A_80 : vector<16xi32>
        %add3A_1414 = arith.addi %get3A_762, %add3A_1413 : vector<16xi32>
        %gather3A_1415 = arith.constant 0 : i32
        %gather3A_1416 = arith.constant 0 : i32
        %gather3A_1417 = tpu.memref_slice %arg9[%rem3A_276, %gather3A_1415, %gather3A_1416] : memref<4x128x128xf32, #tpu.memory_space<vmem>> -> memref<1x128x128xf32, #tpu.memory_space<vmem>>
        %gather3A_1418 = tpu.memref_squeeze %gather3A_1417 : memref<1x128x128xf32, #tpu.memory_space<vmem>> -> memref<128x128xf32, #tpu.memory_space<vmem>>
        %gather3A_1419 = tpu.vector_load_idx %gather3A_1418[%add3A_757, %add3A_1414] : memref<128x128xf32, #tpu.memory_space<vmem>>[vector<16xi32>, vector<16xi32>], vector<16xf32>,
        %scatter3A_1420 = arith.constant 0 : i32
        %scatter3A_1421 = arith.constant 0 : i32
        %scatter3A_1422 = tpu.memref_slice %arg10[%rem3A_276, %scatter3A_1420, %scatter3A_1421] : memref<4x64x128xf32, #tpu.memory_space<vmem>> -> memref<1x64x128xf32, #tpu.memory_space<vmem>>
        %scatter3A_1423 = tpu.memref_squeeze %scatter3A_1422 : memref<1x64x128xf32, #tpu.memory_space<vmem>> -> memref<64x128xf32, #tpu.memory_space<vmem>>
        tpu.vector_store_idx %scatter3A_1423[%add3A_1413, %add3A_757], %gather3A_1419 : memref<64x128xf32, #tpu.memory_space<vmem>>[vector<16xi32>, vector<16xi32>], vector<16xf32>,
        %add3A_1424 = arith.constant 48 : i32
        %add3A_1425 = vector.broadcast %add3A_1424 : i32 to vector<16xi32>
        %add3A_1426 = arith.addi %add3A_1425, %rem3A_80 : vector<16xi32>
        %add3A_1427 = arith.addi %get3A_762, %add3A_1426 : vector<16xi32>
        %gather3A_1428 = arith.constant 0 : i32
        %gather3A_1429 = arith.constant 0 : i32
        %gather3A_1430 = tpu.memref_slice %arg9[%rem3A_276, %gather3A_1428, %gather3A_1429] : memref<4x128x128xf32, #tpu.memory_space<vmem>> -> memref<1x128x128xf32, #tpu.memory_space<vmem>>
        %gather3A_1431 = tpu.memref_squeeze %gather3A_1430 : memref<1x128x128xf32, #tpu.memory_space<vmem>> -> memref<128x128xf32, #tpu.memory_space<vmem>>
        %gather3A_1432 = tpu.vector_load_idx %gather3A_1431[%add3A_757, %add3A_1427] : memref<128x128xf32, #tpu.memory_space<vmem>>[vector<16xi32>, vector<16xi32>], vector<16xf32>,
        %scatter3A_1433 = arith.constant 0 : i32
        %scatter3A_1434 = arith.constant 0 : i32
        %scatter3A_1435 = tpu.memref_slice %arg10[%rem3A_276, %scatter3A_1433, %scatter3A_1434] : memref<4x64x128xf32, #tpu.memory_space<vmem>> -> memref<1x64x128xf32, #tpu.memory_space<vmem>>
        %scatter3A_1436 = tpu.memref_squeeze %scatter3A_1435 : memref<1x64x128xf32, #tpu.memory_space<vmem>> -> memref<64x128xf32, #tpu.memory_space<vmem>>
        tpu.vector_store_idx %scatter3A_1436[%add3A_1426, %add3A_757], %gather3A_1432 : memref<64x128xf32, #tpu.memory_space<vmem>>[vector<16xi32>, vector<16xi32>], vector<16xf32>,
        %add3A_1437 = arith.constant 0 : i32
        %add3A_1438 = vector.broadcast %add3A_1437 : i32 to vector<16xi32>
        %add3A_1439 = arith.addi %add3A_1438, %rem3A_86 : vector<16xi32>
        %add3A_1440 = arith.addi %get3A_762, %add3A_1439 : vector<16xi32>
        %gather3A_1441 = arith.constant 0 : i32
        %gather3A_1442 = arith.constant 0 : i32
        %gather3A_1443 = tpu.memref_slice %arg9[%rem3A_276, %gather3A_1441, %gather3A_1442] : memref<4x128x128xf32, #tpu.memory_space<vmem>> -> memref<1x128x128xf32, #tpu.memory_space<vmem>>
        %gather3A_1444 = tpu.memref_squeeze %gather3A_1443 : memref<1x128x128xf32, #tpu.memory_space<vmem>> -> memref<128x128xf32, #tpu.memory_space<vmem>>
        %gather3A_1445 = tpu.vector_load_idx %gather3A_1444[%add3A_757, %add3A_1440] : memref<128x128xf32, #tpu.memory_space<vmem>>[vector<16xi32>, vector<16xi32>], vector<16xf32>,
        %scatter3A_1446 = arith.constant 0 : i32
        %scatter3A_1447 = arith.constant 0 : i32
        %scatter3A_1448 = tpu.memref_slice %arg10[%rem3A_276, %scatter3A_1446, %scatter3A_1447] : memref<4x64x128xf32, #tpu.memory_space<vmem>> -> memref<1x64x128xf32, #tpu.memory_space<vmem>>
        %scatter3A_1449 = tpu.memref_squeeze %scatter3A_1448 : memref<1x64x128xf32, #tpu.memory_space<vmem>> -> memref<64x128xf32, #tpu.memory_space<vmem>>
        tpu.vector_store_idx %scatter3A_1449[%add3A_1439, %add3A_757], %gather3A_1445 : memref<64x128xf32, #tpu.memory_space<vmem>>[vector<16xi32>, vector<16xi32>], vector<16xf32>,
        %add3A_1450 = arith.constant 16 : i32
        %add3A_1451 = vector.broadcast %add3A_1450 : i32 to vector<16xi32>
        %add3A_1452 = arith.addi %add3A_1451, %rem3A_86 : vector<16xi32>
        %add3A_1453 = arith.addi %get3A_762, %add3A_1452 : vector<16xi32>
        %gather3A_1454 = arith.constant 0 : i32
        %gather3A_1455 = arith.constant 0 : i32
        %gather3A_1456 = tpu.memref_slice %arg9[%rem3A_276, %gather3A_1454, %gather3A_1455] : memref<4x128x128xf32, #tpu.memory_space<vmem>> -> memref<1x128x128xf32, #tpu.memory_space<vmem>>
        %gather3A_1457 = tpu.memref_squeeze %gather3A_1456 : memref<1x128x128xf32, #tpu.memory_space<vmem>> -> memref<128x128xf32, #tpu.memory_space<vmem>>
        %gather3A_1458 = tpu.vector_load_idx %gather3A_1457[%add3A_757, %add3A_1453] : memref<128x128xf32, #tpu.memory_space<vmem>>[vector<16xi32>, vector<16xi32>], vector<16xf32>,
        %scatter3A_1459 = arith.constant 0 : i32
        %scatter3A_1460 = arith.constant 0 : i32
        %scatter3A_1461 = tpu.memref_slice %arg10[%rem3A_276, %scatter3A_1459, %scatter3A_1460] : memref<4x64x128xf32, #tpu.memory_space<vmem>> -> memref<1x64x128xf32, #tpu.memory_space<vmem>>
        %scatter3A_1462 = tpu.memref_squeeze %scatter3A_1461 : memref<1x64x128xf32, #tpu.memory_space<vmem>> -> memref<64x128xf32, #tpu.memory_space<vmem>>
        tpu.vector_store_idx %scatter3A_1462[%add3A_1452, %add3A_757], %gather3A_1458 : memref<64x128xf32, #tpu.memory_space<vmem>>[vector<16xi32>, vector<16xi32>], vector<16xf32>,
        %add3A_1463 = arith.constant 32 : i32
        %add3A_1464 = vector.broadcast %add3A_1463 : i32 to vector<16xi32>
        %add3A_1465 = arith.addi %add3A_1464, %rem3A_86 : vector<16xi32>
        %add3A_1466 = arith.addi %get3A_762, %add3A_1465 : vector<16xi32>
        %gather3A_1467 = arith.constant 0 : i32
        %gather3A_1468 = arith.constant 0 : i32
        %gather3A_1469 = tpu.memref_slice %arg9[%rem3A_276, %gather3A_1467, %gather3A_1468] : memref<4x128x128xf32, #tpu.memory_space<vmem>> -> memref<1x128x128xf32, #tpu.memory_space<vmem>>
        %gather3A_1470 = tpu.memref_squeeze %gather3A_1469 : memref<1x128x128xf32, #tpu.memory_space<vmem>> -> memref<128x128xf32, #tpu.memory_space<vmem>>
        %gather3A_1471 = tpu.vector_load_idx %gather3A_1470[%add3A_757, %add3A_1466] : memref<128x128xf32, #tpu.memory_space<vmem>>[vector<16xi32>, vector<16xi32>], vector<16xf32>,
        %scatter3A_1472 = arith.constant 0 : i32
        %scatter3A_1473 = arith.constant 0 : i32
        %scatter3A_1474 = tpu.memref_slice %arg10[%rem3A_276, %scatter3A_1472, %scatter3A_1473] : memref<4x64x128xf32, #tpu.memory_space<vmem>> -> memref<1x64x128xf32, #tpu.memory_space<vmem>>
        %scatter3A_1475 = tpu.memref_squeeze %scatter3A_1474 : memref<1x64x128xf32, #tpu.memory_space<vmem>> -> memref<64x128xf32, #tpu.memory_space<vmem>>
        tpu.vector_store_idx %scatter3A_1475[%add3A_1465, %add3A_757], %gather3A_1471 : memref<64x128xf32, #tpu.memory_space<vmem>>[vector<16xi32>, vector<16xi32>], vector<16xf32>,
        %add3A_1476 = arith.constant 48 : i32
        %add3A_1477 = vector.broadcast %add3A_1476 : i32 to vector<16xi32>
        %add3A_1478 = arith.addi %add3A_1477, %rem3A_86 : vector<16xi32>
        %add3A_1479 = arith.addi %get3A_762, %add3A_1478 : vector<16xi32>
        %gather3A_1480 = arith.constant 0 : i32
        %gather3A_1481 = arith.constant 0 : i32
        %gather3A_1482 = tpu.memref_slice %arg9[%rem3A_276, %gather3A_1480, %gather3A_1481] : memref<4x128x128xf32, #tpu.memory_space<vmem>> -> memref<1x128x128xf32, #tpu.memory_space<vmem>>
        %gather3A_1483 = tpu.memref_squeeze %gather3A_1482 : memref<1x128x128xf32, #tpu.memory_space<vmem>> -> memref<128x128xf32, #tpu.memory_space<vmem>>
        %gather3A_1484 = tpu.vector_load_idx %gather3A_1483[%add3A_757, %add3A_1479] : memref<128x128xf32, #tpu.memory_space<vmem>>[vector<16xi32>, vector<16xi32>], vector<16xf32>,
        %scatter3A_1485 = arith.constant 0 : i32
        %scatter3A_1486 = arith.constant 0 : i32
        %scatter3A_1487 = tpu.memref_slice %arg10[%rem3A_276, %scatter3A_1485, %scatter3A_1486] : memref<4x64x128xf32, #tpu.memory_space<vmem>> -> memref<1x64x128xf32, #tpu.memory_space<vmem>>
        %scatter3A_1488 = tpu.memref_squeeze %scatter3A_1487 : memref<1x64x128xf32, #tpu.memory_space<vmem>> -> memref<64x128xf32, #tpu.memory_space<vmem>>
        tpu.vector_store_idx %scatter3A_1488[%add3A_1478, %add3A_757], %gather3A_1484 : memref<64x128xf32, #tpu.memory_space<vmem>>[vector<16xi32>, vector<16xi32>], vector<16xf32>,
        %add3A_1489 = arith.constant 0 : i32
        %add3A_1490 = vector.broadcast %add3A_1489 : i32 to vector<16xi32>
        %add3A_1491 = arith.addi %add3A_1490, %rem3A_92 : vector<16xi32>
        %add3A_1492 = arith.addi %get3A_762, %add3A_1491 : vector<16xi32>
        %gather3A_1493 = arith.constant 0 : i32
        %gather3A_1494 = arith.constant 0 : i32
        %gather3A_1495 = tpu.memref_slice %arg9[%rem3A_276, %gather3A_1493, %gather3A_1494] : memref<4x128x128xf32, #tpu.memory_space<vmem>> -> memref<1x128x128xf32, #tpu.memory_space<vmem>>
        %gather3A_1496 = tpu.memref_squeeze %gather3A_1495 : memref<1x128x128xf32, #tpu.memory_space<vmem>> -> memref<128x128xf32, #tpu.memory_space<vmem>>
        %gather3A_1497 = tpu.vector_load_idx %gather3A_1496[%add3A_757, %add3A_1492] : memref<128x128xf32, #tpu.memory_space<vmem>>[vector<16xi32>, vector<16xi32>], vector<16xf32>,
        %scatter3A_1498 = arith.constant 0 : i32
        %scatter3A_1499 = arith.constant 0 : i32
        %scatter3A_1500 = tpu.memref_slice %arg10[%rem3A_276, %scatter3A_1498, %scatter3A_1499] : memref<4x64x128xf32, #tpu.memory_space<vmem>> -> memref<1x64x128xf32, #tpu.memory_space<vmem>>
        %scatter3A_1501 = tpu.memref_squeeze %scatter3A_1500 : memref<1x64x128xf32, #tpu.memory_space<vmem>> -> memref<64x128xf32, #tpu.memory_space<vmem>>
        tpu.vector_store_idx %scatter3A_1501[%add3A_1491, %add3A_757], %gather3A_1497 : memref<64x128xf32, #tpu.memory_space<vmem>>[vector<16xi32>, vector<16xi32>], vector<16xf32>,
        %add3A_1502 = arith.constant 16 : i32
        %add3A_1503 = vector.broadcast %add3A_1502 : i32 to vector<16xi32>
        %add3A_1504 = arith.addi %add3A_1503, %rem3A_92 : vector<16xi32>
        %add3A_1505 = arith.addi %get3A_762, %add3A_1504 : vector<16xi32>
        %gather3A_1506 = arith.constant 0 : i32
        %gather3A_1507 = arith.constant 0 : i32
        %gather3A_1508 = tpu.memref_slice %arg9[%rem3A_276, %gather3A_1506, %gather3A_1507] : memref<4x128x128xf32, #tpu.memory_space<vmem>> -> memref<1x128x128xf32, #tpu.memory_space<vmem>>
        %gather3A_1509 = tpu.memref_squeeze %gather3A_1508 : memref<1x128x128xf32, #tpu.memory_space<vmem>> -> memref<128x128xf32, #tpu.memory_space<vmem>>
        %gather3A_1510 = tpu.vector_load_idx %gather3A_1509[%add3A_757, %add3A_1505] : memref<128x128xf32, #tpu.memory_space<vmem>>[vector<16xi32>, vector<16xi32>], vector<16xf32>,
        %scatter3A_1511 = arith.constant 0 : i32
        %scatter3A_1512 = arith.constant 0 : i32
        %scatter3A_1513 = tpu.memref_slice %arg10[%rem3A_276, %scatter3A_1511, %scatter3A_1512] : memref<4x64x128xf32, #tpu.memory_space<vmem>> -> memref<1x64x128xf32, #tpu.memory_space<vmem>>
        %scatter3A_1514 = tpu.memref_squeeze %scatter3A_1513 : memref<1x64x128xf32, #tpu.memory_space<vmem>> -> memref<64x128xf32, #tpu.memory_space<vmem>>
        tpu.vector_store_idx %scatter3A_1514[%add3A_1504, %add3A_757], %gather3A_1510 : memref<64x128xf32, #tpu.memory_space<vmem>>[vector<16xi32>, vector<16xi32>], vector<16xf32>,
        %add3A_1515 = arith.constant 32 : i32
        %add3A_1516 = vector.broadcast %add3A_1515 : i32 to vector<16xi32>
        %add3A_1517 = arith.addi %add3A_1516, %rem3A_92 : vector<16xi32>
        %add3A_1518 = arith.addi %get3A_762, %add3A_1517 : vector<16xi32>
        %gather3A_1519 = arith.constant 0 : i32
        %gather3A_1520 = arith.constant 0 : i32
        %gather3A_1521 = tpu.memref_slice %arg9[%rem3A_276, %gather3A_1519, %gather3A_1520] : memref<4x128x128xf32, #tpu.memory_space<vmem>> -> memref<1x128x128xf32, #tpu.memory_space<vmem>>
        %gather3A_1522 = tpu.memref_squeeze %gather3A_1521 : memref<1x128x128xf32, #tpu.memory_space<vmem>> -> memref<128x128xf32, #tpu.memory_space<vmem>>
        %gather3A_1523 = tpu.vector_load_idx %gather3A_1522[%add3A_757, %add3A_1518] : memref<128x128xf32, #tpu.memory_space<vmem>>[vector<16xi32>, vector<16xi32>], vector<16xf32>,
        %scatter3A_1524 = arith.constant 0 : i32
        %scatter3A_1525 = arith.constant 0 : i32
        %scatter3A_1526 = tpu.memref_slice %arg10[%rem3A_276, %scatter3A_1524, %scatter3A_1525] : memref<4x64x128xf32, #tpu.memory_space<vmem>> -> memref<1x64x128xf32, #tpu.memory_space<vmem>>
        %scatter3A_1527 = tpu.memref_squeeze %scatter3A_1526 : memref<1x64x128xf32, #tpu.memory_space<vmem>> -> memref<64x128xf32, #tpu.memory_space<vmem>>
        tpu.vector_store_idx %scatter3A_1527[%add3A_1517, %add3A_757], %gather3A_1523 : memref<64x128xf32, #tpu.memory_space<vmem>>[vector<16xi32>, vector<16xi32>], vector<16xf32>,
        %add3A_1528 = arith.constant 48 : i32
        %add3A_1529 = vector.broadcast %add3A_1528 : i32 to vector<16xi32>
        %add3A_1530 = arith.addi %add3A_1529, %rem3A_92 : vector<16xi32>
        %add3A_1531 = arith.addi %get3A_762, %add3A_1530 : vector<16xi32>
        %gather3A_1532 = arith.constant 0 : i32
        %gather3A_1533 = arith.constant 0 : i32
        %gather3A_1534 = tpu.memref_slice %arg9[%rem3A_276, %gather3A_1532, %gather3A_1533] : memref<4x128x128xf32, #tpu.memory_space<vmem>> -> memref<1x128x128xf32, #tpu.memory_space<vmem>>
        %gather3A_1535 = tpu.memref_squeeze %gather3A_1534 : memref<1x128x128xf32, #tpu.memory_space<vmem>> -> memref<128x128xf32, #tpu.memory_space<vmem>>
        %gather3A_1536 = tpu.vector_load_idx %gather3A_1535[%add3A_757, %add3A_1531] : memref<128x128xf32, #tpu.memory_space<vmem>>[vector<16xi32>, vector<16xi32>], vector<16xf32>,
        %scatter3A_1537 = arith.constant 0 : i32
        %scatter3A_1538 = arith.constant 0 : i32
        %scatter3A_1539 = tpu.memref_slice %arg10[%rem3A_276, %scatter3A_1537, %scatter3A_1538] : memref<4x64x128xf32, #tpu.memory_space<vmem>> -> memref<1x64x128xf32, #tpu.memory_space<vmem>>
        %scatter3A_1540 = tpu.memref_squeeze %scatter3A_1539 : memref<1x64x128xf32, #tpu.memory_space<vmem>> -> memref<64x128xf32, #tpu.memory_space<vmem>>
        tpu.vector_store_idx %scatter3A_1540[%add3A_1530, %add3A_757], %gather3A_1536 : memref<64x128xf32, #tpu.memory_space<vmem>>[vector<16xi32>, vector<16xi32>], vector<16xf32>,
        %add3A_1541 = arith.constant 0 : i32
        %add3A_1542 = vector.broadcast %add3A_1541 : i32 to vector<16xi32>
        %add3A_1543 = arith.addi %add3A_1542, %rem3A_98 : vector<16xi32>
        %add3A_1544 = arith.addi %get3A_762, %add3A_1543 : vector<16xi32>
        %gather3A_1545 = arith.constant 0 : i32
        %gather3A_1546 = arith.constant 0 : i32
        %gather3A_1547 = tpu.memref_slice %arg9[%rem3A_276, %gather3A_1545, %gather3A_1546] : memref<4x128x128xf32, #tpu.memory_space<vmem>> -> memref<1x128x128xf32, #tpu.memory_space<vmem>>
        %gather3A_1548 = tpu.memref_squeeze %gather3A_1547 : memref<1x128x128xf32, #tpu.memory_space<vmem>> -> memref<128x128xf32, #tpu.memory_space<vmem>>
        %gather3A_1549 = tpu.vector_load_idx %gather3A_1548[%add3A_757, %add3A_1544] : memref<128x128xf32, #tpu.memory_space<vmem>>[vector<16xi32>, vector<16xi32>], vector<16xf32>,
        %scatter3A_1550 = arith.constant 0 : i32
        %scatter3A_1551 = arith.constant 0 : i32
        %scatter3A_1552 = tpu.memref_slice %arg10[%rem3A_276, %scatter3A_1550, %scatter3A_1551] : memref<4x64x128xf32, #tpu.memory_space<vmem>> -> memref<1x64x128xf32, #tpu.memory_space<vmem>>
        %scatter3A_1553 = tpu.memref_squeeze %scatter3A_1552 : memref<1x64x128xf32, #tpu.memory_space<vmem>> -> memref<64x128xf32, #tpu.memory_space<vmem>>
        tpu.vector_store_idx %scatter3A_1553[%add3A_1543, %add3A_757], %gather3A_1549 : memref<64x128xf32, #tpu.memory_space<vmem>>[vector<16xi32>, vector<16xi32>], vector<16xf32>,
        %add3A_1554 = arith.constant 16 : i32
        %add3A_1555 = vector.broadcast %add3A_1554 : i32 to vector<16xi32>
        %add3A_1556 = arith.addi %add3A_1555, %rem3A_98 : vector<16xi32>
        %add3A_1557 = arith.addi %get3A_762, %add3A_1556 : vector<16xi32>
        %gather3A_1558 = arith.constant 0 : i32
        %gather3A_1559 = arith.constant 0 : i32
        %gather3A_1560 = tpu.memref_slice %arg9[%rem3A_276, %gather3A_1558, %gather3A_1559] : memref<4x128x128xf32, #tpu.memory_space<vmem>> -> memref<1x128x128xf32, #tpu.memory_space<vmem>>
        %gather3A_1561 = tpu.memref_squeeze %gather3A_1560 : memref<1x128x128xf32, #tpu.memory_space<vmem>> -> memref<128x128xf32, #tpu.memory_space<vmem>>
        %gather3A_1562 = tpu.vector_load_idx %gather3A_1561[%add3A_757, %add3A_1557] : memref<128x128xf32, #tpu.memory_space<vmem>>[vector<16xi32>, vector<16xi32>], vector<16xf32>,
        %scatter3A_1563 = arith.constant 0 : i32
        %scatter3A_1564 = arith.constant 0 : i32
        %scatter3A_1565 = tpu.memref_slice %arg10[%rem3A_276, %scatter3A_1563, %scatter3A_1564] : memref<4x64x128xf32, #tpu.memory_space<vmem>> -> memref<1x64x128xf32, #tpu.memory_space<vmem>>
        %scatter3A_1566 = tpu.memref_squeeze %scatter3A_1565 : memref<1x64x128xf32, #tpu.memory_space<vmem>> -> memref<64x128xf32, #tpu.memory_space<vmem>>
        tpu.vector_store_idx %scatter3A_1566[%add3A_1556, %add3A_757], %gather3A_1562 : memref<64x128xf32, #tpu.memory_space<vmem>>[vector<16xi32>, vector<16xi32>], vector<16xf32>,
        %add3A_1567 = arith.constant 32 : i32
        %add3A_1568 = vector.broadcast %add3A_1567 : i32 to vector<16xi32>
        %add3A_1569 = arith.addi %add3A_1568, %rem3A_98 : vector<16xi32>
        %add3A_1570 = arith.addi %get3A_762, %add3A_1569 : vector<16xi32>
        %gather3A_1571 = arith.constant 0 : i32
        %gather3A_1572 = arith.constant 0 : i32
        %gather3A_1573 = tpu.memref_slice %arg9[%rem3A_276, %gather3A_1571, %gather3A_1572] : memref<4x128x128xf32, #tpu.memory_space<vmem>> -> memref<1x128x128xf32, #tpu.memory_space<vmem>>
        %gather3A_1574 = tpu.memref_squeeze %gather3A_1573 : memref<1x128x128xf32, #tpu.memory_space<vmem>> -> memref<128x128xf32, #tpu.memory_space<vmem>>
        %gather3A_1575 = tpu.vector_load_idx %gather3A_1574[%add3A_757, %add3A_1570] : memref<128x128xf32, #tpu.memory_space<vmem>>[vector<16xi32>, vector<16xi32>], vector<16xf32>,
        %scatter3A_1576 = arith.constant 0 : i32
        %scatter3A_1577 = arith.constant 0 : i32
        %scatter3A_1578 = tpu.memref_slice %arg10[%rem3A_276, %scatter3A_1576, %scatter3A_1577] : memref<4x64x128xf32, #tpu.memory_space<vmem>> -> memref<1x64x128xf32, #tpu.memory_space<vmem>>
        %scatter3A_1579 = tpu.memref_squeeze %scatter3A_1578 : memref<1x64x128xf32, #tpu.memory_space<vmem>> -> memref<64x128xf32, #tpu.memory_space<vmem>>
        tpu.vector_store_idx %scatter3A_1579[%add3A_1569, %add3A_757], %gather3A_1575 : memref<64x128xf32, #tpu.memory_space<vmem>>[vector<16xi32>, vector<16xi32>], vector<16xf32>,
        %add3A_1580 = arith.constant 48 : i32
        %add3A_1581 = vector.broadcast %add3A_1580 : i32 to vector<16xi32>
        %add3A_1582 = arith.addi %add3A_1581, %rem3A_98 : vector<16xi32>
        %add3A_1583 = arith.addi %get3A_762, %add3A_1582 : vector<16xi32>
        %gather3A_1584 = arith.constant 0 : i32
        %gather3A_1585 = arith.constant 0 : i32
        %gather3A_1586 = tpu.memref_slice %arg9[%rem3A_276, %gather3A_1584, %gather3A_1585] : memref<4x128x128xf32, #tpu.memory_space<vmem>> -> memref<1x128x128xf32, #tpu.memory_space<vmem>>
        %gather3A_1587 = tpu.memref_squeeze %gather3A_1586 : memref<1x128x128xf32, #tpu.memory_space<vmem>> -> memref<128x128xf32, #tpu.memory_space<vmem>>
        %gather3A_1588 = tpu.vector_load_idx %gather3A_1587[%add3A_757, %add3A_1583] : memref<128x128xf32, #tpu.memory_space<vmem>>[vector<16xi32>, vector<16xi32>], vector<16xf32>,
        %scatter3A_1589 = arith.constant 0 : i32
        %scatter3A_1590 = arith.constant 0 : i32
        %scatter3A_1591 = tpu.memref_slice %arg10[%rem3A_276, %scatter3A_1589, %scatter3A_1590] : memref<4x64x128xf32, #tpu.memory_space<vmem>> -> memref<1x64x128xf32, #tpu.memory_space<vmem>>
        %scatter3A_1592 = tpu.memref_squeeze %scatter3A_1591 : memref<1x64x128xf32, #tpu.memory_space<vmem>> -> memref<64x128xf32, #tpu.memory_space<vmem>>
        tpu.vector_store_idx %scatter3A_1592[%add3A_1582, %add3A_757], %gather3A_1588 : memref<64x128xf32, #tpu.memory_space<vmem>>[vector<16xi32>, vector<16xi32>], vector<16xf32>,
      }
      %scan3A_363 = arith.constant 8 : i32
      %add3A_364 = arith.constant 4 : i32
      %add3A_365 = arith.addi %scan3A_274, %add3A_364 : i32
      %lt3A = arith.constant 50 : i32
      %lt3A_366 = arith.cmpi slt, %add3A_365, %lt3A : i32
      %convert_element_type3A_367 = arith.extui %lt3A_366 : i1 to i32
      %cond3A_368 = arith.constant 0 : i32
      %cond3A_369 = arith.cmpi ne, %convert_element_type3A_367, %cond3A_368 : i32
      scf.if %cond3A_369 {
        %rem3A_753 = arith.constant 4 : i32
        %rem3A_754 = arith.remsi %add3A_365, %rem3A_753 : i32
        %dma_start3A_755 = arith.constant 0 : i32
        %dma_start3A_756 = arith.constant 0 : i32
        %dma_start3A_757 = tpu.memref_slice %arg9[%rem3A_754, %dma_start3A_755, %dma_start3A_756] : memref<4x128x128xf32, #tpu.memory_space<vmem>> -> memref<1x128x128xf32, #tpu.memory_space<vmem>>
        %dma_start3A_758 = tpu.memref_squeeze %dma_start3A_757 : memref<1x128x128xf32, #tpu.memory_space<vmem>> -> memref<128x128xf32, #tpu.memory_space<vmem>>
        %dma_start3A_759 = arith.constant 0 : i32
        %dma_start3A_760 = tpu.memref_slice %arg7[%add3A_365, %dma_start3A_759] : memref<56x128xi32, #tpu.memory_space<vmem>> -> memref<1x128xi32, #tpu.memory_space<vmem>>
        %dma_start3A_761 = tpu.memref_squeeze %dma_start3A_760 : memref<1x128xi32, #tpu.memory_space<vmem>> -> memref<128xi32, #tpu.memory_space<vmem>>
        %dma_start3A_762 = arith.constant 0 : i32
        %dma_start3A_763 = arith.constant 0 : i32
        %dma_start3A_764 = tpu.memref_slice %arg3[%dma_start3A_762, %dma_start3A_763] : memref<500000x128xf32, #tpu.memory_space<hbm>> -> memref<500000x128xf32, #tpu.memory_space<hbm>>
        tpu.enqueue_indirect_dma source(%dma_start3A_764 : memref<500000x128xf32, #tpu.memory_space<hbm>>) target(%dma_start3A_758 : memref<128x128xf32, #tpu.memory_space<vmem>>) offsets(%dma_start3A_761 : memref<128xi32, #tpu.memory_space<vmem>>) semaphore(%arg11 : memref<!tpu.dma_semaphore, #tpu.memory_space<semaphore_mem>>)
      } else {
      }
      %mul3A_370 = arith.constant 8 : i32
      %mul3A_371 = arith.muli %scan3A_274, %mul3A_370 : i32
      %add3A_372 = arith.constant 0 : i32
      %add3A_373 = arith.addi %mul3A_371, %add3A_372 : i32
      %mul3A_374 = arith.constant 32 : i32
      %mul3A_375 = arith.muli %add3A_373, %mul3A_374 : i32
      %add3A_376 = arith.addi %mul3A_375, %add3A : i32
      %dma_start3A_377 = arith.constant 0 : i32
      %dma_start3A_378 = arith.constant 0 : i32
      %dma_start3A_379 = tpu.memref_slice %arg10[%rem3A_276, %dma_start3A_377, %dma_start3A_378] : memref<4x64x128xf32, #tpu.memory_space<vmem>> -> memref<1x8x128xf32, #tpu.memory_space<vmem>>
      %dma_start3A_380 = tpu.memref_squeeze %dma_start3A_379 : memref<1x8x128xf32, #tpu.memory_space<vmem>> -> memref<8x128xf32, #tpu.memory_space<vmem>>
      %dma_start3A_381 = arith.constant 0 : i32
      %dma_start3A_382 = arith.constant 0 : i32
      %dma_start3A_383 = tpu.memref_slice %arg4[%add3A_376, %dma_start3A_381, %dma_start3A_382] : memref<12800x8x128xf32, #tpu.memory_space<hbm>> -> memref<1x8x128xf32, #tpu.memory_space<hbm>>
      %dma_start3A_384 = tpu.memref_squeeze %dma_start3A_383 : memref<1x8x128xf32, #tpu.memory_space<hbm>> -> memref<8x128xf32, #tpu.memory_space<hbm>>
      %dma_start3A_385 = arith.constant 0 : i32
      %dma_start3A_386 = arith.constant 0 : i32
      %dma_start3A_387 = tpu.memref_slice %arg4[%add3A_376, %dma_start3A_385, %dma_start3A_386] : memref<12800x8x128xf32, #tpu.memory_space<hbm>> -> memref<1x8x128xf32, #tpu.memory_space<hbm>>
      %dma_start3A_388 = tpu.memref_squeeze %dma_start3A_387 : memref<1x8x128xf32, #tpu.memory_space<hbm>> -> memref<8x128xf32, #tpu.memory_space<hbm>>
      %dma_start3A_389 = arith.constant 0 : i32
      %dma_start3A_390 = arith.constant 0 : i32
      %dma_start3A_391 = tpu.memref_slice %arg10[%rem3A_276, %dma_start3A_389, %dma_start3A_390] : memref<4x64x128xf32, #tpu.memory_space<vmem>> -> memref<1x8x128xf32, #tpu.memory_space<vmem>>
      %dma_start3A_392 = tpu.memref_squeeze %dma_start3A_391 : memref<1x8x128xf32, #tpu.memory_space<vmem>> -> memref<8x128xf32, #tpu.memory_space<vmem>>
      tpu.enqueue_dma source(%dma_start3A_392 : memref<8x128xf32, #tpu.memory_space<vmem>>) target(%dma_start3A_388 : memref<8x128xf32, #tpu.memory_space<hbm>>) target_semaphore(%arg12 : memref<!tpu.dma_semaphore, #tpu.memory_space<semaphore_mem>>)
      %sub3A = arith.constant 49 : i32
      %sub3A_393 = arith.subi %sub3A, %scan3A_274 : i32
      %mul3A_394 = arith.constant 8 : i32
      %mul3A_395 = arith.muli %sub3A_393, %mul3A_394 : i32
      %add3A_396 = arith.constant 0 : i32
      %add3A_397 = arith.addi %mul3A_395, %add3A_396 : i32
      %mul3A_398 = arith.constant 32 : i32
      %mul3A_399 = arith.muli %add3A_397, %mul3A_398 : i32
      %add3A_400 = arith.addi %mul3A_399, %add3A : i32
      %dma_start3A_401 = arith.constant 0 : i32
      %dma_start3A_402 = arith.constant 0 : i32
      %dma_start3A_403 = tpu.memref_slice %arg10[%rem3A_276, %dma_start3A_401, %dma_start3A_402] : memref<4x64x128xf32, #tpu.memory_space<vmem>> -> memref<1x8x128xf32, #tpu.memory_space<vmem>>
      %dma_start3A_404 = tpu.memref_squeeze %dma_start3A_403 : memref<1x8x128xf32, #tpu.memory_space<vmem>> -> memref<8x128xf32, #tpu.memory_space<vmem>>
      %dma_start3A_405 = arith.constant 0 : i32
      %dma_start3A_406 = arith.constant 0 : i32
      %dma_start3A_407 = tpu.memref_slice %arg5[%add3A_400, %dma_start3A_405, %dma_start3A_406] : memref<12800x8x128xf32, #tpu.memory_space<hbm>> -> memref<1x8x128xf32, #tpu.memory_space<hbm>>
      %dma_start3A_408 = tpu.memref_squeeze %dma_start3A_407 : memref<1x8x128xf32, #tpu.memory_space<hbm>> -> memref<8x128xf32, #tpu.memory_space<hbm>>
      %dma_start3A_409 = arith.constant 0 : i32
      %dma_start3A_410 = arith.constant 0 : i32
      %dma_start3A_411 = tpu.memref_slice %arg5[%add3A_400, %dma_start3A_409, %dma_start3A_410] : memref<12800x8x128xf32, #tpu.memory_space<hbm>> -> memref<1x8x128xf32, #tpu.memory_space<hbm>>
      %dma_start3A_412 = tpu.memref_squeeze %dma_start3A_411 : memref<1x8x128xf32, #tpu.memory_space<hbm>> -> memref<8x128xf32, #tpu.memory_space<hbm>>
      %dma_start3A_413 = arith.constant 0 : i32
      %dma_start3A_414 = arith.constant 0 : i32
      %dma_start3A_415 = tpu.memref_slice %arg10[%rem3A_276, %dma_start3A_413, %dma_start3A_414] : memref<4x64x128xf32, #tpu.memory_space<vmem>> -> memref<1x8x128xf32, #tpu.memory_space<vmem>>
      %dma_start3A_416 = tpu.memref_squeeze %dma_start3A_415 : memref<1x8x128xf32, #tpu.memory_space<vmem>> -> memref<8x128xf32, #tpu.memory_space<vmem>>
      tpu.enqueue_dma source(%dma_start3A_416 : memref<8x128xf32, #tpu.memory_space<vmem>>) target(%dma_start3A_412 : memref<8x128xf32, #tpu.memory_space<hbm>>) target_semaphore(%arg12 : memref<!tpu.dma_semaphore, #tpu.memory_space<semaphore_mem>>)
      %mul3A_417 = arith.constant 8 : i32
      %mul3A_418 = arith.muli %scan3A_274, %mul3A_417 : i32
      %add3A_419 = arith.constant 1 : i32
      %add3A_420 = arith.addi %mul3A_418, %add3A_419 : i32
      %mul3A_421 = arith.constant 32 : i32
      %mul3A_422 = arith.muli %add3A_420, %mul3A_421 : i32
      %add3A_423 = arith.addi %mul3A_422, %add3A : i32
      %dma_start3A_424 = arith.constant 8 : i32
      %dma_start3A_425 = arith.constant 0 : i32
      %dma_start3A_426 = tpu.memref_slice %arg10[%rem3A_276, %dma_start3A_424, %dma_start3A_425] : memref<4x64x128xf32, #tpu.memory_space<vmem>> -> memref<1x8x128xf32, #tpu.memory_space<vmem>>
      %dma_start3A_427 = tpu.memref_squeeze %dma_start3A_426 : memref<1x8x128xf32, #tpu.memory_space<vmem>> -> memref<8x128xf32, #tpu.memory_space<vmem>>
      %dma_start3A_428 = arith.constant 0 : i32
      %dma_start3A_429 = arith.constant 0 : i32
      %dma_start3A_430 = tpu.memref_slice %arg4[%add3A_423, %dma_start3A_428, %dma_start3A_429] : memref<12800x8x128xf32, #tpu.memory_space<hbm>> -> memref<1x8x128xf32, #tpu.memory_space<hbm>>
      %dma_start3A_431 = tpu.memref_squeeze %dma_start3A_430 : memref<1x8x128xf32, #tpu.memory_space<hbm>> -> memref<8x128xf32, #tpu.memory_space<hbm>>
      %dma_start3A_432 = arith.constant 0 : i32
      %dma_start3A_433 = arith.constant 0 : i32
      %dma_start3A_434 = tpu.memref_slice %arg4[%add3A_423, %dma_start3A_432, %dma_start3A_433] : memref<12800x8x128xf32, #tpu.memory_space<hbm>> -> memref<1x8x128xf32, #tpu.memory_space<hbm>>
      %dma_start3A_435 = tpu.memref_squeeze %dma_start3A_434 : memref<1x8x128xf32, #tpu.memory_space<hbm>> -> memref<8x128xf32, #tpu.memory_space<hbm>>
      %dma_start3A_436 = arith.constant 8 : i32
      %dma_start3A_437 = arith.constant 0 : i32
      %dma_start3A_438 = tpu.memref_slice %arg10[%rem3A_276, %dma_start3A_436, %dma_start3A_437] : memref<4x64x128xf32, #tpu.memory_space<vmem>> -> memref<1x8x128xf32, #tpu.memory_space<vmem>>
      %dma_start3A_439 = tpu.memref_squeeze %dma_start3A_438 : memref<1x8x128xf32, #tpu.memory_space<vmem>> -> memref<8x128xf32, #tpu.memory_space<vmem>>
      tpu.enqueue_dma source(%dma_start3A_439 : memref<8x128xf32, #tpu.memory_space<vmem>>) target(%dma_start3A_435 : memref<8x128xf32, #tpu.memory_space<hbm>>) target_semaphore(%arg12 : memref<!tpu.dma_semaphore, #tpu.memory_space<semaphore_mem>>)
      %sub3A_440 = arith.constant 49 : i32
      %sub3A_441 = arith.subi %sub3A_440, %scan3A_274 : i32
      %mul3A_442 = arith.constant 8 : i32
      %mul3A_443 = arith.muli %sub3A_441, %mul3A_442 : i32
      %add3A_444 = arith.constant 1 : i32
      %add3A_445 = arith.addi %mul3A_443, %add3A_444 : i32
      %mul3A_446 = arith.constant 32 : i32
      %mul3A_447 = arith.muli %add3A_445, %mul3A_446 : i32
      %add3A_448 = arith.addi %mul3A_447, %add3A : i32
      %dma_start3A_449 = arith.constant 8 : i32
      %dma_start3A_450 = arith.constant 0 : i32
      %dma_start3A_451 = tpu.memref_slice %arg10[%rem3A_276, %dma_start3A_449, %dma_start3A_450] : memref<4x64x128xf32, #tpu.memory_space<vmem>> -> memref<1x8x128xf32, #tpu.memory_space<vmem>>
      %dma_start3A_452 = tpu.memref_squeeze %dma_start3A_451 : memref<1x8x128xf32, #tpu.memory_space<vmem>> -> memref<8x128xf32, #tpu.memory_space<vmem>>
      %dma_start3A_453 = arith.constant 0 : i32
      %dma_start3A_454 = arith.constant 0 : i32
      %dma_start3A_455 = tpu.memref_slice %arg5[%add3A_448, %dma_start3A_453, %dma_start3A_454] : memref<12800x8x128xf32, #tpu.memory_space<hbm>> -> memref<1x8x128xf32, #tpu.memory_space<hbm>>
      %dma_start3A_456 = tpu.memref_squeeze %dma_start3A_455 : memref<1x8x128xf32, #tpu.memory_space<hbm>> -> memref<8x128xf32, #tpu.memory_space<hbm>>
      %dma_start3A_457 = arith.constant 0 : i32
      %dma_start3A_458 = arith.constant 0 : i32
      %dma_start3A_459 = tpu.memref_slice %arg5[%add3A_448, %dma_start3A_457, %dma_start3A_458] : memref<12800x8x128xf32, #tpu.memory_space<hbm>> -> memref<1x8x128xf32, #tpu.memory_space<hbm>>
      %dma_start3A_460 = tpu.memref_squeeze %dma_start3A_459 : memref<1x8x128xf32, #tpu.memory_space<hbm>> -> memref<8x128xf32, #tpu.memory_space<hbm>>
      %dma_start3A_461 = arith.constant 8 : i32
      %dma_start3A_462 = arith.constant 0 : i32
      %dma_start3A_463 = tpu.memref_slice %arg10[%rem3A_276, %dma_start3A_461, %dma_start3A_462] : memref<4x64x128xf32, #tpu.memory_space<vmem>> -> memref<1x8x128xf32, #tpu.memory_space<vmem>>
      %dma_start3A_464 = tpu.memref_squeeze %dma_start3A_463 : memref<1x8x128xf32, #tpu.memory_space<vmem>> -> memref<8x128xf32, #tpu.memory_space<vmem>>
      tpu.enqueue_dma source(%dma_start3A_464 : memref<8x128xf32, #tpu.memory_space<vmem>>) target(%dma_start3A_460 : memref<8x128xf32, #tpu.memory_space<hbm>>) target_semaphore(%arg12 : memref<!tpu.dma_semaphore, #tpu.memory_space<semaphore_mem>>)
      %mul3A_465 = arith.constant 8 : i32
      %mul3A_466 = arith.muli %scan3A_274, %mul3A_465 : i32
      %add3A_467 = arith.constant 2 : i32
      %add3A_468 = arith.addi %mul3A_466, %add3A_467 : i32
      %mul3A_469 = arith.constant 32 : i32
      %mul3A_470 = arith.muli %add3A_468, %mul3A_469 : i32
      %add3A_471 = arith.addi %mul3A_470, %add3A : i32
      %dma_start3A_472 = arith.constant 16 : i32
      %dma_start3A_473 = arith.constant 0 : i32
      %dma_start3A_474 = tpu.memref_slice %arg10[%rem3A_276, %dma_start3A_472, %dma_start3A_473] : memref<4x64x128xf32, #tpu.memory_space<vmem>> -> memref<1x8x128xf32, #tpu.memory_space<vmem>>
      %dma_start3A_475 = tpu.memref_squeeze %dma_start3A_474 : memref<1x8x128xf32, #tpu.memory_space<vmem>> -> memref<8x128xf32, #tpu.memory_space<vmem>>
      %dma_start3A_476 = arith.constant 0 : i32
      %dma_start3A_477 = arith.constant 0 : i32
      %dma_start3A_478 = tpu.memref_slice %arg4[%add3A_471, %dma_start3A_476, %dma_start3A_477] : memref<12800x8x128xf32, #tpu.memory_space<hbm>> -> memref<1x8x128xf32, #tpu.memory_space<hbm>>
      %dma_start3A_479 = tpu.memref_squeeze %dma_start3A_478 : memref<1x8x128xf32, #tpu.memory_space<hbm>> -> memref<8x128xf32, #tpu.memory_space<hbm>>
      %dma_start3A_480 = arith.constant 0 : i32
      %dma_start3A_481 = arith.constant 0 : i32
      %dma_start3A_482 = tpu.memref_slice %arg4[%add3A_471, %dma_start3A_480, %dma_start3A_481] : memref<12800x8x128xf32, #tpu.memory_space<hbm>> -> memref<1x8x128xf32, #tpu.memory_space<hbm>>
      %dma_start3A_483 = tpu.memref_squeeze %dma_start3A_482 : memref<1x8x128xf32, #tpu.memory_space<hbm>> -> memref<8x128xf32, #tpu.memory_space<hbm>>
      %dma_start3A_484 = arith.constant 16 : i32
      %dma_start3A_485 = arith.constant 0 : i32
      %dma_start3A_486 = tpu.memref_slice %arg10[%rem3A_276, %dma_start3A_484, %dma_start3A_485] : memref<4x64x128xf32, #tpu.memory_space<vmem>> -> memref<1x8x128xf32, #tpu.memory_space<vmem>>
      %dma_start3A_487 = tpu.memref_squeeze %dma_start3A_486 : memref<1x8x128xf32, #tpu.memory_space<vmem>> -> memref<8x128xf32, #tpu.memory_space<vmem>>
      tpu.enqueue_dma source(%dma_start3A_487 : memref<8x128xf32, #tpu.memory_space<vmem>>) target(%dma_start3A_483 : memref<8x128xf32, #tpu.memory_space<hbm>>) target_semaphore(%arg12 : memref<!tpu.dma_semaphore, #tpu.memory_space<semaphore_mem>>)
      %sub3A_488 = arith.constant 49 : i32
      %sub3A_489 = arith.subi %sub3A_488, %scan3A_274 : i32
      %mul3A_490 = arith.constant 8 : i32
      %mul3A_491 = arith.muli %sub3A_489, %mul3A_490 : i32
      %add3A_492 = arith.constant 2 : i32
      %add3A_493 = arith.addi %mul3A_491, %add3A_492 : i32
      %mul3A_494 = arith.constant 32 : i32
      %mul3A_495 = arith.muli %add3A_493, %mul3A_494 : i32
      %add3A_496 = arith.addi %mul3A_495, %add3A : i32
      %dma_start3A_497 = arith.constant 16 : i32
      %dma_start3A_498 = arith.constant 0 : i32
      %dma_start3A_499 = tpu.memref_slice %arg10[%rem3A_276, %dma_start3A_497, %dma_start3A_498] : memref<4x64x128xf32, #tpu.memory_space<vmem>> -> memref<1x8x128xf32, #tpu.memory_space<vmem>>
      %dma_start3A_500 = tpu.memref_squeeze %dma_start3A_499 : memref<1x8x128xf32, #tpu.memory_space<vmem>> -> memref<8x128xf32, #tpu.memory_space<vmem>>
      %dma_start3A_501 = arith.constant 0 : i32
      %dma_start3A_502 = arith.constant 0 : i32
      %dma_start3A_503 = tpu.memref_slice %arg5[%add3A_496, %dma_start3A_501, %dma_start3A_502] : memref<12800x8x128xf32, #tpu.memory_space<hbm>> -> memref<1x8x128xf32, #tpu.memory_space<hbm>>
      %dma_start3A_504 = tpu.memref_squeeze %dma_start3A_503 : memref<1x8x128xf32, #tpu.memory_space<hbm>> -> memref<8x128xf32, #tpu.memory_space<hbm>>
      %dma_start3A_505 = arith.constant 0 : i32
      %dma_start3A_506 = arith.constant 0 : i32
      %dma_start3A_507 = tpu.memref_slice %arg5[%add3A_496, %dma_start3A_505, %dma_start3A_506] : memref<12800x8x128xf32, #tpu.memory_space<hbm>> -> memref<1x8x128xf32, #tpu.memory_space<hbm>>
      %dma_start3A_508 = tpu.memref_squeeze %dma_start3A_507 : memref<1x8x128xf32, #tpu.memory_space<hbm>> -> memref<8x128xf32, #tpu.memory_space<hbm>>
      %dma_start3A_509 = arith.constant 16 : i32
      %dma_start3A_510 = arith.constant 0 : i32
      %dma_start3A_511 = tpu.memref_slice %arg10[%rem3A_276, %dma_start3A_509, %dma_start3A_510] : memref<4x64x128xf32, #tpu.memory_space<vmem>> -> memref<1x8x128xf32, #tpu.memory_space<vmem>>
      %dma_start3A_512 = tpu.memref_squeeze %dma_start3A_511 : memref<1x8x128xf32, #tpu.memory_space<vmem>> -> memref<8x128xf32, #tpu.memory_space<vmem>>
      tpu.enqueue_dma source(%dma_start3A_512 : memref<8x128xf32, #tpu.memory_space<vmem>>) target(%dma_start3A_508 : memref<8x128xf32, #tpu.memory_space<hbm>>) target_semaphore(%arg12 : memref<!tpu.dma_semaphore, #tpu.memory_space<semaphore_mem>>)
      %mul3A_513 = arith.constant 8 : i32
      %mul3A_514 = arith.muli %scan3A_274, %mul3A_513 : i32
      %add3A_515 = arith.constant 3 : i32
      %add3A_516 = arith.addi %mul3A_514, %add3A_515 : i32
      %mul3A_517 = arith.constant 32 : i32
      %mul3A_518 = arith.muli %add3A_516, %mul3A_517 : i32
      %add3A_519 = arith.addi %mul3A_518, %add3A : i32
      %dma_start3A_520 = arith.constant 24 : i32
      %dma_start3A_521 = arith.constant 0 : i32
      %dma_start3A_522 = tpu.memref_slice %arg10[%rem3A_276, %dma_start3A_520, %dma_start3A_521] : memref<4x64x128xf32, #tpu.memory_space<vmem>> -> memref<1x8x128xf32, #tpu.memory_space<vmem>>
      %dma_start3A_523 = tpu.memref_squeeze %dma_start3A_522 : memref<1x8x128xf32, #tpu.memory_space<vmem>> -> memref<8x128xf32, #tpu.memory_space<vmem>>
      %dma_start3A_524 = arith.constant 0 : i32
      %dma_start3A_525 = arith.constant 0 : i32
      %dma_start3A_526 = tpu.memref_slice %arg4[%add3A_519, %dma_start3A_524, %dma_start3A_525] : memref<12800x8x128xf32, #tpu.memory_space<hbm>> -> memref<1x8x128xf32, #tpu.memory_space<hbm>>
      %dma_start3A_527 = tpu.memref_squeeze %dma_start3A_526 : memref<1x8x128xf32, #tpu.memory_space<hbm>> -> memref<8x128xf32, #tpu.memory_space<hbm>>
      %dma_start3A_528 = arith.constant 0 : i32
      %dma_start3A_529 = arith.constant 0 : i32
      %dma_start3A_530 = tpu.memref_slice %arg4[%add3A_519, %dma_start3A_528, %dma_start3A_529] : memref<12800x8x128xf32, #tpu.memory_space<hbm>> -> memref<1x8x128xf32, #tpu.memory_space<hbm>>
      %dma_start3A_531 = tpu.memref_squeeze %dma_start3A_530 : memref<1x8x128xf32, #tpu.memory_space<hbm>> -> memref<8x128xf32, #tpu.memory_space<hbm>>
      %dma_start3A_532 = arith.constant 24 : i32
      %dma_start3A_533 = arith.constant 0 : i32
      %dma_start3A_534 = tpu.memref_slice %arg10[%rem3A_276, %dma_start3A_532, %dma_start3A_533] : memref<4x64x128xf32, #tpu.memory_space<vmem>> -> memref<1x8x128xf32, #tpu.memory_space<vmem>>
      %dma_start3A_535 = tpu.memref_squeeze %dma_start3A_534 : memref<1x8x128xf32, #tpu.memory_space<vmem>> -> memref<8x128xf32, #tpu.memory_space<vmem>>
      tpu.enqueue_dma source(%dma_start3A_535 : memref<8x128xf32, #tpu.memory_space<vmem>>) target(%dma_start3A_531 : memref<8x128xf32, #tpu.memory_space<hbm>>) target_semaphore(%arg12 : memref<!tpu.dma_semaphore, #tpu.memory_space<semaphore_mem>>)
      %sub3A_536 = arith.constant 49 : i32
      %sub3A_537 = arith.subi %sub3A_536, %scan3A_274 : i32
      %mul3A_538 = arith.constant 8 : i32
      %mul3A_539 = arith.muli %sub3A_537, %mul3A_538 : i32
      %add3A_540 = arith.constant 3 : i32
      %add3A_541 = arith.addi %mul3A_539, %add3A_540 : i32
      %mul3A_542 = arith.constant 32 : i32
      %mul3A_543 = arith.muli %add3A_541, %mul3A_542 : i32
      %add3A_544 = arith.addi %mul3A_543, %add3A : i32
      %dma_start3A_545 = arith.constant 24 : i32
      %dma_start3A_546 = arith.constant 0 : i32
      %dma_start3A_547 = tpu.memref_slice %arg10[%rem3A_276, %dma_start3A_545, %dma_start3A_546] : memref<4x64x128xf32, #tpu.memory_space<vmem>> -> memref<1x8x128xf32, #tpu.memory_space<vmem>>
      %dma_start3A_548 = tpu.memref_squeeze %dma_start3A_547 : memref<1x8x128xf32, #tpu.memory_space<vmem>> -> memref<8x128xf32, #tpu.memory_space<vmem>>
      %dma_start3A_549 = arith.constant 0 : i32
      %dma_start3A_550 = arith.constant 0 : i32
      %dma_start3A_551 = tpu.memref_slice %arg5[%add3A_544, %dma_start3A_549, %dma_start3A_550] : memref<12800x8x128xf32, #tpu.memory_space<hbm>> -> memref<1x8x128xf32, #tpu.memory_space<hbm>>
      %dma_start3A_552 = tpu.memref_squeeze %dma_start3A_551 : memref<1x8x128xf32, #tpu.memory_space<hbm>> -> memref<8x128xf32, #tpu.memory_space<hbm>>
      %dma_start3A_553 = arith.constant 0 : i32
      %dma_start3A_554 = arith.constant 0 : i32
      %dma_start3A_555 = tpu.memref_slice %arg5[%add3A_544, %dma_start3A_553, %dma_start3A_554] : memref<12800x8x128xf32, #tpu.memory_space<hbm>> -> memref<1x8x128xf32, #tpu.memory_space<hbm>>
      %dma_start3A_556 = tpu.memref_squeeze %dma_start3A_555 : memref<1x8x128xf32, #tpu.memory_space<hbm>> -> memref<8x128xf32, #tpu.memory_space<hbm>>
      %dma_start3A_557 = arith.constant 24 : i32
      %dma_start3A_558 = arith.constant 0 : i32
      %dma_start3A_559 = tpu.memref_slice %arg10[%rem3A_276, %dma_start3A_557, %dma_start3A_558] : memref<4x64x128xf32, #tpu.memory_space<vmem>> -> memref<1x8x128xf32, #tpu.memory_space<vmem>>
      %dma_start3A_560 = tpu.memref_squeeze %dma_start3A_559 : memref<1x8x128xf32, #tpu.memory_space<vmem>> -> memref<8x128xf32, #tpu.memory_space<vmem>>
      tpu.enqueue_dma source(%dma_start3A_560 : memref<8x128xf32, #tpu.memory_space<vmem>>) target(%dma_start3A_556 : memref<8x128xf32, #tpu.memory_space<hbm>>) target_semaphore(%arg12 : memref<!tpu.dma_semaphore, #tpu.memory_space<semaphore_mem>>)
      %mul3A_561 = arith.constant 8 : i32
      %mul3A_562 = arith.muli %scan3A_274, %mul3A_561 : i32
      %add3A_563 = arith.constant 4 : i32
      %add3A_564 = arith.addi %mul3A_562, %add3A_563 : i32
      %mul3A_565 = arith.constant 32 : i32
      %mul3A_566 = arith.muli %add3A_564, %mul3A_565 : i32
      %add3A_567 = arith.addi %mul3A_566, %add3A : i32
      %dma_start3A_568 = arith.constant 32 : i32
      %dma_start3A_569 = arith.constant 0 : i32
      %dma_start3A_570 = tpu.memref_slice %arg10[%rem3A_276, %dma_start3A_568, %dma_start3A_569] : memref<4x64x128xf32, #tpu.memory_space<vmem>> -> memref<1x8x128xf32, #tpu.memory_space<vmem>>
      %dma_start3A_571 = tpu.memref_squeeze %dma_start3A_570 : memref<1x8x128xf32, #tpu.memory_space<vmem>> -> memref<8x128xf32, #tpu.memory_space<vmem>>
      %dma_start3A_572 = arith.constant 0 : i32
      %dma_start3A_573 = arith.constant 0 : i32
      %dma_start3A_574 = tpu.memref_slice %arg4[%add3A_567, %dma_start3A_572, %dma_start3A_573] : memref<12800x8x128xf32, #tpu.memory_space<hbm>> -> memref<1x8x128xf32, #tpu.memory_space<hbm>>
      %dma_start3A_575 = tpu.memref_squeeze %dma_start3A_574 : memref<1x8x128xf32, #tpu.memory_space<hbm>> -> memref<8x128xf32, #tpu.memory_space<hbm>>
      %dma_start3A_576 = arith.constant 0 : i32
      %dma_start3A_577 = arith.constant 0 : i32
      %dma_start3A_578 = tpu.memref_slice %arg4[%add3A_567, %dma_start3A_576, %dma_start3A_577] : memref<12800x8x128xf32, #tpu.memory_space<hbm>> -> memref<1x8x128xf32, #tpu.memory_space<hbm>>
      %dma_start3A_579 = tpu.memref_squeeze %dma_start3A_578 : memref<1x8x128xf32, #tpu.memory_space<hbm>> -> memref<8x128xf32, #tpu.memory_space<hbm>>
      %dma_start3A_580 = arith.constant 32 : i32
      %dma_start3A_581 = arith.constant 0 : i32
      %dma_start3A_582 = tpu.memref_slice %arg10[%rem3A_276, %dma_start3A_580, %dma_start3A_581] : memref<4x64x128xf32, #tpu.memory_space<vmem>> -> memref<1x8x128xf32, #tpu.memory_space<vmem>>
      %dma_start3A_583 = tpu.memref_squeeze %dma_start3A_582 : memref<1x8x128xf32, #tpu.memory_space<vmem>> -> memref<8x128xf32, #tpu.memory_space<vmem>>
      tpu.enqueue_dma source(%dma_start3A_583 : memref<8x128xf32, #tpu.memory_space<vmem>>) target(%dma_start3A_579 : memref<8x128xf32, #tpu.memory_space<hbm>>) target_semaphore(%arg12 : memref<!tpu.dma_semaphore, #tpu.memory_space<semaphore_mem>>)
      %sub3A_584 = arith.constant 49 : i32
      %sub3A_585 = arith.subi %sub3A_584, %scan3A_274 : i32
      %mul3A_586 = arith.constant 8 : i32
      %mul3A_587 = arith.muli %sub3A_585, %mul3A_586 : i32
      %add3A_588 = arith.constant 4 : i32
      %add3A_589 = arith.addi %mul3A_587, %add3A_588 : i32
      %mul3A_590 = arith.constant 32 : i32
      %mul3A_591 = arith.muli %add3A_589, %mul3A_590 : i32
      %add3A_592 = arith.addi %mul3A_591, %add3A : i32
      %dma_start3A_593 = arith.constant 32 : i32
      %dma_start3A_594 = arith.constant 0 : i32
      %dma_start3A_595 = tpu.memref_slice %arg10[%rem3A_276, %dma_start3A_593, %dma_start3A_594] : memref<4x64x128xf32, #tpu.memory_space<vmem>> -> memref<1x8x128xf32, #tpu.memory_space<vmem>>
      %dma_start3A_596 = tpu.memref_squeeze %dma_start3A_595 : memref<1x8x128xf32, #tpu.memory_space<vmem>> -> memref<8x128xf32, #tpu.memory_space<vmem>>
      %dma_start3A_597 = arith.constant 0 : i32
      %dma_start3A_598 = arith.constant 0 : i32
      %dma_start3A_599 = tpu.memref_slice %arg5[%add3A_592, %dma_start3A_597, %dma_start3A_598] : memref<12800x8x128xf32, #tpu.memory_space<hbm>> -> memref<1x8x128xf32, #tpu.memory_space<hbm>>
      %dma_start3A_600 = tpu.memref_squeeze %dma_start3A_599 : memref<1x8x128xf32, #tpu.memory_space<hbm>> -> memref<8x128xf32, #tpu.memory_space<hbm>>
      %dma_start3A_601 = arith.constant 0 : i32
      %dma_start3A_602 = arith.constant 0 : i32
      %dma_start3A_603 = tpu.memref_slice %arg5[%add3A_592, %dma_start3A_601, %dma_start3A_602] : memref<12800x8x128xf32, #tpu.memory_space<hbm>> -> memref<1x8x128xf32, #tpu.memory_space<hbm>>
      %dma_start3A_604 = tpu.memref_squeeze %dma_start3A_603 : memref<1x8x128xf32, #tpu.memory_space<hbm>> -> memref<8x128xf32, #tpu.memory_space<hbm>>
      %dma_start3A_605 = arith.constant 32 : i32
      %dma_start3A_606 = arith.constant 0 : i32
      %dma_start3A_607 = tpu.memref_slice %arg10[%rem3A_276, %dma_start3A_605, %dma_start3A_606] : memref<4x64x128xf32, #tpu.memory_space<vmem>> -> memref<1x8x128xf32, #tpu.memory_space<vmem>>
      %dma_start3A_608 = tpu.memref_squeeze %dma_start3A_607 : memref<1x8x128xf32, #tpu.memory_space<vmem>> -> memref<8x128xf32, #tpu.memory_space<vmem>>
      tpu.enqueue_dma source(%dma_start3A_608 : memref<8x128xf32, #tpu.memory_space<vmem>>) target(%dma_start3A_604 : memref<8x128xf32, #tpu.memory_space<hbm>>) target_semaphore(%arg12 : memref<!tpu.dma_semaphore, #tpu.memory_space<semaphore_mem>>)
      %mul3A_609 = arith.constant 8 : i32
      %mul3A_610 = arith.muli %scan3A_274, %mul3A_609 : i32
      %add3A_611 = arith.constant 5 : i32
      %add3A_612 = arith.addi %mul3A_610, %add3A_611 : i32
      %mul3A_613 = arith.constant 32 : i32
      %mul3A_614 = arith.muli %add3A_612, %mul3A_613 : i32
      %add3A_615 = arith.addi %mul3A_614, %add3A : i32
      %dma_start3A_616 = arith.constant 40 : i32
      %dma_start3A_617 = arith.constant 0 : i32
      %dma_start3A_618 = tpu.memref_slice %arg10[%rem3A_276, %dma_start3A_616, %dma_start3A_617] : memref<4x64x128xf32, #tpu.memory_space<vmem>> -> memref<1x8x128xf32, #tpu.memory_space<vmem>>
      %dma_start3A_619 = tpu.memref_squeeze %dma_start3A_618 : memref<1x8x128xf32, #tpu.memory_space<vmem>> -> memref<8x128xf32, #tpu.memory_space<vmem>>
      %dma_start3A_620 = arith.constant 0 : i32
      %dma_start3A_621 = arith.constant 0 : i32
      %dma_start3A_622 = tpu.memref_slice %arg4[%add3A_615, %dma_start3A_620, %dma_start3A_621] : memref<12800x8x128xf32, #tpu.memory_space<hbm>> -> memref<1x8x128xf32, #tpu.memory_space<hbm>>
      %dma_start3A_623 = tpu.memref_squeeze %dma_start3A_622 : memref<1x8x128xf32, #tpu.memory_space<hbm>> -> memref<8x128xf32, #tpu.memory_space<hbm>>
      %dma_start3A_624 = arith.constant 0 : i32
      %dma_start3A_625 = arith.constant 0 : i32
      %dma_start3A_626 = tpu.memref_slice %arg4[%add3A_615, %dma_start3A_624, %dma_start3A_625] : memref<12800x8x128xf32, #tpu.memory_space<hbm>> -> memref<1x8x128xf32, #tpu.memory_space<hbm>>
      %dma_start3A_627 = tpu.memref_squeeze %dma_start3A_626 : memref<1x8x128xf32, #tpu.memory_space<hbm>> -> memref<8x128xf32, #tpu.memory_space<hbm>>
      %dma_start3A_628 = arith.constant 40 : i32
      %dma_start3A_629 = arith.constant 0 : i32
      %dma_start3A_630 = tpu.memref_slice %arg10[%rem3A_276, %dma_start3A_628, %dma_start3A_629] : memref<4x64x128xf32, #tpu.memory_space<vmem>> -> memref<1x8x128xf32, #tpu.memory_space<vmem>>
      %dma_start3A_631 = tpu.memref_squeeze %dma_start3A_630 : memref<1x8x128xf32, #tpu.memory_space<vmem>> -> memref<8x128xf32, #tpu.memory_space<vmem>>
      tpu.enqueue_dma source(%dma_start3A_631 : memref<8x128xf32, #tpu.memory_space<vmem>>) target(%dma_start3A_627 : memref<8x128xf32, #tpu.memory_space<hbm>>) target_semaphore(%arg12 : memref<!tpu.dma_semaphore, #tpu.memory_space<semaphore_mem>>)
      %sub3A_632 = arith.constant 49 : i32
      %sub3A_633 = arith.subi %sub3A_632, %scan3A_274 : i32
      %mul3A_634 = arith.constant 8 : i32
      %mul3A_635 = arith.muli %sub3A_633, %mul3A_634 : i32
      %add3A_636 = arith.constant 5 : i32
      %add3A_637 = arith.addi %mul3A_635, %add3A_636 : i32
      %mul3A_638 = arith.constant 32 : i32
      %mul3A_639 = arith.muli %add3A_637, %mul3A_638 : i32
      %add3A_640 = arith.addi %mul3A_639, %add3A : i32
      %dma_start3A_641 = arith.constant 40 : i32
      %dma_start3A_642 = arith.constant 0 : i32
      %dma_start3A_643 = tpu.memref_slice %arg10[%rem3A_276, %dma_start3A_641, %dma_start3A_642] : memref<4x64x128xf32, #tpu.memory_space<vmem>> -> memref<1x8x128xf32, #tpu.memory_space<vmem>>
      %dma_start3A_644 = tpu.memref_squeeze %dma_start3A_643 : memref<1x8x128xf32, #tpu.memory_space<vmem>> -> memref<8x128xf32, #tpu.memory_space<vmem>>
      %dma_start3A_645 = arith.constant 0 : i32
      %dma_start3A_646 = arith.constant 0 : i32
      %dma_start3A_647 = tpu.memref_slice %arg5[%add3A_640, %dma_start3A_645, %dma_start3A_646] : memref<12800x8x128xf32, #tpu.memory_space<hbm>> -> memref<1x8x128xf32, #tpu.memory_space<hbm>>
      %dma_start3A_648 = tpu.memref_squeeze %dma_start3A_647 : memref<1x8x128xf32, #tpu.memory_space<hbm>> -> memref<8x128xf32, #tpu.memory_space<hbm>>
      %dma_start3A_649 = arith.constant 0 : i32
      %dma_start3A_650 = arith.constant 0 : i32
      %dma_start3A_651 = tpu.memref_slice %arg5[%add3A_640, %dma_start3A_649, %dma_start3A_650] : memref<12800x8x128xf32, #tpu.memory_space<hbm>> -> memref<1x8x128xf32, #tpu.memory_space<hbm>>
      %dma_start3A_652 = tpu.memref_squeeze %dma_start3A_651 : memref<1x8x128xf32, #tpu.memory_space<hbm>> -> memref<8x128xf32, #tpu.memory_space<hbm>>
      %dma_start3A_653 = arith.constant 40 : i32
      %dma_start3A_654 = arith.constant 0 : i32
      %dma_start3A_655 = tpu.memref_slice %arg10[%rem3A_276, %dma_start3A_653, %dma_start3A_654] : memref<4x64x128xf32, #tpu.memory_space<vmem>> -> memref<1x8x128xf32, #tpu.memory_space<vmem>>
      %dma_start3A_656 = tpu.memref_squeeze %dma_start3A_655 : memref<1x8x128xf32, #tpu.memory_space<vmem>> -> memref<8x128xf32, #tpu.memory_space<vmem>>
      tpu.enqueue_dma source(%dma_start3A_656 : memref<8x128xf32, #tpu.memory_space<vmem>>) target(%dma_start3A_652 : memref<8x128xf32, #tpu.memory_space<hbm>>) target_semaphore(%arg12 : memref<!tpu.dma_semaphore, #tpu.memory_space<semaphore_mem>>)
      %mul3A_657 = arith.constant 8 : i32
      %mul3A_658 = arith.muli %scan3A_274, %mul3A_657 : i32
      %add3A_659 = arith.constant 6 : i32
      %add3A_660 = arith.addi %mul3A_658, %add3A_659 : i32
      %mul3A_661 = arith.constant 32 : i32
      %mul3A_662 = arith.muli %add3A_660, %mul3A_661 : i32
      %add3A_663 = arith.addi %mul3A_662, %add3A : i32
      %dma_start3A_664 = arith.constant 48 : i32
      %dma_start3A_665 = arith.constant 0 : i32
      %dma_start3A_666 = tpu.memref_slice %arg10[%rem3A_276, %dma_start3A_664, %dma_start3A_665] : memref<4x64x128xf32, #tpu.memory_space<vmem>> -> memref<1x8x128xf32, #tpu.memory_space<vmem>>
      %dma_start3A_667 = tpu.memref_squeeze %dma_start3A_666 : memref<1x8x128xf32, #tpu.memory_space<vmem>> -> memref<8x128xf32, #tpu.memory_space<vmem>>
      %dma_start3A_668 = arith.constant 0 : i32
      %dma_start3A_669 = arith.constant 0 : i32
      %dma_start3A_670 = tpu.memref_slice %arg4[%add3A_663, %dma_start3A_668, %dma_start3A_669] : memref<12800x8x128xf32, #tpu.memory_space<hbm>> -> memref<1x8x128xf32, #tpu.memory_space<hbm>>
      %dma_start3A_671 = tpu.memref_squeeze %dma_start3A_670 : memref<1x8x128xf32, #tpu.memory_space<hbm>> -> memref<8x128xf32, #tpu.memory_space<hbm>>
      %dma_start3A_672 = arith.constant 0 : i32
      %dma_start3A_673 = arith.constant 0 : i32
      %dma_start3A_674 = tpu.memref_slice %arg4[%add3A_663, %dma_start3A_672, %dma_start3A_673] : memref<12800x8x128xf32, #tpu.memory_space<hbm>> -> memref<1x8x128xf32, #tpu.memory_space<hbm>>
      %dma_start3A_675 = tpu.memref_squeeze %dma_start3A_674 : memref<1x8x128xf32, #tpu.memory_space<hbm>> -> memref<8x128xf32, #tpu.memory_space<hbm>>
      %dma_start3A_676 = arith.constant 48 : i32
      %dma_start3A_677 = arith.constant 0 : i32
      %dma_start3A_678 = tpu.memref_slice %arg10[%rem3A_276, %dma_start3A_676, %dma_start3A_677] : memref<4x64x128xf32, #tpu.memory_space<vmem>> -> memref<1x8x128xf32, #tpu.memory_space<vmem>>
      %dma_start3A_679 = tpu.memref_squeeze %dma_start3A_678 : memref<1x8x128xf32, #tpu.memory_space<vmem>> -> memref<8x128xf32, #tpu.memory_space<vmem>>
      tpu.enqueue_dma source(%dma_start3A_679 : memref<8x128xf32, #tpu.memory_space<vmem>>) target(%dma_start3A_675 : memref<8x128xf32, #tpu.memory_space<hbm>>) target_semaphore(%arg12 : memref<!tpu.dma_semaphore, #tpu.memory_space<semaphore_mem>>)
      %sub3A_680 = arith.constant 49 : i32
      %sub3A_681 = arith.subi %sub3A_680, %scan3A_274 : i32
      %mul3A_682 = arith.constant 8 : i32
      %mul3A_683 = arith.muli %sub3A_681, %mul3A_682 : i32
      %add3A_684 = arith.constant 6 : i32
      %add3A_685 = arith.addi %mul3A_683, %add3A_684 : i32
      %mul3A_686 = arith.constant 32 : i32
      %mul3A_687 = arith.muli %add3A_685, %mul3A_686 : i32
      %add3A_688 = arith.addi %mul3A_687, %add3A : i32
      %dma_start3A_689 = arith.constant 48 : i32
      %dma_start3A_690 = arith.constant 0 : i32
      %dma_start3A_691 = tpu.memref_slice %arg10[%rem3A_276, %dma_start3A_689, %dma_start3A_690] : memref<4x64x128xf32, #tpu.memory_space<vmem>> -> memref<1x8x128xf32, #tpu.memory_space<vmem>>
      %dma_start3A_692 = tpu.memref_squeeze %dma_start3A_691 : memref<1x8x128xf32, #tpu.memory_space<vmem>> -> memref<8x128xf32, #tpu.memory_space<vmem>>
      %dma_start3A_693 = arith.constant 0 : i32
      %dma_start3A_694 = arith.constant 0 : i32
      %dma_start3A_695 = tpu.memref_slice %arg5[%add3A_688, %dma_start3A_693, %dma_start3A_694] : memref<12800x8x128xf32, #tpu.memory_space<hbm>> -> memref<1x8x128xf32, #tpu.memory_space<hbm>>
      %dma_start3A_696 = tpu.memref_squeeze %dma_start3A_695 : memref<1x8x128xf32, #tpu.memory_space<hbm>> -> memref<8x128xf32, #tpu.memory_space<hbm>>
      %dma_start3A_697 = arith.constant 0 : i32
      %dma_start3A_698 = arith.constant 0 : i32
      %dma_start3A_699 = tpu.memref_slice %arg5[%add3A_688, %dma_start3A_697, %dma_start3A_698] : memref<12800x8x128xf32, #tpu.memory_space<hbm>> -> memref<1x8x128xf32, #tpu.memory_space<hbm>>
      %dma_start3A_700 = tpu.memref_squeeze %dma_start3A_699 : memref<1x8x128xf32, #tpu.memory_space<hbm>> -> memref<8x128xf32, #tpu.memory_space<hbm>>
      %dma_start3A_701 = arith.constant 48 : i32
      %dma_start3A_702 = arith.constant 0 : i32
      %dma_start3A_703 = tpu.memref_slice %arg10[%rem3A_276, %dma_start3A_701, %dma_start3A_702] : memref<4x64x128xf32, #tpu.memory_space<vmem>> -> memref<1x8x128xf32, #tpu.memory_space<vmem>>
      %dma_start3A_704 = tpu.memref_squeeze %dma_start3A_703 : memref<1x8x128xf32, #tpu.memory_space<vmem>> -> memref<8x128xf32, #tpu.memory_space<vmem>>
      tpu.enqueue_dma source(%dma_start3A_704 : memref<8x128xf32, #tpu.memory_space<vmem>>) target(%dma_start3A_700 : memref<8x128xf32, #tpu.memory_space<hbm>>) target_semaphore(%arg12 : memref<!tpu.dma_semaphore, #tpu.memory_space<semaphore_mem>>)
      %mul3A_705 = arith.constant 8 : i32
      %mul3A_706 = arith.muli %scan3A_274, %mul3A_705 : i32
      %add3A_707 = arith.constant 7 : i32
      %add3A_708 = arith.addi %mul3A_706, %add3A_707 : i32
      %mul3A_709 = arith.constant 32 : i32
      %mul3A_710 = arith.muli %add3A_708, %mul3A_709 : i32
      %add3A_711 = arith.addi %mul3A_710, %add3A : i32
      %dma_start3A_712 = arith.constant 56 : i32
      %dma_start3A_713 = arith.constant 0 : i32
      %dma_start3A_714 = tpu.memref_slice %arg10[%rem3A_276, %dma_start3A_712, %dma_start3A_713] : memref<4x64x128xf32, #tpu.memory_space<vmem>> -> memref<1x8x128xf32, #tpu.memory_space<vmem>>
      %dma_start3A_715 = tpu.memref_squeeze %dma_start3A_714 : memref<1x8x128xf32, #tpu.memory_space<vmem>> -> memref<8x128xf32, #tpu.memory_space<vmem>>
      %dma_start3A_716 = arith.constant 0 : i32
      %dma_start3A_717 = arith.constant 0 : i32
      %dma_start3A_718 = tpu.memref_slice %arg4[%add3A_711, %dma_start3A_716, %dma_start3A_717] : memref<12800x8x128xf32, #tpu.memory_space<hbm>> -> memref<1x8x128xf32, #tpu.memory_space<hbm>>
      %dma_start3A_719 = tpu.memref_squeeze %dma_start3A_718 : memref<1x8x128xf32, #tpu.memory_space<hbm>> -> memref<8x128xf32, #tpu.memory_space<hbm>>
      %dma_start3A_720 = arith.constant 0 : i32
      %dma_start3A_721 = arith.constant 0 : i32
      %dma_start3A_722 = tpu.memref_slice %arg4[%add3A_711, %dma_start3A_720, %dma_start3A_721] : memref<12800x8x128xf32, #tpu.memory_space<hbm>> -> memref<1x8x128xf32, #tpu.memory_space<hbm>>
      %dma_start3A_723 = tpu.memref_squeeze %dma_start3A_722 : memref<1x8x128xf32, #tpu.memory_space<hbm>> -> memref<8x128xf32, #tpu.memory_space<hbm>>
      %dma_start3A_724 = arith.constant 56 : i32
      %dma_start3A_725 = arith.constant 0 : i32
      %dma_start3A_726 = tpu.memref_slice %arg10[%rem3A_276, %dma_start3A_724, %dma_start3A_725] : memref<4x64x128xf32, #tpu.memory_space<vmem>> -> memref<1x8x128xf32, #tpu.memory_space<vmem>>
      %dma_start3A_727 = tpu.memref_squeeze %dma_start3A_726 : memref<1x8x128xf32, #tpu.memory_space<vmem>> -> memref<8x128xf32, #tpu.memory_space<vmem>>
      tpu.enqueue_dma source(%dma_start3A_727 : memref<8x128xf32, #tpu.memory_space<vmem>>) target(%dma_start3A_723 : memref<8x128xf32, #tpu.memory_space<hbm>>) target_semaphore(%arg12 : memref<!tpu.dma_semaphore, #tpu.memory_space<semaphore_mem>>)
      %sub3A_728 = arith.constant 49 : i32
      %sub3A_729 = arith.subi %sub3A_728, %scan3A_274 : i32
      %mul3A_730 = arith.constant 8 : i32
      %mul3A_731 = arith.muli %sub3A_729, %mul3A_730 : i32
      %add3A_732 = arith.constant 7 : i32
      %add3A_733 = arith.addi %mul3A_731, %add3A_732 : i32
      %mul3A_734 = arith.constant 32 : i32
      %mul3A_735 = arith.muli %add3A_733, %mul3A_734 : i32
      %add3A_736 = arith.addi %mul3A_735, %add3A : i32
      %dma_start3A_737 = arith.constant 56 : i32
      %dma_start3A_738 = arith.constant 0 : i32
      %dma_start3A_739 = tpu.memref_slice %arg10[%rem3A_276, %dma_start3A_737, %dma_start3A_738] : memref<4x64x128xf32, #tpu.memory_space<vmem>> -> memref<1x8x128xf32, #tpu.memory_space<vmem>>
      %dma_start3A_740 = tpu.memref_squeeze %dma_start3A_739 : memref<1x8x128xf32, #tpu.memory_space<vmem>> -> memref<8x128xf32, #tpu.memory_space<vmem>>
      %dma_start3A_741 = arith.constant 0 : i32
      %dma_start3A_742 = arith.constant 0 : i32
      %dma_start3A_743 = tpu.memref_slice %arg5[%add3A_736, %dma_start3A_741, %dma_start3A_742] : memref<12800x8x128xf32, #tpu.memory_space<hbm>> -> memref<1x8x128xf32, #tpu.memory_space<hbm>>
      %dma_start3A_744 = tpu.memref_squeeze %dma_start3A_743 : memref<1x8x128xf32, #tpu.memory_space<hbm>> -> memref<8x128xf32, #tpu.memory_space<hbm>>
      %dma_start3A_745 = arith.constant 0 : i32
      %dma_start3A_746 = arith.constant 0 : i32
      %dma_start3A_747 = tpu.memref_slice %arg5[%add3A_736, %dma_start3A_745, %dma_start3A_746] : memref<12800x8x128xf32, #tpu.memory_space<hbm>> -> memref<1x8x128xf32, #tpu.memory_space<hbm>>
      %dma_start3A_748 = tpu.memref_squeeze %dma_start3A_747 : memref<1x8x128xf32, #tpu.memory_space<hbm>> -> memref<8x128xf32, #tpu.memory_space<hbm>>
      %dma_start3A_749 = arith.constant 56 : i32
      %dma_start3A_750 = arith.constant 0 : i32
      %dma_start3A_751 = tpu.memref_slice %arg10[%rem3A_276, %dma_start3A_749, %dma_start3A_750] : memref<4x64x128xf32, #tpu.memory_space<vmem>> -> memref<1x8x128xf32, #tpu.memory_space<vmem>>
      %dma_start3A_752 = tpu.memref_squeeze %dma_start3A_751 : memref<1x8x128xf32, #tpu.memory_space<vmem>> -> memref<8x128xf32, #tpu.memory_space<vmem>>
      tpu.enqueue_dma source(%dma_start3A_752 : memref<8x128xf32, #tpu.memory_space<vmem>>) target(%dma_start3A_748 : memref<8x128xf32, #tpu.memory_space<hbm>>) target_semaphore(%arg12 : memref<!tpu.dma_semaphore, #tpu.memory_space<semaphore_mem>>)
    }
    %scan3A_154 = arith.constant 50 : i32
    %dma_wait3A = arith.constant 0 : i32
    %dma_wait3A_155 = arith.constant 0 : i32
    %dma_wait3A_156 = arith.constant 0 : i32
    %dma_wait3A_157 = tpu.memref_slice %arg10[%dma_wait3A, %dma_wait3A_155, %dma_wait3A_156] : memref<4x64x128xf32, #tpu.memory_space<vmem>> -> memref<1x64x128xf32, #tpu.memory_space<vmem>>
    %dma_wait3A_158 = tpu.memref_squeeze %dma_wait3A_157 : memref<1x64x128xf32, #tpu.memory_space<vmem>> -> memref<64x128xf32, #tpu.memory_space<vmem>>
    %dma_wait3A_159 = arith.constant 0 : i32
    %dma_wait3A_160 = arith.constant 0 : i32
    %dma_wait3A_161 = tpu.memref_slice %arg3[%dma_wait3A_159, %dma_wait3A_160] : memref<500000x128xf32, #tpu.memory_space<hbm>> -> memref<64x128xf32, #tpu.memory_space<hbm>>
    %dma_wait3A_162 = arith.constant 0 : i32
    %dma_wait3A_163 = arith.constant 0 : i32
    %dma_wait3A_164 = tpu.memref_slice %arg10[%dma_wait3A, %dma_wait3A_162, %dma_wait3A_163] : memref<4x64x128xf32, #tpu.memory_space<vmem>> -> memref<1x64x128xf32, #tpu.memory_space<vmem>>
    %dma_wait3A_165 = tpu.memref_squeeze %dma_wait3A_164 : memref<1x64x128xf32, #tpu.memory_space<vmem>> -> memref<64x128xf32, #tpu.memory_space<vmem>>
    %dma_wait3A_166 = arith.constant 0 : i32
    %dma_wait3A_167 = arith.constant 0 : i32
    %dma_wait3A_168 = tpu.memref_slice %arg3[%dma_wait3A_166, %dma_wait3A_167] : memref<500000x128xf32, #tpu.memory_space<hbm>> -> memref<64x128xf32, #tpu.memory_space<hbm>>
    tpu.wait_dma2 semaphore(%arg12 : memref<!tpu.dma_semaphore, #tpu.memory_space<semaphore_mem>>) src(%dma_wait3A_168 : memref<64x128xf32, #tpu.memory_space<hbm>>) dst(%dma_wait3A_165 : memref<64x128xf32, #tpu.memory_space<vmem>>)
    %dma_wait3A_169 = arith.constant 0 : i32
    %dma_wait3A_170 = arith.constant 0 : i32
    %dma_wait3A_171 = arith.constant 0 : i32
    %dma_wait3A_172 = tpu.memref_slice %arg10[%dma_wait3A_169, %dma_wait3A_170, %dma_wait3A_171] : memref<4x64x128xf32, #tpu.memory_space<vmem>> -> memref<1x64x128xf32, #tpu.memory_space<vmem>>
    %dma_wait3A_173 = tpu.memref_squeeze %dma_wait3A_172 : memref<1x64x128xf32, #tpu.memory_space<vmem>> -> memref<64x128xf32, #tpu.memory_space<vmem>>
    %dma_wait3A_174 = arith.constant 0 : i32
    %dma_wait3A_175 = arith.constant 0 : i32
    %dma_wait3A_176 = tpu.memref_slice %arg3[%dma_wait3A_174, %dma_wait3A_175] : memref<500000x128xf32, #tpu.memory_space<hbm>> -> memref<64x128xf32, #tpu.memory_space<hbm>>
    %dma_wait3A_177 = arith.constant 0 : i32
    %dma_wait3A_178 = arith.constant 0 : i32
    %dma_wait3A_179 = tpu.memref_slice %arg10[%dma_wait3A_169, %dma_wait3A_177, %dma_wait3A_178] : memref<4x64x128xf32, #tpu.memory_space<vmem>> -> memref<1x64x128xf32, #tpu.memory_space<vmem>>
    %dma_wait3A_180 = tpu.memref_squeeze %dma_wait3A_179 : memref<1x64x128xf32, #tpu.memory_space<vmem>> -> memref<64x128xf32, #tpu.memory_space<vmem>>
    %dma_wait3A_181 = arith.constant 0 : i32
    %dma_wait3A_182 = arith.constant 0 : i32
    %dma_wait3A_183 = tpu.memref_slice %arg3[%dma_wait3A_181, %dma_wait3A_182] : memref<500000x128xf32, #tpu.memory_space<hbm>> -> memref<64x128xf32, #tpu.memory_space<hbm>>
    tpu.wait_dma2 semaphore(%arg12 : memref<!tpu.dma_semaphore, #tpu.memory_space<semaphore_mem>>) src(%dma_wait3A_183 : memref<64x128xf32, #tpu.memory_space<hbm>>) dst(%dma_wait3A_180 : memref<64x128xf32, #tpu.memory_space<vmem>>)
    %dma_wait3A_184 = arith.constant 0 : i32
    %dma_wait3A_185 = arith.constant 0 : i32
    %dma_wait3A_186 = arith.constant 0 : i32
    %dma_wait3A_187 = tpu.memref_slice %arg10[%dma_wait3A_184, %dma_wait3A_185, %dma_wait3A_186] : memref<4x64x128xf32, #tpu.memory_space<vmem>> -> memref<1x64x128xf32, #tpu.memory_space<vmem>>
    %dma_wait3A_188 = tpu.memref_squeeze %dma_wait3A_187 : memref<1x64x128xf32, #tpu.memory_space<vmem>> -> memref<64x128xf32, #tpu.memory_space<vmem>>
    %dma_wait3A_189 = arith.constant 0 : i32
    %dma_wait3A_190 = arith.constant 0 : i32
    %dma_wait3A_191 = tpu.memref_slice %arg3[%dma_wait3A_189, %dma_wait3A_190] : memref<500000x128xf32, #tpu.memory_space<hbm>> -> memref<64x128xf32, #tpu.memory_space<hbm>>
    %dma_wait3A_192 = arith.constant 0 : i32
    %dma_wait3A_193 = arith.constant 0 : i32
    %dma_wait3A_194 = tpu.memref_slice %arg10[%dma_wait3A_184, %dma_wait3A_192, %dma_wait3A_193] : memref<4x64x128xf32, #tpu.memory_space<vmem>> -> memref<1x64x128xf32, #tpu.memory_space<vmem>>
    %dma_wait3A_195 = tpu.memref_squeeze %dma_wait3A_194 : memref<1x64x128xf32, #tpu.memory_space<vmem>> -> memref<64x128xf32, #tpu.memory_space<vmem>>
    %dma_wait3A_196 = arith.constant 0 : i32
    %dma_wait3A_197 = arith.constant 0 : i32
    %dma_wait3A_198 = tpu.memref_slice %arg3[%dma_wait3A_196, %dma_wait3A_197] : memref<500000x128xf32, #tpu.memory_space<hbm>> -> memref<64x128xf32, #tpu.memory_space<hbm>>
    tpu.wait_dma2 semaphore(%arg12 : memref<!tpu.dma_semaphore, #tpu.memory_space<semaphore_mem>>) src(%dma_wait3A_198 : memref<64x128xf32, #tpu.memory_space<hbm>>) dst(%dma_wait3A_195 : memref<64x128xf32, #tpu.memory_space<vmem>>)
    %dma_wait3A_199 = arith.constant 0 : i32
    %dma_wait3A_200 = arith.constant 0 : i32
    %dma_wait3A_201 = arith.constant 0 : i32
    %dma_wait3A_202 = tpu.memref_slice %arg10[%dma_wait3A_199, %dma_wait3A_200, %dma_wait3A_201] : memref<4x64x128xf32, #tpu.memory_space<vmem>> -> memref<1x64x128xf32, #tpu.memory_space<vmem>>
    %dma_wait3A_203 = tpu.memref_squeeze %dma_wait3A_202 : memref<1x64x128xf32, #tpu.memory_space<vmem>> -> memref<64x128xf32, #tpu.memory_space<vmem>>
    %dma_wait3A_204 = arith.constant 0 : i32
    %dma_wait3A_205 = arith.constant 0 : i32
    %dma_wait3A_206 = tpu.memref_slice %arg3[%dma_wait3A_204, %dma_wait3A_205] : memref<500000x128xf32, #tpu.memory_space<hbm>> -> memref<64x128xf32, #tpu.memory_space<hbm>>
    %dma_wait3A_207 = arith.constant 0 : i32
    %dma_wait3A_208 = arith.constant 0 : i32
    %dma_wait3A_209 = tpu.memref_slice %arg10[%dma_wait3A_199, %dma_wait3A_207, %dma_wait3A_208] : memref<4x64x128xf32, #tpu.memory_space<vmem>> -> memref<1x64x128xf32, #tpu.memory_space<vmem>>
    %dma_wait3A_210 = tpu.memref_squeeze %dma_wait3A_209 : memref<1x64x128xf32, #tpu.memory_space<vmem>> -> memref<64x128xf32, #tpu.memory_space<vmem>>
    %dma_wait3A_211 = arith.constant 0 : i32
    %dma_wait3A_212 = arith.constant 0 : i32
    %dma_wait3A_213 = tpu.memref_slice %arg3[%dma_wait3A_211, %dma_wait3A_212] : memref<500000x128xf32, #tpu.memory_space<hbm>> -> memref<64x128xf32, #tpu.memory_space<hbm>>
    tpu.wait_dma2 semaphore(%arg12 : memref<!tpu.dma_semaphore, #tpu.memory_space<semaphore_mem>>) src(%dma_wait3A_213 : memref<64x128xf32, #tpu.memory_space<hbm>>) dst(%dma_wait3A_210 : memref<64x128xf32, #tpu.memory_space<vmem>>)
    %dma_wait3A_214 = arith.constant 0 : i32
    %dma_wait3A_215 = arith.constant 0 : i32
    %dma_wait3A_216 = arith.constant 0 : i32
    %dma_wait3A_217 = tpu.memref_slice %arg10[%dma_wait3A_214, %dma_wait3A_215, %dma_wait3A_216] : memref<4x64x128xf32, #tpu.memory_space<vmem>> -> memref<1x64x128xf32, #tpu.memory_space<vmem>>
    %dma_wait3A_218 = tpu.memref_squeeze %dma_wait3A_217 : memref<1x64x128xf32, #tpu.memory_space<vmem>> -> memref<64x128xf32, #tpu.memory_space<vmem>>
    %dma_wait3A_219 = arith.constant 0 : i32
    %dma_wait3A_220 = arith.constant 0 : i32
    %dma_wait3A_221 = tpu.memref_slice %arg3[%dma_wait3A_219, %dma_wait3A_220] : memref<500000x128xf32, #tpu.memory_space<hbm>> -> memref<64x128xf32, #tpu.memory_space<hbm>>
    %dma_wait3A_222 = arith.constant 0 : i32
    %dma_wait3A_223 = arith.constant 0 : i32
    %dma_wait3A_224 = tpu.memref_slice %arg10[%dma_wait3A_214, %dma_wait3A_222, %dma_wait3A_223] : memref<4x64x128xf32, #tpu.memory_space<vmem>> -> memref<1x64x128xf32, #tpu.memory_space<vmem>>
    %dma_wait3A_225 = tpu.memref_squeeze %dma_wait3A_224 : memref<1x64x128xf32, #tpu.memory_space<vmem>> -> memref<64x128xf32, #tpu.memory_space<vmem>>
    %dma_wait3A_226 = arith.constant 0 : i32
    %dma_wait3A_227 = arith.constant 0 : i32
    %dma_wait3A_228 = tpu.memref_slice %arg3[%dma_wait3A_226, %dma_wait3A_227] : memref<500000x128xf32, #tpu.memory_space<hbm>> -> memref<64x128xf32, #tpu.memory_space<hbm>>
    tpu.wait_dma2 semaphore(%arg12 : memref<!tpu.dma_semaphore, #tpu.memory_space<semaphore_mem>>) src(%dma_wait3A_228 : memref<64x128xf32, #tpu.memory_space<hbm>>) dst(%dma_wait3A_225 : memref<64x128xf32, #tpu.memory_space<vmem>>)
    %dma_wait3A_229 = arith.constant 0 : i32
    %dma_wait3A_230 = arith.constant 0 : i32
    %dma_wait3A_231 = arith.constant 0 : i32
    %dma_wait3A_232 = tpu.memref_slice %arg10[%dma_wait3A_229, %dma_wait3A_230, %dma_wait3A_231] : memref<4x64x128xf32, #tpu.memory_space<vmem>> -> memref<1x64x128xf32, #tpu.memory_space<vmem>>
    %dma_wait3A_233 = tpu.memref_squeeze %dma_wait3A_232 : memref<1x64x128xf32, #tpu.memory_space<vmem>> -> memref<64x128xf32, #tpu.memory_space<vmem>>
    %dma_wait3A_234 = arith.constant 0 : i32
    %dma_wait3A_235 = arith.constant 0 : i32
    %dma_wait3A_236 = tpu.memref_slice %arg3[%dma_wait3A_234, %dma_wait3A_235] : memref<500000x128xf32, #tpu.memory_space<hbm>> -> memref<64x128xf32, #tpu.memory_space<hbm>>
    %dma_wait3A_237 = arith.constant 0 : i32
    %dma_wait3A_238 = arith.constant 0 : i32
    %dma_wait3A_239 = tpu.memref_slice %arg10[%dma_wait3A_229, %dma_wait3A_237, %dma_wait3A_238] : memref<4x64x128xf32, #tpu.memory_space<vmem>> -> memref<1x64x128xf32, #tpu.memory_space<vmem>>
    %dma_wait3A_240 = tpu.memref_squeeze %dma_wait3A_239 : memref<1x64x128xf32, #tpu.memory_space<vmem>> -> memref<64x128xf32, #tpu.memory_space<vmem>>
    %dma_wait3A_241 = arith.constant 0 : i32
    %dma_wait3A_242 = arith.constant 0 : i32
    %dma_wait3A_243 = tpu.memref_slice %arg3[%dma_wait3A_241, %dma_wait3A_242] : memref<500000x128xf32, #tpu.memory_space<hbm>> -> memref<64x128xf32, #tpu.memory_space<hbm>>
    tpu.wait_dma2 semaphore(%arg12 : memref<!tpu.dma_semaphore, #tpu.memory_space<semaphore_mem>>) src(%dma_wait3A_243 : memref<64x128xf32, #tpu.memory_space<hbm>>) dst(%dma_wait3A_240 : memref<64x128xf32, #tpu.memory_space<vmem>>)
    %dma_wait3A_244 = arith.constant 0 : i32
    %dma_wait3A_245 = arith.constant 0 : i32
    %dma_wait3A_246 = arith.constant 0 : i32
    %dma_wait3A_247 = tpu.memref_slice %arg10[%dma_wait3A_244, %dma_wait3A_245, %dma_wait3A_246] : memref<4x64x128xf32, #tpu.memory_space<vmem>> -> memref<1x64x128xf32, #tpu.memory_space<vmem>>
    %dma_wait3A_248 = tpu.memref_squeeze %dma_wait3A_247 : memref<1x64x128xf32, #tpu.memory_space<vmem>> -> memref<64x128xf32, #tpu.memory_space<vmem>>
    %dma_wait3A_249 = arith.constant 0 : i32
    %dma_wait3A_250 = arith.constant 0 : i32
    %dma_wait3A_251 = tpu.memref_slice %arg3[%dma_wait3A_249, %dma_wait3A_250] : memref<500000x128xf32, #tpu.memory_space<hbm>> -> memref<64x128xf32, #tpu.memory_space<hbm>>
    %dma_wait3A_252 = arith.constant 0 : i32
    %dma_wait3A_253 = arith.constant 0 : i32
    %dma_wait3A_254 = tpu.memref_slice %arg10[%dma_wait3A_244, %dma_wait3A_252, %dma_wait3A_253] : memref<4x64x128xf32, #tpu.memory_space<vmem>> -> memref<1x64x128xf32, #tpu.memory_space<vmem>>
    %dma_wait3A_255 = tpu.memref_squeeze %dma_wait3A_254 : memref<1x64x128xf32, #tpu.memory_space<vmem>> -> memref<64x128xf32, #tpu.memory_space<vmem>>
    %dma_wait3A_256 = arith.constant 0 : i32
    %dma_wait3A_257 = arith.constant 0 : i32
    %dma_wait3A_258 = tpu.memref_slice %arg3[%dma_wait3A_256, %dma_wait3A_257] : memref<500000x128xf32, #tpu.memory_space<hbm>> -> memref<64x128xf32, #tpu.memory_space<hbm>>
    tpu.wait_dma2 semaphore(%arg12 : memref<!tpu.dma_semaphore, #tpu.memory_space<semaphore_mem>>) src(%dma_wait3A_258 : memref<64x128xf32, #tpu.memory_space<hbm>>) dst(%dma_wait3A_255 : memref<64x128xf32, #tpu.memory_space<vmem>>)
    %dma_wait3A_259 = arith.constant 0 : i32
    %dma_wait3A_260 = arith.constant 0 : i32
    %dma_wait3A_261 = arith.constant 0 : i32
    %dma_wait3A_262 = tpu.memref_slice %arg10[%dma_wait3A_259, %dma_wait3A_260, %dma_wait3A_261] : memref<4x64x128xf32, #tpu.memory_space<vmem>> -> memref<1x64x128xf32, #tpu.memory_space<vmem>>
    %dma_wait3A_263 = tpu.memref_squeeze %dma_wait3A_262 : memref<1x64x128xf32, #tpu.memory_space<vmem>> -> memref<64x128xf32, #tpu.memory_space<vmem>>
    %dma_wait3A_264 = arith.constant 0 : i32
    %dma_wait3A_265 = arith.constant 0 : i32
    %dma_wait3A_266 = tpu.memref_slice %arg3[%dma_wait3A_264, %dma_wait3A_265] : memref<500000x128xf32, #tpu.memory_space<hbm>> -> memref<64x128xf32, #tpu.memory_space<hbm>>
    %dma_wait3A_267 = arith.constant 0 : i32
    %dma_wait3A_268 = arith.constant 0 : i32
    %dma_wait3A_269 = tpu.memref_slice %arg10[%dma_wait3A_259, %dma_wait3A_267, %dma_wait3A_268] : memref<4x64x128xf32, #tpu.memory_space<vmem>> -> memref<1x64x128xf32, #tpu.memory_space<vmem>>
    %dma_wait3A_270 = tpu.memref_squeeze %dma_wait3A_269 : memref<1x64x128xf32, #tpu.memory_space<vmem>> -> memref<64x128xf32, #tpu.memory_space<vmem>>
    %dma_wait3A_271 = arith.constant 0 : i32
    %dma_wait3A_272 = arith.constant 0 : i32
    %dma_wait3A_273 = tpu.memref_slice %arg3[%dma_wait3A_271, %dma_wait3A_272] : memref<500000x128xf32, #tpu.memory_space<hbm>> -> memref<64x128xf32, #tpu.memory_space<hbm>>
    tpu.wait_dma2 semaphore(%arg12 : memref<!tpu.dma_semaphore, #tpu.memory_space<semaphore_mem>>) src(%dma_wait3A_273 : memref<64x128xf32, #tpu.memory_space<hbm>>) dst(%dma_wait3A_270 : memref<64x128xf32, #tpu.memory_space<vmem>>)
    return
  }
}

</mosaic_0001>

<sc_bundles>
// kernel: kernel.3.cloned.1.call-start
scs
__scs_entry_jumppad:
0x0: {  	(pc) =	sbr.rel $0x88, $3  }
0x1: {  	(tag) =	ssettag $0x0;
	lr =	simm.s32 $0x1  }
0x2: {  	[smem:$0x3F9F] =	sst lr;
	_ =	strace $0xD0000000  }
0x3: {  	_ = 	snop  }
0x4: {  	_ = 	snop  }
0x5: {  	_ = 	snop  }
0x6: {  	_ = 	snop  }
0x7: {  	_ = 	snop  }
__scs_overlays_trampoline_lowered:
0x8: {  	[smem:$0x3FAE] =	sst s0  }
0x9: {  	[smem:$0x3FAF] =	sst s1  }
0xa: {  	[smem:$0x3FB0] =	sst s2  }
0xb: {  	[smem:$0x3FB1] =	sst s3  }
0xc: {  	[smem:$0x3FB2] =	sst s4  }
0xd: {  	[smem:$0x3FB3] =	sst s5  }
0xe: {  	[smem:$0x3FB4] =	sst s6  }
0xf: {  	[smem:$0x3FB5] =	sst s7  }
0x10: {  	[smem:$0x3FB6] =	sst s8  }
0x11: {  	[smem:$0x3FB7] =	sst s9;
	s0 =	simm.s32 @!p0 $0x0  }
0x12: {  	s1 =	sld [smem:$0x3F9D];
	s0 =	simm.s32 @p0 $0x1  }
0x13: {  	[smem:$0x3FB8] =	sst s0;
	s0 =	simm.s32 @!p1 $0x0  }
0x14: {  	s2 =	sld [smem:$0x3F9C];
	s0 =	simm.s32 @p1 $0x1  }
0x15: {  	[smem:$0x3FB9] =	sst s0;
	s0 =	simm.s32 @!p2 $0x0  }
0x16: {  	s3 =	sld [smem:$0x3FDB];
	s0 =	simm.s32 @p2 $0x1  }
0x17: {  	s4 =	simm.s32 $0x1BF5;
	[smem:$0x3FBB] =	sst s0  }
0x18: {  	s0 =	sld [smem:$0x3F9E];
	_ =	swait.ge [sflag:s4], $0x0  }
0x19: {  	s7 =	sld [smem:$0x3F9F]  }
0x1a: {  	s8 =	sadd.s32 $0xFFFFE003, lr  }
0x1b: {  	s9 =	sadd.s32 $0xFFFFFEF7, lr;
	s5 =	simm.s32 $0xFFFFFFFF;
	p2 =	slt.u32 s8, $0xFFFFF086  }
0x1c: {  	p1 =	slt.u32 s9, $0xF7A;
	s5 =	simm.s32 @!p2 $0x0  }
0x1d: {  	s5 =	simm.s32 @p1 $0x1;
	p0 =	seq.s32 s7, s2  }
0x1e: {  	s7 =	smul.u32 @!p0 $0xF7A, s2;
	p2 =	seq.s32 @!p0 s5, $0x0  }
0x1f: {  	s9 =	smul.u32 $0xF7A, s1;
	s8 =	simm.s32 @!p0 $0x1BF5;
	p2 =	por !p2, p0  }
0x20: {  	[sflag:s8] =	ssyncset.s32 @!p0 $0xFFFFF086;
	s6 =	sadd.s32 @!p0 s3, s7;
	s7 =	simm.s32 @!p0 $0x108  }
0x21: {  	s3 =	sadd.s32 s3, s9;
	s6 =	sadd.s32 @!p0 $0x88, s6;
	s7 =	simm.s32 @p2 $0x1082  }
0x22: {  	[simem:s7], [sflag:s8] =	dma.local @!p0 [hbm:s6], $0xF7A  }
0x23: {  	s9 =	sor.u32 $0xD0000000, s2;
	s6 =	simm.s32 $0x108;
	_ =	swait.ge @!p0 [sflag:s8], $0x0  }
0x24: {  	s3 =	sadd.s32 $0x88, s3;
	s6 =	simm.s32 @!p1 $0x1082;
	[sflag:s4] =	ssyncset.s32 $0xFFFFF086  }
0x25: {  	[simem:s6], [sflag:s4] =	dma.local [hbm:s3], $0xF7A  }
0x26: {  	[smem:$0x3F9F] =	sst s1;
	(tag) =	ssettag s2;
	_ =	strace s9  }
0x27: {  	s1 =	sld [smem:$0x3FAF]  }
0x28: {  	s2 =	sld [smem:$0x3FB0]  }
0x29: {  	s4 =	sld [smem:$0x3FB2]  }
0x2a: {  	p0 =	seq.s32 s5, $0x0;
	s5 =	sld [smem:$0x3FB3]  }
0x2b: {  	s6 =	sld [smem:$0x3FB4]  }
0x2c: {  	s7 =	sld [smem:$0x3FB5]  }
0x2d: {  	s3 =	simm.s32 $0x108;
	s8 =	sld [smem:$0x3FB6]  }
0x2e: {  	s3 =	simm.s32 @!p0 $0x1082;
	s9 =	sld [smem:$0x3FB7]  }
0x2f: {  	lr =	sadd.s32 s0, s3;
	s0 =	sld [smem:$0x3FAE]  }
0x30: {  	s3 =	sld [smem:$0x3FB1]  }
0x31: {  	[smem:$0x3FBA] =	sst s10  }
0x32: {  	s10 =	sld [smem:$0x3FB8];
	_ =	sdelay $0x3  }
0x33: {  	p0 =	seq.s32 s10, $0x1;
	s10 =	sld [smem:$0x3FBA];
	_ =	sdelay $0x3  }
0x34: {  	[smem:$0x3FBA] =	sst s10  }
0x35: {  	s10 =	sld [smem:$0x3FB9];
	_ =	sdelay $0x3  }
0x36: {  	p1 =	seq.s32 s10, $0x1;
	s10 =	sld [smem:$0x3FBA];
	_ =	sdelay $0x3  }
0x37: {  	[smem:$0x3FBA] =	sst s10  }
0x38: {  	s10 =	sld [smem:$0x3FBB]  }
0x39: {  	_ = 	snop;
	(pc) =	sbr.ind lr, $3  }
0x3a: {  	_ = 	snop  }
0x3b: {  	_ = 	snop  }
0x3c: {  	p2 =	seq.s32 s10, $0x1;
	s10 =	sld [smem:$0x3FBA]  }
0x3d: {  	_ =	shalt  }
0x3e: {  	_ =	shalt  }
0x3f: {  	_ =	shalt  }
0x40: {  	_ =	shalt  }
0x41: {  	_ =	shalt  }
0x42: {  	_ =	shalt  }
0x43: {  	_ =	shalt  }
0x44: {  	_ =	shalt  }
0x45: {  	_ =	shalt  }
0x46: {  	_ =	shalt  }
0x47: {  	_ =	shalt  }
0x48: {  	_ =	shalt  }
0x49: {  	_ =	shalt  }
0x4a: {  	_ =	shalt  }
0x4b: {  	_ =	shalt  }
0x4c: {  	_ =	shalt  }
0x4d: {  	_ =	shalt  }
0x4e: {  	_ =	shalt  }
0x4f: {  	_ =	shalt  }
0x50: {  	_ =	shalt  }
0x51: {  	_ =	shalt  }
0x52: {  	_ =	shalt  }
0x53: {  	_ =	shalt  }
0x54: {  	_ =	shalt  }
0x55: {  	_ =	shalt  }
0x56: {  	_ =	shalt  }
0x57: {  	_ =	shalt  }
0x58: {  	_ =	shalt  }
0x59: {  	_ =	shalt  }
0x5a: {  	_ =	shalt  }
0x5b: {  	_ =	shalt  }
0x5c: {  	_ =	shalt  }
0x5d: {  	_ =	shalt  }
0x5e: {  	_ =	shalt  }
0x5f: {  	_ =	shalt  }
0x60: {  	_ =	shalt  }
0x61: {  	_ =	shalt  }
0x62: {  	_ =	shalt  }
0x63: {  	_ =	shalt  }
0x64: {  	_ =	shalt  }
0x65: {  	_ =	shalt  }
0x66: {  	_ =	shalt  }
0x67: {  	_ =	shalt  }
0x68: {  	_ =	shalt  }
0x69: {  	_ =	shalt  }
0x6a: {  	_ =	shalt  }
0x6b: {  	_ =	shalt  }
0x6c: {  	_ =	shalt  }
0x6d: {  	_ =	shalt  }
0x6e: {  	_ =	shalt  }
0x6f: {  	_ =	shalt  }
0x70: {  	_ =	shalt  }
0x71: {  	_ =	shalt  }
0x72: {  	_ =	shalt  }
0x73: {  	_ =	shalt  }
0x74: {  	_ =	shalt  }
0x75: {  	_ =	shalt  }
0x76: {  	_ =	shalt  }
0x77: {  	_ =	shalt  }
0x78: {  	_ =	shalt  }
0x79: {  	_ =	shalt  }
0x7a: {  	_ =	shalt  }
0x7b: {  	_ =	shalt  }
0x7c: {  	_ =	shalt  }
0x7d: {  	_ =	shalt  }
0x7e: {  	_ =	shalt  }
0x7f: {  	_ =	shalt  }
0x80: {  	_ =	shalt  }
0x81: {  	_ =	shalt  }
0x82: {  	_ =	shalt  }
0x83: {  	_ =	shalt  }
0x84: {  	_ =	shalt  }
0x85: {  	_ =	shalt  }
0x86: {  	_ =	shalt  }
0x87: {  	_ =	shalt  }
.Lfunc_end0:
.L_simem_size_0:
called_computation_lowered:
.L_overlay_start_0:
0x88: {  	s2 =	sld [smem:$0x3FD9]  }
0x89: {  	s3 =	sld [smem:$0x3FFE];
	_ =	sdelay $0x1  }
0x8a: {  	s1 =	srdreg.scid  }
0x8b: {  	s0 =	sand.u32 $0x1, s1  }
0x8c: {  	s14 =	sshll.u32 s0, $0xA;
	s2 =	sadd.s32 s3, s2  }
0x8d: {  	s2 =	sadd.s32 s2, s14  }
0x8e: {  	[smem:$0x3FC6] =	sst s2  }
0x8f: {  	_ = 	snop  }
0x90: {  	s2 =	sld [smem:$0x3FD0];
	_ =	sdelay $0x2  }
0x91: {  	s4 =	simm.s32 $0xA;
	s5 =	simm.s32 $0x10;
	s15 =	sld [smem:$0x3FC9]  }
0x92: {  	[smem:s5], [sflag:s4] =	dma.local [hbm:s2], $0x1  }
0x93: {  	_ =	swait.eq [sflag:s4], $0x1  }
0x94: {  	[sflag:s4] =	ssyncset.done $0x0  }
0x95: {  	s16 =	sld [smem:$0x10];
	[sflag:s4] =	ssyncadd.s32 $0xFFFFFFFF  }
0x96: {  	s17 =	sld [smem:$0x11];
	(tm) =	ssettm $0x1  }
0x97: {  	s18 =	sld [smem:$0x3FFB];
	_ =	sdelay $0x3  }
0x98: {  	_ =	strace s18  }
0x99: {  	s5 =	sld [smem:$0x3FFC];
	_ =	sdelay $0x3  }
0x9a: {  	_ =	strace s5  }
0x9b: {  	s5 =	sld [smem:$0x3FFD];
	_ =	sdelay $0x3  }
0x9c: {  	_ =	strace s5  }
0x9d: {  	_ =	strace $0x8FFFFFFF  }
0x9e: {  	s19 =	sld [smem:$0x3FDB];
	_ =	sdelay $0x1  }
0x9f: {  	s6 =	simm.s32 $_scs_section_size  }
0xa0: {  	s7 =	simm.s32 $_size__tile_overlayer_lowered;
	s8 =	simm.s32 $_tile_overlayer_lowered  }
0xa1: {  	s22 =	simm.s32 $0x1BFF;
	s21 =	sshll.u32 s8, $0x1;
	s5 =	sadd.s32 s6, s19  }
0xa2: {  	s9 =	simm.s32 $0x0;
	s20 =	sshll.u32 s7, $0x1;
	s7 =	sadd.s32 s21, s5  }
0xa3: {  	[timem:s9], [sflag:s22] =	dma.local [hbm:s7], s20  }
0xa4: {  	_ =	swait.ge [sflag:s22], s20  }
0xa5: {  	s6 =	ssub.s32 $0x0, s20;
	[sflag:s22] =	ssyncset.done $0x0  }
0xa6: {  	[sflag:s22] =	ssyncadd.s32 s6;
	_ =	sdelay $0x1  }
0xa7: {  	s23 =	simm.s32 $0x1B8B  }
0xa8: {  	_ =	swait.ge [sflag:s23], $0x1  }
0xa9: {  	[sflag:s23] =	ssyncset.done $0x0  }
0xaa: {  	s25 =	simm.s32 $0x1B8E;
	s24 =	sld [smem:$0x3FFE];
	[sflag:s23] =	ssyncadd.s32 $0xFFFFFFFF  }
0xab: {  	s26 =	simm.s32 $execute0_lowered;
	[smem:$0x3FD2] =	sst s25  }
0xac: {  	s7 =	sshll.u32 s26, $0x1;
	_ =	strace $0x80000046;
	[dreg:$0x1] =	wrdreg $0xFFFFFFFF  }
0xad: {  	s28 =	simm.s32 $_size_execute0_lowered;
	s5 =	sadd.s32 s5, s7;
	[dreg:$0x0] =	wrdreg $0x0  }
0xae: {  	s7 =	sshll.u32 s28, $0x1;
	[dreg:$0x2] =	wrdreg s5  }
0xaf: {  	[dreg:$0x3] =	wrdreg s7  }
0xb0: {  	[dreg:$0x4] =	wrdreg $0xC0  }
0xb1: {  	_ =	task [dreg:s9], $0x5FFFF  }
0xb2: {  	[dreg:$0x1] =	wrdreg $0xFFFFFFFF  }
0xb3: {  	[dreg:$0x0] =	wrdreg $0x60  }
0xb4: {  	[dreg:$0x2] =	wrdreg s15  }
0xb5: {  	[dreg:$0x3] =	wrdreg s24  }
0xb6: {  	[dreg:$0x4] =	wrdreg s16  }
0xb7: {  	[dreg:$0x5] =	wrdreg s17  }
0xb8: {  	[dreg:$0x6] =	wrdreg $0x9  }
0xb9: {  	_ =	task.clear_ibuf [dreg:s9], $0x7FFFF;
	_ =	strace $0x90000046  }
0xba: {  	s29 =	simm.s32 $0x9;
	_ =	strace $0x80000048  }
0xbb: {  	_ =	swait.ge [sflag:s29], $0x1  }
0xbc: {  	[sflag:s29] =	ssyncadd.s32 $0xFFFFFFFF  }
0xbd: {  	_ =	strace $0x90000048  }
0xbe: {  	_ =	sfence  }
0xbf: {  	s30 =	sld [smem:$0x0];
	_ =	sdelay $0x2  }
0xc0: {  	s31 =	sshll.u32 s1, $0xD;
	s1 =	sshrl.u32 s1, $0x2  }
0xc1: {  	s3 =	sand.u32 $0x4000, s31;
	s1 =	sadd.s32 s1, s30  }
0xc2: {  	s0 =	sor.u32 s3, s0;
	s1 =	sshll.u32 s1, $0x11  }
0xc3: {  	s0 =	sor.u32 s1, s0  }
0xc4: {  	s0 =	sadd.s32 $0x8F2B, s0  }
0xc5: {  	[sflag:s0] =	ssyncadd.remote.s32 $0x1  }
0xc6: {  	_ =	sfence.sel $0xFFFF  }
0xc7: {  	[dreg:$0x0] =	wrdreg $0xFFFFFFFF;
	(pc) =	sbr.abs _section_cstart, $3  }
0xc8: {  	[dreg:$0x1] =	wrdreg $0xFFFFFFFF  }
0xc9: {  	_ =	task.clear_ibuf [dreg:s9], $0x2FFFF;
	_ =	strace $0x9FFFFFFF  }
0xca: {  	(tm) =	ssettm $0x7FFFFFFF  }
0xcb: {  	_ =	shalt  }
tec
execute0_lowered:
.L_overlay_start_1:
0x0: {  	(tag) =	ssettag $0x1  }
0x1: {  	v0 =	vimm.s32 $0xFEDCBA9;
	vm14 =	vcmask $0x300;
	v1 =	vimm.s32 $0xF  }
0x2: {  	vm13 =	vcmask $0x704;
	v2 =	vimm.s32 $0x87654321;
	vm12 =	vcmask $0xB08  }
0x3: {  	vm11 =	vcmask $0xF0C;
	vm10 =	vcmask $0x1310;
	vm9 =	vcmask $0x1714  }
0x4: {  	vm8 =	vcmask $0x1B18;
	vm6 =	vcmask $0x1F1C;
	vm7 =	vcmask $0x2320  }
0x5: {  	vm5 =	vcmask $0x2724;
	vm4 =	vcmask $0x2B28;
	vm3 =	vcmask $0x2F2C  }
0x6: {  	vm1 =	vcmask $0x3330;
	vm2 =	vcmask $0x3734;
	vm0 =	vcmask $0x3B38  }
0x7: {  	v4 =	vimm.s32 $0x98765432;
	v5 =	vimm.s32 $0x110F;
	v6 =	vimm.s32 $0x190F  }
0x8: {  	v7 =	vimm.s32 $0x18F;
	v8 =	vimm.s32 $0x98F;
	v9 =	vimm.s32 $0x118F  }
0x9: {  	v10 =	vimm.s32 $0x198F;
	v11 =	vimm.s32 $0x20F;
	v12 =	vimm.s32 $0xA0F  }
0xa: {  	v13 =	vimm.s32 $0x120F;
	v14 =	vimm.s32 $0x1A0F;
	v15 =	vimm.s32 $0x28F  }
0xb: {  	v16 =	vimm.s32 $0xA8F;
	v17 =	vimm.s32 $0x128F;
	v18 =	vimm.s32 $0x1A8F  }
0xc: {  	v19 =	vimm.s32 $0xFEDCBA98;
	v20 =	vimm.s32 $0x76543210;
	v21 =	vimm.s32 $0x30F  }
0xd: {  	v22 =	vimm.s32 $0xB0F;
	v23 =	vimm.s32 $0x130F;
	v24 =	vimm.s32 $0x1B0F  }
0xe: {  	v56 =	vimm.s32 $0x38F;
	v57 =	vimm.s32 $0xB8F;
	v25 =	vimm.s32 $0x138F  }
0xf: {  	v26 =	vimm.s32 $0x1B8F;
	v27 =	vimm.s32 $0x40F;
	v28 =	vimm.s32 $0xC0F  }
0x10: {  	v29 =	vimm.s32 $0x140F;
	v30 =	vimm.s32 $0x1C0F;
	v31 =	vimm.s32 $0x48F  }
0x11: {  	v32 =	vimm.s32 $0xC8F;
	v33 =	vimm.s32 $0x148F;
	v34 =	vimm.s32 $0x1C8F  }
0x12: {  	v35 =	vimm.s32 $0x50F;
	v36 =	vimm.s32 $0xD0F;
	v37 =	vimm.s32 $0x150F  }
0x13: {  	v38 =	vimm.s32 $0x1D0F;
	v39 =	vimm.s32 $0x58F;
	v40 =	vimm.s32 $0xD8F  }
0x14: {  	v41 =	vimm.s32 $0x158F;
	v42 =	vimm.s32 $0x1D8F;
	v43 =	vimm.s32 $0x60F  }
0x15: {  	v44 =	vimm.s32 $0xE0F;
	v45 =	vimm.s32 $0x160F;
	v46 =	vimm.s32 $0x1E0F  }
0x16: {  	v47 =	vimm.s32 $0x68F;
	v48 =	vimm.s32 $0xE8F;
	v49 =	vimm.s32 $0x168F  }
0x17: {  	v50 =	vimm.s32 $0x1E8F;
	v51 =	vimm.s32 $0x70F;
	v52 =	vimm.s32 $0xF0F  }
0x18: {  	v53 =	vimm.s32 $0x170F;
	v54 =	vimm.s32 $0x1F0F;
	v55 =	vimm.s32 $0x15141312  }
0x19: {  	v58 =	vimm.s32 $0x19181716;
	v62 =	vimm.s32 $0x25242322;
	v0 =	vunpack.c.l.s4.s8 v0  }
0x1a: {  	v1 =	vsel vm14, $0x80, v1;
	v2 =	vunpack.c.l.s4.s8 v2;
	v4 =	vunpack.c.l.s4.s8 v4  }
0x1b: {  	v5 =	vsel vm14, $0x1180, v5;
	v6 =	vsel vm14, $0x1980, v6;
	v7 =	vsel vm14, $0x200, v7  }
0x1c: {  	v8 =	vsel vm14, $0xA00, v8;
	v9 =	vsel vm14, $0x1200, v9;
	v10 =	vsel vm14, $0x1A00, v10  }
0x1d: {  	v11 =	vsel vm14, $0x280, v11;
	v12 =	vsel vm14, $0xA80, v12;
	v13 =	vsel vm14, $0x1280, v13  }
0x1e: {  	v14 =	vsel vm14, $0x1A80, v14;
	v15 =	vsel vm14, $0x300, v15;
	v16 =	vsel vm14, $0xB00, v16  }
0x1f: {  	v17 =	vsel vm14, $0x1300, v17;
	v18 =	vsel vm14, $0x1B00, v18;
	v19 =	vunpack.c.l.s4.s8 v19  }
0x20: {  	v20 =	vunpack.c.l.s4.s8 v20;
	v21 =	vsel vm14, $0x380, v21;
	v22 =	vsel vm14, $0xB80, v22  }
0x21: {  	v23 =	vsel vm14, $0x1380, v23;
	v24 =	vsel vm14, $0x1B80, v24;
	v25 =	vsel vm14, $0x1400, v25  }
0x22: {  	v26 =	vsel vm14, $0x1C00, v26;
	v27 =	vsel vm14, $0x480, v27;
	v28 =	vsel vm14, $0xC80, v28  }
0x23: {  	v29 =	vsel vm14, $0x1480, v29;
	v30 =	vsel vm14, $0x1C80, v30;
	v31 =	vsel vm14, $0x500, v31  }
0x24: {  	v32 =	vsel vm14, $0xD00, v32;
	v33 =	vsel vm14, $0x1500, v33;
	v34 =	vsel vm14, $0x1D00, v34  }
0x25: {  	v35 =	vsel vm14, $0x580, v35;
	v36 =	vsel vm14, $0xD80, v36;
	v37 =	vsel vm14, $0x1580, v37  }
0x26: {  	v38 =	vsel vm14, $0x1D80, v38;
	v39 =	vsel vm14, $0x600, v39;
	v40 =	vsel vm14, $0xE00, v40  }
0x27: {  	v41 =	vsel vm14, $0x1600, v41;
	v42 =	vsel vm14, $0x1E00, v42;
	v43 =	vsel vm14, $0x680, v43  }
0x28: {  	v44 =	vsel vm14, $0xE80, v44;
	v45 =	vsel vm14, $0x1680, v45;
	v46 =	vsel vm14, $0x1E80, v46  }
0x29: {  	v47 =	vsel vm14, $0x700, v47;
	v48 =	vsel vm14, $0xF00, v48;
	v49 =	vsel vm14, $0x1700, v49  }
0x2a: {  	v50 =	vsel vm14, $0x1F00, v50;
	v51 =	vsel vm14, $0x780, v51;
	v52 =	vsel vm14, $0xF80, v52  }
0x2b: {  	v53 =	vsel vm14, $0x1780, v53;
	v54 =	vsel vm14, $0x1F80, v54;
	v63 =	vunpack.c.0.s8.s32 v55  }
0x2c: {  	v61 =	vunpack.c.0.s8.s32 v58;
	v58 =	vimm.s32 $0x2D2C2B2A;
	v1 =	vsel vm13, $0x101, v1  }
0x2d: {  	v5 =	vsel vm13, $0x1201, v5;
	v6 =	vsel vm13, $0x1A01, v6;
	v7 =	vsel vm13, $0x281, v7  }
0x2e: {  	v8 =	vsel vm13, $0xA81, v8;
	v9 =	vsel vm13, $0x1281, v9;
	v10 =	vsel vm13, $0x1A81, v10  }
0x2f: {  	v11 =	vsel vm13, $0x301, v11;
	v12 =	vsel vm13, $0xB01, v12;
	v13 =	vsel vm13, $0x1301, v13  }
0x30: {  	v14 =	vsel vm13, $0x1B01, v14;
	v15 =	vsel vm13, $0x381, v15;
	v16 =	vsel vm13, $0xB81, v16  }
0x31: {  	v17 =	vsel vm13, $0x1381, v17;
	v18 =	vsel vm13, $0x1B81, v18;
	v21 =	vsel vm13, $0x401, v21  }
0x32: {  	v22 =	vsel vm13, $0xC01, v22;
	v23 =	vsel vm13, $0x1401, v23;
	v24 =	vsel vm13, $0x1C01, v24  }
0x33: {  	v25 =	vsel vm13, $0x1481, v25;
	v26 =	vsel vm13, $0x1C81, v26;
	v27 =	vsel vm13, $0x501, v27  }
0x34: {  	v28 =	vsel vm13, $0xD01, v28;
	v29 =	vsel vm13, $0x1501, v29;
	v30 =	vsel vm13, $0x1D01, v30  }
0x35: {  	v31 =	vsel vm13, $0x581, v31;
	v32 =	vsel vm13, $0xD81, v32;
	v33 =	vsel vm13, $0x1581, v33  }
0x36: {  	v34 =	vsel vm13, $0x1D81, v34;
	v35 =	vsel vm13, $0x601, v35;
	v36 =	vsel vm13, $0xE01, v36  }
0x37: {  	v37 =	vsel vm13, $0x1601, v37;
	v38 =	vsel vm13, $0x1E01, v38;
	v39 =	vsel vm13, $0x681, v39  }
0x38: {  	v40 =	vsel vm13, $0xE81, v40;
	v41 =	vsel vm13, $0x1681, v41;
	v1 =	vsel vm12, $0x182, v1  }
0x39: {  	v42 =	vsel vm13, $0x1E81, v42;
	v3 =	vunpack.c.0.s8.s32 v0;
	v0 =	vsel vm11, $0x203, v1  }
0x3a: {  	v43 =	vsel vm13, $0x701, v43;
	v44 =	vsel vm13, $0xF01, v44;
	v0 =	vsel vm10, $0x284, v0  }
0x3b: {  	v45 =	vsel vm13, $0x1701, v45;
	v46 =	vsel vm13, $0x1F01, v46;
	v0 =	vsel vm9, $0x305, v0  }
0x3c: {  	v47 =	vsel vm13, $0x781, v47;
	v48 =	vsel vm13, $0xF81, v48;
	v0 =	vsel vm8, $0x386, v0  }
0x3d: {  	v49 =	vsel vm13, $0x1781, v49;
	v50 =	vsel vm13, $0x1F81, v50;
	v0 =	vsel vm6, $0x407, v0  }
0x3e: {  	v1 =	vunpack.c.0.s8.s32 v2;
	v2 =	vimm.s32 $0x80F;
	v0 =	vsel vm7, $0x488, v0  }
0x3f: {  	v51 =	vsel vm13, $0x1, v51;
	v2 =	vsel vm14, $0x880, v2;
	v0 =	vsel vm5, $0x509, v0  }
0x40: {  	v52 =	vsel vm13, $0x801, v52;
	v2 =	vsel vm13, $0x901, v2;
	v0 =	vsel vm4, $0x58A, v0  }
0x41: {  	[tilespmem:$0x1F7B0] =	vst v1;
	v1 =	vcombine.low v1, v3;
	v2 =	vsel vm12, $0x982, v2;
	v0 =	vsel vm3, $0x60B, v0  }
0x42: {  	v53 =	vsel vm13, $0x1001, v53;
	v2 =	vsel vm11, $0xA03, v2;
	v0 =	vsel vm1, $0x68C, v0  }
0x43: {  	v1 =	vand.u32 $0xF, v1;
	v2 =	vsel vm10, $0xA84, v2;
	v0 =	vsel vm2, $0x70D, v0  }
0x44: {  	[tilespmem:$0x1F7C0] =	vst v1;
	v1 =	vimm.s32 $0x1C1B1A19;
	v2 =	vsel vm9, $0xB05, v2;
	v0 =	vsel vm0, $0x78E, v0  }
0x45: {  	v54 =	vsel vm13, $0x1801, v54;
	v1 =	vunpack.c.0.s8.s32 v1;
	[tilespmem:$0x1F7D0] =	vst v0;
	v0 =	vsel vm8, $0xB86, v2  }
0x46: {  	v60 =	vunpack.c.0.s8.s32 v58;
	v2 =	vimm.s32 $0x100F;
	v0 =	vsel vm6, $0xC07, v0  }
0x47: {  	[tilespmem:$0x1FA60] =	vst v1;
	v1 =	vsel vm14, $0x1080, v2;
	v2 =	vimm.s32 $0x101F1E1D;
	v0 =	vsel vm7, $0xC88, v0  }
0x48: {  	v4 =	vunpack.c.0.s8.s32 v4;
	v2 =	vunpack.c.0.s8.s32 v2;
	v0 =	vsel vm5, $0xD09, v0  }
0x49: {  	v19 =	vunpack.c.0.s8.s32 v19;
	v1 =	vsel vm13, $0x1101, v1;
	v0 =	vsel vm4, $0xD8A, v0  }
0x4a: {  	v1 =	vsel vm12, $0x1182, v1;
	[tilespmem:$0x1FA80] =	vst v2;
	v2 =	vimm.s32 $0x14131211;
	v0 =	vsel vm3, $0xE0B, v0  }
0x4b: {  	v1 =	vsel vm11, $0x1203, v1;
	v2 =	vunpack.c.0.s8.s32 v2;
	v0 =	vsel vm1, $0xE8C, v0  }
0x4c: {  	v20 =	vunpack.c.0.s8.s32 v20;
	v1 =	vsel vm10, $0x1284, v1;
	v0 =	vsel vm2, $0xF0D, v0  }
0x4d: {  	v1 =	vsel vm9, $0x1305, v1;
	[tilespmem:$0x1FAF0] =	vst v2;
	v2 =	vimm.s32 $0x18171615;
	v0 =	vsel vm0, $0xF8E, v0  }
0x4e: {  	v2 =	vunpack.c.0.s8.s32 v2;
	[tilespmem:$0x1F7E0] =	vst v0;
	v0 =	vsel vm8, $0x1386, v1;
	v1 =	vimm.s32 $0x2C2B2A29  }
0x4f: {  	v59 =	vsel vm12, $0x1082, v53;
	[tilespmem:$0x1F7A0] =	vst v3;
	v19 =	vand.u32 $0xF, v19;
	v1 =	vunpack.c.0.s8.s32 v1  }
0x50: {  	v3 =	vimm.s32 $0x10FEDCBA;
	[tilespmem:$0x1FB00] =	vst v2;
	v0 =	vsel vm6, $0x1407, v0;
	v2 =	vimm.s32 $0x180F  }
0x51: {  	v0 =	vsel vm7, $0x1488, v0;
	[tilespmem:$0x1FB10] =	vst v1;
	v1 =	vsel vm14, $0x1880, v2;
	v2 =	vimm.s32 $0x202F2E2D  }
0x52: {  	v19 =	vcombine.low v19, v20;
	v0 =	vsel vm5, $0x1509, v0;
	v2 =	vunpack.c.0.s8.s32 v2  }
0x53: {  	v20 =	vsel vm14, $0xC00, v57;
	v1 =	vsel vm13, $0x1901, v1;
	v0 =	vsel vm4, $0x158A, v0  }
0x54: {  	v1 =	vsel vm12, $0x1982, v1;
	v0 =	vsel vm3, $0x160B, v0;
	[tilespmem:$0x1FB20] =	vst v2;
	v2 =	vimm.s32 $0x24232221  }
0x55: {  	v1 =	vsel vm11, $0x1A03, v1;
	v0 =	vsel vm1, $0x168C, v0;
	v2 =	vunpack.c.0.s8.s32 v2  }
0x56: {  	v57 =	vsel vm12, $0x1882, v54;
	v1 =	vsel vm10, $0x1A84, v1;
	v0 =	vsel vm2, $0x170D, v0  }
0x57: {  	v1 =	vsel vm9, $0x1B05, v1;
	v0 =	vsel vm0, $0x178E, v0;
	[tilespmem:$0x1FB30] =	vst v2;
	v2 =	vimm.s32 $0x28272625  }
0x58: {  	[tilespmem:$0x1F7F0] =	vst v0;
	v0 =	vsel vm8, $0x1B86, v1;
	v1 =	vimm.s32 $0x3C3B3A39;
	v2 =	vunpack.c.0.s8.s32 v2  }
0x59: {  	v54 =	vunpack.c.0.s8.s32 v62;
	v3 =	vunpack.c.l.s4.s8 v3;
	[tilespmem:$0x1F850] =	vst v19;
	v1 =	vunpack.c.0.s8.s32 v1  }
0x5a: {  	v20 =	vsel vm13, $0xC81, v20;
	v53 =	vsel vm11, $0x1903, v57;
	[tilespmem:$0x1FB40] =	vst v2;
	v2 =	vimm.s32 $0x303F3E3D  }
0x5b: {  	v57 =	vimm.s32 $0x29282726;
	v19 =	vsel vm14, $0x400, v56;
	[tilespmem:$0x1FB50] =	vst v1;
	v1 =	vunpack.c.0.s8.s32 v2  }
0x5c: {  	v20 =	vsel vm12, $0xD02, v20;
	v53 =	vsel vm10, $0x1984, v53;
	v62 =	vunpack.c.0.s8.s32 v57  }
0x5d: {  	v57 =	vimm.s32 $0x3D3C3B3A;
	v3 =	vunpack.c.0.s8.s32 v3;
	[tilespmem:$0x1FB60] =	vst v1;
	v1 =	vimm.s32 $0x34333231  }
0x5e: {  	v19 =	vsel vm13, $0x481, v19;
	v20 =	vsel vm11, $0xD83, v20;
	v1 =	vunpack.c.0.s8.s32 v1  }
0x5f: {  	v53 =	vsel vm9, $0x1A05, v53;
	v19 =	vsel vm12, $0x502, v19;
	v2 =	vimm.s32 $0x8F  }
0x60: {  	v20 =	vsel vm10, $0xE04, v20;
	v0 =	vsel vm6, $0x1C07, v0;
	[tilespmem:$0x1FB70] =	vst v1;
	v1 =	vsel vm14, $0x100, v2  }
0x61: {  	v56 =	vsel vm8, $0x1A86, v53;
	v0 =	vsel vm7, $0x1C88, v0;
	v1 =	vsel vm13, $0x181, v1  }
0x62: {  	v53 =	vunpack.c.0.s8.s32 v57;
	v0 =	vsel vm5, $0x1D09, v0;
	v1 =	vsel vm12, $0x202, v1  }
0x63: {  	v57 =	vimm.s32 $0x35343332;
	v0 =	vsel vm4, $0x1D8A, v0;
	v1 =	vsel vm11, $0x283, v1  }
0x64: {  	v0 =	vsel vm3, $0x1E0B, v0;
	v2 =	vimm.s32 $0x38373635;
	v1 =	vsel vm10, $0x304, v1  }
0x65: {  	[tilespmem:$0x1F810] =	vst v4;
	v0 =	vsel vm1, $0x1E8C, v0;
	v2 =	vunpack.c.0.s8.s32 v2;
	v1 =	vsel vm9, $0x385, v1  }
0x66: {  	[tilespmem:$0x1F800] =	vst v3;
	v3 =	vcombine.low v4, v3;
	v0 =	vsel vm2, $0x1F0D, v0;
	v1 =	vsel vm8, $0x406, v1  }
0x67: {  	v0 =	vsel vm0, $0x1F8E, v0;
	[tilespmem:$0x1FB80] =	vst v2;
	v2 =	vimm.s32 $0x88F;
	v1 =	vsel vm6, $0x487, v1  }
0x68: {  	v4 =	vimm.s32 $0x90F;
	[tilespmem:$0x1F820] =	vst v0;
	v2 =	vsel vm14, $0x900, v2;
	v0 =	vsel vm7, $0x508, v1  }
0x69: {  	v19 =	vsel vm11, $0x583, v19;
	v1 =	vsel vm13, $0x981, v2;
	v0 =	vsel vm5, $0x589, v0  }
0x6a: {  	v2 =	vand.u32 $0xF, v3;
	v1 =	vsel vm12, $0xA02, v1;
	v0 =	vsel vm4, $0x60A, v0  }
0x6b: {  	[tilespmem:$0x1F830] =	vst v2;
	v2 =	vimm.s32 $0x108F;
	v1 =	vsel vm11, $0xA83, v1;
	v0 =	vsel vm3, $0x68B, v0  }
0x6c: {  	v2 =	vsel vm14, $0x1100, v2;
	v1 =	vsel vm10, $0xB04, v1;
	v0 =	vsel vm1, $0x70C, v0  }
0x6d: {  	v2 =	vsel vm13, $0x1181, v2;
	v1 =	vsel vm9, $0xB85, v1;
	v0 =	vsel vm2, $0x78D, v0  }
0x6e: {  	v2 =	vsel vm12, $0x1202, v2;
	v1 =	vsel vm8, $0xC06, v1;
	v0 =	vsel vm0, $0xE, v0  }
0x6f: {  	[tilespmem:$0x1F840] =	vst v0;
	v0 =	vsel vm6, $0xC87, v1;
	v1 =	vsel vm11, $0x1283, v2;
	v2 =	vimm.s32 $0x1D1C1B1A  }
0x70: {  	v4 =	vsel vm14, $0x980, v4;
	v3 =	vimm.s32 $0x10F;
	v2 =	vunpack.c.0.s8.s32 v2  }
0x71: {  	v4 =	vsel vm13, $0xA01, v4;
	v3 =	vsel vm14, $0x180, v3;
	v0 =	vsel vm7, $0xD08, v0  }
0x72: {  	v1 =	vsel vm10, $0x1304, v1;
	v0 =	vsel vm5, $0xD89, v0;
	[tilespmem:$0x1FCC0] =	vst v2;
	v2 =	vimm.s32 $0x11101F1E  }
0x73: {  	v1 =	vsel vm9, $0x1385, v1;
	v0 =	vsel vm4, $0xE0A, v0;
	v2 =	vunpack.c.0.s8.s32 v2  }
0x74: {  	v3 =	vsel vm13, $0x201, v3;
	v1 =	vsel vm8, $0x1406, v1;
	v0 =	vsel vm3, $0xE8B, v0  }
0x75: {  	v1 =	vsel vm6, $0x1487, v1;
	v0 =	vsel vm1, $0xF0C, v0;
	[tilespmem:$0x1FB90] =	vst v2;
	v2 =	vimm.s32 $0x188F  }
0x76: {  	v1 =	vsel vm7, $0x1508, v1;
	v0 =	vsel vm2, $0xF8D, v0;
	v2 =	vsel vm14, $0x1900, v2  }
0x77: {  	v1 =	vsel vm5, $0x1589, v1;
	v0 =	vsel vm0, $0x80E, v0;
	v2 =	vsel vm13, $0x1981, v2  }
0x78: {  	[tilespmem:$0x1F860] =	vst v0;
	v0 =	vsel vm4, $0x160A, v1;
	v1 =	vsel vm12, $0x1A02, v2;
	v2 =	vsel vm12, $0x282, v3  }
0x79: {  	v3 =	vsel vm12, $0xA82, v4;
	v4 =	vsel vm12, $0x1282, v5;
	v5 =	vsel vm12, $0x1A82, v6  }
0x7a: {  	v6 =	vsel vm12, $0x302, v7;
	v7 =	vsel vm12, $0xB02, v8;
	v8 =	vsel vm12, $0x1302, v9  }
0x7b: {  	v9 =	vsel vm12, $0x1B02, v10;
	v10 =	vsel vm12, $0x382, v11;
	v11 =	vsel vm12, $0xB82, v12  }
0x7c: {  	v12 =	vsel vm12, $0x1382, v13;
	v13 =	vsel vm12, $0x1B82, v14;
	v14 =	vsel vm12, $0x402, v15  }
0x7d: {  	v15 =	vsel vm12, $0xC02, v16;
	v16 =	vsel vm12, $0x1402, v17;
	v17 =	vsel vm12, $0x1C02, v18  }
0x7e: {  	v18 =	vsel vm12, $0x482, v21;
	v21 =	vsel vm12, $0xC82, v22;
	v22 =	vsel vm12, $0x1482, v23  }
0x7f: {  	v23 =	vsel vm12, $0x1C82, v24;
	v24 =	vsel vm12, $0x1502, v25;
	v25 =	vsel vm12, $0x1D02, v26  }
0x80: {  	v26 =	vsel vm12, $0x582, v27;
	v27 =	vsel vm12, $0xD82, v28;
	v28 =	vsel vm12, $0x1582, v29  }
0x81: {  	v29 =	vsel vm12, $0x1D82, v30;
	v30 =	vsel vm12, $0x602, v31;
	v31 =	vsel vm12, $0xE02, v32  }
0x82: {  	v32 =	vsel vm12, $0x1602, v33;
	v33 =	vsel vm12, $0x1E02, v34;
	v34 =	vsel vm12, $0x682, v35  }
0x83: {  	v35 =	vsel vm12, $0xE82, v36;
	v36 =	vsel vm12, $0x1682, v37;
	v37 =	vsel vm12, $0x1E82, v38  }
0x84: {  	v38 =	vsel vm12, $0x702, v39;
	v39 =	vsel vm12, $0xF02, v40;
	v40 =	vsel vm12, $0x1702, v41  }
0x85: {  	v41 =	vsel vm12, $0x1F02, v42;
	v42 =	vsel vm12, $0x782, v43;
	v43 =	vsel vm12, $0xF82, v44  }
0x86: {  	v44 =	vsel vm12, $0x1782, v45;
	v45 =	vsel vm12, $0x1F82, v46;
	v46 =	vsel vm12, $0x2, v47  }
0x87: {  	v47 =	vsel vm12, $0x802, v48;
	v48 =	vsel vm12, $0x1002, v49;
	v49 =	vsel vm12, $0x1802, v50  }
0x88: {  	v50 =	vsel vm12, $0x82, v51;
	v51 =	vsel vm12, $0x882, v52;
	v0 =	vsel vm3, $0x168B, v0  }
0x89: {  	v52 =	vsel vm11, $0x1103, v59;
	v59 =	vimm.s32 $0x21202F2E;
	v1 =	vsel vm11, $0x1A83, v1  }
0x8a: {  	v2 =	vsel vm11, $0x303, v2;
	v3 =	vsel vm11, $0xB03, v3;
	v4 =	vsel vm11, $0x1303, v4  }
0x8b: {  	v5 =	vsel vm11, $0x1B03, v5;
	v6 =	vsel vm11, $0x383, v6;
	v7 =	vsel vm11, $0xB83, v7  }
0x8c: {  	v8 =	vsel vm11, $0x1383, v8;
	v9 =	vsel vm11, $0x1B83, v9;
	v10 =	vsel vm11, $0x403, v10  }
0x8d: {  	v11 =	vsel vm11, $0xC03, v11;
	v12 =	vsel vm11, $0x1403, v12;
	v13 =	vsel vm11, $0x1C03, v13  }
0x8e: {  	v14 =	vsel vm11, $0x483, v14;
	v15 =	vsel vm11, $0xC83, v15;
	v16 =	vsel vm11, $0x1483, v16  }
0x8f: {  	v17 =	vsel vm11, $0x1C83, v17;
	v18 =	vsel vm11, $0x503, v18;
	v21 =	vsel vm11, $0xD03, v21  }
0x90: {  	v22 =	vsel vm11, $0x1503, v22;
	v23 =	vsel vm11, $0x1D03, v23;
	v24 =	vsel vm11, $0x1583, v24  }
0x91: {  	v25 =	vsel vm11, $0x1D83, v25;
	v26 =	vsel vm11, $0x603, v26;
	v27 =	vsel vm11, $0xE03, v27  }
0x92: {  	v28 =	vsel vm11, $0x1603, v28;
	v29 =	vsel vm11, $0x1E03, v29;
	v30 =	vsel vm11, $0x683, v30  }
0x93: {  	v31 =	vsel vm11, $0xE83, v31;
	v32 =	vsel vm11, $0x1683, v32;
	v33 =	vsel vm11, $0x1E83, v33  }
0x94: {  	v34 =	vsel vm11, $0x703, v34;
	v35 =	vsel vm11, $0xF03, v35;
	v36 =	vsel vm11, $0x1703, v36  }
0x95: {  	v37 =	vsel vm11, $0x1F03, v37;
	v38 =	vsel vm11, $0x783, v38;
	v39 =	vsel vm11, $0xF83, v39  }
0x96: {  	v40 =	vsel vm11, $0x1783, v40;
	v41 =	vsel vm11, $0x1F83, v41;
	v42 =	vsel vm11, $0x3, v42  }
0x97: {  	v43 =	vsel vm11, $0x803, v43;
	v44 =	vsel vm11, $0x1003, v44;
	v45 =	vsel vm11, $0x1803, v45  }
0x98: {  	v46 =	vsel vm11, $0x83, v46;
	v47 =	vsel vm11, $0x883, v47;
	v48 =	vsel vm11, $0x1083, v48  }
0x99: {  	v49 =	vsel vm11, $0x1883, v49;
	v50 =	vsel vm11, $0x103, v50;
	v51 =	vsel vm11, $0x903, v51  }
0x9a: {  	v58 =	vunpack.c.0.s8.s32 v59;
	v0 =	vsel vm1, $0x170C, v0;
	v52 =	vsel vm10, $0x1184, v52  }
0x9b: {  	v1 =	vsel vm10, $0x1B04, v1;
	v2 =	vsel vm10, $0x384, v2;
	v3 =	vsel vm10, $0xB84, v3  }
0x9c: {  	v4 =	vsel vm10, $0x1384, v4;
	v5 =	vsel vm10, $0x1B84, v5;
	v6 =	vsel vm10, $0x404, v6  }
0x9d: {  	v7 =	vsel vm10, $0xC04, v7;
	v8 =	vsel vm10, $0x1404, v8;
	v9 =	vsel vm10, $0x1C04, v9  }
0x9e: {  	v10 =	vsel vm10, $0x484, v10;
	v11 =	vsel vm10, $0xC84, v11;
	v12 =	vsel vm10, $0x1484, v12  }
0x9f: {  	v13 =	vsel vm10, $0x1C84, v13;
	v14 =	vsel vm10, $0x504, v14;
	v15 =	vsel vm10, $0xD04, v15  }
0xa0: {  	v16 =	vsel vm10, $0x1504, v16;
	v17 =	vsel vm10, $0x1D04, v17;
	v18 =	vsel vm10, $0x584, v18  }
0xa1: {  	v21 =	vsel vm10, $0xD84, v21;
	v22 =	vsel vm10, $0x1584, v22;
	v23 =	vsel vm10, $0x1D84, v23  }
0xa2: {  	v24 =	vsel vm10, $0x1604, v24;
	v25 =	vsel vm10, $0x1E04, v25;
	v26 =	vsel vm10, $0x684, v26  }
0xa3: {  	v27 =	vsel vm10, $0xE84, v27;
	v28 =	vsel vm10, $0x1684, v28;
	v29 =	vsel vm10, $0x1E84, v29  }
0xa4: {  	v30 =	vsel vm10, $0x704, v30;
	v31 =	vsel vm10, $0xF04, v31;
	v32 =	vsel vm10, $0x1704, v32  }
0xa5: {  	v33 =	vsel vm10, $0x1F04, v33;
	v34 =	vsel vm10, $0x784, v34;
	v35 =	vsel vm10, $0xF84, v35  }
0xa6: {  	v36 =	vsel vm10, $0x1784, v36;
	v37 =	vsel vm10, $0x1F84, v37;
	v38 =	vsel vm10, $0x4, v38  }
0xa7: {  	v39 =	vsel vm10, $0x804, v39;
	v40 =	vsel vm10, $0x1004, v40;
	v41 =	vsel vm10, $0x1804, v41  }
0xa8: {  	v42 =	vsel vm10, $0x84, v42;
	v43 =	vsel vm10, $0x884, v43;
	v44 =	vsel vm10, $0x1084, v44  }
0xa9: {  	v45 =	vsel vm10, $0x1884, v45;
	v46 =	vsel vm10, $0x104, v46;
	v47 =	vsel vm10, $0x904, v47  }
0xaa: {  	v48 =	vsel vm10, $0x1104, v48;
	v49 =	vsel vm10, $0x1904, v49;
	v50 =	vsel vm10, $0x184, v50  }
0xab: {  	v51 =	vsel vm10, $0x984, v51;
	v0 =	vsel vm2, $0x178D, v0;
	v52 =	vsel vm9, $0x1205, v52  }
0xac: {  	v1 =	vsel vm9, $0x1B85, v1;
	v2 =	vsel vm9, $0x405, v2;
	v3 =	vsel vm9, $0xC05, v3  }
0xad: {  	v4 =	vsel vm9, $0x1405, v4;
	v5 =	vsel vm9, $0x1C05, v5;
	v6 =	vsel vm9, $0x485, v6  }
0xae: {  	v7 =	vsel vm9, $0xC85, v7;
	v8 =	vsel vm9, $0x1485, v8;
	v9 =	vsel vm9, $0x1C85, v9  }
0xaf: {  	v10 =	vsel vm9, $0x505, v10;
	v11 =	vsel vm9, $0xD05, v11;
	v12 =	vsel vm9, $0x1505, v12  }
0xb0: {  	v13 =	vsel vm9, $0x1D05, v13;
	v14 =	vsel vm9, $0x585, v14;
	v15 =	vsel vm9, $0xD85, v15  }
0xb1: {  	v16 =	vsel vm9, $0x1585, v16;
	v17 =	vsel vm9, $0x1D85, v17;
	v18 =	vsel vm9, $0x605, v18  }
0xb2: {  	v21 =	vsel vm9, $0xE05, v21;
	v22 =	vsel vm9, $0x1605, v22;
	v23 =	vsel vm9, $0x1E05, v23  }
0xb3: {  	v24 =	vsel vm9, $0x1685, v24;
	v25 =	vsel vm9, $0x1E85, v25;
	v26 =	vsel vm9, $0x705, v26  }
0xb4: {  	v27 =	vsel vm9, $0xF05, v27;
	v28 =	vsel vm9, $0x1705, v28;
	v29 =	vsel vm9, $0x1F05, v29  }
0xb5: {  	v30 =	vsel vm9, $0x785, v30;
	v31 =	vsel vm9, $0xF85, v31;
	v32 =	vsel vm9, $0x1785, v32  }
0xb6: {  	v33 =	vsel vm9, $0x1F85, v33;
	v34 =	vsel vm9, $0x5, v34;
	v35 =	vsel vm9, $0x805, v35  }
0xb7: {  	v36 =	vsel vm9, $0x1005, v36;
	v37 =	vsel vm9, $0x1805, v37;
	v38 =	vsel vm9, $0x85, v38  }
0xb8: {  	v39 =	vsel vm9, $0x885, v39;
	v40 =	vsel vm9, $0x1085, v40;
	v41 =	vsel vm9, $0x1885, v41  }
0xb9: {  	v42 =	vsel vm9, $0x105, v42;
	v43 =	vsel vm9, $0x905, v43;
	v44 =	vsel vm9, $0x1105, v44  }
0xba: {  	v45 =	vsel vm9, $0x1905, v45;
	v46 =	vsel vm9, $0x185, v46;
	v47 =	vsel vm9, $0x985, v47  }
0xbb: {  	v48 =	vsel vm9, $0x1185, v48;
	v49 =	vsel vm9, $0x1985, v49;
	v50 =	vsel vm9, $0x205, v50  }
0xbc: {  	v51 =	vsel vm9, $0xA05, v51;
	v0 =	vsel vm0, $0x100E, v0;
	v1 =	vsel vm8, $0x1C06, v1  }
0xbd: {  	v59 =	vsel vm8, $0x1286, v52;
	v52 =	vsel vm6, $0x1B07, v56;
	v1 =	vsel vm6, $0x1C87, v1  }
0xbe: {  	v56 =	vimm.s32 $0x210FEDCB;
	v52 =	vsel vm7, $0x1B88, v52;
	v1 =	vsel vm7, $0x1D08, v1  }
0xbf: {  	[tilespmem:$0x1F870] =	vst v0;
	v52 =	vsel vm5, $0x1C09, v52;
	v0 =	vsel vm5, $0x1D89, v1;
	v1 =	vsel vm8, $0x486, v2  }
0xc0: {  	v2 =	vsel vm8, $0xC86, v3;
	v3 =	vsel vm8, $0x1486, v4;
	v4 =	vsel vm8, $0x1C86, v5  }
0xc1: {  	v5 =	vsel vm8, $0x506, v6;
	v6 =	vsel vm8, $0xD06, v7;
	v7 =	vsel vm8, $0x1506, v8  }
0xc2: {  	v8 =	vsel vm8, $0x1D06, v9;
	v9 =	vsel vm8, $0x586, v10;
	v10 =	vsel vm8, $0xD86, v11  }
0xc3: {  	v11 =	vsel vm8, $0x1586, v12;
	v12 =	vsel vm8, $0x1D86, v13;
	v13 =	vsel vm8, $0x606, v14  }
0xc4: {  	v14 =	vsel vm8, $0xE06, v15;
	v15 =	vsel vm8, $0x1606, v16;
	v16 =	vsel vm8, $0x1E06, v17  }
0xc5: {  	v17 =	vsel vm8, $0x686, v18;
	v18 =	vsel vm8, $0xE86, v21;
	v21 =	vsel vm8, $0x1686, v22  }
0xc6: {  	v22 =	vsel vm8, $0x1E86, v23;
	v23 =	vsel vm8, $0x1706, v24;
	v24 =	vsel vm8, $0x1F06, v25  }
0xc7: {  	v25 =	vsel vm8, $0x786, v26;
	v26 =	vsel vm8, $0xF86, v27;
	v27 =	vsel vm8, $0x1786, v28  }
0xc8: {  	v28 =	vsel vm8, $0x1F86, v29;
	v29 =	vsel vm8, $0x6, v30;
	v30 =	vsel vm8, $0x806, v31  }
0xc9: {  	v31 =	vsel vm8, $0x1006, v32;
	v32 =	vsel vm8, $0x1806, v33;
	v33 =	vsel vm8, $0x86, v34  }
0xca: {  	v34 =	vsel vm8, $0x886, v35;
	v35 =	vsel vm8, $0x1086, v36;
	v36 =	vsel vm8, $0x1886, v37  }
0xcb: {  	v37 =	vsel vm8, $0x106, v38;
	v38 =	vsel vm8, $0x906, v39;
	v39 =	vsel vm8, $0x1106, v40  }
0xcc: {  	v40 =	vsel vm8, $0x1906, v41;
	v41 =	vsel vm8, $0x186, v42;
	v42 =	vsel vm8, $0x986, v43  }
0xcd: {  	v43 =	vsel vm8, $0x1186, v44;
	v44 =	vsel vm8, $0x1986, v45;
	v45 =	vsel vm8, $0x206, v46  }
0xce: {  	v46 =	vsel vm8, $0xA06, v47;
	v47 =	vsel vm8, $0x1206, v48;
	v48 =	vsel vm8, $0x1A06, v49  }
0xcf: {  	v49 =	vsel vm8, $0x286, v50;
	v50 =	vsel vm8, $0xA86, v51;
	v51 =	vsel vm6, $0x1307, v59  }
0xd0: {  	v59 =	vimm.s32 $0x31303F3E;
	v0 =	vsel vm4, $0x1E0A, v0;
	v1 =	vsel vm6, $0x507, v1  }
0xd1: {  	v2 =	vsel vm6, $0xD07, v2;
	v3 =	vsel vm6, $0x1507, v3;
	v4 =	vsel vm6, $0x1D07, v4  }
0xd2: {  	v5 =	vsel vm6, $0x587, v5;
	v6 =	vsel vm6, $0xD87, v6;
	v7 =	vsel vm6, $0x1587, v7  }
0xd3: {  	v8 =	vsel vm6, $0x1D87, v8;
	v9 =	vsel vm6, $0x607, v9;
	v10 =	vsel vm6, $0xE07, v10  }
0xd4: {  	v11 =	vsel vm6, $0x1607, v11;
	v12 =	vsel vm6, $0x1E07, v12;
	v13 =	vsel vm6, $0x687, v13  }
0xd5: {  	v14 =	vsel vm6, $0xE87, v14;
	v15 =	vsel vm6, $0x1687, v15;
	v16 =	vsel vm6, $0x1E87, v16  }
0xd6: {  	v17 =	vsel vm6, $0x707, v17;
	v18 =	vsel vm6, $0xF07, v18;
	v21 =	vsel vm6, $0x1707, v21  }
0xd7: {  	v22 =	vsel vm6, $0x1F07, v22;
	v23 =	vsel vm6, $0x1787, v23;
	v24 =	vsel vm6, $0x1F87, v24  }
0xd8: {  	v25 =	vsel vm6, $0x7, v25;
	v26 =	vsel vm6, $0x807, v26;
	v27 =	vsel vm6, $0x1007, v27  }
0xd9: {  	v28 =	vsel vm6, $0x1807, v28;
	v29 =	vsel vm6, $0x87, v29;
	v30 =	vsel vm6, $0x887, v30  }
0xda: {  	v31 =	vsel vm6, $0x1087, v31;
	v32 =	vsel vm6, $0x1887, v32;
	v33 =	vsel vm6, $0x107, v33  }
0xdb: {  	v34 =	vsel vm6, $0x907, v34;
	v35 =	vsel vm6, $0x1107, v35;
	v36 =	vsel vm6, $0x1907, v36  }
0xdc: {  	v37 =	vsel vm6, $0x187, v37;
	v38 =	vsel vm6, $0x987, v38;
	v39 =	vsel vm6, $0x1187, v39  }
0xdd: {  	v40 =	vsel vm6, $0x1987, v40;
	v41 =	vsel vm6, $0x207, v41;
	v42 =	vsel vm6, $0xA07, v42  }
0xde: {  	v43 =	vsel vm6, $0x1207, v43;
	v44 =	vsel vm6, $0x1A07, v44;
	v46 =	vsel vm6, $0xA87, v46  }
0xdf: {  	[tilespmem:$0x1F880] =	vst v53;
	v47 =	vsel vm6, $0x1287, v47;
	v50 =	vsel vm6, $0xB07, v50;
	v53 =	vunpack.c.0.s8.s32 v59  }
0xe0: {  	v59 =	vunpack.c.0.s8.s32 v57;
	v57 =	vimm.s32 $0xA9876543;
	v0 =	vsel vm3, $0x1E8B, v0  }
0xe1: {  	v1 =	vsel vm7, $0x588, v1;
	v2 =	vsel vm7, $0xD88, v2;
	v3 =	vsel vm7, $0x1588, v3  }
0xe2: {  	v4 =	vsel vm7, $0x1D88, v4;
	v5 =	vsel vm7, $0x608, v5;
	v6 =	vsel vm7, $0xE08, v6  }
0xe3: {  	v7 =	vsel vm7, $0x1608, v7;
	v8 =	vsel vm7, $0x1E08, v8;
	v9 =	vsel vm7, $0x688, v9  }
0xe4: {  	v10 =	vsel vm7, $0xE88, v10;
	v11 =	vsel vm7, $0x1688, v11;
	v12 =	vsel vm7, $0x1E88, v12  }
0xe5: {  	v13 =	vsel vm7, $0x708, v13;
	v14 =	vsel vm7, $0xF08, v14;
	v15 =	vsel vm7, $0x1708, v15  }
0xe6: {  	v16 =	vsel vm7, $0x1F08, v16;
	v17 =	vsel vm7, $0x788, v17;
	v18 =	vsel vm7, $0xF88, v18  }
0xe7: {  	v21 =	vsel vm7, $0x1788, v21;
	v22 =	vsel vm7, $0x1F88, v22;
	v23 =	vsel vm7, $0x1008, v23  }
0xe8: {  	v24 =	vsel vm7, $0x1808, v24;
	v25 =	vsel vm7, $0x88, v25;
	v26 =	vsel vm7, $0x888, v26  }
0xe9: {  	v27 =	vsel vm7, $0x1088, v27;
	v28 =	vsel vm7, $0x1888, v28;
	v29 =	vsel vm7, $0x108, v29  }
0xea: {  	v30 =	vsel vm7, $0x908, v30;
	v31 =	vsel vm7, $0x1108, v31;
	v32 =	vsel vm7, $0x1908, v32  }
0xeb: {  	v33 =	vsel vm7, $0x188, v33;
	v34 =	vsel vm7, $0x988, v34;
	v35 =	vsel vm7, $0x1188, v35  }
0xec: {  	v36 =	vsel vm7, $0x1988, v36;
	v37 =	vsel vm7, $0x208, v37;
	v38 =	vsel vm7, $0xA08, v38  }
0xed: {  	v39 =	vsel vm7, $0x1208, v39;
	v40 =	vsel vm7, $0x1A08, v40;
	v41 =	vsel vm7, $0x288, v41  }
0xee: {  	v42 =	vsel vm7, $0xA88, v42;
	v43 =	vsel vm7, $0x1288, v43;
	v44 =	vsel vm7, $0x1A88, v44  }
0xef: {  	v46 =	vsel vm7, $0xB08, v46;
	v47 =	vsel vm7, $0x1308, v47;
	v50 =	vsel vm7, $0xB88, v50  }
0xf0: {  	[tilespmem:$0x1FCE0] =	vst v54;
	v54 =	vunpack.c.l.s4.s8 v57;
	v0 =	vsel vm1, $0x1F0C, v0;
	v1 =	vsel vm5, $0x609, v1  }
0xf1: {  	v2 =	vsel vm5, $0xE09, v2;
	v3 =	vsel vm5, $0x1609, v3;
	v4 =	vsel vm5, $0x1E09, v4  }
0xf2: {  	v5 =	vsel vm5, $0x689, v5;
	v6 =	vsel vm5, $0xE89, v6;
	v7 =	vsel vm5, $0x1689, v7  }
0xf3: {  	v8 =	vsel vm5, $0x1E89, v8;
	v9 =	vsel vm5, $0x709, v9;
	v10 =	vsel vm5, $0xF09, v10  }
0xf4: {  	v11 =	vsel vm5, $0x1709, v11;
	v12 =	vsel vm5, $0x1F09, v12;
	v13 =	vsel vm5, $0x789, v13  }
0xf5: {  	v14 =	vsel vm5, $0xF89, v14;
	v15 =	vsel vm5, $0x1789, v15;
	v16 =	vsel vm5, $0x1F89, v16  }
0xf6: {  	v17 =	vsel vm5, $0x9, v17;
	v18 =	vsel vm5, $0x809, v18;
	v21 =	vsel vm5, $0x1009, v21  }
0xf7: {  	v22 =	vsel vm5, $0x1809, v22;
	v23 =	vsel vm5, $0x1089, v23;
	v24 =	vsel vm5, $0x1889, v24  }
0xf8: {  	v25 =	vsel vm5, $0x109, v25;
	v26 =	vsel vm5, $0x909, v26;
	v27 =	vsel vm5, $0x1109, v27  }
0xf9: {  	v28 =	vsel vm5, $0x1909, v28;
	v29 =	vsel vm5, $0x189, v29;
	v30 =	vsel vm5, $0x989, v30  }
0xfa: {  	v31 =	vsel vm5, $0x1189, v31;
	v32 =	vsel vm5, $0x1989, v32;
	v33 =	vsel vm5, $0x209, v33  }
0xfb: {  	v34 =	vsel vm5, $0xA09, v34;
	v35 =	vsel vm5, $0x1209, v35;
	v36 =	vsel vm5, $0x1A09, v36  }
0xfc: {  	v37 =	vsel vm5, $0x289, v37;
	v38 =	vsel vm5, $0xA89, v38;
	v39 =	vsel vm5, $0x1289, v39  }
0xfd: {  	v40 =	vsel vm5, $0x1A89, v40;
	v41 =	vsel vm5, $0x309, v41;
	v42 =	vsel vm5, $0xB09, v42  }
0xfe: {  	v43 =	vsel vm5, $0x1309, v43;
	v44 =	vsel vm5, $0x1B09, v44;
	v46 =	vsel vm5, $0xB89, v46  }
0xff: {  	[tilespmem:$0x1F890] =	vst v53;
	v47 =	vsel vm5, $0x1389, v47;
	v50 =	vsel vm5, $0xC09, v50;
	v53 =	vunpack.c.l.s4.s8 v56  }
0x100: {  	[tilespmem:$0x1F8A0] =	vst v59;
	v59 =	vimm.s32 $0x39383736;
	v0 =	vsel vm2, $0x1F8D, v0;
	v1 =	vsel vm4, $0x68A, v1  }
0x101: {  	v2 =	vsel vm4, $0xE8A, v2;
	v3 =	vsel vm4, $0x168A, v3;
	v4 =	vsel vm4, $0x1E8A, v4  }
0x102: {  	v5 =	vsel vm4, $0x70A, v5;
	v6 =	vsel vm4, $0xF0A, v6;
	v7 =	vsel vm4, $0x170A, v7  }
0x103: {  	v8 =	vsel vm4, $0x1F0A, v8;
	v9 =	vsel vm4, $0x78A, v9;
	v10 =	vsel vm4, $0xF8A, v10  }
0x104: {  	v11 =	vsel vm4, $0x178A, v11;
	v12 =	vsel vm4, $0x1F8A, v12;
	v13 =	vsel vm4, $0xA, v13  }
0x105: {  	v14 =	vsel vm4, $0x80A, v14;
	v15 =	vsel vm4, $0x100A, v15;
	v16 =	vsel vm4, $0x180A, v16  }
0x106: {  	v17 =	vsel vm4, $0x8A, v17;
	v18 =	vsel vm4, $0x88A, v18;
	v21 =	vsel vm4, $0x108A, v21  }
0x107: {  	v22 =	vsel vm4, $0x188A, v22;
	v23 =	vsel vm4, $0x110A, v23;
	v24 =	vsel vm4, $0x190A, v24  }
0x108: {  	v25 =	vsel vm4, $0x18A, v25;
	v26 =	vsel vm4, $0x98A, v26;
	v27 =	vsel vm4, $0x118A, v27  }
0x109: {  	v28 =	vsel vm4, $0x198A, v28;
	v29 =	vsel vm4, $0x20A, v29;
	v30 =	vsel vm4, $0xA0A, v30  }
0x10a: {  	v31 =	vsel vm4, $0x120A, v31;
	v32 =	vsel vm4, $0x1A0A, v32;
	v33 =	vsel vm4, $0x28A, v33  }
0x10b: {  	v34 =	vsel vm4, $0xA8A, v34;
	v35 =	vsel vm4, $0x128A, v35;
	v36 =	vsel vm4, $0x1A8A, v36  }
0x10c: {  	v37 =	vsel vm4, $0x30A, v37;
	v38 =	vsel vm4, $0xB0A, v38;
	v39 =	vsel vm4, $0x130A, v39  }
0x10d: {  	v40 =	vsel vm4, $0x1B0A, v40;
	v41 =	vsel vm4, $0x38A, v41;
	v42 =	vsel vm4, $0xB8A, v42  }
0x10e: {  	v43 =	vsel vm4, $0x138A, v43;
	v44 =	vsel vm4, $0x1B8A, v44;
	v46 =	vsel vm4, $0xC0A, v46  }
0x10f: {  	v47 =	vsel vm4, $0x140A, v47;
	v50 =	vsel vm4, $0xC8A, v50;
	v55 =	vunpack.c.0.s8.s32 v59  }
0x110: {  	v59 =	vunpack.c.0.s8.s32 v54;
	v1 =	vsel vm3, $0x70B, v1;
	v2 =	vsel vm3, $0xF0B, v2  }
0x111: {  	v3 =	vsel vm3, $0x170B, v3;
	v4 =	vsel vm3, $0x1F0B, v4;
	v5 =	vsel vm3, $0x78B, v5  }
0x112: {  	v6 =	vsel vm3, $0xF8B, v6;
	v7 =	vsel vm3, $0x178B, v7;
	v8 =	vsel vm3, $0x1F8B, v8  }
0x113: {  	v9 =	vsel vm3, $0xB, v9;
	v10 =	vsel vm3, $0x80B, v10;
	v11 =	vsel vm3, $0x100B, v11  }
0x114: {  	v12 =	vsel vm3, $0x180B, v12;
	v13 =	vsel vm3, $0x8B, v13;
	v14 =	vsel vm3, $0x88B, v14  }
0x115: {  	v15 =	vsel vm3, $0x108B, v15;
	v16 =	vsel vm3, $0x188B, v16;
	v17 =	vsel vm3, $0x10B, v17  }
0x116: {  	v18 =	vsel vm3, $0x90B, v18;
	v21 =	vsel vm3, $0x110B, v21;
	v22 =	vsel vm3, $0x190B, v22  }
0x117: {  	v23 =	vsel vm3, $0x118B, v23;
	v24 =	vsel vm3, $0x198B, v24;
	v25 =	vsel vm3, $0x20B, v25  }
0x118: {  	v26 =	vsel vm3, $0xA0B, v26;
	v27 =	vsel vm3, $0x120B, v27;
	v28 =	vsel vm3, $0x1A0B, v28  }
0x119: {  	v29 =	vsel vm3, $0x28B, v29;
	v30 =	vsel vm3, $0xA8B, v30;
	v31 =	vsel vm3, $0x128B, v31  }
0x11a: {  	v32 =	vsel vm3, $0x1A8B, v32;
	v33 =	vsel vm3, $0x30B, v33;
	v34 =	vsel vm3, $0xB0B, v34  }
0x11b: {  	v35 =	vsel vm3, $0x130B, v35;
	v36 =	vsel vm3, $0x1B0B, v36;
	v37 =	vsel vm3, $0x38B, v37  }
0x11c: {  	v38 =	vsel vm3, $0xB8B, v38;
	v39 =	vsel vm3, $0x138B, v39;
	v40 =	vsel vm3, $0x1B8B, v40  }
0x11d: {  	v41 =	vsel vm3, $0x40B, v41;
	v42 =	vsel vm3, $0xC0B, v42;
	v43 =	vsel vm3, $0x140B, v43  }
0x11e: {  	v44 =	vsel vm3, $0x1C0B, v44;
	v46 =	vsel vm3, $0xC8B, v46;
	v47 =	vsel vm3, $0x148B, v47  }
0x11f: {  	v50 =	vsel vm3, $0xD0B, v50;
	v0 =	vsel vm0, $0x180E, v0;
	v57 =	vunpack.c.0.s8.s32 v53  }
0x120: {  	[tilespmem:$0x1F8C0] =	vst v0;
	v0 =	vsel vm1, $0x78C, v1;
	v1 =	vsel vm1, $0x178C, v3;
	v3 =	vsel vm1, $0xC, v5  }
0x121: {  	[tilespmem:$0x1F8B0] =	vst v55;
	v5 =	vsel vm1, $0x100C, v7;
	v7 =	vsel vm1, $0x8C, v9;
	v55 =	vsel vm1, $0x108C, v11  }
0x122: {  	v12 =	vsel vm1, $0x188C, v12;
	v13 =	vsel vm1, $0x10C, v13;
	v16 =	vsel vm1, $0x190C, v16  }
0x123: {  	v21 =	vsel vm1, $0x118C, v21;
	v22 =	vsel vm1, $0x198C, v22;
	v36 =	vsel vm1, $0x1B8C, v36  }
0x124: {  	v37 =	vsel vm1, $0x40C, v37;
	v40 =	vsel vm1, $0x1C0C, v40;
	v0 =	vsel vm2, $0xD, v0  }
0x125: {  	v54 =	vsel vm2, $0x100D, v1;
	v9 =	vsel vm2, $0x110D, v55;
	v11 =	vsel vm2, $0x18D, v13  }
0x126: {  	v55 =	vsel vm1, $0x110C, v15;
	v15 =	vsel vm1, $0x18C, v17;
	v17 =	vsel vm2, $0x120D, v21  }
0x127: {  	v21 =	vsel vm1, $0x120C, v23;
	v0 =	vsel vm0, $0x8E, v0;
	v13 =	vsel vm2, $0x118D, v55  }
0x128: {  	v55 =	vsel vm1, $0x98C, v18;
	v18 =	vsel vm2, $0x1A0D, v22;
	[tilespmem:$0x1F8D0] =	vst v0;
	v0 =	vsel vm1, $0xF8C, v2  }
0x129: {  	v2 =	vsel vm1, $0x1F8C, v4;
	v4 =	vsel vm1, $0x80C, v6;
	v6 =	vsel vm1, $0x180C, v8  }
0x12a: {  	v8 =	vsel vm1, $0x88C, v10;
	v10 =	vsel vm2, $0x190D, v12;
	v12 =	vsel vm1, $0x90C, v14  }
0x12b: {  	v14 =	vsel vm2, $0x198D, v16;
	v16 =	vsel vm2, $0xA0D, v55;
	v55 =	vsel vm1, $0x1A0C, v24  }
0x12c: {  	v24 =	vsel vm1, $0xA8C, v26;
	v26 =	vsel vm1, $0x1A8C, v28;
	v28 =	vsel vm1, $0xB0C, v30  }
0x12d: {  	v30 =	vsel vm1, $0x1B0C, v32;
	v22 =	vsel vm2, $0x1A8D, v55;
	v55 =	vsel vm1, $0x28C, v25  }
0x12e: {  	v25 =	vsel vm1, $0x128C, v27;
	v27 =	vsel vm1, $0x30C, v29;
	v29 =	vsel vm1, $0x130C, v31  }
0x12f: {  	v31 =	vsel vm1, $0x38C, v33;
	v23 =	vsel vm2, $0x30D, v55;
	v55 =	vsel vm1, $0xB8C, v34  }
0x130: {  	v34 =	vsel vm2, $0x1C0D, v36;
	v32 =	vsel vm2, $0xC0D, v55;
	v55 =	vsel vm1, $0x138C, v35  }
0x131: {  	v36 =	vsel vm1, $0xC0C, v38;
	v33 =	vsel vm2, $0x140D, v55;
	v55 =	vsel vm1, $0x140C, v39  }
0x132: {  	v35 =	vsel vm2, $0x48D, v37;
	v37 =	vsel vm2, $0x148D, v55;
	v55 =	vsel vm1, $0xC8C, v42  }
0x133: {  	v38 =	vsel vm2, $0x1C8D, v40;
	v40 =	vsel vm2, $0xD0D, v55;
	v55 =	vsel vm1, $0x148C, v43  }
0x134: {  	v39 =	vsel vm1, $0x48C, v41;
	v41 =	vsel vm2, $0x150D, v55;
	v55 =	vsel vm1, $0x1C8C, v44  }
0x135: {  	v0 =	vsel vm2, $0x80D, v0;
	v42 =	vsel vm2, $0x1D0D, v55;
	v55 =	vsel vm1, $0xD0C, v46  }
0x136: {  	v53 =	vsel vm2, $0x180D, v2;
	v44 =	vsel vm2, $0xD8D, v55;
	v55 =	vsel vm1, $0x150C, v47  }
0x137: {  	v47 =	vsel vm1, $0xD8C, v50;
	v50 =	vsel vm0, $0x88E, v0;
	v0 =	vsel vm0, $0x108E, v54  }
0x138: {  	v52 =	vsel vm4, $0x1C8A, v52;
	v3 =	vsel vm2, $0x8D, v3;
	[tilespmem:$0x1F8E0] =	vst v0;
	v0 =	vsel vm0, $0x188E, v53  }
0x139: {  	v56 =	vsel vm3, $0x1D0B, v52;
	v52 =	vsel vm2, $0x88D, v4;
	[tilespmem:$0x1F8F0] =	vst v0;
	v0 =	vsel vm0, $0x10E, v3  }
0x13a: {  	v20 =	vsel vm9, $0xE85, v20;
	v5 =	vsel vm2, $0x108D, v5;
	[tilespmem:$0x1F900] =	vst v0;
	v0 =	vsel vm0, $0x90E, v52  }
0x13b: {  	v19 =	vsel vm10, $0x604, v19;
	v6 =	vsel vm2, $0x188D, v6;
	[tilespmem:$0x1F910] =	vst v0;
	v0 =	vsel vm0, $0x110E, v5  }
0x13c: {  	v20 =	vsel vm8, $0xF06, v20;
	v7 =	vsel vm2, $0x10D, v7;
	[tilespmem:$0x1F920] =	vst v0;
	v0 =	vsel vm0, $0x190E, v6  }
0x13d: {  	v19 =	vsel vm9, $0x685, v19;
	v8 =	vsel vm2, $0x90D, v8;
	[tilespmem:$0x1F930] =	vst v0;
	v0 =	vsel vm0, $0x18E, v7  }
0x13e: {  	v20 =	vsel vm6, $0xF87, v20;
	v19 =	vsel vm8, $0x706, v19;
	[tilespmem:$0x1F940] =	vst v0;
	v0 =	vsel vm0, $0x98E, v8  }
0x13f: {  	v20 =	vsel vm7, $0x808, v20;
	v19 =	vsel vm6, $0x787, v19;
	[tilespmem:$0x1F950] =	vst v0;
	v0 =	vsel vm0, $0x118E, v9  }
0x140: {  	v20 =	vsel vm5, $0x889, v20;
	v19 =	vsel vm7, $0x8, v19;
	[tilespmem:$0x1F960] =	vst v0;
	v0 =	vsel vm0, $0x198E, v10  }
0x141: {  	v20 =	vsel vm4, $0x90A, v20;
	v12 =	vsel vm2, $0x98D, v12;
	[tilespmem:$0x1F970] =	vst v0;
	v0 =	vsel vm0, $0x20E, v11  }
0x142: {  	v19 =	vsel vm5, $0x89, v19;
	v20 =	vsel vm3, $0x98B, v20;
	[tilespmem:$0x1F980] =	vst v0;
	v0 =	vsel vm0, $0xA0E, v12  }
0x143: {  	v19 =	vsel vm4, $0x10A, v19;
	v20 =	vsel vm1, $0xA0C, v20;
	[tilespmem:$0x1F990] =	vst v0;
	v0 =	vsel vm0, $0x120E, v13  }
0x144: {  	v19 =	vsel vm3, $0x18B, v19;
	v15 =	vsel vm2, $0x20D, v15;
	[tilespmem:$0x1F9A0] =	vst v0;
	v0 =	vsel vm0, $0x1A0E, v14  }
0x145: {  	v20 =	vsel vm2, $0xA8D, v20;
	v19 =	vsel vm1, $0x20C, v19;
	[tilespmem:$0x1F9B0] =	vst v0;
	v0 =	vsel vm0, $0x28E, v15  }
0x146: {  	v19 =	vsel vm2, $0x28D, v19;
	v45 =	vsel vm6, $0x287, v45;
	[tilespmem:$0x1F9C0] =	vst v0;
	v0 =	vsel vm0, $0xA8E, v16  }
0x147: {  	v48 =	vsel vm6, $0x1A87, v48;
	v49 =	vsel vm6, $0x307, v49;
	[tilespmem:$0x1F9D0] =	vst v0;
	v0 =	vsel vm0, $0x128E, v17  }
0x148: {  	v51 =	vsel vm7, $0x1388, v51;
	v45 =	vsel vm7, $0x308, v45;
	[tilespmem:$0x1F9E0] =	vst v0;
	v0 =	vsel vm0, $0x1A8E, v18  }
0x149: {  	v48 =	vsel vm7, $0x1B08, v48;
	v49 =	vsel vm7, $0x388, v49;
	[tilespmem:$0x1F9F0] =	vst v0;
	v0 =	vsel vm0, $0x30E, v19  }
0x14a: {  	v45 =	vsel vm5, $0x389, v45;
	v21 =	vsel vm2, $0x128D, v21;
	[tilespmem:$0x1FA00] =	vst v0;
	v0 =	vsel vm0, $0xB0E, v20  }
0x14b: {  	v48 =	vsel vm5, $0x1B89, v48;
	v49 =	vsel vm5, $0x409, v49;
	[tilespmem:$0x1FA10] =	vst v0;
	v0 =	vsel vm0, $0x130E, v21  }
0x14c: {  	v45 =	vsel vm4, $0x40A, v45;
	v48 =	vsel vm4, $0x1C0A, v48;
	[tilespmem:$0x1FA20] =	vst v0;
	v0 =	vsel vm0, $0x1B0E, v22  }
0x14d: {  	v49 =	vsel vm4, $0x48A, v49;
	v24 =	vsel vm2, $0xB0D, v24;
	[tilespmem:$0x1FA30] =	vst v0;
	v0 =	vsel vm0, $0x38E, v23  }
0x14e: {  	v45 =	vsel vm3, $0x48B, v45;
	v25 =	vsel vm2, $0x130D, v25;
	[tilespmem:$0x1FA40] =	vst v0;
	v0 =	vsel vm0, $0xB8E, v24  }
0x14f: {  	v48 =	vsel vm3, $0x1C8B, v48;
	v26 =	vsel vm2, $0x1B0D, v26;
	[tilespmem:$0x1FA50] =	vst v0;
	v0 =	vsel vm0, $0x138E, v25  }
0x150: {  	v49 =	vsel vm3, $0x50B, v49;
	v27 =	vsel vm2, $0x38D, v27;
	[tilespmem:$0x1FA70] =	vst v0;
	v0 =	vsel vm0, $0x1B8E, v26  }
0x151: {  	v45 =	vsel vm1, $0x50C, v45;
	v28 =	vsel vm2, $0xB8D, v28;
	[tilespmem:$0x1FA90] =	vst v0;
	v0 =	vsel vm0, $0x40E, v27  }
0x152: {  	v48 =	vsel vm1, $0x1D0C, v48;
	v29 =	vsel vm2, $0x138D, v29;
	[tilespmem:$0x1FAA0] =	vst v0;
	v0 =	vsel vm0, $0xC0E, v28  }
0x153: {  	v30 =	vsel vm2, $0x1B8D, v30;
	v31 =	vsel vm2, $0x40D, v31;
	[tilespmem:$0x1FAB0] =	vst v0;
	v0 =	vsel vm0, $0x140E, v29  }
0x154: {  	v43 =	vsel vm2, $0x58D, v45;
	v46 =	vsel vm2, $0x1D8D, v48;
	[tilespmem:$0x1FAC0] =	vst v0;
	v0 =	vsel vm0, $0x1C0E, v30  }
0x155: {  	v45 =	vsel vm2, $0x158D, v55;
	v55 =	vsel vm1, $0x58C, v49;
	[tilespmem:$0x1FAD0] =	vst v0;
	v0 =	vsel vm0, $0x48E, v31  }
0x156: {  	v51 =	vsel vm5, $0x1409, v51;
	v2 =	vsel vm2, $0x60D, v55;
	[tilespmem:$0x1FAE0] =	vst v0;
	v0 =	vsel vm0, $0x1E0E, v46  }
0x157: {  	v51 =	vsel vm4, $0x148A, v51;
	[tilespmem:$0x1FBA0] =	vst v0;
	v0 =	vsel vm0, $0x68E, v2  }
0x158: {  	v51 =	vsel vm3, $0x150B, v51;
	[tilespmem:$0x1FBB0] =	vst v0;
	v0 =	vimm.s32 $0x16151413  }
0x159: {  	v56 =	vsel vm1, $0x1D8C, v56;
	v55 =	vsel vm1, $0x158C, v51;
	v0 =	vunpack.c.0.s8.s32 v0  }
0x15a: {  	v1 =	vsel vm2, $0x160D, v55;
	v55 =	vsel vm2, $0x1E0D, v56;
	v56 =	vimm.s32 $0x1211101F  }
0x15b: {  	v51 =	vunpack.c.0.s8.s32 v56;
	[tilespmem:$0x1FBC0] =	vst v0;
	v0 =	vimm.s32 $0x1A191817  }
0x15c: {  	v21 =	vsel vm0, $0x158E, v41;
	v41 =	vunpack.c.0.s8.s32 v0;
	v0 =	vimm.s32 $0x2221202F  }
0x15d: {  	v29 =	vsel vm0, $0x1E8E, v55;
	v55 =	vunpack.c.0.s8.s32 v0;
	v0 =	vimm.s32 $0x26252423  }
0x15e: {  	v28 =	vsel vm0, $0x168E, v1;
	v56 =	vunpack.c.0.s8.s32 v0;
	v0 =	vimm.s32 $0x3E3D3C3B  }
0x15f: {  	v8 =	vmovc v63;
	v1 =	vimm.s32 $0x2E2D2C2B;
	v63 =	vunpack.c.0.s8.s32 v0;
	v0 =	vimm.s32 $0x3231303F  }
0x160: {  	v54 =	vunpack.c.0.s8.s32 v1;
	v1 =	vimm.s32 $0x2A292827;
	v0 =	vunpack.c.0.s8.s32 v0  }
0x161: {  	v22 =	vsel vm0, $0x1D8E, v42;
	v42 =	vmovc v61;
	v61 =	vunpack.c.0.s8.s32 v1;
	v1 =	vimm.s32 $0x3210FEDC  }
0x162: {  	v2 =	vimm.s32 $0x36353433;
	[tilespmem:$0x1FBD0] =	vst v0;
	v0 =	vunpack.c.l.s4.s8 v1  }
0x163: {  	v2 =	vunpack.c.0.s8.s32 v2  }
0x164: {  	v0 =	vunpack.c.0.s8.s32 v0  }
0x165: {  	v3 =	vimm.s32 $0x3A393837;
	[tilespmem:$0x1FBE0] =	vst v2;
	v1 =	vimm.s32 $0xBA987654  }
0x166: {  	v2 =	vunpack.c.0.s8.s32 v3;
	v1 =	vunpack.c.l.s4.s8 v1;
	[tilespmem:$0x1FC00] =	vst v0;
	v0 =	vimm.s32 $0x13121110  }
0x167: {  	v0 =	vunpack.c.0.s8.s32 v0  }
0x168: {  	[tilespmem:$0x1FBF0] =	vst v2;
	v6 =	vunpack.c.0.s8.s32 v1;
	v1 =	vimm.s32 $0x17161514  }
0x169: {  	v2 =	vimm.s32 $0x1F1E1D1C;
	[tilespmem:$0x1FC10] =	vst v0;
	v0 =	vunpack.c.0.s8.s32 v1  }
0x16a: {  	v53 =	vunpack.c.0.s8.s32 v2;
	v2 =	vimm.s32 $0x1B1A1918  }
0x16b: {  	[tilespmem:$0x1FC20] =	vst v0;
	v0 =	vunpack.c.0.s8.s32 v2;
	_ =	sdelay $0x1  }
0x16c: {  	[tilespmem:$0x1FC30] =	vst v0;
	v0 =	vimm.s32 $0x2F2E2D2C  }
0x16d: {  	v0 =	vunpack.c.0.s8.s32 v0  }
0x16e: {  	v1 =	vimm.s32 $0x23222120  }
0x16f: {  	[tilespmem:$0x1FC40] =	vst v0;
	v0 =	vunpack.c.0.s8.s32 v1  }
0x170: {  	v2 =	vimm.s32 $0x27262524  }
0x171: {  	[tilespmem:$0x1FC50] =	vst v0;
	v0 =	vunpack.c.0.s8.s32 v2  }
0x172: {  	v49 =	vsel vm0, $0x150E, v37;
	v37 =	vld [tilespmem:$0x1FB50]  }
0x173: {  	v9 =	vld [tilespmem:$0x1FB60];
	[tilespmem:$0x1FC60] =	vst v0;
	v0 =	vimm.s32 $0x2B2A2928  }
0x174: {  	v10 =	vld [tilespmem:$0x1FB30];
	v0 =	vunpack.c.0.s8.s32 v0  }
0x175: {  	v11 =	vsel vm0, $0x148E, v33;
	v33 =	vld [tilespmem:$0x1FB10];
	v1 =	vimm.s32 $0x3F3E3D3C  }
0x176: {  	v12 =	vsel vm0, $0x1C8E, v34;
	v34 =	vld [tilespmem:$0x1FB20];
	[tilespmem:$0x1FC70] =	vst v0;
	v0 =	vunpack.c.0.s8.s32 v1;
	v1 =	vimm.s32 $0x33323130  }
0x177: {  	v16 =	vld [tilespmem:$0x1FB70];
	v2 =	vimm.s32 $0x43210FED;
	v1 =	vunpack.c.0.s8.s32 v1  }
0x178: {  	v20 =	vsel vm0, $0xD8E, v40;
	v40 =	vld [tilespmem:$0x1FB80];
	[tilespmem:$0x1FC80] =	vst v0;
	v0 =	vunpack.c.l.s4.s8 v2;
	v2 =	vimm.s32 $0x37363534  }
0x179: {  	v7 =	vimm.s32 $0xEDCBA987;
	v24 =	vld [tilespmem:$0x1FA60];
	[tilespmem:$0x1FC90] =	vst v1;
	v1 =	vunpack.c.0.s8.s32 v2  }
0x17a: {  	s1 =	rddreg [dreg:$0x0];
	v7 =	vunpack.c.l.s4.s8 v7;
	v25 =	vld [tilespmem:$0x1FA80];
	v3 =	vimm.s32 $0x3B3A3938  }
0x17b: {  	s3 =	rddreg [dreg:$0x1];
	v36 =	vsel vm2, $0xC8D, v36;
	v26 =	vld [tilespmem:$0x1FB90];
	[tilespmem:$0x1FCA0] =	vst v1;
	v1 =	vunpack.c.0.s8.s32 v3  }
0x17c: {  	s0 =	rddreg [dreg:$0x2];
	s4 =	simm.s32 $0x0;
	v5 =	vunpack.c.0.s8.s32 v7;
	v27 =	vsel vm0, $0xD0E, v36;
	v36 =	vld [tilespmem:$0x1FB40]  }
0x17d: {  	[smem:$0x7FF] =	sst s4;
	v30 =	vsel vm0, $0xC8E, v32;
	v32 =	vld [tilespmem:$0x1FB00];
	[tilespmem:$0x1FCB0] =	vst v1  }
0x17e: {  	s2 =	rddreg [dreg:$0x3];
	v31 =	vld [tilespmem:$0x1FAF0];
	_ =	strace $0x80000047;
	[tilespmem:$0x1FD00] =	vst v5  }
0x17f: {  	[tilespmem:$0x1FE20] =	vst v8  }
0x180: {  	[tilespmem:$0x1FE60] =	vst v60  }
0x181: {  	[tilespmem:$0x1FE90] =	vst v11  }
0x182: {  	v13 =	vsel vm0, $0x50E, v35;
	[tilespmem:$0x1FEA0] =	vst v12  }
0x183: {  	[tilespmem:$0x1FEB0] =	vst v13  }
0x184: {  	[tilespmem:$0x1FEC0] =	vst v30  }
0x185: {  	v35 =	vsel vm0, $0x1D0E, v38;
	[tilespmem:$0x1FED0] =	vst v27  }
0x186: {  	[tilespmem:$0x1FEE0] =	vst v35  }
0x187: {  	[tilespmem:$0x1FEF0] =	vst v20  }
0x188: {  	[tilespmem:$0x1FF00] =	vst v21  }
0x189: {  	v39 =	vsel vm2, $0x50D, v39;
	[tilespmem:$0x1FF10] =	vst v22  }
0x18a: {  	v19 =	vsel vm0, $0x58E, v39;
	[tilespmem:$0x1FF20] =	vst v49  }
0x18b: {  	[tilespmem:$0x1FF30] =	vst v19  }
0x18c: {  	v23 =	vsel vm0, $0x60E, v43;
	[tilespmem:$0x1FF40] =	vst v50  }
0x18d: {  	[tilespmem:$0x1FF50] =	vst v23  }
0x18e: {  	[tilespmem:$0x1FF60] =	vst v28  }
0x18f: {  	v48 =	vsel vm2, $0xE0D, v47;
	v18 =	vsel vm0, $0x160E, v45;
	[tilespmem:$0x1FF70] =	vst v29  }
0x190: {  	v48 =	vsel vm0, $0xE8E, v48;
	[tilespmem:$0x1FF80] =	vst v18  }
0x191: {  	[tilespmem:$0x1FF90] =	vst v48  }
0x192: {  	v2 =	vimm.s32 $0xDCBA9876;
	v46 =	vunpack.c.0.s8.s32 v0;
	v0 =	vimm.s32 $0xCBA98765;
	[tilespmem:$0x1FFA0] =	vst v41  }
0x193: {  	v43 =	vmovc v58;
	v2 =	vunpack.c.l.s4.s8 v2;
	v0 =	vunpack.c.l.s4.s8 v0;
	v3 =	vimm.s32 $0x6543210F;
	[tilespmem:$0x1FFB0] =	vst v62  }
0x194: {  	v58 =	vsel vm0, $0xE0E, v44;
	v3 =	vunpack.c.l.s4.s8 v3;
	[tilespmem:$0x1FFC0] =	vst v43  }
0x195: {  	v52 =	vunpack.c.0.s8.s32 v0;
	[tilespmem:$0x1FFD0] =	vst v58  }
0x196: {  	v44 =	vmov v57;
	v57 =	vlaneseq.u32;
	v3 =	vunpack.c.0.s8.s32 v3;
	[tilespmem:$0x1FFE0] =	vst v46  }
0x197: {  	v45 =	vmovc v59;
	v59 =	vunpack.c.0.s8.s32 v2;
	v1 =	vimm.s32 $0x543210FE;
	v2 =	vmovc v6;
	v6 =	vmul.u32 $0x80, v57;
	[tilespmem:$0x1FFF0] =	vst v52  }
0x198: {  	v1 =	vunpack.c.l.s4.s8 v1;
	v5 =	vmul.u32 $0x81, v57;
	[tilespmem:$0x1FCF0] =	vst v3  }
0x199: {  	[tilespmem:$0x1FD10] =	vst v6  }
0x19a: {  	v0 =	vunpack.c.0.s8.s32 v1;
	v6 =	vor.u32 $0x10, v57;
	[tilespmem:$0x1FD70] =	vst v5  }
0x19b: {  	[tilespmem:$0x1FD20] =	vst v6  }
0x19c: {  	v6 =	vor.u32 $0x800, v5;
	[tilespmem:$0x1FCD0] =	vst v0  }
0x19d: {  	[tilespmem:$0x1FD30] =	vst v6;
	v6 =	vor.u32 $0x20, v57  }
0x19e: {  	[tilespmem:$0x1FD40] =	vst v6;
	v6 =	vor.u32 $0x1000, v5  }
0x19f: {  	v5 =	vor.u32 $0x1800, v5;
	[tilespmem:$0x1FD50] =	vst v6  }
0x1a0: {  	vm0 =	vcmask $0x1F10;
	v6 =	vor.u32 $0x30, v57;
	[tilespmem:$0x1FD80] =	vst v5  }
0x1a1: {  	v5 =	vsel vm0, v25, v24;
	[tilespmem:$0x1FD60] =	vst v6;
	v6 =	vsel vm0, v32, v31  }
0x1a2: {  	[tilespmem:$0x1FD90] =	vst v5;
	v5 =	vcombine.low v6, v5  }
0x1a3: {  	[tilespmem:$0x1FDA0] =	vst v6  }
0x1a4: {  	s5 =	srdreg.scid;
	v6 =	vsel vm0, v36, v10;
	[tilespmem:$0x1FDB0] =	vst v5;
	v5 =	vsel vm0, v34, v33  }
0x1a5: {  	s6 =	stileid.u32;
	s29 =	simm.s32 $0x80;
	s31 =	simm.s32 $0x1;
	v39 =	vld [tilespmem:$0x1FCC0];
	[tilespmem:$0x1FDC0] =	vst v5;
	v5 =	vcombine.low v6, v5  }
0x1a6: {  	s5 =	sand.u32 $0x1, s5;
	s6 =	sshll.u32 s6, $0x8;
	s9 =	sadd.s32 $0x1000, s0;
	[tilespmem:$0x1FDD0] =	vst v6  }
0x1a7: {  	s10 =	sadd.s32 $0x1000, s2;
	s11 =	sadd.s32 $0x2000, s0;
	s12 =	sadd.s32 $0x2000, s2;
	v6 =	vsel vm0, v40, v16;
	[tilespmem:$0x1FDE0] =	vst v5;
	v5 =	vsel vm0, v9, v37  }
0x1a8: {  	s13 =	sadd.s32 $0x3000, s0;
	s14 =	sadd.s32 $0x3000, s2;
	s15 =	sadd.s32 $0x4000, s0;
	[tilespmem:$0x1FDF0] =	vst v5;
	v5 =	vcombine.low v6, v5  }
0x1a9: {  	s16 =	sadd.s32 $0x4000, s2;
	s17 =	sadd.s32 $0x5000, s0;
	s18 =	sadd.s32 $0x5000, s2;
	v0 =	vld [tilespmem:$0x1FCE0];
	[tilespmem:$0x1FE00] =	vst v6  }
0x1aa: {  	s19 =	sadd.s32 $0x6000, s0;
	s20 =	sadd.s32 $0x6000, s2;
	s7 =	sshll.u32 s5, $0x7;
	v6 =	vsel vm0, v42, v8;
	[tilespmem:$0x1FE10] =	vst v5;
	v5 =	vsel vm0, v26, v39  }
0x1ab: {  	s21 =	sadd.s32 $0x7000, s0;
	s8 =	ssub.s32 $0x2, s5;
	s5 =	sor.u32 s7, s6;
	[tilespmem:$0x1FE30] =	vst v5;
	v5 =	vcombine.low v6, v5  }
0x1ac: {  	s22 =	sadd.s32 $0x7000, s2;
	s26 =	sshrl.u32 s8, $0x1;
	s7 =	sadd.s32 s1, s5;
	[tilespmem:$0x1FE40] =	vst v6  }
0x1ad: {  	s28 =	ssub.s32 s8, s26;
	s30 =	sadd.s32 $0x6000, s7;
	[dreg:$0x5] =	wrdreg s7;
	[tilespmem:$0x1FE50] =	vst v5;
	v5 =	vsel vm0, v43, v60  }
0x1ae: {  	s6 =	sadd.s32 $0xF42C00, s3;
	s1 =	smax.u32 s28, $0x1;
	v47 =	vimm.s32 $0x1E1D1C1B;
	[dreg:$0x6] =	wrdreg s30;
	[tilespmem:$0x1FE70] =	vst v5;
	v5 =	vsel vm0, v62, v0  }
0x1af: {  	s3 =	simm.s32 $0x0;
	v4 =	vunpack.c.0.s8.s32 v47;
	v7 =	vimm.f32 $0.0e+00;
	v38 =	vmov v62;
	[dreg:$0x7] =	wrdreg s1;
	s1 =	simm.s32 $0x2;
	[tilespmem:$0x1FE80] =	vst v5  }
.LBB2_1:
0x1b0: {  	s7 =	rddreg [dreg:$0x5];
	s8 =	simm.s32 $0x400;
	s23 =	simm.s32 $0x8000  }
0x1b1: {  	[tilespmem:s4], [sflag:$0x3] =	stream.strided.gather [hbm4b:s7+s8], $0x1800, s23, s8, $0x38;
	[tilespmem:$0x1D400] =	vst v63  }
0x1b2: {  	s26 =	rddreg [dreg:$0x6];
	s28 =	simm.s32 $0x1800;
	s30 =	simm.s32 $0x3  }
0x1b3: {  	[tilespmem:s28], [sflag:$0x3] =	stream.linear.gather [hbm4b:s26+s4], $0x100, $0x38;
	[tilespmem:$0x1D400] =	vst v63  }
0x1b4: {  	_ =	swait.ge [sflag:s30], $0x1900  }
0x1b5: {  	[sflag:s30] =	ssyncset.done $0x0  }
0x1b6: {  	s7 =	simm.s32 $0x0;
	[sflag:s30] =	ssyncadd.s32 $0xFFFFE700  }
0x1b7: {  	v5 =	vld [tilespmem:s7+$0x70]  }
0x1b8: {  	v6 =	vld [tilespmem:s7+$0x0];
	_ =	sdelay $0x1  }
0x1b9: {  	v8 =	vld [tilespmem:s7+$0x10]  }
0x1ba: {  	v14 =	vld [tilespmem:s7+$0x60]  }
0x1bb: {  	v9 =	vld [tilespmem:s7+$0x20];
	v12 =	vshrl.u32 v5, $0x1  }
0x1bc: {  	v10 =	vld [tilespmem:s7+$0x30];
	v5 =	vshll.u32 v5, $0x6;
	v62 =	vshrl.u32 v6, $0x1;
	[tilespmem:s7+$0x1C70] =	vst v12  }
0x1bd: {  	v11 =	vld [tilespmem:s7+$0x40];
	v47 =	vshll.u32 v6, $0x6;
	v5 =	vand.u32 $0x40, v5;
	[tilespmem:s7+$0x1C00] =	vst v62  }
0x1be: {  	v13 =	vld [tilespmem:s7+$0x50];
	v15 =	vshll.u32 v8, $0x6;
	v12 =	vand.u32 $0x40, v47;
	[tilespmem:s7+$0x3870] =	vst v5  }
0x1bf: {  	v60 =	vshll.u32 v14, $0x6;
	[tilespmem:s7+$0x3800] =	vst v12;
	v5 =	vand.u32 $0x40, v15  }
0x1c0: {  	v48 =	vshll.u32 v9, $0x6;
	v12 =	vand.u32 $0x40, v60;
	[tilespmem:s7+$0x3810] =	vst v5  }
0x1c1: {  	v49 =	vshll.u32 v10, $0x6;
	v5 =	vand.u32 $0x40, v48;
	[tilespmem:s7+$0x3860] =	vst v12  }
0x1c2: {  	v52 =	vshll.u32 v11, $0x6;
	[tilespmem:s7+$0x3820] =	vst v5;
	v5 =	vand.u32 $0x40, v49  }
0x1c3: {  	v58 =	vshll.u32 v13, $0x6;
	v6 =	vshrl.u32 v9, $0x1;
	[tilespmem:s7+$0x3830] =	vst v5;
	v5 =	vand.u32 $0x40, v52  }
0x1c4: {  	v9 =	vshrl.u32 v11, $0x1;
	v11 =	vshrl.u32 v13, $0x1;
	[tilespmem:s7+$0x3840] =	vst v5;
	v5 =	vand.u32 $0x40, v58  }
0x1c5: {  	s8 =	simm.s32 $0x80;
	s23 =	simm.s32 $0x400;
	[tilespmem:s7+$0x3850] =	vst v5;
	v5 =	vshrl.u32 v8, $0x1;
	v8 =	vshrl.u32 v10, $0x1;
	v10 =	vshrl.u32 v14, $0x1  }
.LBB2_2:
0x1c6: {  	p0 =	sne.s32 s23, $0x6200;
	v12 =	vld [tilespmem:s8+$0x70];
	[tilespmem:s7+$0x1C10] =	vst v5  }
0x1c7: {  	v5 =	vld [tilespmem:s8+$0x0];
	[tilespmem:s7+$0x1C20] =	vst v6  }
0x1c8: {  	v6 =	vld [tilespmem:s8+$0x10];
	[tilespmem:s7+$0x1C30] =	vst v8  }
0x1c9: {  	v8 =	vld [tilespmem:s8+$0x20];
	[tilespmem:s7+$0x1C40] =	vst v9  }
0x1ca: {  	v9 =	vld [tilespmem:s8+$0x30];
	[tilespmem:s7+$0x1C50] =	vst v11  }
0x1cb: {  	v11 =	vld [tilespmem:s8+$0x40];
	v13 =	vshrl.u32 v12, $0x1;
	v12 =	vshll.u32 v12, $0x6;
	[tilespmem:s7+$0x1C60] =	vst v10;
	s7 =	smov.u32 s8  }
0x1cc: {  	v14 =	vshrl.u32 v5, $0x1;
	v5 =	vshll.u32 v5, $0x6;
	v10 =	vld [tilespmem:s7+$0x50];
	[tilespmem:s7+$0x1C70] =	vst v13;
	v12 =	vand.u32 $0x40, v12  }
0x1cd: {  	v13 =	vand.u32 $0x40, v5;
	v5 =	vshrl.u32 v6, $0x1;
	v6 =	vshll.u32 v6, $0x6;
	v15 =	vld [tilespmem:s7+$0x60];
	[tilespmem:s7+$0x3870] =	vst v12  }
0x1ce: {  	[tilespmem:s7+$0x3800] =	vst v13;
	v12 =	vand.u32 $0x40, v6;
	v6 =	vshrl.u32 v8, $0x1;
	v8 =	vshll.u32 v8, $0x6  }
0x1cf: {  	[tilespmem:s7+$0x3810] =	vst v12;
	v12 =	vand.u32 $0x40, v8;
	v8 =	vshrl.u32 v9, $0x1;
	v9 =	vshll.u32 v9, $0x6  }
0x1d0: {  	[tilespmem:s7+$0x3820] =	vst v12;
	v12 =	vand.u32 $0x40, v9;
	v9 =	vshrl.u32 v11, $0x1;
	v11 =	vshll.u32 v11, $0x6  }
.Ltmp0:
0x1d1: {  	[tilespmem:s7+$0x3830] =	vst v12;
	v12 =	vand.u32 $0x40, v11;
	v11 =	vshrl.u32 v10, $0x1;
	v10 =	vshll.u32 v10, $0x6;
	(pc) =	sbr.rel @p0 .LBB2_2-.Ltmp0, $4  }
0x1d2: {  	[tilespmem:s7+$0x3840] =	vst v12;
	v12 =	vand.u32 $0x40, v10;
	v10 =	vshrl.u32 v15, $0x1;
	v13 =	vshll.u32 v15, $0x6  }
0x1d3: {  	[tilespmem:s7+$0x3850] =	vst v12;
	v12 =	vand.u32 $0x40, v13  }
0x1d4: {  	[tilespmem:s7+$0x3860] =	vst v12  }
0x1d5: {  	s8 =	sshra.s32 s23, $0x2;
	s23 =	sadd.s32 $0x200, s23;
	[tilespmem:s7+$0x1C00] =	vst v14  }
0x1d6: {  	v12 =	vld [tilespmem:s8+$0x70];
	[tilespmem:s7+$0x1C10] =	vst v5  }
0x1d7: {  	v5 =	vld [tilespmem:s8+$0x0];
	[tilespmem:s7+$0x1C20] =	vst v6  }
0x1d8: {  	v6 =	vld [tilespmem:s8+$0x10];
	[tilespmem:s7+$0x1C30] =	vst v8  }
0x1d9: {  	v8 =	vld [tilespmem:s8+$0x20];
	[tilespmem:s7+$0x1C40] =	vst v9  }
0x1da: {  	v9 =	vld [tilespmem:s8+$0x30];
	[tilespmem:s7+$0x1C50] =	vst v11  }
0x1db: {  	v11 =	vld [tilespmem:s8+$0x40];
	[tilespmem:s7+$0x1C60] =	vst v10;
	v20 =	vshrl.u32 v12, $0x1;
	v12 =	vshll.u32 v12, $0x6  }
0x1dc: {  	[tilespmem:s8+$0x1C70] =	vst v20;
	v12 =	vand.u32 $0x40, v12  }
0x1dd: {  	v21 =	vshll.u32 v5, $0x6;
	v5 =	vshrl.u32 v5, $0x1;
	[tilespmem:s8+$0x3870] =	vst v12  }
0x1de: {  	v10 =	vand.u32 $0x40, v21;
	[tilespmem:s8+$0x1C00] =	vst v5  }
0x1df: {  	v15 =	vshll.u32 v6, $0x6;
	v6 =	vshrl.u32 v6, $0x1;
	[tilespmem:s8+$0x3800] =	vst v10  }
0x1e0: {  	v22 =	vand.u32 $0x40, v15;
	[tilespmem:s8+$0x1C10] =	vst v6  }
0x1e1: {  	v23 =	vshll.u32 v8, $0x6;
	v5 =	vshrl.u32 v8, $0x1;
	[tilespmem:s8+$0x3810] =	vst v22  }
0x1e2: {  	v13 =	vld [tilespmem:s8+$0x50];
	v35 =	vand.u32 $0x40, v23;
	[tilespmem:s8+$0x1C20] =	vst v5  }
0x1e3: {  	v14 =	vld [tilespmem:s8+$0x60];
	v46 =	vshll.u32 v9, $0x6;
	v6 =	vshrl.u32 v9, $0x1;
	[tilespmem:s8+$0x3820] =	vst v35  }
0x1e4: {  	v47 =	vand.u32 $0x40, v46;
	[tilespmem:s8+$0x1C30] =	vst v6  }
0x1e5: {  	v48 =	vshll.u32 v11, $0x6;
	v5 =	vshrl.u32 v11, $0x1;
	[tilespmem:s8+$0x3830] =	vst v47  }
0x1e6: {  	v49 =	vand.u32 $0x40, v48;
	[tilespmem:s8+$0x1C40] =	vst v5  }
0x1e7: {  	v6 =	vshrl.u32 v13, $0x1;
	[tilespmem:s8+$0x3840] =	vst v49  }
0x1e8: {  	v52 =	vshll.u32 v13, $0x6;
	v5 =	vshrl.u32 v14, $0x1;
	[tilespmem:s8+$0x1C50] =	vst v6  }
0x1e9: {  	v60 =	vshll.u32 v14, $0x6;
	v58 =	vand.u32 $0x40, v52;
	[tilespmem:s8+$0x1C60] =	vst v5  }
0x1ea: {  	v62 =	vand.u32 $0x40, v60;
	[tilespmem:s8+$0x3850] =	vst v58  }
0x1eb: {  	s26 =	simm.s32 $0x1C00;
	s30 =	simm.s32 $0x5400;
	[tilespmem:s8+$0x3860] =	vst v62  }
0x1ec: {  	[tilespmem:s30], [sflag:$0x1] =	stream.indirect.gather [hbm4b:s6+s29], $0x80, s26, s29, $0xb8;
	[tilespmem:$0x1D400] =	vst v63  }
0x1ed: {  	s23 =	simm.s32 $0x9400;
	s8 =	simm.s32 $0x1C80  }
0x1ee: {  	[tilespmem:s23], [sflag:$0x1] =	stream.indirect.gather [hbm4b:s6+s29], $0x80, s8, s29, $0xb8;
	[tilespmem:$0x1D400] =	vst v63  }
0x1ef: {  	s24 =	simm.s32 $0x1D00;
	s25 =	simm.s32 $0xD400  }
0x1f0: {  	[tilespmem:s25], [sflag:$0x1] =	stream.indirect.gather [hbm4b:s6+s29], $0x80, s24, s29, $0xb8;
	[tilespmem:$0x1D400] =	vst v63  }
0x1f1: {  	s26 =	simm.s32 $0x1D80;
	s30 =	simm.s32 $0x11400  }
0x1f2: {  	[tilespmem:s30], [sflag:$0x1] =	stream.indirect.gather [hbm4b:s6+s29], $0x80, s26, s29, $0xb8;
	[tilespmem:$0x1D400] =	vst v63  }
0x1f3: {  	s28 =	simm.s32 $0x3800;
	s24 =	simm.s32 $0x0;
	s26 =	simm.s32 $0x0  }
.LBB2_4:
0x1f4: {  	_ =	swait.ge [sflag:s31], $0x4000  }
0x1f5: {  	p0 =	slt.u32 s26, $0x4;
	[sflag:s31] =	ssyncset.done $0x0  }
0x1f6: {  	s7 =	simm.s32 @!p0 $0x2;
	[sflag:s31] =	ssyncadd.s32 $0xFFFFC000  }
0x1f7: {  	_ =	swait.ge @!p0 [sflag:s7], $0x2000  }
0x1f8: {  	[sflag:s7] =	ssyncset.done @!p0 $0x0  }
0x1f9: {  	[sflag:s7] =	ssyncadd.s32 @!p0 $0xFFFFE000  }
0x1fa: {  	_ =	swait.ge @!p0 [sflag:s7], $0x2000  }
0x1fb: {  	[sflag:s7] =	ssyncset.done @!p0 $0x0  }
0x1fc: {  	s25 =	sshll.u32 s26, $0x7;
	[sflag:s7] =	ssyncadd.s32 @!p0 $0xFFFFE000  }
0x1fd: {  	v5 =	vld [tilespmem:s25+$0x0]  }
0x1fe: {  	v6 =	vld [tilespmem:s25+$0x10]  }
0x1ff: {  	v8 =	vld [tilespmem:s25+$0x20]  }
0x200: {  	v9 =	vld [tilespmem:s25+$0x30]  }
0x201: {  	v10 =	vld [tilespmem:s25+$0x40]  }
0x202: {  	v11 =	vld [tilespmem:s25+$0x50]  }
0x203: {  	vm1 =	veq.s32 v5, $0x0;
	vm2 =	veq.s32 v6, $0x0;
	v5 =	vld [tilespmem:s25+$0x60]  }
0x204: {  	vm3 =	veq.s32 v8, $0x0;
	v6 =	vld [tilespmem:s25+$0x70];
	vm1 =	vmor vm1, vm2  }
0x205: {  	vm2 =	veq.s32 v9, $0x0;
	vm1 =	vmor vm1, vm3  }
0x206: {  	vm3 =	veq.s32 v10, $0x0;
	vm1 =	vmor vm1, vm2  }
0x207: {  	vm2 =	veq.s32 v11, $0x0;
	vm1 =	vmor vm1, vm3  }
0x208: {  	vm3 =	veq.s32 v5, $0x0;
	vm1 =	vmor vm1, vm2  }
0x209: {  	vm2 =	veq.s32 v6, $0x0;
	vm1 =	vmor vm1, vm3  }
0x20a: {  	v5 =	vimm.s32 $0x0;
	vm1 =	vmor vm1, vm2  }
0x20b: {  	v5 =	vsel vm1, $0x1, v5  }
0x20c: {  	v5 =	vor.u32 $0x80000000, v5  }
0x20d: {  	(xrf0) =	vmax.scan.msk.u32 $0xffff, v5;
	_ =	sdelay $0x5  }
0x20e: {  	v5, _, _ =	vpop (xrf0)  }
0x20f: {  	(v2sf) =	vpush v5, $0xF;
	_ =	sdelay $0xe  }
0x210: {  	s8 =	spop (v2sf)  }
0x211: {  	p0 =	slt.u32 s8, $0x80000001  }
.Ltmp1:
0x212: {  	_ = 	snop;
	(pc) =	sbr.rel @p0 .LBB2_6-.Ltmp1, $4  }
0x213: {  	_ = 	snop  }
0x214: {  	s7 =	sand.u32 $0x3, s26  }
0x215: {  	s23 =	sshll.u32 s7, $0xE  }
0x216: {  	v12 =	vld [tilespmem:$0x1FD10];
	s30 =	sadd.s32 $0x5400, s23;
	s23 =	simm.s32 $0x0;
	s8 =	smov.u32 s24  }
.LBB2_5:
0x217: {  	v5 =	vld [tilespmem:s8+$0x0];
	_ =	sdelay $0x3  }
0x218: {  	v6 =	vmov s23  }
0x219: {  	vm1 =	veq.s32 v5, $0x0;
	v5 =	vshll.u32 v6, $0x7  }
0x21a: {  	v5 =	vor.u32 v12, v5  }
0x21b: {  	v6 =	vor.u32 $0x1, v5  }
0x21c: {  	v8 =	vor.u32 $0x2, v5  }
0x21d: {  	v9 =	vor.u32 $0x3, v5  }
0x21e: {  	v10 =	vor.u32 $0x4, v5  }
0x21f: {  	v11 =	vor.u32 $0x5, v5;
	[tilespmem:v5+s30+$0x0] =	vst.idx.msk vm1, v7  }
0x220: {  	[tilespmem:v6+s30+$0x0] =	vst.idx.msk vm1, v7;
	v6 =	vor.u32 $0x6, v5  }
0x221: {  	[tilespmem:v8+s30+$0x0] =	vst.idx.msk vm1, v7;
	v8 =	vor.u32 $0x7, v5  }
0x222: {  	v52 =	vor.u32 $0x8, v5;
	[tilespmem:v9+s30+$0x0] =	vst.idx.msk vm1, v7  }
0x223: {  	v58 =	vor.u32 $0x9, v5;
	[tilespmem:v10+s30+$0x0] =	vst.idx.msk vm1, v7  }
0x224: {  	v60 =	vor.u32 $0xA, v5;
	[tilespmem:v11+s30+$0x0] =	vst.idx.msk vm1, v7  }
0x225: {  	[tilespmem:v6+s30+$0x0] =	vst.idx.msk vm1, v7;
	v6 =	vor.u32 $0xB, v5  }
0x226: {  	[tilespmem:v8+s30+$0x0] =	vst.idx.msk vm1, v7;
	v8 =	vor.u32 $0xC, v5  }
0x227: {  	v62 =	vor.u32 $0xD, v5;
	[tilespmem:v52+s30+$0x0] =	vst.idx.msk vm1, v7  }
0x228: {  	v16 =	vor.u32 $0xE, v5;
	[tilespmem:v58+s30+$0x0] =	vst.idx.msk vm1, v7  }
0x229: {  	v17 =	vor.u32 $0xF, v5;
	[tilespmem:v60+s30+$0x0] =	vst.idx.msk vm1, v7  }
0x22a: {  	[tilespmem:v6+s30+$0x0] =	vst.idx.msk vm1, v7;
	v6 =	vor.u32 $0x10, v5  }
0x22b: {  	[tilespmem:v8+s30+$0x0] =	vst.idx.msk vm1, v7;
	v8 =	vor.u32 $0x11, v5  }
0x22c: {  	v18 =	vor.u32 $0x12, v5;
	[tilespmem:v62+s30+$0x0] =	vst.idx.msk vm1, v7  }
0x22d: {  	v19 =	vor.u32 $0x13, v5;
	[tilespmem:v16+s30+$0x0] =	vst.idx.msk vm1, v7  }
0x22e: {  	v20 =	vor.u32 $0x14, v5;
	[tilespmem:v17+s30+$0x0] =	vst.idx.msk vm1, v7  }
0x22f: {  	[tilespmem:v6+s30+$0x0] =	vst.idx.msk vm1, v7;
	v6 =	vor.u32 $0x15, v5  }
0x230: {  	[tilespmem:v8+s30+$0x0] =	vst.idx.msk vm1, v7;
	v8 =	vor.u32 $0x16, v5  }
0x231: {  	v21 =	vor.u32 $0x17, v5;
	[tilespmem:v18+s30+$0x0] =	vst.idx.msk vm1, v7  }
0x232: {  	v22 =	vor.u32 $0x18, v5;
	[tilespmem:v19+s30+$0x0] =	vst.idx.msk vm1, v7  }
0x233: {  	v23 =	vor.u32 $0x19, v5;
	[tilespmem:v20+s30+$0x0] =	vst.idx.msk vm1, v7  }
0x234: {  	[tilespmem:v6+s30+$0x0] =	vst.idx.msk vm1, v7;
	v6 =	vor.u32 $0x1A, v5  }
0x235: {  	[tilespmem:v8+s30+$0x0] =	vst.idx.msk vm1, v7;
	v8 =	vor.u32 $0x1B, v5  }
0x236: {  	v35 =	vor.u32 $0x1C, v5;
	[tilespmem:v21+s30+$0x0] =	vst.idx.msk vm1, v7  }
0x237: {  	v46 =	vor.u32 $0x1D, v5;
	[tilespmem:v22+s30+$0x0] =	vst.idx.msk vm1, v7  }
0x238: {  	v47 =	vor.u32 $0x1E, v5;
	[tilespmem:v23+s30+$0x0] =	vst.idx.msk vm1, v7  }
0x239: {  	[tilespmem:v6+s30+$0x0] =	vst.idx.msk vm1, v7;
	v6 =	vor.u32 $0x1F, v5  }
0x23a: {  	[tilespmem:v8+s30+$0x0] =	vst.idx.msk vm1, v7;
	v8 =	vor.u32 $0x20, v5  }
0x23b: {  	v48 =	vor.u32 $0x21, v5;
	[tilespmem:v35+s30+$0x0] =	vst.idx.msk vm1, v7  }
0x23c: {  	v49 =	vor.u32 $0x22, v5;
	[tilespmem:v46+s30+$0x0] =	vst.idx.msk vm1, v7  }
0x23d: {  	v52 =	vor.u32 $0x23, v5;
	[tilespmem:v47+s30+$0x0] =	vst.idx.msk vm1, v7  }
0x23e: {  	[tilespmem:v6+s30+$0x0] =	vst.idx.msk vm1, v7;
	v6 =	vor.u32 $0x24, v5  }
0x23f: {  	[tilespmem:v8+s30+$0x0] =	vst.idx.msk vm1, v7;
	v8 =	vor.u32 $0x25, v5  }
0x240: {  	v58 =	vor.u32 $0x26, v5;
	[tilespmem:v48+s30+$0x0] =	vst.idx.msk vm1, v7  }
0x241: {  	v60 =	vor.u32 $0x27, v5;
	[tilespmem:v49+s30+$0x0] =	vst.idx.msk vm1, v7  }
0x242: {  	v62 =	vor.u32 $0x28, v5;
	[tilespmem:v52+s30+$0x0] =	vst.idx.msk vm1, v7  }
0x243: {  	[tilespmem:v6+s30+$0x0] =	vst.idx.msk vm1, v7;
	v6 =	vor.u32 $0x29, v5  }
0x244: {  	[tilespmem:v8+s30+$0x0] =	vst.idx.msk vm1, v7;
	v8 =	vor.u32 $0x2A, v5  }
0x245: {  	v16 =	vor.u32 $0x2B, v5;
	[tilespmem:v58+s30+$0x0] =	vst.idx.msk vm1, v7  }
0x246: {  	v17 =	vor.u32 $0x2C, v5;
	[tilespmem:v60+s30+$0x0] =	vst.idx.msk vm1, v7  }
0x247: {  	v18 =	vor.u32 $0x2D, v5;
	[tilespmem:v62+s30+$0x0] =	vst.idx.msk vm1, v7  }
0x248: {  	[tilespmem:v6+s30+$0x0] =	vst.idx.msk vm1, v7;
	v6 =	vor.u32 $0x2E, v5  }
0x249: {  	[tilespmem:v8+s30+$0x0] =	vst.idx.msk vm1, v7;
	v8 =	vor.u32 $0x2F, v5  }
0x24a: {  	v19 =	vor.u32 $0x30, v5;
	[tilespmem:v16+s30+$0x0] =	vst.idx.msk vm1, v7  }
0x24b: {  	v20 =	vor.u32 $0x31, v5;
	[tilespmem:v17+s30+$0x0] =	vst.idx.msk vm1, v7  }
0x24c: {  	v21 =	vor.u32 $0x32, v5;
	[tilespmem:v18+s30+$0x0] =	vst.idx.msk vm1, v7  }
0x24d: {  	[tilespmem:v6+s30+$0x0] =	vst.idx.msk vm1, v7;
	v6 =	vor.u32 $0x33, v5  }
0x24e: {  	[tilespmem:v8+s30+$0x0] =	vst.idx.msk vm1, v7;
	v8 =	vor.u32 $0x34, v5  }
0x24f: {  	v22 =	vor.u32 $0x35, v5;
	[tilespmem:v19+s30+$0x0] =	vst.idx.msk vm1, v7  }
0x250: {  	v23 =	vor.u32 $0x36, v5;
	[tilespmem:v20+s30+$0x0] =	vst.idx.msk vm1, v7  }
0x251: {  	v35 =	vor.u32 $0x37, v5;
	[tilespmem:v21+s30+$0x0] =	vst.idx.msk vm1, v7  }
0x252: {  	[tilespmem:v6+s30+$0x0] =	vst.idx.msk vm1, v7;
	v6 =	vor.u32 $0x38, v5  }
0x253: {  	[tilespmem:v8+s30+$0x0] =	vst.idx.msk vm1, v7;
	v8 =	vor.u32 $0x39, v5  }
0x254: {  	v46 =	vor.u32 $0x3A, v5;
	[tilespmem:v22+s30+$0x0] =	vst.idx.msk vm1, v7  }
0x255: {  	v47 =	vor.u32 $0x3B, v5;
	[tilespmem:v23+s30+$0x0] =	vst.idx.msk vm1, v7  }
0x256: {  	v48 =	vor.u32 $0x3C, v5;
	[tilespmem:v35+s30+$0x0] =	vst.idx.msk vm1, v7  }
0x257: {  	[tilespmem:v6+s30+$0x0] =	vst.idx.msk vm1, v7;
	v6 =	vor.u32 $0x3D, v5  }
0x258: {  	[tilespmem:v8+s30+$0x0] =	vst.idx.msk vm1, v7;
	v8 =	vor.u32 $0x3E, v5  }
0x259: {  	v49 =	vor.u32 $0x3F, v5;
	[tilespmem:v46+s30+$0x0] =	vst.idx.msk vm1, v7  }
0x25a: {  	v52 =	vor.u32 $0x40, v5;
	[tilespmem:v47+s30+$0x0] =	vst.idx.msk vm1, v7  }
0x25b: {  	v58 =	vor.u32 $0x41, v5;
	[tilespmem:v48+s30+$0x0] =	vst.idx.msk vm1, v7  }
0x25c: {  	[tilespmem:v6+s30+$0x0] =	vst.idx.msk vm1, v7;
	v6 =	vor.u32 $0x42, v5  }
0x25d: {  	[tilespmem:v8+s30+$0x0] =	vst.idx.msk vm1, v7;
	v8 =	vor.u32 $0x43, v5  }
0x25e: {  	v60 =	vor.u32 $0x44, v5;
	[tilespmem:v49+s30+$0x0] =	vst.idx.msk vm1, v7  }
0x25f: {  	v62 =	vor.u32 $0x45, v5;
	[tilespmem:v52+s30+$0x0] =	vst.idx.msk vm1, v7  }
0x260: {  	v16 =	vor.u32 $0x46, v5;
	[tilespmem:v58+s30+$0x0] =	vst.idx.msk vm1, v7  }
0x261: {  	[tilespmem:v6+s30+$0x0] =	vst.idx.msk vm1, v7;
	v6 =	vor.u32 $0x47, v5  }
0x262: {  	[tilespmem:v8+s30+$0x0] =	vst.idx.msk vm1, v7;
	v8 =	vor.u32 $0x48, v5  }
0x263: {  	v17 =	vor.u32 $0x49, v5;
	[tilespmem:v60+s30+$0x0] =	vst.idx.msk vm1, v7  }
0x264: {  	v18 =	vor.u32 $0x4A, v5;
	[tilespmem:v62+s30+$0x0] =	vst.idx.msk vm1, v7  }
0x265: {  	v19 =	vor.u32 $0x4B, v5;
	[tilespmem:v16+s30+$0x0] =	vst.idx.msk vm1, v7  }
0x266: {  	[tilespmem:v6+s30+$0x0] =	vst.idx.msk vm1, v7;
	v6 =	vor.u32 $0x4C, v5  }
0x267: {  	[tilespmem:v8+s30+$0x0] =	vst.idx.msk vm1, v7;
	v8 =	vor.u32 $0x4D, v5  }
0x268: {  	v20 =	vor.u32 $0x4E, v5;
	[tilespmem:v17+s30+$0x0] =	vst.idx.msk vm1, v7  }
0x269: {  	v21 =	vor.u32 $0x4F, v5;
	[tilespmem:v18+s30+$0x0] =	vst.idx.msk vm1, v7  }
0x26a: {  	v22 =	vor.u32 $0x50, v5;
	[tilespmem:v19+s30+$0x0] =	vst.idx.msk vm1, v7  }
0x26b: {  	[tilespmem:v6+s30+$0x0] =	vst.idx.msk vm1, v7;
	v6 =	vor.u32 $0x51, v5  }
0x26c: {  	[tilespmem:v8+s30+$0x0] =	vst.idx.msk vm1, v7;
	v8 =	vor.u32 $0x52, v5  }
0x26d: {  	v23 =	vor.u32 $0x53, v5;
	[tilespmem:v20+s30+$0x0] =	vst.idx.msk vm1, v7  }
0x26e: {  	v35 =	vor.u32 $0x54, v5;
	[tilespmem:v21+s30+$0x0] =	vst.idx.msk vm1, v7  }
0x26f: {  	v46 =	vor.u32 $0x55, v5;
	[tilespmem:v22+s30+$0x0] =	vst.idx.msk vm1, v7  }
0x270: {  	[tilespmem:v6+s30+$0x0] =	vst.idx.msk vm1, v7;
	v6 =	vor.u32 $0x56, v5  }
0x271: {  	[tilespmem:v8+s30+$0x0] =	vst.idx.msk vm1, v7;
	v8 =	vor.u32 $0x57, v5  }
0x272: {  	v47 =	vor.u32 $0x58, v5;
	[tilespmem:v23+s30+$0x0] =	vst.idx.msk vm1, v7  }
0x273: {  	v48 =	vor.u32 $0x59, v5;
	[tilespmem:v35+s30+$0x0] =	vst.idx.msk vm1, v7  }
0x274: {  	v49 =	vor.u32 $0x5A, v5;
	[tilespmem:v46+s30+$0x0] =	vst.idx.msk vm1, v7  }
0x275: {  	[tilespmem:v6+s30+$0x0] =	vst.idx.msk vm1, v7;
	v6 =	vor.u32 $0x5B, v5  }
0x276: {  	[tilespmem:v8+s30+$0x0] =	vst.idx.msk vm1, v7;
	v8 =	vor.u32 $0x5C, v5  }
0x277: {  	v52 =	vor.u32 $0x5D, v5;
	[tilespmem:v47+s30+$0x0] =	vst.idx.msk vm1, v7  }
0x278: {  	v58 =	vor.u32 $0x5E, v5;
	[tilespmem:v48+s30+$0x0] =	vst.idx.msk vm1, v7  }
0x279: {  	v60 =	vor.u32 $0x5F, v5;
	[tilespmem:v49+s30+$0x0] =	vst.idx.msk vm1, v7  }
0x27a: {  	[tilespmem:v6+s30+$0x0] =	vst.idx.msk vm1, v7;
	v6 =	vor.u32 $0x60, v5  }
0x27b: {  	[tilespmem:v8+s30+$0x0] =	vst.idx.msk vm1, v7;
	v8 =	vor.u32 $0x61, v5  }
0x27c: {  	v62 =	vor.u32 $0x62, v5;
	[tilespmem:v52+s30+$0x0] =	vst.idx.msk vm1, v7  }
0x27d: {  	v16 =	vor.u32 $0x63, v5;
	[tilespmem:v58+s30+$0x0] =	vst.idx.msk vm1, v7  }
0x27e: {  	v17 =	vor.u32 $0x64, v5;
	[tilespmem:v60+s30+$0x0] =	vst.idx.msk vm1, v7  }
0x27f: {  	[tilespmem:v6+s30+$0x0] =	vst.idx.msk vm1, v7;
	v6 =	vor.u32 $0x65, v5  }
0x280: {  	[tilespmem:v8+s30+$0x0] =	vst.idx.msk vm1, v7;
	v8 =	vor.u32 $0x66, v5  }
0x281: {  	v18 =	vor.u32 $0x67, v5;
	[tilespmem:v62+s30+$0x0] =	vst.idx.msk vm1, v7  }
0x282: {  	v19 =	vor.u32 $0x68, v5;
	[tilespmem:v16+s30+$0x0] =	vst.idx.msk vm1, v7  }
0x283: {  	v20 =	vor.u32 $0x69, v5;
	[tilespmem:v17+s30+$0x0] =	vst.idx.msk vm1, v7  }
0x284: {  	[tilespmem:v6+s30+$0x0] =	vst.idx.msk vm1, v7;
	v6 =	vor.u32 $0x6A, v5  }
0x285: {  	[tilespmem:v8+s30+$0x0] =	vst.idx.msk vm1, v7;
	v8 =	vor.u32 $0x6B, v5  }
0x286: {  	v21 =	vor.u32 $0x6C, v5;
	[tilespmem:v18+s30+$0x0] =	vst.idx.msk vm1, v7  }
0x287: {  	v22 =	vor.u32 $0x6D, v5;
	[tilespmem:v19+s30+$0x0] =	vst.idx.msk vm1, v7  }
0x288: {  	v23 =	vor.u32 $0x6E, v5;
	[tilespmem:v20+s30+$0x0] =	vst.idx.msk vm1, v7  }
0x289: {  	[tilespmem:v6+s30+$0x0] =	vst.idx.msk vm1, v7;
	v6 =	vor.u32 $0x6F, v5  }
0x28a: {  	[tilespmem:v8+s30+$0x0] =	vst.idx.msk vm1, v7;
	v8 =	vor.u32 $0x70, v5  }
0x28b: {  	v35 =	vor.u32 $0x71, v5;
	[tilespmem:v21+s30+$0x0] =	vst.idx.msk vm1, v7  }
0x28c: {  	v46 =	vor.u32 $0x72, v5;
	[tilespmem:v22+s30+$0x0] =	vst.idx.msk vm1, v7  }
0x28d: {  	v47 =	vor.u32 $0x73, v5;
	[tilespmem:v23+s30+$0x0] =	vst.idx.msk vm1, v7  }
0x28e: {  	[tilespmem:v6+s30+$0x0] =	vst.idx.msk vm1, v7;
	v6 =	vor.u32 $0x74, v5  }
0x28f: {  	[tilespmem:v8+s30+$0x0] =	vst.idx.msk vm1, v7;
	v8 =	vor.u32 $0x75, v5  }
0x290: {  	v48 =	vor.u32 $0x76, v5;
	[tilespmem:v35+s30+$0x0] =	vst.idx.msk vm1, v7  }
0x291: {  	v49 =	vor.u32 $0x77, v5;
	[tilespmem:v46+s30+$0x0] =	vst.idx.msk vm1, v7  }
0x292: {  	v52 =	vor.u32 $0x78, v5;
	[tilespmem:v47+s30+$0x0] =	vst.idx.msk vm1, v7  }
0x293: {  	[tilespmem:v6+s30+$0x0] =	vst.idx.msk vm1, v7;
	v6 =	vor.u32 $0x79, v5  }
0x294: {  	[tilespmem:v8+s30+$0x0] =	vst.idx.msk vm1, v7;
	v8 =	vor.u32 $0x7A, v5  }
0x295: {  	v58 =	vor.u32 $0x7B, v5;
	[tilespmem:v48+s30+$0x0] =	vst.idx.msk vm1, v7  }
0x296: {  	v60 =	vor.u32 $0x7C, v5;
	[tilespmem:v49+s30+$0x0] =	vst.idx.msk vm1, v7  }
0x297: {  	v62 =	vor.u32 $0x7D, v5;
	[tilespmem:v52+s30+$0x0] =	vst.idx.msk vm1, v7  }
0x298: {  	[tilespmem:v6+s30+$0x0] =	vst.idx.msk vm1, v7;
	v6 =	vor.u32 $0x7E, v5  }
0x299: {  	p0 =	sne.s32 s23, $0x70;
	v5 =	vor.u32 $0x7F, v5;
	[tilespmem:v8+s30+$0x0] =	vst.idx.msk vm1, v7  }
.Ltmp2:
0x29a: {  	[tilespmem:v58+s30+$0x0] =	vst.idx.msk vm1, v7;
	(pc) =	sbr.rel @p0 .LBB2_5-.Ltmp2, $4  }
0x29b: {  	[tilespmem:v60+s30+$0x0] =	vst.idx.msk vm1, v7  }
0x29c: {  	[tilespmem:v62+s30+$0x0] =	vst.idx.msk vm1, v7  }
0x29d: {  	[tilespmem:v6+s30+$0x0] =	vst.idx.msk vm1, v7  }
0x29e: {  	s8 =	sadd.s32 $0x10, s8;
	s23 =	sadd.s32 $0x10, s23;
	[tilespmem:v5+s30+$0x0] =	vst.idx.msk vm1, v7  }
.LBB2_6:
0x29f: {  	s8 =	sshll.u32 s7, $0xD  }
0x2a0: {  	s7 =	simm.s32 $0x0;
	s25 =	smov.u32 s28;
	s23 =	sadd.s32 $0x15400, s8  }
.LBB2_7:
0x2a1: {  	v1 =	vld [tilespmem:$0x1FD10];
	_ =	sdelay $0x1  }
0x2a2: {  	v28 =	vld [tilespmem:s25+$0x0]  }
0x2a3: {  	v5 =	vmov s7  }
0x2a4: {  	v5 =	vshll.u32 v5, $0x7  }
0x2a5: {  	v29 =	vor.u32 v1, v5;
	v1 =	vld [tilespmem:$0x1FD20];
	_ =	sdelay $0x1  }
0x2a6: {  	v6 =	vadd.s32 v57, v28  }
0x2a7: {  	v8 =	vand.u32 $0xFFFFFF80, v6  }
0x2a8: {  	v5 =	vand.u32 $0x7F, v6;
	v6 =	vadd.s32 v29, v8  }
0x2a9: {  	v5 =	vor.u32 v5, v6;
	v6 =	vadd.s32 v1, v28;
	v1 =	vld [tilespmem:$0x1FD70];
	_ =	sdelay $0x4  }
0x2aa: {  	v9 =	vor.u32 s7, v1;
	v1 =	vld [tilespmem:$0x1FD40];
	_ =	sdelay $0x2  }
0x2ab: {  	v8 =	vand.u32 $0xFFFFFF80, v6  }
0x2ac: {  	v6 =	vand.u32 $0x7F, v6;
	v8 =	vadd.s32 v29, v8  }
0x2ad: {  	v6 =	vor.u32 v6, v8;
	v8 =	vadd.s32 v1, v28;
	v1 =	vld [tilespmem:$0x1FD30]  }
0x2ae: {  	v5 =	vld.idx.msk [tilespmem:v5+s30+$0x0], $0xffff;
	_ =	sdelay $0x3  }
0x2af: {  	v14 =	vor.u32 s7, v1;
	v1 =	vld [tilespmem:$0x1FD60]  }
0x2b0: {  	[tilespmem:v9+s23+$0x0] =	vst.idx.msk $0xffff, v5;
	v5 =	vand.u32 $0xFFFFFF80, v8  }
0x2b1: {  	v6 =	vld.idx.msk [tilespmem:v6+s30+$0x0], $0xffff;
	v8 =	vand.u32 $0x7F, v8;
	v5 =	vadd.s32 v29, v5  }
0x2b2: {  	v5 =	vor.u32 v8, v5;
	_ =	sdelay $0x1  }
0x2b3: {  	v8 =	vadd.s32 v1, v28;
	v1 =	vld [tilespmem:$0x1FD50];
	_ =	sdelay $0x1  }
0x2b4: {  	[tilespmem:v14+s23+$0x0] =	vst.idx.msk $0xffff, v6;
	v6 =	vand.u32 $0xFFFFFF80, v8  }
0x2b5: {  	v5 =	vld.idx.msk [tilespmem:v5+s30+$0x0], $0xffff;
	v8 =	vand.u32 $0x7F, v8;
	v6 =	vadd.s32 v29, v6  }
0x2b6: {  	v6 =	vor.u32 v8, v6;
	v8 =	vld [tilespmem:$0x1F7C0]  }
0x2b7: {  	v15 =	vor.u32 s7, v1;
	v1 =	vld [tilespmem:$0x1FD80];
	_ =	sdelay $0x3  }
0x2b8: {  	v8 =	vadd.s32 v8, v28  }
0x2b9: {  	[tilespmem:v15+s23+$0x0] =	vst.idx.msk $0xffff, v5;
	v5 =	vand.u32 $0xFFFFFF80, v8;
	v16 =	vor.u32 s7, v1;
	v1 =	vld [tilespmem:$0x1FDB0]  }
0x2ba: {  	v8 =	vand.u32 $0x7F, v8;
	v6 =	vld.idx.msk [tilespmem:v6+s30+$0x0], $0xffff;
	v5 =	vadd.s32 v29, v5  }
0x2bb: {  	v17 =	vld [tilespmem:$0x1F7D0];
	v5 =	vor.u32 v8, v5;
	_ =	sdelay $0x2  }
0x2bc: {  	v8 =	vadd.s32 v1, v28  }
0x2bd: {  	v1 =	vld [tilespmem:$0x1FDE0];
	[tilespmem:v16+s23+$0x0] =	vst.idx.msk $0xffff, v6;
	v6 =	vand.u32 $0xFFFFFF80, v8  }
0x2be: {  	v9 =	vor.u32 s7, v17;
	v8 =	vand.u32 $0x7F, v8;
	v5 =	vld.idx.msk [tilespmem:v5+s30+$0x0], $0xffff;
	v6 =	vadd.s32 v29, v6  }
0x2bf: {  	v18 =	vld [tilespmem:$0x1F7E0];
	v6 =	vor.u32 v8, v6;
	_ =	sdelay $0x3  }
0x2c0: {  	v8 =	vadd.s32 v1, v28;
	v1 =	vld [tilespmem:$0x1FE10];
	[tilespmem:v9+s23+$0x0] =	vst.idx.msk $0xffff, v5  }
0x2c1: {  	v9 =	vor.u32 s7, v18;
	v6 =	vld.idx.msk [tilespmem:v6+s30+$0x0], $0xffff  }
0x2c2: {  	v5 =	vand.u32 $0xFFFFFF80, v8  }
0x2c3: {  	v8 =	vand.u32 $0x7F, v8;
	v5 =	vadd.s32 v29, v5  }
0x2c4: {  	v19 =	vld [tilespmem:$0x1F7F0];
	v5 =	vor.u32 v8, v5  }
0x2c5: {  	v8 =	vadd.s32 v1, v28  }
0x2c6: {  	[tilespmem:v9+s23+$0x0] =	vst.idx.msk $0xffff, v6;
	v6 =	vand.u32 $0xFFFFFF80, v8  }
0x2c7: {  	v8 =	vand.u32 $0x7F, v8;
	v6 =	vadd.s32 v29, v6  }
0x2c8: {  	v6 =	vor.u32 v8, v6;
	v8 =	vld [tilespmem:$0x1F830]  }
0x2c9: {  	v9 =	vor.u32 s7, v19;
	v5 =	vld.idx.msk [tilespmem:v5+s30+$0x0], $0xffff  }
0x2ca: {  	v20 =	vld [tilespmem:$0x1F820];
	_ =	sdelay $0x2  }
0x2cb: {  	v21 =	vld [tilespmem:$0x1F840];
	v8 =	vadd.s32 v8, v28  }
0x2cc: {  	v1 =	vld [tilespmem:$0x1FE50];
	[tilespmem:v9+s23+$0x0] =	vst.idx.msk $0xffff, v5;
	v5 =	vand.u32 $0xFFFFFF80, v8  }
0x2cd: {  	v9 =	vor.u32 s7, v20;
	v6 =	vld.idx.msk [tilespmem:v6+s30+$0x0], $0xffff;
	v8 =	vand.u32 $0x7F, v8;
	v5 =	vadd.s32 v29, v5  }
0x2ce: {  	v35 =	vld [tilespmem:$0x1FE70];
	v5 =	vor.u32 v8, v5  }
0x2cf: {  	v30 =	vld [tilespmem:$0x1FE80]  }
0x2d0: {  	v22 =	vld [tilespmem:$0x1F860]  }
0x2d1: {  	v62 =	vld [tilespmem:$0x1F880];
	v8 =	vadd.s32 v1, v28  }
0x2d2: {  	v48 =	vld [tilespmem:$0x1F890];
	[tilespmem:v9+s23+$0x0] =	vst.idx.msk $0xffff, v6;
	v6 =	vand.u32 $0xFFFFFF80, v8  }
0x2d3: {  	v9 =	vor.u32 s7, v21;
	v8 =	vand.u32 $0x7F, v8;
	v6 =	vadd.s32 v29, v6;
	v5 =	vld.idx.msk [tilespmem:v5+s30+$0x0], $0xffff  }
0x2d4: {  	v46 =	vld [tilespmem:$0x1F8A0];
	v6 =	vor.u32 v8, v6  }
0x2d5: {  	v47 =	vld [tilespmem:$0x1F8B0];
	v8 =	vcombine.low v30, v35;
	_ =	sdelay $0x1  }
0x2d6: {  	v8 =	vadd.s32 v8, v28  }
0x2d7: {  	[tilespmem:v9+s23+$0x0] =	vst.idx.msk $0xffff, v5;
	v5 =	vand.u32 $0xFFFFFF80, v8  }
0x2d8: {  	v9 =	vor.u32 s7, v22;
	v8 =	vand.u32 $0x7F, v8;
	v6 =	vld.idx.msk [tilespmem:v6+s30+$0x0], $0xffff;
	v5 =	vadd.s32 v29, v5  }
0x2d9: {  	v23 =	vld [tilespmem:$0x1F870];
	v3 =	vsel vm0, v47, v46;
	v1 =	vsel vm0, v48, v62;
	v8 =	vor.u32 v8, v5  }
0x2da: {  	v10 =	vcombine.low v3, v1;
	_ =	sdelay $0x1  }
0x2db: {  	v10 =	vadd.s32 v10, v28  }
0x2dc: {  	[tilespmem:v9+s23+$0x0] =	vst.idx.msk $0xffff, v6;
	v6 =	vand.u32 $0xFFFFFF80, v10  }
0x2dd: {  	v9 =	vor.u32 s7, v23;
	v10 =	vand.u32 $0x7F, v10;
	v8 =	vld.idx.msk [tilespmem:v8+s30+$0x0], $0xffff;
	v6 =	vadd.s32 v29, v6  }
0x2de: {  	v49 =	vmov v45;
	v45 =	vcombine.low v45, v44;
	v52 =	vld [tilespmem:$0x1F8C0];
	v6 =	vor.u32 v10, v6;
	_ =	sdelay $0x1  }
0x2df: {  	v10 =	vand.u32 $0xF, v45  }
0x2e0: {  	v26 =	vld [tilespmem:$0x1FBC0];
	v10 =	vadd.s32 v10, v28  }
0x2e1: {  	v58 =	vld [tilespmem:$0x1F8D0];
	[tilespmem:v9+s23+$0x0] =	vst.idx.msk $0xffff, v8;
	v8 =	vand.u32 $0xFFFFFF80, v10  }
0x2e2: {  	v11 =	vor.u32 s7, v52;
	v57 =	vand.u32 $0x7F, v10;
	v6 =	vld.idx.msk [tilespmem:v6+s30+$0x0], $0xffff;
	v8 =	vadd.s32 v29, v8  }
0x2e3: {  	[tilespmem:$0x1F710] =	vst v3;
	v10 =	vor.u32 v57, v8  }
0x2e4: {  	[tilespmem:$0x1F700] =	vst v1;
	v1 =	vsel vm0, v51, v4  }
0x2e5: {  	v3 =	vsel vm0, v41, v26;
	[tilespmem:$0x1F720] =	vst v1  }
0x2e6: {  	[tilespmem:$0x1F730] =	vst v3  }
0x2e7: {  	v14 =	vor.u32 s7, v58;
	[tilespmem:v11+s23+$0x0] =	vst.idx.msk $0xffff, v6  }
0x2e8: {  	v12 =	vcombine.low v3, v1;
	v1 =	vsel vm0, v55, v54;
	v3 =	vsel vm0, v61, v56;
	v13 =	vld.idx.msk [tilespmem:v10+s30+$0x0], $0xffff  }
0x2e9: {  	v9 =	vcombine.low v3, v1  }
0x2ea: {  	v12 =	vadd.s32 v12, v28  }
0x2eb: {  	v60 =	vand.u32 $0x7F, v12;
	v6 =	vand.u32 $0xFFFFFF80, v12;
	v12 =	vadd.s32 v9, v28  }
0x2ec: {  	v45 =	vld [tilespmem:$0x1FBD0];
	v11 =	vor.u32 s7, v50;
	v6 =	vadd.s32 v29, v6;
	v10 =	vand.u32 $0xFFFFFF80, v12  }
0x2ed: {  	v50 =	vld [tilespmem:$0x1FBE0];
	v12 =	vand.u32 $0x7F, v12;
	v6 =	vor.u32 v60, v6;
	[tilespmem:v14+s23+$0x0] =	vst.idx.msk $0xffff, v13;
	v13 =	vadd.s32 v29, v10  }
0x2ee: {  	v15 =	vor.u32 v12, v13;
	v13 =	vld [tilespmem:$0x1FBF0];
	_ =	sdelay $0x3  }
0x2ef: {  	[tilespmem:$0x1F740] =	vst v1;
	v6 =	vld.idx.msk [tilespmem:v6+s30+$0x0], $0xffff  }
0x2f0: {  	v20 =	vld [tilespmem:$0x1F8E0];
	[tilespmem:$0x1F750] =	vst v3;
	v1 =	vsel vm0, v45, v63;
	v3 =	vsel vm0, v13, v50  }
0x2f1: {  	[tilespmem:$0x1F770] =	vst v3;
	v16 =	vcombine.low v3, v1;
	v3 =	vld [tilespmem:$0x1FC00];
	_ =	sdelay $0x1  }
0x2f2: {  	v27 =	vld [tilespmem:$0x1FC30];
	v16 =	vadd.s32 v16, v28  }
0x2f3: {  	v23 =	vld [tilespmem:$0x1F8F0];
	[tilespmem:v11+s23+$0x0] =	vst.idx.msk $0xffff, v6;
	v6 =	vand.u32 $0xFFFFFF80, v16  }
0x2f4: {  	v14 =	vld.idx.msk [tilespmem:v15+s30+$0x0], $0xffff;
	v15 =	vor.u32 s7, v20;
	v16 =	vand.u32 $0x7F, v16;
	v6 =	vadd.s32 v29, v6  }
0x2f5: {  	v60 =	vld [tilespmem:$0x1FC20];
	v6 =	vor.u32 v16, v6;
	v21 =	vcombine.low v2, v3  }
0x2f6: {  	v11 =	vld [tilespmem:$0x1FC10]  }
0x2f7: {  	v16 =	vand.u32 $0xF, v21  }
0x2f8: {  	v16 =	vadd.s32 v16, v28  }
0x2f9: {  	v58 =	vld [tilespmem:$0x1F900];
	[tilespmem:v15+s23+$0x0] =	vst.idx.msk $0xffff, v14;
	v22 =	vand.u32 $0xFFFFFF80, v16  }
0x2fa: {  	v52 =	vmovc v51;
	v17 =	vor.u32 s7, v23;
	v51 =	vand.u32 $0x7F, v16;
	v6 =	vld.idx.msk [tilespmem:v6+s30+$0x0], $0xffff;
	v14 =	vadd.s32 v29, v22  }
0x2fb: {  	v15 =	vsel vm0, v27, v60;
	v16 =	vor.u32 v51, v14;
	v14 =	vsel vm0, v11, v53  }
0x2fc: {  	v18 =	vcombine.low v15, v14;
	_ =	sdelay $0x1  }
0x2fd: {  	v5 =	vld [tilespmem:$0x1FC70];
	v18 =	vadd.s32 v18, v28  }
0x2fe: {  	v20 =	vor.u32 s7, v58;
	v58 =	vld [tilespmem:$0x1FC40];
	[tilespmem:v17+s23+$0x0] =	vst.idx.msk $0xffff, v6;
	v6 =	vand.u32 $0xFFFFFF80, v18  }
0x2ff: {  	[tilespmem:$0x1F760] =	vst v1;
	v1 =	vld [tilespmem:$0x1FC60];
	v9 =	vand.u32 $0x7F, v18;
	v6 =	vadd.s32 v29, v6  }
0x300: {  	v6 =	vor.u32 v9, v6;
	v9 =	vld [tilespmem:$0x1FC50];
	_ =	sdelay $0x4  }
0x301: {  	v57 =	vmovc v4;
	v4 =	vmov v2;
	v8 =	vsel vm0, v5, v1;
	v19 =	vld.idx.msk [tilespmem:v16+s30+$0x0], $0xffff;
	v2 =	vsel vm0, v9, v58  }
0x302: {  	v16 =	vld [tilespmem:$0x1F910];
	v10 =	vcombine.low v8, v2  }
0x303: {  	[tilespmem:$0x1F780] =	vst v8;
	v8 =	vld [tilespmem:$0x1FC90]  }
0x304: {  	[tilespmem:$0x1F790] =	vst v2;
	v2 =	vld [tilespmem:$0x1FCA0];
	v18 =	vadd.s32 v10, v28  }
0x305: {  	v10 =	vld [tilespmem:$0x1FCB0];
	v12 =	vand.u32 $0xFFFFFF80, v18  }
0x306: {  	[tilespmem:v20+s23+$0x0] =	vst.idx.msk $0xffff, v19;
	v19 =	vadd.s32 v29, v12;
	v12 =	vld [tilespmem:$0x1FC80];
	_ =	sdelay $0x3  }
0x307: {  	v20 =	vor.u32 s7, v16;
	v6 =	vld.idx.msk [tilespmem:v6+s30+$0x0], $0xffff;
	v18 =	vand.u32 $0x7F, v18  }
0x308: {  	v17 =	vld [tilespmem:$0x1F920];
	v21 =	vor.u32 v18, v19;
	v19 =	vsel vm0, v10, v2;
	v51 =	vsel vm0, v8, v12  }
0x309: {  	v22 =	vcombine.low v19, v51;
	_ =	sdelay $0x1  }
0x30a: {  	v23 =	vld [tilespmem:$0x1FFF0];
	v22 =	vadd.s32 v22, v28  }
0x30b: {  	[tilespmem:v20+s23+$0x0] =	vst.idx.msk $0xffff, v6;
	v18 =	vld [tilespmem:$0x1FFE0];
	v6 =	vand.u32 $0xFFFFFF80, v22  }
0x30c: {  	v20 =	vld.idx.msk [tilespmem:v21+s30+$0x0], $0xffff;
	v21 =	vor.u32 s7, v17;
	v22 =	vand.u32 $0x7F, v22;
	v6 =	vadd.s32 v29, v6  }
0x30d: {  	v16 =	vld [tilespmem:$0x1F930];
	v6 =	vor.u32 v22, v6;
	_ =	sdelay $0x3  }
0x30e: {  	v22 =	vcombine.low v23, v18;
	[tilespmem:v21+s23+$0x0] =	vst.idx.msk $0xffff, v20  }
0x30f: {  	v17 =	vor.u32 s7, v16;
	v6 =	vld.idx.msk [tilespmem:v6+s30+$0x0], $0xffff  }
0x310: {  	v22 =	vand.u32 $0xF, v22  }
0x311: {  	v22 =	vadd.s32 v22, v28  }
0x312: {  	v20 =	vand.u32 $0xFFFFFF80, v22  }
0x313: {  	v16 =	vand.u32 $0x7F, v22;
	v20 =	vadd.s32 v29, v20  }
0x314: {  	v22 =	vor.u32 v16, v20;
	[tilespmem:v17+s23+$0x0] =	vst.idx.msk $0xffff, v6;
	v17 =	vld [tilespmem:$0x1F940]  }
0x315: {  	v21 =	vsel vm0, v24, v32;
	v32 =	vld [tilespmem:$0x1FB30];
	_ =	sdelay $0x1  }
0x316: {  	v20 =	vsel vm0, v31, v25  }
0x317: {  	v24 =	vcombine.low v21, v20  }
0x318: {  	v25 =	vld.idx.msk [tilespmem:v22+s30+$0x0], $0xffff;
	v31 =	vor.u32 s7, v17  }
0x319: {  	v23 =	vsel vm0, v33, v36;
	v24 =	vadd.s32 v24, v28;
	v22 =	vsel vm0, v32, v34  }
0x31a: {  	v6 =	vand.u32 $0xFFFFFF80, v24;
	v18 =	vand.u32 $0x7F, v24;
	v24 =	vcombine.low v23, v22;
	_ =	sdelay $0x1  }
0x31b: {  	v24 =	vadd.s32 v24, v28  }
0x31c: {  	v36 =	vld [tilespmem:$0x1FB70];
	v6 =	vadd.s32 v29, v6;
	[tilespmem:v31+s23+$0x0] =	vst.idx.msk $0xffff, v25;
	v25 =	vand.u32 $0xFFFFFF80, v24  }
0x31d: {  	v6 =	vor.u32 v18, v6;
	v31 =	vld [tilespmem:$0x1F950];
	v24 =	vand.u32 $0x7F, v24;
	v25 =	vadd.s32 v29, v25  }
0x31e: {  	v32 =	vor.u32 v24, v25;
	v24 =	vld [tilespmem:$0x1FB60];
	_ =	sdelay $0x3  }
0x31f: {  	v6 =	vld.idx.msk [tilespmem:v6+s30+$0x0], $0xffff;
	v31 =	vor.u32 s7, v31  }
0x320: {  	v25 =	vsel vm0, v37, v40;
	v40 =	vld [tilespmem:$0x1F960];
	v24 =	vsel vm0, v36, v24  }
0x321: {  	v17 =	vld [tilespmem:$0x1FCD0];
	v37 =	vcombine.low v25, v24;
	_ =	sdelay $0x1  }
0x322: {  	v33 =	vadd.s32 v37, v28  }
0x323: {  	v18 =	vld [tilespmem:$0x1F970];
	[tilespmem:v31+s23+$0x0] =	vst.idx.msk $0xffff, v6;
	v6 =	vand.u32 $0xFFFFFF80, v33  }
0x324: {  	v31 =	vld.idx.msk [tilespmem:v32+s30+$0x0], $0xffff;
	v32 =	vor.u32 s7, v40;
	v33 =	vand.u32 $0x7F, v33;
	v6 =	vadd.s32 v29, v6  }
0x325: {  	v16 =	vcombine.low v59, v17;
	v36 =	vld [tilespmem:$0x1FE20];
	v6 =	vor.u32 v33, v6  }
0x326: {  	v37 =	vld [tilespmem:$0x1FB90]  }
0x327: {  	v33 =	vand.u32 $0xF, v16  }
0x328: {  	v33 =	vadd.s32 v33, v28  }
0x329: {  	[tilespmem:v32+s23+$0x0] =	vst.idx.msk $0xffff, v31;
	v31 =	vand.u32 $0xFFFFFF80, v33  }
0x32a: {  	v32 =	vor.u32 s7, v18;
	v33 =	vand.u32 $0x7F, v33;
	v31 =	vadd.s32 v29, v31;
	v6 =	vld.idx.msk [tilespmem:v6+s30+$0x0], $0xffff  }
0x32b: {  	v40 =	vld [tilespmem:$0x1F980];
	v34 =	vsel vm0, v36, v37;
	v18 =	vsel vm0, v39, v42;
	v31 =	vor.u32 v33, v31  }
0x32c: {  	v36 =	vsel vm0, v0, v43;
	v0 =	vld [tilespmem:$0x1FE60];
	v33 =	vcombine.low v18, v34;
	_ =	sdelay $0x1  }
0x32d: {  	v33 =	vadd.s32 v33, v28  }
0x32e: {  	[tilespmem:v32+s23+$0x0] =	vst.idx.msk $0xffff, v6;
	v6 =	vand.u32 $0xFFFFFF80, v33  }
0x32f: {  	v32 =	vor.u32 s7, v40;
	v33 =	vand.u32 $0x7F, v33;
	v31 =	vld.idx.msk [tilespmem:v31+s30+$0x0], $0xffff;
	v6 =	vadd.s32 v29, v6  }
0x330: {  	v33 =	vor.u32 v33, v6;
	v6 =	vsel vm0, v0, v38  }
0x331: {  	v43 =	vcombine.low v6, v36  }
0x332: {  	v0 =	vld [tilespmem:$0x1F990]  }
0x333: {  	v37 =	vadd.s32 v43, v28  }
0x334: {  	[tilespmem:v32+s23+$0x0] =	vst.idx.msk $0xffff, v31;
	v31 =	vand.u32 $0xFFFFFF80, v37  }
0x335: {  	v37 =	vand.u32 $0x7F, v37;
	v31 =	vadd.s32 v29, v31  }
0x336: {  	v39 =	vsel vm0, v62, v47;
	v32 =	vld.idx.msk [tilespmem:v33+s30+$0x0], $0xffff;
	v31 =	vor.u32 v37, v31;
	v37 =	vsel vm0, v46, v48  }
0x337: {  	v33 =	vor.u32 s7, v0;
	v0 =	vld [tilespmem:$0x1F9A0];
	v16 =	vcombine.low v39, v37  }
0x338: {  	v62 =	vld [tilespmem:$0x1FCF0]  }
0x339: {  	v40 =	vadd.s32 v16, v28;
	v16 =	vld [tilespmem:$0x1FD00];
	_ =	sdelay $0x2  }
0x33a: {  	[tilespmem:v33+s23+$0x0] =	vst.idx.msk $0xffff, v32;
	v38 =	vand.u32 $0xFFFFFF80, v40;
	v46 =	vor.u32 s7, v0;
	v0 =	vld [tilespmem:$0x1F9B0]  }
0x33b: {  	v40 =	vand.u32 $0x7F, v40;
	v31 =	vld.idx.msk [tilespmem:v31+s30+$0x0], $0xffff;
	v32 =	vadd.s32 v29, v38  }
0x33c: {  	v32 =	vor.u32 v40, v32;
	v47 =	vcombine.low v16, v62;
	_ =	sdelay $0x1  }
0x33d: {  	v40 =	vand.u32 $0xF, v47  }
0x33e: {  	v48 =	vor.u32 s7, v0;
	v0 =	vld [tilespmem:$0x1F9C0];
	v40 =	vadd.s32 v40, v28  }
0x33f: {  	[tilespmem:v46+s23+$0x0] =	vst.idx.msk $0xffff, v31;
	v31 =	vand.u32 $0xFFFFFF80, v40  }
0x340: {  	v32 =	vld.idx.msk [tilespmem:v32+s30+$0x0], $0xffff;
	v40 =	vand.u32 $0x7F, v40;
	v31 =	vadd.s32 v29, v31  }
0x341: {  	v31 =	vor.u32 v40, v31;
	v40 =	vsel vm0, v26, v52;
	v26 =	vmovc v42;
	v42 =	vsel vm0, v57, v41  }
0x342: {  	v38 =	vcombine.low v42, v40  }
0x343: {  	v46 =	vor.u32 s7, v0;
	v0 =	vld [tilespmem:$0x1F9D0]  }
0x344: {  	v43 =	vadd.s32 v38, v28  }
0x345: {  	[tilespmem:v48+s23+$0x0] =	vst.idx.msk $0xffff, v32;
	v41 =	vand.u32 $0xFFFFFF80, v43  }
0x346: {  	v33 =	vld.idx.msk [tilespmem:v31+s30+$0x0], $0xffff;
	v31 =	vand.u32 $0x7F, v43;
	v32 =	vadd.s32 v29, v41  }
0x347: {  	v32 =	vor.u32 v31, v32  }
0x348: {  	v43 =	vsel vm0, v56, v55;
	v48 =	vor.u32 s7, v0;
	v0 =	vld [tilespmem:$0x1F9E0];
	v31 =	vsel vm0, v54, v61  }
0x349: {  	v47 =	vcombine.low v31, v43;
	_ =	sdelay $0x1  }
0x34a: {  	v41 =	vadd.s32 v47, v28;
	[tilespmem:v46+s23+$0x0] =	vst.idx.msk $0xffff, v33  }
0x34b: {  	v33 =	vand.u32 $0xFFFFFF80, v41;
	v46 =	vand.u32 $0x7F, v41;
	v38 =	vld.idx.msk [tilespmem:v32+s30+$0x0], $0xffff  }
0x34c: {  	v33 =	vadd.s32 v29, v33;
	v32 =	vsel vm0, v50, v45;
	v50 =	vor.u32 s7, v0;
	v0 =	vld [tilespmem:$0x1F850]  }
0x34d: {  	v41 =	vor.u32 v46, v33  }
0x34e: {  	v33 =	vsel vm0, v63, v13  }
0x34f: {  	v45 =	vcombine.low v33, v32;
	_ =	sdelay $0x1  }
0x350: {  	v45 =	vadd.s32 v45, v28;
	[tilespmem:v48+s23+$0x0] =	vst.idx.msk $0xffff, v38;
	v13 =	vadd.s32 v0, v28;
	v0 =	vld [tilespmem:$0x1F9F0]  }
0x351: {  	v48 =	vand.u32 $0xFFFFFF80, v45;
	v41 =	vld.idx.msk [tilespmem:v41+s30+$0x0], $0xffff  }
0x352: {  	v45 =	vand.u32 $0x7F, v45;
	v38 =	vadd.s32 v29, v48  }
0x353: {  	v38 =	vor.u32 v45, v38;
	_ =	sdelay $0x2  }
0x354: {  	[tilespmem:v50+s23+$0x0] =	vst.idx.msk $0xffff, v41;
	v50 =	vor.u32 s7, v0;
	v0 =	vld [tilespmem:$0x1FA00]  }
0x355: {  	v48 =	vand.u32 $0xFFFFFF80, v13  }
0x356: {  	v45 =	vand.u32 $0x7F, v13;
	v41 =	vadd.s32 v29, v48;
	v38 =	vld.idx.msk [tilespmem:v38+s30+$0x0], $0xffff  }
0x357: {  	v13 =	vsel vm0, v60, v11;
	v48 =	vsel vm0, v53, v27;
	v41 =	vor.u32 v45, v41  }
0x358: {  	v45 =	vcombine.low v48, v13  }
0x359: {  	v60 =	vor.u32 s7, v0;
	v0 =	vld [tilespmem:$0x1FA10]  }
0x35a: {  	v45 =	vadd.s32 v45, v28  }
0x35b: {  	[tilespmem:v50+s23+$0x0] =	vst.idx.msk $0xffff, v38;
	v50 =	vand.u32 $0xFFFFFF80, v45  }
0x35c: {  	v45 =	vand.u32 $0x7F, v45;
	v41 =	vld.idx.msk [tilespmem:v41+s30+$0x0], $0xffff;
	v38 =	vadd.s32 v29, v50  }
0x35d: {  	v11 =	vsel vm0, v1, v9;
	v13 =	vsel vm0, v58, v5;
	v38 =	vor.u32 v45, v38  }
0x35e: {  	v45 =	vcombine.low v13, v11;
	v50 =	vor.u32 s7, v0;
	v0 =	vld [tilespmem:$0x1FA20];
	_ =	sdelay $0x1  }
0x35f: {  	v45 =	vadd.s32 v45, v28  }
0x360: {  	v58 =	vsel vm0, v2, v8;
	v11 =	vld [tilespmem:$0x1F7B0];
	v48 =	vand.u32 $0xFFFFFF80, v45;
	[tilespmem:v60+s23+$0x0] =	vst.idx.msk $0xffff, v41  }
0x361: {  	v45 =	vand.u32 $0x7F, v45;
	v41 =	vadd.s32 v29, v48;
	v60 =	vsel vm0, v12, v10;
	v38 =	vld.idx.msk [tilespmem:v38+s30+$0x0], $0xffff  }
0x362: {  	v41 =	vor.u32 v45, v41;
	v45 =	vcombine.low v60, v58;
	v10 =	vor.u32 s7, v0;
	v0 =	vld [tilespmem:$0x1F7A0];
	_ =	sdelay $0x1  }
0x363: {  	v45 =	vadd.s32 v45, v28  }
0x364: {  	v9 =	vand.u32 $0xFFFFFF80, v45  }
0x365: {  	v45 =	vand.u32 $0x7F, v45;
	[tilespmem:v50+s23+$0x0] =	vst.idx.msk $0xffff, v38;
	v38 =	vadd.s32 v29, v9  }
0x366: {  	v38 =	vor.u32 v45, v38;
	v45 =	vcombine.low v0, v11;
	v0 =	vld [tilespmem:$0x1FA30];
	_ =	sdelay $0x3  }
0x367: {  	v1 =	vld [tilespmem:$0x1FDA0]  }
0x368: {  	v13 =	vor.u32 s7, v0;
	v0 =	vld [tilespmem:$0x1FD90];
	_ =	sdelay $0x4  }
0x369: {  	v48 =	vcombine.low v0, v1;
	v0 =	vld [tilespmem:$0x1FA40];
	_ =	sdelay $0x3  }
0x36a: {  	v1 =	vld [tilespmem:$0x1FDD0]  }
0x36b: {  	v58 =	vor.u32 s7, v0;
	v0 =	vld [tilespmem:$0x1FDC0]  }
0x36c: {  	v41 =	vld.idx.msk [tilespmem:v41+s30+$0x0], $0xffff;
	_ =	sdelay $0x2  }
0x36d: {  	v45 =	vand.u32 $0xF, v45  }
0x36e: {  	v45 =	vadd.s32 v45, v28;
	v60 =	vcombine.low v0, v1;
	v0 =	vld [tilespmem:$0x1FA50]  }
0x36f: {  	[tilespmem:v10+s23+$0x0] =	vst.idx.msk $0xffff, v41;
	v12 =	vand.u32 $0xFFFFFF80, v45  }
0x370: {  	v45 =	vand.u32 $0x7F, v45;
	v38 =	vld.idx.msk [tilespmem:v38+s30+$0x0], $0xffff;
	v41 =	vadd.s32 v29, v12  }
0x371: {  	v41 =	vor.u32 v45, v41  }
0x372: {  	v1 =	vld [tilespmem:$0x1FE00]  }
0x373: {  	v10 =	vor.u32 s7, v0;
	v0 =	vld [tilespmem:$0x1FDF0]  }
0x374: {  	v45 =	vadd.s32 v48, v28  }
0x375: {  	[tilespmem:v13+s23+$0x0] =	vst.idx.msk $0xffff, v38;
	v50 =	vand.u32 $0xFFFFFF80, v45  }
0x376: {  	v41 =	vld.idx.msk [tilespmem:v41+s30+$0x0], $0xffff;
	v45 =	vand.u32 $0x7F, v45;
	v38 =	vadd.s32 v29, v50  }
0x377: {  	v38 =	vor.u32 v45, v38  }
0x378: {  	v11 =	vcombine.low v0, v1;
	v0 =	vld [tilespmem:$0x1FA70];
	_ =	sdelay $0x2  }
0x379: {  	v48 =	vld [tilespmem:$0x1F810];
	[tilespmem:v58+s23+$0x0] =	vst.idx.msk $0xffff, v41  }
0x37a: {  	v38 =	vld.idx.msk [tilespmem:v38+s30+$0x0], $0xffff;
	v45 =	vadd.s32 v60, v28  }
0x37b: {  	v9 =	vand.u32 $0xFFFFFF80, v45;
	v13 =	vor.u32 s7, v0;
	v0 =	vld [tilespmem:$0x1F800]  }
0x37c: {  	v45 =	vand.u32 $0x7F, v45;
	v41 =	vadd.s32 v29, v9  }
0x37d: {  	v41 =	vor.u32 v45, v41;
	v45 =	vadd.s32 v11, v28  }
0x37e: {  	v12 =	vand.u32 $0xFFFFFF80, v45  }
0x37f: {  	[tilespmem:v10+s23+$0x0] =	vst.idx.msk $0xffff, v38;
	v45 =	vand.u32 $0x7F, v45;
	v38 =	vadd.s32 v29, v12  }
0x380: {  	v38 =	vor.u32 v45, v38;
	v45 =	vcombine.low v0, v48;
	v0 =	vld [tilespmem:$0x1FA90];
	_ =	sdelay $0x3  }
0x381: {  	v1 =	vld [tilespmem:$0x1FE40]  }
0x382: {  	v58 =	vor.u32 s7, v0;
	v0 =	vld [tilespmem:$0x1FE30];
	_ =	sdelay $0x2  }
0x383: {  	v41 =	vld.idx.msk [tilespmem:v41+s30+$0x0], $0xffff;
	_ =	sdelay $0x1  }
0x384: {  	v60 =	vcombine.low v0, v1;
	v0 =	vld [tilespmem:$0x1FAA0];
	_ =	sdelay $0x1  }
0x385: {  	v45 =	vand.u32 $0xF, v45  }
0x386: {  	[tilespmem:v13+s23+$0x0] =	vst.idx.msk $0xffff, v41;
	v45 =	vadd.s32 v45, v28  }
0x387: {  	v38 =	vld.idx.msk [tilespmem:v38+s30+$0x0], $0xffff;
	v50 =	vand.u32 $0xFFFFFF80, v45  }
0x388: {  	v45 =	vand.u32 $0x7F, v45;
	v41 =	vadd.s32 v29, v50;
	v10 =	vor.u32 s7, v0;
	v0 =	vld [tilespmem:$0x1FAB0]  }
0x389: {  	v41 =	vor.u32 v45, v41;
	_ =	sdelay $0x2  }
0x38a: {  	v1 =	vld [tilespmem:$0x1F710];
	v45 =	vadd.s32 v60, v28  }
0x38b: {  	[tilespmem:v58+s23+$0x0] =	vst.idx.msk $0xffff, v38;
	v9 =	vand.u32 $0xFFFFFF80, v45;
	v13 =	vor.u32 s7, v0;
	v0 =	vld [tilespmem:$0x1F700]  }
0x38c: {  	v41 =	vld.idx.msk [tilespmem:v41+s30+$0x0], $0xffff;
	v45 =	vand.u32 $0x7F, v45;
	v38 =	vadd.s32 v29, v9  }
0x38d: {  	v38 =	vor.u32 v45, v38  }
0x38e: {  	v11 =	vcombine.low v35, v30;
	_ =	sdelay $0x1  }
0x38f: {  	v45 =	vadd.s32 v11, v28;
	v5 =	vcombine.low v0, v1;
	v1 =	vld [tilespmem:$0x1FAC0]  }
0x390: {  	v12 =	vand.u32 $0xFFFFFF80, v45;
	[tilespmem:v10+s23+$0x0] =	vst.idx.msk $0xffff, v41  }
0x391: {  	v45 =	vand.u32 $0x7F, v45;
	v41 =	vadd.s32 v29, v12;
	v38 =	vld.idx.msk [tilespmem:v38+s30+$0x0], $0xffff  }
0x392: {  	v41 =	vor.u32 v45, v41;
	_ =	sdelay $0x1  }
0x393: {  	v35 =	vor.u32 s7, v1;
	v1 =	vld [tilespmem:$0x1FAD0]  }
0x394: {  	v5 =	vadd.s32 v5, v28  }
0x395: {  	[tilespmem:v13+s23+$0x0] =	vst.idx.msk $0xffff, v38;
	v30 =	vand.u32 $0xFFFFFF80, v5  }
0x396: {  	v47 =	vmov v44;
	v38 =	vld.idx.msk [tilespmem:v41+s30+$0x0], $0xffff;
	v5 =	vand.u32 $0x7F, v5;
	v30 =	vadd.s32 v29, v30  }
0x397: {  	v2 =	vld [tilespmem:$0x1F730];
	v5 =	vor.u32 v5, v30;
	v30 =	vcombine.low v47, v49  }
0x398: {  	v48 =	vor.u32 s7, v1;
	v1 =	vld [tilespmem:$0x1F720]  }
0x399: {  	v30 =	vand.u32 $0xF, v30  }
0x39a: {  	v30 =	vadd.s32 v30, v28  }
0x39b: {  	v44 =	vmov v47;
	v47 =	vand.u32 $0xFFFFFF80, v30;
	[tilespmem:v35+s23+$0x0] =	vst.idx.msk $0xffff, v38  }
0x39c: {  	v30 =	vand.u32 $0x7F, v30;
	v38 =	vadd.s32 v29, v47;
	v5 =	vld.idx.msk [tilespmem:v5+s30+$0x0], $0xffff  }
0x39d: {  	v30 =	vor.u32 v30, v38;
	v8 =	vcombine.low v1, v2;
	v1 =	vld [tilespmem:$0x1FAE0];
	_ =	sdelay $0x3  }
0x39e: {  	v2 =	vld [tilespmem:$0x1F750];
	[tilespmem:v48+s23+$0x0] =	vst.idx.msk $0xffff, v5  }
0x39f: {  	v45 =	vmov v49;
	v49 =	vld.idx.msk [tilespmem:v30+s30+$0x0], $0xffff;
	v30 =	vor.u32 s7, v1  }
0x3a0: {  	v1 =	vld [tilespmem:$0x1F740]  }
0x3a1: {  	v8 =	vadd.s32 v8, v28  }
0x3a2: {  	v5 =	vand.u32 $0xFFFFFF80, v8  }
0x3a3: {  	v8 =	vand.u32 $0x7F, v8;
	v5 =	vadd.s32 v29, v5  }
0x3a4: {  	v5 =	vor.u32 v8, v5;
	[tilespmem:v30+s23+$0x0] =	vst.idx.msk $0xffff, v49;
	v30 =	vld [tilespmem:$0x1FEC0]  }
0x3a5: {  	v8 =	vcombine.low v1, v2;
	v1 =	vld [tilespmem:$0x1F760]  }
0x3a6: {  	v2 =	vld [tilespmem:$0x1F770]  }
0x3a7: {  	v8 =	vadd.s32 v8, v28  }
0x3a8: {  	v50 =	vand.u32 $0xFFFFFF80, v8  }
0x3a9: {  	v5 =	vld.idx.msk [tilespmem:v5+s30+$0x0], $0xffff;
	v8 =	vand.u32 $0x7F, v8;
	v9 =	vadd.s32 v29, v50;
	v58 =	vor.u32 s7, v30  }
0x3aa: {  	v41 =	vld [tilespmem:$0x1FE90];
	v8 =	vor.u32 v8, v9  }
0x3ab: {  	v60 =	vcombine.low v1, v2;
	_ =	sdelay $0x1  }
0x3ac: {  	v9 =	vadd.s32 v60, v28  }
0x3ad: {  	[tilespmem:v58+s23+$0x0] =	vst.idx.msk $0xffff, v5;
	v5 =	vand.u32 $0xFFFFFF80, v9  }
0x3ae: {  	v47 =	vor.u32 s7, v41;
	v9 =	vand.u32 $0x7F, v9;
	v8 =	vld.idx.msk [tilespmem:v8+s30+$0x0], $0xffff;
	v5 =	vadd.s32 v29, v5  }
0x3af: {  	v38 =	vld [tilespmem:$0x1FEA0];
	v48 =	vcombine.low v3, v4;
	v5 =	vor.u32 v9, v5;
	_ =	sdelay $0x1  }
0x3b0: {  	v9 =	vand.u32 $0xF, v48  }
0x3b1: {  	v9 =	vadd.s32 v9, v28  }
0x3b2: {  	[tilespmem:v47+s23+$0x0] =	vst.idx.msk $0xffff, v8;
	v8 =	vand.u32 $0xFFFFFF80, v9  }
0x3b3: {  	v49 =	vor.u32 s7, v38;
	v9 =	vand.u32 $0x7F, v9;
	v5 =	vld.idx.msk [tilespmem:v5+s30+$0x0], $0xffff;
	v8 =	vadd.s32 v29, v8  }
0x3b4: {  	v35 =	vld [tilespmem:$0x1FEB0];
	v8 =	vor.u32 v9, v8  }
0x3b5: {  	v3 =	vld [tilespmem:$0x1F790];
	v50 =	vcombine.low v14, v15  }
0x3b6: {  	v1 =	vld [tilespmem:$0x1F780]  }
0x3b7: {  	v9 =	vadd.s32 v50, v28  }
0x3b8: {  	[tilespmem:v49+s23+$0x0] =	vst.idx.msk $0xffff, v5;
	v5 =	vand.u32 $0xFFFFFF80, v9  }
0x3b9: {  	v58 =	vor.u32 s7, v35;
	v9 =	vand.u32 $0x7F, v9;
	v8 =	vld.idx.msk [tilespmem:v8+s30+$0x0], $0xffff;
	v5 =	vadd.s32 v29, v5  }
0x3ba: {  	v27 =	vld [tilespmem:$0x1FED0];
	v5 =	vor.u32 v9, v5  }
0x3bb: {  	v60 =	vcombine.low v3, v1;
	_ =	sdelay $0x1  }
0x3bc: {  	v9 =	vadd.s32 v60, v28  }
0x3bd: {  	v12 =	vld [tilespmem:$0x1FF20];
	[tilespmem:v58+s23+$0x0] =	vst.idx.msk $0xffff, v8;
	v8 =	vand.u32 $0xFFFFFF80, v9  }
0x3be: {  	v13 =	vor.u32 s7, v27;
	v9 =	vand.u32 $0x7F, v9;
	v5 =	vld.idx.msk [tilespmem:v5+s30+$0x0], $0xffff;
	v8 =	vadd.s32 v29, v8  }
0x3bf: {  	v15 =	vld [tilespmem:$0x1FFF0];
	v8 =	vor.u32 v9, v8  }
0x3c0: {  	v38 =	vcombine.low v51, v19;
	v14 =	vld [tilespmem:$0x1FFE0];
	_ =	sdelay $0x1  }
0x3c1: {  	v9 =	vadd.s32 v38, v28  }
0x3c2: {  	[tilespmem:v13+s23+$0x0] =	vst.idx.msk $0xffff, v5;
	v5 =	vand.u32 $0xFFFFFF80, v9  }
0x3c3: {  	v48 =	vor.u32 s7, v12;
	v9 =	vand.u32 $0x7F, v9;
	v8 =	vld.idx.msk [tilespmem:v8+s30+$0x0], $0xffff;
	v5 =	vadd.s32 v29, v5  }
0x3c4: {  	v47 =	vld [tilespmem:$0x1FEE0];
	v49 =	vcombine.low v14, v15;
	v5 =	vor.u32 v9, v5;
	_ =	sdelay $0x1  }
0x3c5: {  	v9 =	vand.u32 $0xF, v49  }
0x3c6: {  	v9 =	vadd.s32 v9, v28  }
0x3c7: {  	[tilespmem:v48+s23+$0x0] =	vst.idx.msk $0xffff, v8;
	v8 =	vand.u32 $0xFFFFFF80, v9  }
0x3c8: {  	v50 =	vor.u32 s7, v47;
	v9 =	vand.u32 $0x7F, v9;
	v5 =	vld.idx.msk [tilespmem:v5+s30+$0x0], $0xffff;
	v8 =	vadd.s32 v29, v8  }
0x3c9: {  	v41 =	vld [tilespmem:$0x1FF30];
	v8 =	vor.u32 v9, v8  }
0x3ca: {  	v51 =	vcombine.low v20, v21;
	_ =	sdelay $0x1  }
0x3cb: {  	v9 =	vadd.s32 v51, v28  }
0x3cc: {  	[tilespmem:v50+s23+$0x0] =	vst.idx.msk $0xffff, v5;
	v5 =	vand.u32 $0xFFFFFF80, v9  }
0x3cd: {  	v35 =	vor.u32 s7, v41;
	v9 =	vand.u32 $0x7F, v9;
	v8 =	vld.idx.msk [tilespmem:v8+s30+$0x0], $0xffff;
	v5 =	vadd.s32 v29, v5  }
0x3ce: {  	v15 =	vld [tilespmem:$0x1FEF0];
	v5 =	vor.u32 v9, v5  }
0x3cf: {  	v38 =	vcombine.low v22, v23;
	_ =	sdelay $0x1  }
0x3d0: {  	v9 =	vadd.s32 v38, v28  }
0x3d1: {  	[tilespmem:v35+s23+$0x0] =	vst.idx.msk $0xffff, v8;
	v8 =	vand.u32 $0xFFFFFF80, v9  }
0x3d2: {  	v12 =	vor.u32 s7, v15;
	v9 =	vand.u32 $0x7F, v9;
	v5 =	vld.idx.msk [tilespmem:v5+s30+$0x0], $0xffff;
	v8 =	vadd.s32 v29, v8  }
0x3d3: {  	v58 =	vld [tilespmem:$0x1FF00];
	v8 =	vor.u32 v9, v8  }
0x3d4: {  	v13 =	vcombine.low v24, v25;
	_ =	sdelay $0x1  }
0x3d5: {  	v9 =	vadd.s32 v13, v28  }
0x3d6: {  	[tilespmem:v12+s23+$0x0] =	vst.idx.msk $0xffff, v5;
	v5 =	vand.u32 $0xFFFFFF80, v9  }
0x3d7: {  	v15 =	vor.u32 s7, v58;
	v9 =	vand.u32 $0x7F, v9;
	v8 =	vld.idx.msk [tilespmem:v8+s30+$0x0], $0xffff;
	v5 =	vadd.s32 v29, v5  }
0x3d8: {  	v19 =	vcombine.low v17, v59;
	v60 =	vld [tilespmem:$0x1FF10];
	v5 =	vor.u32 v9, v5;
	_ =	sdelay $0x1  }
0x3d9: {  	v9 =	vand.u32 $0xF, v19  }
0x3da: {  	v9 =	vadd.s32 v9, v28  }
0x3db: {  	[tilespmem:v15+s23+$0x0] =	vst.idx.msk $0xffff, v8;
	v8 =	vand.u32 $0xFFFFFF80, v9  }
0x3dc: {  	v20 =	vor.u32 s7, v60;
	v9 =	vand.u32 $0x7F, v9;
	v5 =	vld.idx.msk [tilespmem:v5+s30+$0x0], $0xffff;
	v8 =	vadd.s32 v29, v8  }
0x3dd: {  	v41 =	vld [tilespmem:$0x1FF50];
	v8 =	vor.u32 v9, v8  }
0x3de: {  	v21 =	vcombine.low v34, v18;
	_ =	sdelay $0x1  }
0x3df: {  	v9 =	vadd.s32 v21, v28  }
0x3e0: {  	[tilespmem:v20+s23+$0x0] =	vst.idx.msk $0xffff, v5;
	v5 =	vand.u32 $0xFFFFFF80, v9  }
0x3e1: {  	v35 =	vor.u32 s7, v41;
	v9 =	vand.u32 $0x7F, v9;
	v8 =	vld.idx.msk [tilespmem:v8+s30+$0x0], $0xffff;
	v5 =	vadd.s32 v29, v5  }
0x3e2: {  	v22 =	vld [tilespmem:$0x1FFD0];
	v5 =	vor.u32 v9, v5  }
0x3e3: {  	v6 =	vcombine.low v36, v6;
	_ =	sdelay $0x1  }
0x3e4: {  	v6 =	vadd.s32 v6, v28  }
0x3e5: {  	[tilespmem:v35+s23+$0x0] =	vst.idx.msk $0xffff, v8;
	v8 =	vand.u32 $0xFFFFFF80, v6  }
0x3e6: {  	v41 =	vor.u32 s7, v22;
	v6 =	vand.u32 $0x7F, v6;
	v5 =	vld.idx.msk [tilespmem:v5+s30+$0x0], $0xffff;
	v8 =	vadd.s32 v29, v8  }
0x3e7: {  	v14 =	vld [tilespmem:$0x1FF80];
	v6 =	vor.u32 v6, v8  }
0x3e8: {  	v8 =	vcombine.low v37, v39;
	_ =	sdelay $0x1  }
0x3e9: {  	v8 =	vadd.s32 v8, v28  }
0x3ea: {  	[tilespmem:v41+s23+$0x0] =	vst.idx.msk $0xffff, v5;
	v5 =	vand.u32 $0xFFFFFF80, v8  }
0x3eb: {  	v48 =	vor.u32 s7, v14;
	v8 =	vand.u32 $0x7F, v8;
	v6 =	vld.idx.msk [tilespmem:v6+s30+$0x0], $0xffff;
	v5 =	vadd.s32 v29, v5  }
0x3ec: {  	v46 =	vld [tilespmem:$0x1FBA0];
	v5 =	vor.u32 v8, v5;
	v8 =	vcombine.low v62, v16;
	_ =	sdelay $0x1  }
0x3ed: {  	v8 =	vand.u32 $0xF, v8  }
0x3ee: {  	v8 =	vadd.s32 v8, v28  }
0x3ef: {  	[tilespmem:v48+s23+$0x0] =	vst.idx.msk $0xffff, v6;
	v6 =	vand.u32 $0xFFFFFF80, v8  }
0x3f0: {  	v49 =	vor.u32 s7, v46;
	v8 =	vand.u32 $0x7F, v8;
	v5 =	vld.idx.msk [tilespmem:v5+s30+$0x0], $0xffff;
	v6 =	vadd.s32 v29, v6  }
0x3f1: {  	v0 =	vld [tilespmem:$0x1FBB0];
	v6 =	vor.u32 v8, v6;
	_ =	sdelay $0x1  }
0x3f2: {  	v8 =	vcombine.low v40, v42;
	_ =	sdelay $0x1  }
0x3f3: {  	v8 =	vadd.s32 v8, v28;
	[tilespmem:v49+s23+$0x0] =	vst.idx.msk $0xffff, v5  }
0x3f4: {  	v51 =	vmov v52;
	v52 =	vor.u32 s7, v0;
	v5 =	vand.u32 $0xFFFFFF80, v8;
	v6 =	vld.idx.msk [tilespmem:v6+s30+$0x0], $0xffff  }
0x3f5: {  	v8 =	vand.u32 $0x7F, v8;
	v5 =	vadd.s32 v29, v5  }
0x3f6: {  	v5 =	vor.u32 v8, v5;
	v8 =	vcombine.low v43, v31  }
0x3f7: {  	v58 =	vld [tilespmem:$0x1FF90]  }
0x3f8: {  	v8 =	vadd.s32 v8, v28  }
0x3f9: {  	[tilespmem:v52+s23+$0x0] =	vst.idx.msk $0xffff, v6;
	v6 =	vand.u32 $0xFFFFFF80, v8  }
0x3fa: {  	v36 =	vld [tilespmem:$0x1FB40];
	v8 =	vand.u32 $0x7F, v8;
	v6 =	vadd.s32 v29, v6  }
0x3fb: {  	v34 =	vld [tilespmem:$0x1FB20];
	v6 =	vor.u32 v8, v6;
	v8 =	vcombine.low v32, v33  }
0x3fc: {  	v60 =	vor.u32 s7, v58;
	v5 =	vld.idx.msk [tilespmem:v5+s30+$0x0], $0xffff  }
0x3fd: {  	v8 =	vadd.s32 v8, v28;
	v28 =	vld [tilespmem:$0x1FF60]  }
0x3fe: {  	v25 =	vld [tilespmem:$0x1FA80]  }
0x3ff: {  	v24 =	vld [tilespmem:$0x1FA60]  }
0x400: {  	v0 =	vld [tilespmem:$0x1FCE0]  }
0x401: {  	v50 =	vld [tilespmem:$0x1FF40];
	[tilespmem:v60+s23+$0x0] =	vst.idx.msk $0xffff, v5;
	v5 =	vand.u32 $0xFFFFFF80, v8  }
0x402: {  	v8 =	vand.u32 $0x7F, v8;
	v6 =	vld.idx.msk [tilespmem:v6+s30+$0x0], $0xffff;
	v5 =	vadd.s32 v29, v5;
	v62 =	vor.u32 s7, v28  }
0x403: {  	v29 =	vld [tilespmem:$0x1FF70];
	v5 =	vor.u32 v8, v5  }
0x404: {  	v38 =	vld [tilespmem:$0x1FFB0]  }
0x405: {  	v37 =	vld [tilespmem:$0x1FB50]  }
0x406: {  	v39 =	vld [tilespmem:$0x1FCC0]  }
0x407: {  	v41 =	vld [tilespmem:$0x1FFA0];
	[tilespmem:v62+s23+$0x0] =	vst.idx.msk $0xffff, v6  }
0x408: {  	p0 =	sne.s32 s7, $0x70;
	v6 =	vor.u32 s7, v29;
	v5 =	vld.idx.msk [tilespmem:v5+s30+$0x0], $0xffff  }
.Ltmp3:
0x409: {  	v40 =	vld [tilespmem:$0x1FB80];
	(pc) =	sbr.rel @p0 .LBB2_7-.Ltmp3, $4  }
0x40a: {  	v43 =	vld [tilespmem:$0x1FFC0]  }
0x40b: {  	v31 =	vld [tilespmem:$0x1FAF0]  }
0x40c: {  	v33 =	vld [tilespmem:$0x1FB10]  }
0x40d: {  	s25 =	sadd.s32 $0x10, s25;
	v2 =	vmovc v4;
	v4 =	vmov v57;
	v57 =	vlaneseq.u32;
	v42 =	vmov v26;
	v32 =	vld [tilespmem:$0x1FB00];
	s7 =	sadd.s32 $0x10, s7;
	[tilespmem:v6+s23+$0x0] =	vst.idx.msk $0xffff, v5  }
0x40e: {  	p0 =	sgt.u32 s26, $0x2D  }
0x40f: {  	s7 =	sshll.u32 @!p0 s26, $0xE;
	s25 =	sshll.u32 @!p0 s26, $0x7  }
0x410: {  	s7 =	sand.u32 @!p0 $0xC000, s7;
	s25 =	sand.u32 @!p0 $0x3FFFFF80, s25  }
0x411: {  	s30 =	simm.s32 @!p0 $0x80;
	s7 =	sadd.s32 @!p0 $0x5400, s7;
	s25 =	sadd.s32 @!p0 $0x1E00, s25  }
0x412: {  	[tilespmem:s7], [sflag:$0x1] =	stream.indirect.gather @!p0 [hbm4b:s6+s30], $0x80, s25, s30, $0xb8;
	[tilespmem:$0x1D400] =	vst v63  }
0x413: {  	s7 =	sshll.u32 s26, $0xF  }
0x414: {  	s25 =	sor.u32 s5, s7;
	s7 =	ssub.s32 s5, s7  }
0x415: {  	s30 =	sadd.s32 s0, s25;
	s7 =	sadd.s32 $0x188000, s7  }
0x416: {  	[hbm4b:s30+s4] =	stream.linear.scatter [tilespmem:s23], [sflag:$0x2], $0x400, $0x38;
	[tilespmem:$0x1D400] =	vst v63  }
0x417: {  	s30 =	sadd.s32 s2, s7  }
0x418: {  	[hbm4b:s30+s4] =	stream.linear.scatter [tilespmem:s23], [sflag:$0x2], $0x400, $0x38;
	[tilespmem:$0x1D400] =	vst v63  }
0x419: {  	s23 =	sadd.s32 s25, s9;
	s30 =	sadd.s32 $0x15800, s8  }
0x41a: {  	[hbm4b:s23+s4] =	stream.linear.scatter [tilespmem:s30], [sflag:$0x2], $0x400, $0x38;
	[tilespmem:$0x1D400] =	vst v63  }
0x41b: {  	s23 =	sadd.s32 s7, s10  }
0x41c: {  	[hbm4b:s23+s4] =	stream.linear.scatter [tilespmem:s30], [sflag:$0x2], $0x400, $0x38;
	[tilespmem:$0x1D400] =	vst v63  }
0x41d: {  	s23 =	sadd.s32 s25, s11;
	s30 =	sadd.s32 $0x15C00, s8  }
0x41e: {  	[hbm4b:s23+s4] =	stream.linear.scatter [tilespmem:s30], [sflag:$0x2], $0x400, $0x38;
	[tilespmem:$0x1D400] =	vst v63  }
0x41f: {  	s23 =	sadd.s32 s7, s12  }
0x420: {  	[hbm4b:s23+s4] =	stream.linear.scatter [tilespmem:s30], [sflag:$0x2], $0x400, $0x38;
	[tilespmem:$0x1D400] =	vst v63  }
0x421: {  	s23 =	sadd.s32 s25, s13;
	s30 =	sadd.s32 $0x16000, s8  }
0x422: {  	[hbm4b:s23+s4] =	stream.linear.scatter [tilespmem:s30], [sflag:$0x2], $0x400, $0x38;
	[tilespmem:$0x1D400] =	vst v63  }
0x423: {  	s23 =	sadd.s32 s7, s14  }
0x424: {  	[hbm4b:s23+s4] =	stream.linear.scatter [tilespmem:s30], [sflag:$0x2], $0x400, $0x38;
	[tilespmem:$0x1D400] =	vst v63  }
0x425: {  	s23 =	sadd.s32 s25, s15;
	s30 =	sadd.s32 $0x16400, s8  }
0x426: {  	[hbm4b:s23+s4] =	stream.linear.scatter [tilespmem:s30], [sflag:$0x2], $0x400, $0x38;
	[tilespmem:$0x1D400] =	vst v63  }
0x427: {  	s23 =	sadd.s32 s7, s16  }
0x428: {  	[hbm4b:s23+s4] =	stream.linear.scatter [tilespmem:s30], [sflag:$0x2], $0x400, $0x38;
	[tilespmem:$0x1D400] =	vst v63  }
0x429: {  	s23 =	sadd.s32 s25, s17;
	s30 =	sadd.s32 $0x16800, s8  }
0x42a: {  	[hbm4b:s23+s4] =	stream.linear.scatter [tilespmem:s30], [sflag:$0x2], $0x400, $0x38;
	[tilespmem:$0x1D400] =	vst v63  }
0x42b: {  	s23 =	sadd.s32 s7, s18  }
0x42c: {  	[hbm4b:s23+s4] =	stream.linear.scatter [tilespmem:s30], [sflag:$0x2], $0x400, $0x38;
	[tilespmem:$0x1D400] =	vst v63  }
0x42d: {  	s26 =	sadd.s32 $0x1, s26;
	s23 =	sadd.s32 s25, s19;
	s30 =	sadd.s32 $0x16C00, s8  }
0x42e: {  	[hbm4b:s23+s4] =	stream.linear.scatter [tilespmem:s30], [sflag:$0x2], $0x400, $0x38;
	[tilespmem:$0x1D400] =	vst v63  }
0x42f: {  	p0 =	sne.s32 s26, $0x32;
	s23 =	sadd.s32 s7, s20  }
0x430: {  	[hbm4b:s23+s4] =	stream.linear.scatter [tilespmem:s30], [sflag:$0x2], $0x400, $0x38;
	[tilespmem:$0x1D400] =	vst v63  }
.Ltmp4:
0x431: {  	_ = 	snop;
	(pc) =	sbr.rel @p0 .LBB2_4-.Ltmp4, $4  }
0x432: {  	s25 =	sadd.s32 s25, s21;
	s30 =	sadd.s32 $0x17000, s8  }
0x433: {  	[hbm4b:s25+s4] =	stream.linear.scatter [tilespmem:s30], [sflag:$0x2], $0x400, $0x38;
	[tilespmem:$0x1D400] =	vst v63  }
0x434: {  	s24 =	sadd.s32 $0x80, s24;
	s28 =	sadd.s32 $0x80, s28;
	s7 =	sadd.s32 s7, s22  }
0x435: {  	[hbm4b:s7+s4] =	stream.linear.scatter [tilespmem:s30], [sflag:$0x2], $0x400, $0x38;
	[tilespmem:$0x1D400] =	vst v63  }
0x436: {  	_ =	swait.ge [sflag:s1], $0x2000  }
0x437: {  	[sflag:s1] =	ssyncset.done $0x0  }
0x438: {  	[sflag:s1] =	ssyncadd.s32 $0xFFFFE000  }
0x439: {  	_ =	swait.ge [sflag:s1], $0x2000  }
0x43a: {  	[sflag:s1] =	ssyncset.done $0x0  }
0x43b: {  	[sflag:s1] =	ssyncadd.s32 $0xFFFFE000  }
0x43c: {  	_ =	swait.ge [sflag:s1], $0x2000  }
0x43d: {  	[sflag:s1] =	ssyncset.done $0x0  }
0x43e: {  	[sflag:s1] =	ssyncadd.s32 $0xFFFFE000  }
0x43f: {  	_ =	swait.ge [sflag:s1], $0x2000  }
0x440: {  	[sflag:s1] =	ssyncset.done $0x0  }
0x441: {  	[sflag:s1] =	ssyncadd.s32 $0xFFFFE000  }
0x442: {  	_ =	swait.ge [sflag:s1], $0x2000  }
0x443: {  	[sflag:s1] =	ssyncset.done $0x0  }
0x444: {  	[sflag:s1] =	ssyncadd.s32 $0xFFFFE000  }
0x445: {  	_ =	swait.ge [sflag:s1], $0x2000  }
0x446: {  	[sflag:s1] =	ssyncset.done $0x0  }
0x447: {  	[sflag:s1] =	ssyncadd.s32 $0xFFFFE000  }
0x448: {  	_ =	swait.ge [sflag:s1], $0x2000  }
0x449: {  	[sflag:s1] =	ssyncset.done $0x0  }
0x44a: {  	[sflag:s1] =	ssyncadd.s32 $0xFFFFE000  }
0x44b: {  	_ =	swait.ge [sflag:s1], $0x2000  }
0x44c: {  	s3 =	sadd.s32 $0x1, s3;
	s7 =	rddreg [dreg:$0x7]  }
0x44d: {  	p0 =	sne.s32 s3, s7  }
.Ltmp5:
0x44e: {  	_ = 	snop;
	(pc) =	sbr.rel @p0 .LBB2_1-.Ltmp5, $3  }
0x44f: {  	_ =	sdelay $0x1  }
0x450: {  	[sflag:s1] =	ssyncset.done $0x0  }
0x451: {  	[sflag:s1] =	ssyncadd.s32 $0xFFFFE000  }
0x452: {  	_ =	sfence.sel $0x180000  }
0x453: {  	[bflag:$0x0] =	sbarrier.arrive $0xFFFF  }
0x454: {  	_ =	strace $0x90000047  }
0x455: {  	s0 =	stileid.u32;
	[bflag:$0x2] =	sbarrier.arrive $0xFFFF  }
0x456: {  	p0 =	sne.s32 s0, $0x0;
	s0 =	rddreg [dreg:$0x4]  }
0x457: {  	s0 =	sadd.s32 @!p0 $0x100000, s0  }
0x458: {  	[sflag:s0] =	ssyncadd.tile.s32 @!p0 $0x1;
	_ =	shalt  }
.Lfunc_end2:
_tile_overlayer_lowered:
.L_overlay_start_2:
0x459: {  	(tag) =	ssettag $0x2  }
0x45a: {  	s0 =	rddreg [dreg:$0x0];
	s2 =	stileid.u32  }
0x45b: {  	s1 =	rddreg [dreg:$0x1];
	p0 =	sne.s32 s2, $0x0  }
0x45c: {  	s3 =	rddreg [dreg:$0x2];
	[bflag:$0x3] =	sbarrier.arrive $0xFFFF;
	s2 =	simm.s32 @!p0 $0x1C03  }
0x45d: {  	[timem:s3], [sflag:s2] =	dma.local @!p0 [hbm:s0], s1  }
0x45e: {  	s0 =	simm.s32 @!p0 $0x3  }
0x45f: {  	_ =	swait.ge @!p0 [sflag:s0], s1  }
0x460: {  	s1 =	ssub.s32 @!p0 $0x0, s1;
	[sflag:s0] =	ssyncset.done @!p0 $0x0  }
0x461: {  	[sflag:s0] =	ssyncadd.s32 @!p0 s1  }
0x462: {  	[bflag:$0x3] =	sbarrier.arrive $0xFFFF  }
0x463: {  	_ =	shalt  }

</sc_bundles>
